<compile_context>
chip_gen: v7x
topology: tpu7x:2x2x1
jax: 0.10.2.dev20260603
libtpu: 0.0.44.dev20260713+nightly
codegen_flags: <defaults>
</compile_context>

<pallas_src>
import functools

import jax
import jax.numpy as jnp
from jax import lax
from jax.experimental import pallas as pl
from jax.experimental.pallas import tpu as pltpu
from jax.experimental.pallas import tpu_sc as plsc

N = 4096
SPOT = 256
IMG = 1024
P = 128
H = 4
K = 5
RB = 512
NW = 32
RW = N // NW
GB = N // RB

F32 = jnp.float32
I32 = jnp.int32


def _ln(x, g, b):
    m = jnp.mean(x, axis=-1, keepdims=True)
    v = jnp.mean((x - m) * (x - m), axis=-1, keepdims=True)
    return (x - m) / jnp.sqrt(v + 1e-5) * g + b


def _sc_gather(xemb, yemb, xi, yi):
    k = functools.partial(
        pl.kernel,
        out_type=jax.ShapeDtypeStruct((N, SPOT), F32),
        mesh=plsc.VectorSubcoreMesh(core_axis_name="c", subcore_axis_name="s"),
        scratch_types=[
            pltpu.VMEM((RW,), I32),
            pltpu.VMEM((RW,), I32),
            pltpu.VMEM((RW, SPOT), F32),
            pltpu.VMEM((RW, SPOT), F32),
            pltpu.SemaphoreType.DMA,
            pltpu.SemaphoreType.DMA,
        ],
    )(_sc_gather_body)
    return k(xemb, yemb, xi, yi)


def _sc_gather_body(xemb, yemb, xi, yi, out, ix, iy, rx, ry, s1, s2):
    c = lax.axis_index("c")
    s = lax.axis_index("s")
    base = (s * 2 + c) * RW
    pltpu.sync_copy(xi.at[pl.ds(base, RW)], ix)
    pltpu.sync_copy(yi.at[pl.ds(base, RW)], iy)
    cp1 = pltpu.async_copy(xemb.at[ix], rx, s1)
    cp2 = pltpu.async_copy(yemb.at[iy], ry, s2)
    cp1.wait()
    cp2.wait()

    def arow(r, _):
        for q in range(SPOT // 16):
            sl = pl.ds(q * 16, 16)
            rx[r, sl] = rx[r, sl] + ry[r, sl]
        return 0

    lax.fori_loop(0, RW, arow, 0)
    pltpu.sync_copy(rx, out.at[pl.ds(base, RW)])


def _dense_body(ctpos, cxy, expr, ct_emb, ct_W, ct_b, ct_g, ct_be,
                dh_W, dh_b, dt_W, dt_b, sp_W, sp_b,
                dg_W, dg_a, sg_W, sg_a,
                head_o, tail_o, hdyn_o, hspa_o, adyn_o, aspa_o):
    ct = ctpos[:, 2:3]
    tbl = jnp.dot(ct_emb[...], ct_W[...], preferred_element_type=F32) + ct_b[...]
    tbl = jnp.maximum(tbl, 0.0)
    tbl = _ln(tbl, ct_g[...], ct_be[...])
    oh = (ct == lax.broadcasted_iota(I32, (1, 8), 1).astype(F32)).astype(F32)
    cte = jnp.dot(oh, tbl, preferred_element_type=F32)
    spot = cxy[...] + expr[...] + cte
    head = jnp.dot(spot, dh_W[...], preferred_element_type=F32) + dh_b[...]
    tail = jnp.dot(spot, dt_W[...], preferred_element_type=F32) + dt_b[...]
    spa = jnp.dot(spot, sp_W[...], preferred_element_type=F32) + sp_b[...]
    head_o[...] = head
    tail_o[...] = tail
    ind = (lax.broadcasted_iota(I32, (H * P, H), 0) // P
           == lax.broadcasted_iota(I32, (H * P, H), 1)).astype(F32)
    for x, W, a, h_o, a_o in ((head, dg_W, dg_a, hdyn_o, adyn_o),
                              (spa, sg_W, sg_a, hspa_o, aspa_o)):
        h = jnp.dot(x, W[...], preferred_element_type=F32)
        h_o[...] = h
        asrc = jnp.dot(h * a[0:1, :], ind, preferred_element_type=F32)
        adst = jnp.dot(h * a[1:2, :], ind, preferred_element_type=F32)
        a_o[...] = jnp.concatenate([asrc, adst], axis=1)


def _tc_dense(ctpos, cxy, expr, ct_emb8, ct_W, ct_b, ct_g, ct_be,
              dh_W, dh_b, dt_W, dt_b, sp_W, sp_b, dg_W, dg_a, sg_W, sg_a):
    row = lambda i: (i, 0)
    full = lambda i: (0, 0)
    sd = jax.ShapeDtypeStruct
    return pl.pallas_call(
        _dense_body,
        grid=(GB,),
        in_specs=[
            pl.BlockSpec((RB, 8), row), pl.BlockSpec((RB, SPOT), row),
            pl.BlockSpec((RB, SPOT), row),
            pl.BlockSpec((8, P), full), pl.BlockSpec((P, SPOT), full),
            pl.BlockSpec((1, SPOT), full), pl.BlockSpec((1, SPOT), full),
            pl.BlockSpec((1, SPOT), full),
            pl.BlockSpec((SPOT, P), full), pl.BlockSpec((1, P), full),
            pl.BlockSpec((SPOT, P), full), pl.BlockSpec((1, P), full),
            pl.BlockSpec((SPOT, P), full), pl.BlockSpec((1, P), full),
            pl.BlockSpec((P, H * P), full), pl.BlockSpec((2, H * P), full),
            pl.BlockSpec((P, H * P), full), pl.BlockSpec((2, H * P), full),
        ],
        out_specs=[
            pl.BlockSpec((RB, P), row), pl.BlockSpec((RB, P), row),
            pl.BlockSpec((RB, H * P), row), pl.BlockSpec((RB, H * P), row),
            pl.BlockSpec((RB, 8), row), pl.BlockSpec((RB, 8), row),
        ],
        out_shape=[sd((N, P), F32), sd((N, P), F32),
                   sd((N, H * P), F32), sd((N, H * P), F32),
                   sd((N, 8), F32), sd((N, 8), F32)],
    )(ctpos, cxy, expr, ct_emb8, ct_W, ct_b, ct_g, ct_be,
      dh_W, dh_b, dt_W, dt_b, sp_W, sp_b, dg_W, dg_a, sg_W, sg_a)


def _top5(s, out_ref):
    cols = lax.broadcasted_iota(I32, s.shape, 1)
    for k in range(K):
        m = jnp.max(s, axis=1, keepdims=True)
        idx = jnp.min(jnp.where(s == m, cols, jnp.int32(2 ** 30)), axis=1)
        out_ref[k, :] = idx
        s = jnp.where(cols == idx[:, None], jnp.float32(-3e38), s)


def _topk_body(ctpos, ctposT, head, tailT, tdyn_o, tspa_o):
    fsim = jnp.dot(head[...], tailT[...], preferred_element_type=F32)
    csame = (ctpos[:, 2:3] == ctposT[2:3, :]).astype(F32)
    _top5(fsim + 0.3 * csame, tdyn_o)
    xr = ctpos[:, 0:1]
    yr = ctpos[:, 1:2]
    xc = ctposT[0:1, :]
    yc = ctposT[1:2, :]
    sqr = xr * xr + yr * yr
    sqc = xc * xc + yc * yc
    bxr = xr.astype(jnp.bfloat16).astype(F32)
    byr = yr.astype(jnp.bfloat16).astype(F32)
    bxc = xc.astype(jnp.bfloat16).astype(F32)
    byc = yc.astype(jnp.bfloat16).astype(F32)
    dot2 = bxr * bxc + byr * byc
    d2 = jnp.maximum(sqr + sqc - 2.0 * dot2, 0.0)
    _top5(-d2, tspa_o)


def _tc_topk(ctpos, ctposT, head, tailT):
    sd = jax.ShapeDtypeStruct
    return pl.pallas_call(
        _topk_body,
        grid=(GB,),
        in_specs=[
            pl.BlockSpec((RB, 8), lambda i: (i, 0)),
            pl.BlockSpec((8, N), lambda i: (0, 0)),
            pl.BlockSpec((RB, P), lambda i: (i, 0)),
            pl.BlockSpec((P, N), lambda i: (0, 0)),
        ],
        out_specs=[
            pl.BlockSpec((8, RB), lambda i: (0, i)),
            pl.BlockSpec((8, RB), lambda i: (0, i)),
        ],
        out_shape=[sd((8, N), I32), sd((8, N), I32)],
    )(ctpos, ctposT, head, tailT)


def _gat_jax(h, a2, T2, bias):
    hh = h.reshape(N, H, P)
    asrc, adst = a2[:, 0:4], a2[:, 4:8]
    src = jnp.concatenate([jnp.arange(N)] * (K + 1))
    dst = jnp.concatenate([T2[k] for k in range(K)] + [jnp.arange(N)])
    e = asrc[src] + adst[dst]
    ex = jnp.exp(jnp.maximum(e, 0.2 * e))
    den = jax.ops.segment_sum(ex, dst, num_segments=N)
    out = jax.ops.segment_sum(hh[src] * ex[:, :, None], dst, num_segments=N)
    out = out / den[:, :, None]
    return out.reshape(N, H * P) + bias


def _proj_head_blk(x, pW, pb, fW, fb, g, b):
    p = jnp.dot(x, pW[...], preferred_element_type=F32) + pb[...]
    h = jax.nn.gelu(p)
    h = jnp.dot(h, fW[...], preferred_element_type=F32) + fb[...]
    h = h + p
    return _ln(h, g[...], b[...])


def _img_body(x, pW, pb, fW, fb, g, b, out):
    out[...] = _proj_head_blk(x[...], pW, pb, fW, fb, g, b)


def _tc_img(image_features, ip_pW, ip_pb, ip_fW, ip_fb, ip_g, ip_b):
    full = lambda i: (0, 0)
    return pl.pallas_call(
        _img_body,
        grid=(GB,),
        in_specs=[
            pl.BlockSpec((RB, IMG), lambda i: (i, 0)),
            pl.BlockSpec((IMG, P), full), pl.BlockSpec((1, P), full),
            pl.BlockSpec((P, P), full), pl.BlockSpec((1, P), full),
            pl.BlockSpec((1, P), full), pl.BlockSpec((1, P), full),
        ],
        out_specs=pl.BlockSpec((RB, P), lambda i: (i, 0)),
        out_shape=jax.ShapeDtypeStruct((N, P), F32),
    )(image_features, ip_pW, ip_pb, ip_fW, ip_fb, ip_g, ip_b)


def _mid_body(gd, gs, fuW1, fuW2, fu_b, fu_g, fu_be,
              spW, spb, sfW, sfb, sg, sb, out):
    f = (jnp.dot(gd[...], fuW1[...], preferred_element_type=F32)
         + jnp.dot(gs[...], fuW2[...], preferred_element_type=F32) + fu_b[...])
    f = jnp.maximum(f, 0.0)
    f = _ln(f, fu_g[...], fu_be[...])
    out[...] = _proj_head_blk(f, spW, spb, sfW, sfb, sg, sb)


def _tc_mid(gat_dyn, gat_spa, fuW1, fuW2, fu_b, fu_g, fu_be,
            spp_pW, spp_pb, spp_fW, spp_fb, spp_g, spp_b):
    full = lambda i: (0, 0)
    return pl.pallas_call(
        _mid_body,
        grid=(GB,),
        in_specs=[
            pl.BlockSpec((RB, H * P), lambda i: (i, 0)),
            pl.BlockSpec((RB, H * P), lambda i: (i, 0)),
            pl.BlockSpec((H * P, P), full), pl.BlockSpec((H * P, P), full),
            pl.BlockSpec((1, P), full), pl.BlockSpec((1, P), full),
            pl.BlockSpec((1, P), full),
            pl.BlockSpec((P, P), full), pl.BlockSpec((1, P), full),
            pl.BlockSpec((P, P), full), pl.BlockSpec((1, P), full),
            pl.BlockSpec((1, P), full), pl.BlockSpec((1, P), full),
        ],
        out_specs=pl.BlockSpec((RB, P), lambda i: (i, 0)),
        out_shape=jax.ShapeDtypeStruct((N, P), F32),
    )(gat_dyn, gat_spa, fuW1, fuW2, fu_b, fu_g, fu_be,
      spp_pW, spp_pb, spp_fW, spp_fb, spp_g, spp_b)


def _loss_body(se, imgT, out, Mref, Sref, accref):
    i = pl.program_id(0)
    cos = jnp.dot(se[...], imgT[...], preferred_element_type=F32)
    cols = lax.broadcasted_iota(I32, (RB, N), 1)
    rows = lax.broadcasted_iota(I32, (RB, N), 0) + i * RB
    diag_sum = jnp.sum(jnp.where(cols == rows, cos, 0.0))
    m_r = jnp.max(cos, axis=1, keepdims=True)
    lse_r = jnp.sum(m_r[:, 0] + jnp.log(jnp.sum(jnp.exp(cos - m_r), axis=1)))

    @pl.when(i == 0)
    def _():
        Mref[...] = jnp.full((1, N), -3e38, F32)
        Sref[...] = jnp.zeros((1, N), F32)
        accref[0] = 0.0
        accref[1] = 0.0

    bm = jnp.max(cos, axis=0, keepdims=True)
    newM = jnp.maximum(Mref[...], bm)
    Sref[...] = (Sref[...] * jnp.exp(Mref[...] - newM)
                 + jnp.sum(jnp.exp(cos - newM), axis=0, keepdims=True))
    Mref[...] = newM
    accref[0] = accref[0] + diag_sum
    accref[1] = accref[1] + lse_r

    @pl.when(i == GB - 1)
    def _():
        col_lse = jnp.sum(Mref[...] + jnp.log(Sref[...]))
        val = 0.5 * (accref[1] / N + col_lse / N) - accref[0] / N
        out[...] = jnp.reshape(val, (1, 1))


def _tc_loss(se, imgT):
    return pl.pallas_call(
        _loss_body,
        grid=(GB,),
        in_specs=[
            pl.BlockSpec((RB, P), lambda i: (i, 0)),
            pl.BlockSpec((P, N), lambda i: (0, 0)),
        ],
        out_specs=pl.BlockSpec((1, 1), lambda i: (0, 0)),
        out_shape=jax.ShapeDtypeStruct((1, 1), F32),
        scratch_shapes=[
            pltpu.VMEM((1, N), F32),
            pltpu.VMEM((1, N), F32),
            pltpu.SMEM((2,), F32),
        ],
    )(se, imgT)


def kernel(image_features, expression, position, cell_type, xemb, yemb,
           ct_emb, ct_W, ct_b, ct_g, ct_be, ip_pW, ip_pb, ip_fW, ip_fb, ip_g,
           ip_b, dh_W, dh_b, dt_W, dt_b, sp_W, sp_b, dg_W, dg_as, dg_ad,
           dg_bias, sg_W, sg_as, sg_ad, sg_bias, fu_W, fu_b, fu_g, fu_be,
           spp_pW, spp_pb, spp_fW, spp_fb, spp_g, spp_b):
    xi = position[:, 0].astype(I32)
    yi = position[:, 1].astype(I32)
    ctf = cell_type.astype(F32)[:, None]
    ctpos = jnp.concatenate([position, ctf, jnp.zeros((N, 5), F32)], axis=1)
    ctposT = ctpos.T
    ct_emb8 = jnp.pad(ct_emb, ((0, 2), (0, 0)))
    dg_a = jnp.stack([dg_as.reshape(-1), dg_ad.reshape(-1)])
    sg_a = jnp.stack([sg_as.reshape(-1), sg_ad.reshape(-1)])
    r1 = lambda v: v.reshape(1, -1)

    cxy = _sc_gather(xemb, yemb, xi, yi)
    head, tail, hdyn, hspa, adyn, aspa = _tc_dense(
        ctpos, cxy, expression, ct_emb8, ct_W, r1(ct_b), r1(ct_g), r1(ct_be),
        dh_W, r1(dh_b), dt_W, r1(dt_b), sp_W, r1(sp_b), dg_W, dg_a, sg_W, sg_a)
    tdyn, tspa = _tc_topk(ctpos, ctposT, head, tail.T)

    gat_dyn = _gat_jax(hdyn, adyn, tdyn, dg_bias)
    gat_spa = _gat_jax(hspa, aspa, tspa, sg_bias)

    img_emb = _tc_img(image_features, ip_pW, r1(ip_pb), ip_fW, r1(ip_fb),
                      r1(ip_g), r1(ip_b))
    se = _tc_mid(gat_dyn, gat_spa, fu_W[:H * P], fu_W[H * P:], r1(fu_b),
                 r1(fu_g), r1(fu_be), spp_pW, r1(spp_pb), spp_fW, r1(spp_fb),
                 r1(spp_g), r1(spp_b))
    loss = _tc_loss(se, img_emb.T)
    return loss.reshape(())

# --- scband reference (transcript-rebuilt; emitter-appended) ---
"""Pipeline reference for scband-gr2-st-69415261438551 (READ-ONLY COPY).

The authoritative reference and input builder live on the scoring server;
editing this copy changes nothing except your own understanding.
"""

import jax, jax.numpy as jnp
import numpy as np

N = 4096; SPOT = 256; IMG = 1024; P = 128; H = 4; K = 5; TEMP = 1.0


def _layer_norm(x, g, b):
    m = jnp.mean(x, axis=-1, keepdims=True)
    v = jnp.var(x, axis=-1, keepdims=True)
    return (x - m) / jnp.sqrt(v + 1e-5) * g + b


def _proj_head(x, pW, pb, fW, fb, g, b):
    p = x @ pW + pb
    h = jax.nn.gelu(p)
    h = h @ fW + fb
    h = h + p
    return _layer_norm(h, g, b)


def _gat(x, src, dst, W, a_s, a_d, bias):
    n = x.shape[0]
    src = jnp.concatenate([src, jnp.arange(n)])
    dst = jnp.concatenate([dst, jnp.arange(n)])
    h = (x @ W).reshape(n, H, P)
    asrc = jnp.sum(h * a_s, axis=-1)
    adst = jnp.sum(h * a_d, axis=-1)
    e = jax.nn.leaky_relu(asrc[src] + adst[dst], 0.2)
    emax = jax.ops.segment_max(e, dst, num_segments=n)
    emax = jnp.where(jnp.isfinite(emax), emax, 0.0)
    ex = jnp.exp(e - emax[dst])
    den = jax.ops.segment_sum(ex, dst, num_segments=n)
    alpha = ex / (den[dst] + 1e-16)
    out = jax.ops.segment_sum(h[src] * alpha[:, :, None], dst, num_segments=n)
    return out.reshape(n, H * P) + bias


def _topk_edges(sim, k):
    _, idx = jax.lax.top_k(sim, k)
    src = jnp.repeat(jnp.arange(sim.shape[0]), k)
    dst = idx.reshape(-1)
    return src, dst


def _forward(image_features, expression, position, cell_type, xemb, yemb, ct_emb, ct_W, ct_b, ct_g, ct_be, ip_pW, ip_pb, ip_fW, ip_fb, ip_g, ip_b, dh_W, dh_b, dt_W, dt_b, sp_W, sp_b, dg_W, dg_as, dg_ad, dg_bias, sg_W, sg_as, sg_ad, sg_bias, fu_W, fu_b, fu_g, fu_be, spp_pW, spp_pb, spp_fW, spp_fb, spp_g, spp_b):
    img_emb = _proj_head(image_features, ip_pW, ip_pb, ip_fW, ip_fb, ip_g, ip_b)
    xi = position[:, 0].astype(jnp.int32)
    yi = position[:, 1].astype(jnp.int32)
    cx = xemb[xi]
    cy = yemb[yi]
    cte = ct_emb[cell_type]
    cte = jax.nn.relu(cte @ ct_W + ct_b)
    cte = _layer_norm(cte, ct_g, ct_be)
    spot = expression + cx + cy + cte
    head = spot @ dh_W + dh_b
    tail = spot @ dt_W + dt_b
    fsim = head @ tail.T / TEMP
    ctsim = (cell_type[:, None] == cell_type[None, :]).astype(jnp.float32)
    comb = jax.nn.softmax(fsim + 0.3 * ctsim, axis=-1)
    dsrc, ddst = _topk_edges(comb, K)
    sq = jnp.sum(position * position, axis=1)
    d2 = sq[:, None] + sq[None, :] - 2.0 * (position @ position.T)
    dist = jnp.sqrt(jnp.maximum(d2, 0.0))
    ssrc, sdst = _topk_edges(-dist, K)
    dyn_in = spot @ dh_W + dh_b
    spa_in = spot @ sp_W + sp_b
    dyn = _gat(dyn_in, dsrc, ddst, dg_W, dg_as, dg_ad, dg_bias)
    spa = _gat(spa_in, ssrc, sdst, sg_W, sg_as, sg_ad, sg_bias)
    fused = jnp.concatenate([dyn, spa], axis=-1)
    fused = jax.nn.relu(fused @ fu_W + fu_b)
    fused = _layer_norm(fused, fu_g, fu_be)
    se = _proj_head(fused, spp_pW, spp_pb, spp_fW, spp_fb, spp_g, spp_b)
    cos = se @ img_emb.T / TEMP
    lp1 = jax.nn.log_softmax(cos, axis=-1)
    lp2 = jax.nn.log_softmax(cos.T, axis=-1)
    spots_loss = -jnp.mean(jnp.diagonal(lp1))
    images_loss = -jnp.mean(jnp.diagonal(lp2))
    return (spots_loss + images_loss) / 2.0


def setup_inputs(seed: int = 0) -> dict:
    key = jax.random.key(seed)
    ks = jax.random.split(key, 32)

    def nrm(i, shape, s=0.05):
        return jax.random.normal(ks[i], shape, jnp.float32) * s

    zeros = lambda *s: jnp.zeros(s, jnp.float32)
    ones = lambda *s: jnp.ones(s, jnp.float32)
    inp = {}
    inp['image_features'] = jax.random.normal(ks[0], (N, IMG), jnp.float32)
    inp['expression'] = jax.random.normal(ks[1], (N, SPOT), jnp.float32)
    inp['position'] = jax.random.randint(ks[2], (N, 2), 0, 65536).astype(jnp.float32)
    inp['cell_type'] = jax.random.randint(ks[3], (N,), 0, 6)
    inp['xemb'] = nrm(4, (65536, SPOT))
    inp['yemb'] = nrm(5, (65536, SPOT))
    inp['ct_emb'] = nrm(6, (6, SPOT // 2))
    inp['ct_W'] = nrm(7, (SPOT // 2, SPOT))
    inp['ct_b'] = zeros(SPOT)
    inp['ct_g'] = ones(SPOT)
    inp['ct_be'] = zeros(SPOT)
    inp['ip_pW'] = nrm(8, (IMG, P))
    inp['ip_pb'] = zeros(P)
    inp['ip_fW'] = nrm(9, (P, P))
    inp['ip_fb'] = zeros(P)
    inp['ip_g'] = ones(P)
    inp['ip_b'] = zeros(P)
    inp['dh_W'] = nrm(10, (SPOT, P))
    inp['dh_b'] = zeros(P)
    inp['dt_W'] = nrm(11, (SPOT, P))
    inp['dt_b'] = zeros(P)
    inp['sp_W'] = nrm(12, (SPOT, P))
    inp['sp_b'] = zeros(P)
    inp['dg_W'] = nrm(13, (P, H * P))
    inp['dg_as'] = nrm(14, (H, P))
    inp['dg_ad'] = nrm(15, (H, P))
    inp['dg_bias'] = zeros(H * P)
    inp['sg_W'] = nrm(16, (P, H * P))
    inp['sg_as'] = nrm(17, (H, P))
    inp['sg_ad'] = nrm(18, (H, P))
    inp['sg_bias'] = zeros(H * P)
    inp['fu_W'] = nrm(19, (H * P * 2, P))
    inp['fu_b'] = zeros(P)
    inp['fu_g'] = ones(P)
    inp['fu_be'] = zeros(P)
    inp['spp_pW'] = nrm(20, (P, P))
    inp['spp_pb'] = zeros(P)
    inp['spp_fW'] = nrm(21, (P, P))
    inp['spp_fb'] = zeros(P)
    inp['spp_g'] = ones(P)
    inp['spp_b'] = zeros(P)
    return inp


def reference(image_features, expression, position, cell_type, xemb, yemb, ct_emb, ct_W, ct_b, ct_g, ct_be, ip_pW, ip_pb, ip_fW, ip_fb, ip_g, ip_b, dh_W, dh_b, dt_W, dt_b, sp_W, sp_b, dg_W, dg_as, dg_ad, dg_bias, sg_W, sg_as, sg_ad, sg_bias, fu_W, fu_b, fu_g, fu_be, spp_pW, spp_pb, spp_fW, spp_fb, spp_g, spp_b):
    return _forward(image_features=image_features, expression=expression, position=position, cell_type=cell_type, xemb=xemb, yemb=yemb, ct_emb=ct_emb, ct_W=ct_W, ct_b=ct_b, ct_g=ct_g, ct_be=ct_be, ip_pW=ip_pW, ip_pb=ip_pb, ip_fW=ip_fW, ip_fb=ip_fb, ip_g=ip_g, ip_b=ip_b, dh_W=dh_W, dh_b=dh_b, dt_W=dt_W, dt_b=dt_b, sp_W=sp_W, sp_b=sp_b, dg_W=dg_W, dg_as=dg_as, dg_ad=dg_ad, dg_bias=dg_bias, sg_W=sg_W, sg_as=sg_as, sg_ad=sg_ad, sg_bias=sg_bias, fu_W=fu_W, fu_b=fu_b, fu_g=fu_g, fu_be=fu_be, spp_pW=spp_pW, spp_pb=spp_pb, spp_fW=spp_fW, spp_fb=spp_fb, spp_g=spp_g, spp_b=spp_b)

if __name__ == "__main__":
    import jax
    _d = setup_inputs()
    print(jax.jit(kernel)(*tuple(_d.values())))

</pallas_src>

<mosaic_0001>
#map = affine_map<(d0, d1) -> (0, 0)>
#map1 = affine_map<(d0, d1) -> (0)>
module attributes {stable_mosaic.version = 14 : i64} {
  func.func @_sc_gather_body(%arg0: i32, %arg1: i32, %arg2: memref<65536x256xf32, #tpu.memory_space<hbm>>, %arg3: memref<65536x256xf32, #tpu.memory_space<hbm>>, %arg4: memref<4096xi32, #tpu.memory_space<hbm>>, %arg5: memref<4096xi32, #tpu.memory_space<hbm>>, %arg6: memref<4096x256xf32, #tpu.memory_space<hbm>>, %arg7: memref<128xi32, #tpu.memory_space<vmem>>, %arg8: memref<128xi32, #tpu.memory_space<vmem>>, %arg9: memref<128x256xf32, #tpu.memory_space<vmem>>, %arg10: memref<128x256xf32, #tpu.memory_space<vmem>>, %arg11: memref<!tpu.dma_semaphore, #tpu.memory_space<semaphore_mem>>, %arg12: memref<!tpu.dma_semaphore, #tpu.memory_space<semaphore_mem>>) attributes {dimension_semantics = [#tpu.dimension_semantics<core_parallel>, #tpu.dimension_semantics<subcore_parallel>], iteration_bounds = array<i64: 2, 16>, scalar_prefetch = 0 : i64, scratch_operands = 6 : i64, tpu.core_type = #tpu.core_type<sc_vector_subcore>, window_params = [{transform_indices = #map}, {transform_indices = #map}, {transform_indices = #map1}, {transform_indices = #map1}, {transform_indices = #map}]} {
    %mul3A = arith.constant 2 : i32
    %mul3A_0 = arith.muli %arg1, %mul3A : i32
    %add3A = arith.addi %mul3A_0, %arg0 : i32
    %mul3A_1 = arith.constant 128 : i32
    %mul3A_2 = arith.muli %add3A, %mul3A_1 : i32
    "tpu.region"() ({
      %run_scoped3A = tpu.sem_alloc : memref<!tpu.dma_semaphore, #tpu.memory_space<semaphore_mem>>
      %dma_start3A_19 = tpu.memref_slice %arg4[%mul3A_2] : memref<4096xi32, #tpu.memory_space<hbm>> -> memref<128xi32, #tpu.memory_space<hbm>>
      %dma_start3A_20 = tpu.memref_slice %arg4[%mul3A_2] : memref<4096xi32, #tpu.memory_space<hbm>> -> memref<128xi32, #tpu.memory_space<hbm>>
      tpu.enqueue_dma source(%dma_start3A_20 : memref<128xi32, #tpu.memory_space<hbm>>) target(%arg7 : memref<128xi32, #tpu.memory_space<vmem>>) target_semaphore(%run_scoped3A : memref<!tpu.dma_semaphore, #tpu.memory_space<semaphore_mem>>)
      %dma_wait3A_21 = tpu.memref_slice %arg4[%mul3A_2] : memref<4096xi32, #tpu.memory_space<hbm>> -> memref<128xi32, #tpu.memory_space<hbm>>
      %dma_wait3A_22 = tpu.memref_slice %arg4[%mul3A_2] : memref<4096xi32, #tpu.memory_space<hbm>> -> memref<128xi32, #tpu.memory_space<hbm>>
      tpu.wait_dma2 semaphore(%run_scoped3A : memref<!tpu.dma_semaphore, #tpu.memory_space<semaphore_mem>>) src(%dma_wait3A_22 : memref<128xi32, #tpu.memory_space<hbm>>) dst(%arg7 : memref<128xi32, #tpu.memory_space<vmem>>)
      tpu.yield
    }) : () -> ()
    "tpu.region"() ({
      %run_scoped3A = tpu.sem_alloc : memref<!tpu.dma_semaphore, #tpu.memory_space<semaphore_mem>>
      %dma_start3A_19 = tpu.memref_slice %arg5[%mul3A_2] : memref<4096xi32, #tpu.memory_space<hbm>> -> memref<128xi32, #tpu.memory_space<hbm>>
      %dma_start3A_20 = tpu.memref_slice %arg5[%mul3A_2] : memref<4096xi32, #tpu.memory_space<hbm>> -> memref<128xi32, #tpu.memory_space<hbm>>
      tpu.enqueue_dma source(%dma_start3A_20 : memref<128xi32, #tpu.memory_space<hbm>>) target(%arg8 : memref<128xi32, #tpu.memory_space<vmem>>) target_semaphore(%run_scoped3A : memref<!tpu.dma_semaphore, #tpu.memory_space<semaphore_mem>>)
      %dma_wait3A_21 = tpu.memref_slice %arg5[%mul3A_2] : memref<4096xi32, #tpu.memory_space<hbm>> -> memref<128xi32, #tpu.memory_space<hbm>>
      %dma_wait3A_22 = tpu.memref_slice %arg5[%mul3A_2] : memref<4096xi32, #tpu.memory_space<hbm>> -> memref<128xi32, #tpu.memory_space<hbm>>
      tpu.wait_dma2 semaphore(%run_scoped3A : memref<!tpu.dma_semaphore, #tpu.memory_space<semaphore_mem>>) src(%dma_wait3A_22 : memref<128xi32, #tpu.memory_space<hbm>>) dst(%arg8 : memref<128xi32, #tpu.memory_space<vmem>>)
      tpu.yield
    }) : () -> ()
    %dma_start3A = arith.constant 0 : i32
    %dma_start3A_3 = arith.constant 0 : i32
    %dma_start3A_4 = tpu.memref_slice %arg2[%dma_start3A, %dma_start3A_3] : memref<65536x256xf32, #tpu.memory_space<hbm>> -> memref<65536x256xf32, #tpu.memory_space<hbm>>
    tpu.enqueue_indirect_dma source(%dma_start3A_4 : memref<65536x256xf32, #tpu.memory_space<hbm>>) target(%arg9 : memref<128x256xf32, #tpu.memory_space<vmem>>) offsets(%arg7 : memref<128xi32, #tpu.memory_space<vmem>>) semaphore(%arg11 : memref<!tpu.dma_semaphore, #tpu.memory_space<semaphore_mem>>)
    %dma_start3A_5 = arith.constant 0 : i32
    %dma_start3A_6 = arith.constant 0 : i32
    %dma_start3A_7 = tpu.memref_slice %arg3[%dma_start3A_5, %dma_start3A_6] : memref<65536x256xf32, #tpu.memory_space<hbm>> -> memref<65536x256xf32, #tpu.memory_space<hbm>>
    tpu.enqueue_indirect_dma source(%dma_start3A_7 : memref<65536x256xf32, #tpu.memory_space<hbm>>) target(%arg10 : memref<128x256xf32, #tpu.memory_space<vmem>>) offsets(%arg8 : memref<128xi32, #tpu.memory_space<vmem>>) semaphore(%arg12 : memref<!tpu.dma_semaphore, #tpu.memory_space<semaphore_mem>>)
    %dma_wait3A = arith.constant 0 : i32
    %dma_wait3A_8 = arith.constant 0 : i32
    %dma_wait3A_9 = tpu.memref_slice %arg2[%dma_wait3A, %dma_wait3A_8] : memref<65536x256xf32, #tpu.memory_space<hbm>> -> memref<65536x256xf32, #tpu.memory_space<hbm>>
    tpu.wait_indirect_dma semaphore(%arg11 : memref<!tpu.dma_semaphore, #tpu.memory_space<semaphore_mem>>) src(%dma_wait3A_9 : memref<65536x256xf32, #tpu.memory_space<hbm>>) dst(%arg9 : memref<128x256xf32, #tpu.memory_space<vmem>>)
    %dma_wait3A_10 = arith.constant 0 : i32
    %dma_wait3A_11 = arith.constant 0 : i32
    %dma_wait3A_12 = tpu.memref_slice %arg3[%dma_wait3A_10, %dma_wait3A_11] : memref<65536x256xf32, #tpu.memory_space<hbm>> -> memref<65536x256xf32, #tpu.memory_space<hbm>>
    tpu.wait_indirect_dma semaphore(%arg12 : memref<!tpu.dma_semaphore, #tpu.memory_space<semaphore_mem>>) src(%dma_wait3A_12 : memref<65536x256xf32, #tpu.memory_space<hbm>>) dst(%arg10 : memref<128x256xf32, #tpu.memory_space<vmem>>)
    %scan3A = arith.constant 0 : i32
    %scan3A_13 = arith.constant 0 : i32
    %scan3A_14 = arith.constant 128 : i32
    %scan3A_15 = arith.addi %scan3A_13, %scan3A_14 : i32
    %scan3A_16 = arith.constant 1 : i32
    %scan3A_17 = scf.for %scan3A_19 = %scan3A_13 to %scan3A_15 step %scan3A_16 iter_args(%scan3A_20 = %scan3A) -> (i32)  : i32 {
      %get3A = arith.index_cast %scan3A_19 : i32 to index
      %get3A_21 = arith.constant 0 : index
      %get3A_22 = tpu.vector_load %arg9[%get3A, %get3A_21] {strides = array<i32>} : memref<128x256xf32, #tpu.memory_space<vmem>>, vector<1x16xf32>,
      %get3A_23 = vector.shape_cast %get3A_22 : vector<1x16xf32> to vector<16xf32>
      %get3A_24 = arith.index_cast %scan3A_19 : i32 to index
      %get3A_25 = arith.constant 0 : index
      %get3A_26 = tpu.vector_load %arg10[%get3A_24, %get3A_25] {strides = array<i32>} : memref<128x256xf32, #tpu.memory_space<vmem>>, vector<1x16xf32>,
      %get3A_27 = vector.shape_cast %get3A_26 : vector<1x16xf32> to vector<16xf32>
      %add3A_28 = arith.addf %get3A_23, %get3A_27 : vector<16xf32>
      %swap3A = arith.index_cast %scan3A_19 : i32 to index
      %swap3A_29 = arith.constant 0 : index
      %swap3A_30 = tpu.vector_load %arg9[%swap3A, %swap3A_29] {strides = array<i32>} : memref<128x256xf32, #tpu.memory_space<vmem>>, vector<1x16xf32>,
      %swap3A_31 = vector.shape_cast %swap3A_30 : vector<1x16xf32> to vector<16xf32>
      %swap3A_32 = vector.shape_cast %add3A_28 : vector<16xf32> to vector<1x16xf32>
      tpu.vector_store %arg9[%swap3A, %swap3A_29], %swap3A_32 {strides = array<i32>} : memref<128x256xf32, #tpu.memory_space<vmem>>, vector<1x16xf32>,
      %get3A_33 = arith.index_cast %scan3A_19 : i32 to index
      %get3A_34 = arith.constant 16 : index
      %get3A_35 = tpu.vector_load %arg9[%get3A_33, %get3A_34] {strides = array<i32>} : memref<128x256xf32, #tpu.memory_space<vmem>>, vector<1x16xf32>,
      %get3A_36 = vector.shape_cast %get3A_35 : vector<1x16xf32> to vector<16xf32>
      %get3A_37 = arith.index_cast %scan3A_19 : i32 to index
      %get3A_38 = arith.constant 16 : index
      %get3A_39 = tpu.vector_load %arg10[%get3A_37, %get3A_38] {strides = array<i32>} : memref<128x256xf32, #tpu.memory_space<vmem>>, vector<1x16xf32>,
      %get3A_40 = vector.shape_cast %get3A_39 : vector<1x16xf32> to vector<16xf32>
      %add3A_41 = arith.addf %get3A_36, %get3A_40 : vector<16xf32>
      %swap3A_42 = arith.index_cast %scan3A_19 : i32 to index
      %swap3A_43 = arith.constant 16 : index
      %swap3A_44 = tpu.vector_load %arg9[%swap3A_42, %swap3A_43] {strides = array<i32>} : memref<128x256xf32, #tpu.memory_space<vmem>>, vector<1x16xf32>,
      %swap3A_45 = vector.shape_cast %swap3A_44 : vector<1x16xf32> to vector<16xf32>
      %swap3A_46 = vector.shape_cast %add3A_41 : vector<16xf32> to vector<1x16xf32>
      tpu.vector_store %arg9[%swap3A_42, %swap3A_43], %swap3A_46 {strides = array<i32>} : memref<128x256xf32, #tpu.memory_space<vmem>>, vector<1x16xf32>,
      %get3A_47 = arith.index_cast %scan3A_19 : i32 to index
      %get3A_48 = arith.constant 32 : index
      %get3A_49 = tpu.vector_load %arg9[%get3A_47, %get3A_48] {strides = array<i32>} : memref<128x256xf32, #tpu.memory_space<vmem>>, vector<1x16xf32>,
      %get3A_50 = vector.shape_cast %get3A_49 : vector<1x16xf32> to vector<16xf32>
      %get3A_51 = arith.index_cast %scan3A_19 : i32 to index
      %get3A_52 = arith.constant 32 : index
      %get3A_53 = tpu.vector_load %arg10[%get3A_51, %get3A_52] {strides = array<i32>} : memref<128x256xf32, #tpu.memory_space<vmem>>, vector<1x16xf32>,
      %get3A_54 = vector.shape_cast %get3A_53 : vector<1x16xf32> to vector<16xf32>
      %add3A_55 = arith.addf %get3A_50, %get3A_54 : vector<16xf32>
      %swap3A_56 = arith.index_cast %scan3A_19 : i32 to index
      %swap3A_57 = arith.constant 32 : index
      %swap3A_58 = tpu.vector_load %arg9[%swap3A_56, %swap3A_57] {strides = array<i32>} : memref<128x256xf32, #tpu.memory_space<vmem>>, vector<1x16xf32>,
      %swap3A_59 = vector.shape_cast %swap3A_58 : vector<1x16xf32> to vector<16xf32>
      %swap3A_60 = vector.shape_cast %add3A_55 : vector<16xf32> to vector<1x16xf32>
      tpu.vector_store %arg9[%swap3A_56, %swap3A_57], %swap3A_60 {strides = array<i32>} : memref<128x256xf32, #tpu.memory_space<vmem>>, vector<1x16xf32>,
      %get3A_61 = arith.index_cast %scan3A_19 : i32 to index
      %get3A_62 = arith.constant 48 : index
      %get3A_63 = tpu.vector_load %arg9[%get3A_61, %get3A_62] {strides = array<i32>} : memref<128x256xf32, #tpu.memory_space<vmem>>, vector<1x16xf32>,
      %get3A_64 = vector.shape_cast %get3A_63 : vector<1x16xf32> to vector<16xf32>
      %get3A_65 = arith.index_cast %scan3A_19 : i32 to index
      %get3A_66 = arith.constant 48 : index
      %get3A_67 = tpu.vector_load %arg10[%get3A_65, %get3A_66] {strides = array<i32>} : memref<128x256xf32, #tpu.memory_space<vmem>>, vector<1x16xf32>,
      %get3A_68 = vector.shape_cast %get3A_67 : vector<1x16xf32> to vector<16xf32>
      %add3A_69 = arith.addf %get3A_64, %get3A_68 : vector<16xf32>
      %swap3A_70 = arith.index_cast %scan3A_19 : i32 to index
      %swap3A_71 = arith.constant 48 : index
      %swap3A_72 = tpu.vector_load %arg9[%swap3A_70, %swap3A_71] {strides = array<i32>} : memref<128x256xf32, #tpu.memory_space<vmem>>, vector<1x16xf32>,
      %swap3A_73 = vector.shape_cast %swap3A_72 : vector<1x16xf32> to vector<16xf32>
      %swap3A_74 = vector.shape_cast %add3A_69 : vector<16xf32> to vector<1x16xf32>
      tpu.vector_store %arg9[%swap3A_70, %swap3A_71], %swap3A_74 {strides = array<i32>} : memref<128x256xf32, #tpu.memory_space<vmem>>, vector<1x16xf32>,
      %get3A_75 = arith.index_cast %scan3A_19 : i32 to index
      %get3A_76 = arith.constant 64 : index
      %get3A_77 = tpu.vector_load %arg9[%get3A_75, %get3A_76] {strides = array<i32>} : memref<128x256xf32, #tpu.memory_space<vmem>>, vector<1x16xf32>,
      %get3A_78 = vector.shape_cast %get3A_77 : vector<1x16xf32> to vector<16xf32>
      %get3A_79 = arith.index_cast %scan3A_19 : i32 to index
      %get3A_80 = arith.constant 64 : index
      %get3A_81 = tpu.vector_load %arg10[%get3A_79, %get3A_80] {strides = array<i32>} : memref<128x256xf32, #tpu.memory_space<vmem>>, vector<1x16xf32>,
      %get3A_82 = vector.shape_cast %get3A_81 : vector<1x16xf32> to vector<16xf32>
      %add3A_83 = arith.addf %get3A_78, %get3A_82 : vector<16xf32>
      %swap3A_84 = arith.index_cast %scan3A_19 : i32 to index
      %swap3A_85 = arith.constant 64 : index
      %swap3A_86 = tpu.vector_load %arg9[%swap3A_84, %swap3A_85] {strides = array<i32>} : memref<128x256xf32, #tpu.memory_space<vmem>>, vector<1x16xf32>,
      %swap3A_87 = vector.shape_cast %swap3A_86 : vector<1x16xf32> to vector<16xf32>
      %swap3A_88 = vector.shape_cast %add3A_83 : vector<16xf32> to vector<1x16xf32>
      tpu.vector_store %arg9[%swap3A_84, %swap3A_85], %swap3A_88 {strides = array<i32>} : memref<128x256xf32, #tpu.memory_space<vmem>>, vector<1x16xf32>,
      %get3A_89 = arith.index_cast %scan3A_19 : i32 to index
      %get3A_90 = arith.constant 80 : index
      %get3A_91 = tpu.vector_load %arg9[%get3A_89, %get3A_90] {strides = array<i32>} : memref<128x256xf32, #tpu.memory_space<vmem>>, vector<1x16xf32>,
      %get3A_92 = vector.shape_cast %get3A_91 : vector<1x16xf32> to vector<16xf32>
      %get3A_93 = arith.index_cast %scan3A_19 : i32 to index
      %get3A_94 = arith.constant 80 : index
      %get3A_95 = tpu.vector_load %arg10[%get3A_93, %get3A_94] {strides = array<i32>} : memref<128x256xf32, #tpu.memory_space<vmem>>, vector<1x16xf32>,
      %get3A_96 = vector.shape_cast %get3A_95 : vector<1x16xf32> to vector<16xf32>
      %add3A_97 = arith.addf %get3A_92, %get3A_96 : vector<16xf32>
      %swap3A_98 = arith.index_cast %scan3A_19 : i32 to index
      %swap3A_99 = arith.constant 80 : index
      %swap3A_100 = tpu.vector_load %arg9[%swap3A_98, %swap3A_99] {strides = array<i32>} : memref<128x256xf32, #tpu.memory_space<vmem>>, vector<1x16xf32>,
      %swap3A_101 = vector.shape_cast %swap3A_100 : vector<1x16xf32> to vector<16xf32>
      %swap3A_102 = vector.shape_cast %add3A_97 : vector<16xf32> to vector<1x16xf32>
      tpu.vector_store %arg9[%swap3A_98, %swap3A_99], %swap3A_102 {strides = array<i32>} : memref<128x256xf32, #tpu.memory_space<vmem>>, vector<1x16xf32>,
      %get3A_103 = arith.index_cast %scan3A_19 : i32 to index
      %get3A_104 = arith.constant 96 : index
      %get3A_105 = tpu.vector_load %arg9[%get3A_103, %get3A_104] {strides = array<i32>} : memref<128x256xf32, #tpu.memory_space<vmem>>, vector<1x16xf32>,
      %get3A_106 = vector.shape_cast %get3A_105 : vector<1x16xf32> to vector<16xf32>
      %get3A_107 = arith.index_cast %scan3A_19 : i32 to index
      %get3A_108 = arith.constant 96 : index
      %get3A_109 = tpu.vector_load %arg10[%get3A_107, %get3A_108] {strides = array<i32>} : memref<128x256xf32, #tpu.memory_space<vmem>>, vector<1x16xf32>,
      %get3A_110 = vector.shape_cast %get3A_109 : vector<1x16xf32> to vector<16xf32>
      %add3A_111 = arith.addf %get3A_106, %get3A_110 : vector<16xf32>
      %swap3A_112 = arith.index_cast %scan3A_19 : i32 to index
      %swap3A_113 = arith.constant 96 : index
      %swap3A_114 = tpu.vector_load %arg9[%swap3A_112, %swap3A_113] {strides = array<i32>} : memref<128x256xf32, #tpu.memory_space<vmem>>, vector<1x16xf32>,
      %swap3A_115 = vector.shape_cast %swap3A_114 : vector<1x16xf32> to vector<16xf32>
      %swap3A_116 = vector.shape_cast %add3A_111 : vector<16xf32> to vector<1x16xf32>
      tpu.vector_store %arg9[%swap3A_112, %swap3A_113], %swap3A_116 {strides = array<i32>} : memref<128x256xf32, #tpu.memory_space<vmem>>, vector<1x16xf32>,
      %get3A_117 = arith.index_cast %scan3A_19 : i32 to index
      %get3A_118 = arith.constant 112 : index
      %get3A_119 = tpu.vector_load %arg9[%get3A_117, %get3A_118] {strides = array<i32>} : memref<128x256xf32, #tpu.memory_space<vmem>>, vector<1x16xf32>,
      %get3A_120 = vector.shape_cast %get3A_119 : vector<1x16xf32> to vector<16xf32>
      %get3A_121 = arith.index_cast %scan3A_19 : i32 to index
      %get3A_122 = arith.constant 112 : index
      %get3A_123 = tpu.vector_load %arg10[%get3A_121, %get3A_122] {strides = array<i32>} : memref<128x256xf32, #tpu.memory_space<vmem>>, vector<1x16xf32>,
      %get3A_124 = vector.shape_cast %get3A_123 : vector<1x16xf32> to vector<16xf32>
      %add3A_125 = arith.addf %get3A_120, %get3A_124 : vector<16xf32>
      %swap3A_126 = arith.index_cast %scan3A_19 : i32 to index
      %swap3A_127 = arith.constant 112 : index
      %swap3A_128 = tpu.vector_load %arg9[%swap3A_126, %swap3A_127] {strides = array<i32>} : memref<128x256xf32, #tpu.memory_space<vmem>>, vector<1x16xf32>,
      %swap3A_129 = vector.shape_cast %swap3A_128 : vector<1x16xf32> to vector<16xf32>
      %swap3A_130 = vector.shape_cast %add3A_125 : vector<16xf32> to vector<1x16xf32>
      tpu.vector_store %arg9[%swap3A_126, %swap3A_127], %swap3A_130 {strides = array<i32>} : memref<128x256xf32, #tpu.memory_space<vmem>>, vector<1x16xf32>,
      %get3A_131 = arith.index_cast %scan3A_19 : i32 to index
      %get3A_132 = arith.constant 128 : index
      %get3A_133 = tpu.vector_load %arg9[%get3A_131, %get3A_132] {strides = array<i32>} : memref<128x256xf32, #tpu.memory_space<vmem>>, vector<1x16xf32>,
      %get3A_134 = vector.shape_cast %get3A_133 : vector<1x16xf32> to vector<16xf32>
      %get3A_135 = arith.index_cast %scan3A_19 : i32 to index
      %get3A_136 = arith.constant 128 : index
      %get3A_137 = tpu.vector_load %arg10[%get3A_135, %get3A_136] {strides = array<i32>} : memref<128x256xf32, #tpu.memory_space<vmem>>, vector<1x16xf32>,
      %get3A_138 = vector.shape_cast %get3A_137 : vector<1x16xf32> to vector<16xf32>
      %add3A_139 = arith.addf %get3A_134, %get3A_138 : vector<16xf32>
      %swap3A_140 = arith.index_cast %scan3A_19 : i32 to index
      %swap3A_141 = arith.constant 128 : index
      %swap3A_142 = tpu.vector_load %arg9[%swap3A_140, %swap3A_141] {strides = array<i32>} : memref<128x256xf32, #tpu.memory_space<vmem>>, vector<1x16xf32>,
      %swap3A_143 = vector.shape_cast %swap3A_142 : vector<1x16xf32> to vector<16xf32>
      %swap3A_144 = vector.shape_cast %add3A_139 : vector<16xf32> to vector<1x16xf32>
      tpu.vector_store %arg9[%swap3A_140, %swap3A_141], %swap3A_144 {strides = array<i32>} : memref<128x256xf32, #tpu.memory_space<vmem>>, vector<1x16xf32>,
      %get3A_145 = arith.index_cast %scan3A_19 : i32 to index
      %get3A_146 = arith.constant 144 : index
      %get3A_147 = tpu.vector_load %arg9[%get3A_145, %get3A_146] {strides = array<i32>} : memref<128x256xf32, #tpu.memory_space<vmem>>, vector<1x16xf32>,
      %get3A_148 = vector.shape_cast %get3A_147 : vector<1x16xf32> to vector<16xf32>
      %get3A_149 = arith.index_cast %scan3A_19 : i32 to index
      %get3A_150 = arith.constant 144 : index
      %get3A_151 = tpu.vector_load %arg10[%get3A_149, %get3A_150] {strides = array<i32>} : memref<128x256xf32, #tpu.memory_space<vmem>>, vector<1x16xf32>,
      %get3A_152 = vector.shape_cast %get3A_151 : vector<1x16xf32> to vector<16xf32>
      %add3A_153 = arith.addf %get3A_148, %get3A_152 : vector<16xf32>
      %swap3A_154 = arith.index_cast %scan3A_19 : i32 to index
      %swap3A_155 = arith.constant 144 : index
      %swap3A_156 = tpu.vector_load %arg9[%swap3A_154, %swap3A_155] {strides = array<i32>} : memref<128x256xf32, #tpu.memory_space<vmem>>, vector<1x16xf32>,
      %swap3A_157 = vector.shape_cast %swap3A_156 : vector<1x16xf32> to vector<16xf32>
      %swap3A_158 = vector.shape_cast %add3A_153 : vector<16xf32> to vector<1x16xf32>
      tpu.vector_store %arg9[%swap3A_154, %swap3A_155], %swap3A_158 {strides = array<i32>} : memref<128x256xf32, #tpu.memory_space<vmem>>, vector<1x16xf32>,
      %get3A_159 = arith.index_cast %scan3A_19 : i32 to index
      %get3A_160 = arith.constant 160 : index
      %get3A_161 = tpu.vector_load %arg9[%get3A_159, %get3A_160] {strides = array<i32>} : memref<128x256xf32, #tpu.memory_space<vmem>>, vector<1x16xf32>,
      %get3A_162 = vector.shape_cast %get3A_161 : vector<1x16xf32> to vector<16xf32>
      %get3A_163 = arith.index_cast %scan3A_19 : i32 to index
      %get3A_164 = arith.constant 160 : index
      %get3A_165 = tpu.vector_load %arg10[%get3A_163, %get3A_164] {strides = array<i32>} : memref<128x256xf32, #tpu.memory_space<vmem>>, vector<1x16xf32>,
      %get3A_166 = vector.shape_cast %get3A_165 : vector<1x16xf32> to vector<16xf32>
      %add3A_167 = arith.addf %get3A_162, %get3A_166 : vector<16xf32>
      %swap3A_168 = arith.index_cast %scan3A_19 : i32 to index
      %swap3A_169 = arith.constant 160 : index
      %swap3A_170 = tpu.vector_load %arg9[%swap3A_168, %swap3A_169] {strides = array<i32>} : memref<128x256xf32, #tpu.memory_space<vmem>>, vector<1x16xf32>,
      %swap3A_171 = vector.shape_cast %swap3A_170 : vector<1x16xf32> to vector<16xf32>
      %swap3A_172 = vector.shape_cast %add3A_167 : vector<16xf32> to vector<1x16xf32>
      tpu.vector_store %arg9[%swap3A_168, %swap3A_169], %swap3A_172 {strides = array<i32>} : memref<128x256xf32, #tpu.memory_space<vmem>>, vector<1x16xf32>,
      %get3A_173 = arith.index_cast %scan3A_19 : i32 to index
      %get3A_174 = arith.constant 176 : index
      %get3A_175 = tpu.vector_load %arg9[%get3A_173, %get3A_174] {strides = array<i32>} : memref<128x256xf32, #tpu.memory_space<vmem>>, vector<1x16xf32>,
      %get3A_176 = vector.shape_cast %get3A_175 : vector<1x16xf32> to vector<16xf32>
      %get3A_177 = arith.index_cast %scan3A_19 : i32 to index
      %get3A_178 = arith.constant 176 : index
      %get3A_179 = tpu.vector_load %arg10[%get3A_177, %get3A_178] {strides = array<i32>} : memref<128x256xf32, #tpu.memory_space<vmem>>, vector<1x16xf32>,
      %get3A_180 = vector.shape_cast %get3A_179 : vector<1x16xf32> to vector<16xf32>
      %add3A_181 = arith.addf %get3A_176, %get3A_180 : vector<16xf32>
      %swap3A_182 = arith.index_cast %scan3A_19 : i32 to index
      %swap3A_183 = arith.constant 176 : index
      %swap3A_184 = tpu.vector_load %arg9[%swap3A_182, %swap3A_183] {strides = array<i32>} : memref<128x256xf32, #tpu.memory_space<vmem>>, vector<1x16xf32>,
      %swap3A_185 = vector.shape_cast %swap3A_184 : vector<1x16xf32> to vector<16xf32>
      %swap3A_186 = vector.shape_cast %add3A_181 : vector<16xf32> to vector<1x16xf32>
      tpu.vector_store %arg9[%swap3A_182, %swap3A_183], %swap3A_186 {strides = array<i32>} : memref<128x256xf32, #tpu.memory_space<vmem>>, vector<1x16xf32>,
      %get3A_187 = arith.index_cast %scan3A_19 : i32 to index
      %get3A_188 = arith.constant 192 : index
      %get3A_189 = tpu.vector_load %arg9[%get3A_187, %get3A_188] {strides = array<i32>} : memref<128x256xf32, #tpu.memory_space<vmem>>, vector<1x16xf32>,
      %get3A_190 = vector.shape_cast %get3A_189 : vector<1x16xf32> to vector<16xf32>
      %get3A_191 = arith.index_cast %scan3A_19 : i32 to index
      %get3A_192 = arith.constant 192 : index
      %get3A_193 = tpu.vector_load %arg10[%get3A_191, %get3A_192] {strides = array<i32>} : memref<128x256xf32, #tpu.memory_space<vmem>>, vector<1x16xf32>,
      %get3A_194 = vector.shape_cast %get3A_193 : vector<1x16xf32> to vector<16xf32>
      %add3A_195 = arith.addf %get3A_190, %get3A_194 : vector<16xf32>
      %swap3A_196 = arith.index_cast %scan3A_19 : i32 to index
      %swap3A_197 = arith.constant 192 : index
      %swap3A_198 = tpu.vector_load %arg9[%swap3A_196, %swap3A_197] {strides = array<i32>} : memref<128x256xf32, #tpu.memory_space<vmem>>, vector<1x16xf32>,
      %swap3A_199 = vector.shape_cast %swap3A_198 : vector<1x16xf32> to vector<16xf32>
      %swap3A_200 = vector.shape_cast %add3A_195 : vector<16xf32> to vector<1x16xf32>
      tpu.vector_store %arg9[%swap3A_196, %swap3A_197], %swap3A_200 {strides = array<i32>} : memref<128x256xf32, #tpu.memory_space<vmem>>, vector<1x16xf32>,
      %get3A_201 = arith.index_cast %scan3A_19 : i32 to index
      %get3A_202 = arith.constant 208 : index
      %get3A_203 = tpu.vector_load %arg9[%get3A_201, %get3A_202] {strides = array<i32>} : memref<128x256xf32, #tpu.memory_space<vmem>>, vector<1x16xf32>,
      %get3A_204 = vector.shape_cast %get3A_203 : vector<1x16xf32> to vector<16xf32>
      %get3A_205 = arith.index_cast %scan3A_19 : i32 to index
      %get3A_206 = arith.constant 208 : index
      %get3A_207 = tpu.vector_load %arg10[%get3A_205, %get3A_206] {strides = array<i32>} : memref<128x256xf32, #tpu.memory_space<vmem>>, vector<1x16xf32>,
      %get3A_208 = vector.shape_cast %get3A_207 : vector<1x16xf32> to vector<16xf32>
      %add3A_209 = arith.addf %get3A_204, %get3A_208 : vector<16xf32>
      %swap3A_210 = arith.index_cast %scan3A_19 : i32 to index
      %swap3A_211 = arith.constant 208 : index
      %swap3A_212 = tpu.vector_load %arg9[%swap3A_210, %swap3A_211] {strides = array<i32>} : memref<128x256xf32, #tpu.memory_space<vmem>>, vector<1x16xf32>,
      %swap3A_213 = vector.shape_cast %swap3A_212 : vector<1x16xf32> to vector<16xf32>
      %swap3A_214 = vector.shape_cast %add3A_209 : vector<16xf32> to vector<1x16xf32>
      tpu.vector_store %arg9[%swap3A_210, %swap3A_211], %swap3A_214 {strides = array<i32>} : memref<128x256xf32, #tpu.memory_space<vmem>>, vector<1x16xf32>,
      %get3A_215 = arith.index_cast %scan3A_19 : i32 to index
      %get3A_216 = arith.constant 224 : index
      %get3A_217 = tpu.vector_load %arg9[%get3A_215, %get3A_216] {strides = array<i32>} : memref<128x256xf32, #tpu.memory_space<vmem>>, vector<1x16xf32>,
      %get3A_218 = vector.shape_cast %get3A_217 : vector<1x16xf32> to vector<16xf32>
      %get3A_219 = arith.index_cast %scan3A_19 : i32 to index
      %get3A_220 = arith.constant 224 : index
      %get3A_221 = tpu.vector_load %arg10[%get3A_219, %get3A_220] {strides = array<i32>} : memref<128x256xf32, #tpu.memory_space<vmem>>, vector<1x16xf32>,
      %get3A_222 = vector.shape_cast %get3A_221 : vector<1x16xf32> to vector<16xf32>
      %add3A_223 = arith.addf %get3A_218, %get3A_222 : vector<16xf32>
      %swap3A_224 = arith.index_cast %scan3A_19 : i32 to index
      %swap3A_225 = arith.constant 224 : index
      %swap3A_226 = tpu.vector_load %arg9[%swap3A_224, %swap3A_225] {strides = array<i32>} : memref<128x256xf32, #tpu.memory_space<vmem>>, vector<1x16xf32>,
      %swap3A_227 = vector.shape_cast %swap3A_226 : vector<1x16xf32> to vector<16xf32>
      %swap3A_228 = vector.shape_cast %add3A_223 : vector<16xf32> to vector<1x16xf32>
      tpu.vector_store %arg9[%swap3A_224, %swap3A_225], %swap3A_228 {strides = array<i32>} : memref<128x256xf32, #tpu.memory_space<vmem>>, vector<1x16xf32>,
      %get3A_229 = arith.index_cast %scan3A_19 : i32 to index
      %get3A_230 = arith.constant 240 : index
      %get3A_231 = tpu.vector_load %arg9[%get3A_229, %get3A_230] {strides = array<i32>} : memref<128x256xf32, #tpu.memory_space<vmem>>, vector<1x16xf32>,
      %get3A_232 = vector.shape_cast %get3A_231 : vector<1x16xf32> to vector<16xf32>
      %get3A_233 = arith.index_cast %scan3A_19 : i32 to index
      %get3A_234 = arith.constant 240 : index
      %get3A_235 = tpu.vector_load %arg10[%get3A_233, %get3A_234] {strides = array<i32>} : memref<128x256xf32, #tpu.memory_space<vmem>>, vector<1x16xf32>,
      %get3A_236 = vector.shape_cast %get3A_235 : vector<1x16xf32> to vector<16xf32>
      %add3A_237 = arith.addf %get3A_232, %get3A_236 : vector<16xf32>
      %swap3A_238 = arith.index_cast %scan3A_19 : i32 to index
      %swap3A_239 = arith.constant 240 : index
      %swap3A_240 = tpu.vector_load %arg9[%swap3A_238, %swap3A_239] {strides = array<i32>} : memref<128x256xf32, #tpu.memory_space<vmem>>, vector<1x16xf32>,
      %swap3A_241 = vector.shape_cast %swap3A_240 : vector<1x16xf32> to vector<16xf32>
      %swap3A_242 = vector.shape_cast %add3A_237 : vector<16xf32> to vector<1x16xf32>
      tpu.vector_store %arg9[%swap3A_238, %swap3A_239], %swap3A_242 {strides = array<i32>} : memref<128x256xf32, #tpu.memory_space<vmem>>, vector<1x16xf32>,
      %scan3A_243 = arith.constant 0 : i32
      scf.yield %scan3A_243 : i32
    }
    %scan3A_18 = arith.constant 128 : i32
    "tpu.region"() ({
      %run_scoped3A = tpu.sem_alloc : memref<!tpu.dma_semaphore, #tpu.memory_space<semaphore_mem>>
      %dma_start3A_19 = arith.constant 0 : i32
      %dma_start3A_20 = tpu.memref_slice %arg6[%mul3A_2, %dma_start3A_19] : memref<4096x256xf32, #tpu.memory_space<hbm>> -> memref<128x256xf32, #tpu.memory_space<hbm>>
      %dma_start3A_21 = arith.constant 0 : i32
      %dma_start3A_22 = tpu.memref_slice %arg6[%mul3A_2, %dma_start3A_21] : memref<4096x256xf32, #tpu.memory_space<hbm>> -> memref<128x256xf32, #tpu.memory_space<hbm>>
      tpu.enqueue_dma source(%arg9 : memref<128x256xf32, #tpu.memory_space<vmem>>) target(%dma_start3A_22 : memref<128x256xf32, #tpu.memory_space<hbm>>) target_semaphore(%run_scoped3A : memref<!tpu.dma_semaphore, #tpu.memory_space<semaphore_mem>>)
      %dma_wait3A_23 = arith.constant 0 : i32
      %dma_wait3A_24 = tpu.memref_slice %arg6[%mul3A_2, %dma_wait3A_23] : memref<4096x256xf32, #tpu.memory_space<hbm>> -> memref<128x256xf32, #tpu.memory_space<hbm>>
      %dma_wait3A_25 = arith.constant 0 : i32
      %dma_wait3A_26 = tpu.memref_slice %arg6[%mul3A_2, %dma_wait3A_25] : memref<4096x256xf32, #tpu.memory_space<hbm>> -> memref<128x256xf32, #tpu.memory_space<hbm>>
      tpu.wait_dma2 semaphore(%run_scoped3A : memref<!tpu.dma_semaphore, #tpu.memory_space<semaphore_mem>>) src(%arg9 : memref<128x256xf32, #tpu.memory_space<vmem>>) dst(%dma_wait3A_26 : memref<128x256xf32, #tpu.memory_space<hbm>>)
      tpu.yield
    }) : () -> ()
    return
  }
}

module attributes {stable_mosaic.version = 14 : i64} {
  func.func @_img_body(%arg0: i32, %arg1: memref<512x1024xf32, #tpu.memory_space<vmem>>, %arg2: memref<1024x128xf32, #tpu.memory_space<vmem>>, %arg3: memref<1x128xf32, #tpu.memory_space<vmem>>, %arg4: memref<128x128xf32, #tpu.memory_space<vmem>>, %arg5: memref<1x128xf32, #tpu.memory_space<vmem>>, %arg6: memref<1x128xf32, #tpu.memory_space<vmem>>, %arg7: memref<1x128xf32, #tpu.memory_space<vmem>>, %arg8: memref<512x128xf32, #tpu.memory_space<vmem>>) attributes {dimension_semantics = [#tpu.dimension_semantics<arbitrary>], iteration_bounds = array<i64: 8>, scalar_prefetch = 0 : i64, scratch_operands = 0 : i64, tpu.core_type = #tpu.core_type<tc>, window_params = [{transform_indices = @transform_0, window_bounds = array<i64: 512, 1024>}, {pipeline_mode = #tpu.pipeline_mode<synchronous>, transform_indices = @transform_1, window_bounds = array<i64: 1024, 128>}, {pipeline_mode = #tpu.pipeline_mode<synchronous>, transform_indices = @transform_2, window_bounds = array<i64: 1, 128>}, {pipeline_mode = #tpu.pipeline_mode<synchronous>, transform_indices = @transform_3, window_bounds = array<i64: 128, 128>}, {pipeline_mode = #tpu.pipeline_mode<synchronous>, transform_indices = @transform_4, window_bounds = array<i64: 1, 128>}, {pipeline_mode = #tpu.pipeline_mode<synchronous>, transform_indices = @transform_5, window_bounds = array<i64: 1, 128>}, {pipeline_mode = #tpu.pipeline_mode<synchronous>, transform_indices = @transform_6, window_bounds = array<i64: 1, 128>}, {transform_indices = @transform_7, window_bounds = array<i64: 512, 128>}]} {
    %get3A = arith.constant 0 : index
    %get3A_0 = arith.constant 0 : index
    %get3A_1 = vector.load %arg1[%get3A, %get3A_0] : memref<512x1024xf32, #tpu.memory_space<vmem>>, vector<512x1024xf32>
    %get3A_2 = arith.constant 0 : index
    %get3A_3 = arith.constant 0 : index
    %get3A_4 = vector.load %arg2[%get3A_2, %get3A_3] : memref<1024x128xf32, #tpu.memory_space<vmem>>, vector<1024x128xf32>
    %dot_general3A = arith.constant dense<0.000000e+00> : vector<512x128xf32>
    %dot_general3A_5 = tpu.matmul %get3A_1, %get3A_4, %dot_general3A {dimension_numbers = #tpu.dot_dimension_numbers<[1], [0], [0], [1], [0, 0, 1, 1], [], []>, transpose_lhs_hint = false} : vector<512x1024xf32>, vector<1024x128xf32>, vector<512x128xf32> -> vector<512x128xf32>
    %get3A_6 = arith.constant 0 : index
    %get3A_7 = arith.constant 0 : index
    %get3A_8 = vector.load %arg3[%get3A_6, %get3A_7] : memref<1x128xf32, #tpu.memory_space<vmem>>, vector<1x128xf32>
    %add3A = vector.broadcast %get3A_8 : vector<1x128xf32> to vector<512x128xf32>
    %add3A_9 = arith.addf %dot_general3A_5, %add3A : vector<512x128xf32>
    %integer_pow3A = arith.mulf %add3A_9, %add3A_9 : vector<512x128xf32>
    %integer_pow3A_10 = arith.mulf %add3A_9, %integer_pow3A : vector<512x128xf32>
    %mul3A = arith.constant 4.471500e-02 : f32
    %mul3A_11 = vector.broadcast %mul3A : f32 to vector<512x128xf32>
    %mul3A_12 = arith.mulf %mul3A_11, %integer_pow3A_10 : vector<512x128xf32>
    %add3A_13 = arith.addf %add3A_9, %mul3A_12 : vector<512x128xf32>
    %mul3A_14 = arith.constant 0.797884583 : f32
    %mul3A_15 = vector.broadcast %mul3A_14 : f32 to vector<512x128xf32>
    %mul3A_16 = arith.mulf %mul3A_15, %add3A_13 : vector<512x128xf32>
    %tanh3A = math.tanh %mul3A_16 : vector<512x128xf32>
    %add3A_17 = arith.constant 1.000000e+00 : f32
    %add3A_18 = vector.broadcast %add3A_17 : f32 to vector<512x128xf32>
    %add3A_19 = arith.addf %add3A_18, %tanh3A : vector<512x128xf32>
    %mul3A_20 = arith.constant 5.000000e-01 : f32
    %mul3A_21 = vector.broadcast %mul3A_20 : f32 to vector<512x128xf32>
    %mul3A_22 = arith.mulf %mul3A_21, %add3A_19 : vector<512x128xf32>
    %mul3A_23 = arith.mulf %add3A_9, %mul3A_22 : vector<512x128xf32>
    %get3A_24 = arith.constant 0 : index
    %get3A_25 = arith.constant 0 : index
    %get3A_26 = vector.load %arg4[%get3A_24, %get3A_25] : memref<128x128xf32, #tpu.memory_space<vmem>>, vector<128x128xf32>
    %dot_general3A_27 = arith.constant dense<0.000000e+00> : vector<512x128xf32>
    %dot_general3A_28 = tpu.matmul %mul3A_23, %get3A_26, %dot_general3A_27 {dimension_numbers = #tpu.dot_dimension_numbers<[1], [0], [0], [1], [0, 0, 1, 1], [], []>, transpose_lhs_hint = false} : vector<512x128xf32>, vector<128x128xf32>, vector<512x128xf32> -> vector<512x128xf32>
    %get3A_29 = arith.constant 0 : index
    %get3A_30 = arith.constant 0 : index
    %get3A_31 = vector.load %arg5[%get3A_29, %get3A_30] : memref<1x128xf32, #tpu.memory_space<vmem>>, vector<1x128xf32>
    %add3A_32 = vector.broadcast %get3A_31 : vector<1x128xf32> to vector<512x128xf32>
    %add3A_33 = arith.addf %dot_general3A_28, %add3A_32 : vector<512x128xf32>
    %add3A_34 = arith.addf %add3A_33, %add3A_9 : vector<512x128xf32>
    %get3A_35 = arith.constant 0 : index
    %get3A_36 = arith.constant 0 : index
    %get3A_37 = vector.load %arg6[%get3A_35, %get3A_36] : memref<1x128xf32, #tpu.memory_space<vmem>>, vector<1x128xf32>
    %get3A_38 = arith.constant 0 : index
    %get3A_39 = arith.constant 0 : index
    %get3A_40 = vector.load %arg7[%get3A_38, %get3A_39] : memref<1x128xf32, #tpu.memory_space<vmem>>, vector<1x128xf32>
    %reduce_sum3A = arith.constant dense<0.000000e+00> : vector<512xf32>
    %reduce_sum3A_41 = vector.multi_reduction <add>, %add3A_34, %reduce_sum3A [1] : vector<512x128xf32> to vector<512xf32>
    %broadcast_in_dim3A = vector.shape_cast %reduce_sum3A_41 : vector<512xf32> to vector<512x1xf32>
    %div3A = arith.constant 1.280000e+02 : f32
    %div3A_42 = vector.broadcast %div3A : f32 to vector<512x1xf32>
    %div3A_43 = arith.divf %broadcast_in_dim3A, %div3A_42 : vector<512x1xf32>
    %sub3A = vector.broadcast %div3A_43 : vector<512x1xf32> to vector<512x128xf32>
    %sub3A_44 = arith.subf %add3A_34, %sub3A : vector<512x128xf32>
    %sub3A_45 = vector.broadcast %div3A_43 : vector<512x1xf32> to vector<512x128xf32>
    %sub3A_46 = arith.subf %add3A_34, %sub3A_45 : vector<512x128xf32>
    %mul3A_47 = arith.mulf %sub3A_44, %sub3A_46 : vector<512x128xf32>
    %reduce_sum3A_48 = arith.constant dense<0.000000e+00> : vector<512xf32>
    %reduce_sum3A_49 = vector.multi_reduction <add>, %mul3A_47, %reduce_sum3A_48 [1] : vector<512x128xf32> to vector<512xf32>
    %broadcast_in_dim3A_50 = vector.shape_cast %reduce_sum3A_49 : vector<512xf32> to vector<512x1xf32>
    %div3A_51 = arith.constant 1.280000e+02 : f32
    %div3A_52 = vector.broadcast %div3A_51 : f32 to vector<512x1xf32>
    %div3A_53 = arith.divf %broadcast_in_dim3A_50, %div3A_52 : vector<512x1xf32>
    %sub3A_54 = vector.broadcast %div3A_43 : vector<512x1xf32> to vector<512x128xf32>
    %sub3A_55 = arith.subf %add3A_34, %sub3A_54 : vector<512x128xf32>
    %add3A_56 = arith.constant 9.99999974E-6 : f32
    %add3A_57 = vector.broadcast %add3A_56 : f32 to vector<512x1xf32>
    %add3A_58 = arith.addf %div3A_53, %add3A_57 : vector<512x1xf32>
    %sqrt3A = math.sqrt %add3A_58 : vector<512x1xf32>
    %div3A_59 = vector.broadcast %sqrt3A : vector<512x1xf32> to vector<512x128xf32>
    %div3A_60 = arith.divf %sub3A_55, %div3A_59 : vector<512x128xf32>
    %mul3A_61 = vector.broadcast %get3A_37 : vector<1x128xf32> to vector<512x128xf32>
    %mul3A_62 = arith.mulf %div3A_60, %mul3A_61 : vector<512x128xf32>
    %add3A_63 = vector.broadcast %get3A_40 : vector<1x128xf32> to vector<512x128xf32>
    %add3A_64 = arith.addf %mul3A_62, %add3A_63 : vector<512x128xf32>
    %swap3A = arith.constant 0 : index
    %swap3A_65 = arith.constant 0 : index
    %swap3A_66 = vector.load %arg8[%swap3A, %swap3A_65] : memref<512x128xf32, #tpu.memory_space<vmem>>, vector<512x128xf32>
    tpu.vector_store %arg8[%swap3A, %swap3A_65], %add3A_64 {strides = array<i32>} : memref<512x128xf32, #tpu.memory_space<vmem>>, vector<512x128xf32>,
    return
  }
  func.func @transform_0(%arg0: i32) -> (i32, i32) {
    %c0_i32 = arith.constant 0 : i32
    %c0_i32_0 = arith.constant 0 : i32
    return %arg0, %c0_i32 : i32, i32
  }
  func.func @transform_1(%arg0: i32) -> (i32, i32) {
    %c0_i32 = arith.constant 0 : i32
    %c0_i32_0 = arith.constant 0 : i32
    %c0_i32_1 = arith.constant 0 : i32
    return %c0_i32, %c0_i32_0 : i32, i32
  }
  func.func @transform_2(%arg0: i32) -> (i32, i32) {
    %c0_i32 = arith.constant 0 : i32
    %c0_i32_0 = arith.constant 0 : i32
    %c0_i32_1 = arith.constant 0 : i32
    return %c0_i32, %c0_i32_0 : i32, i32
  }
  func.func @transform_3(%arg0: i32) -> (i32, i32) {
    %c0_i32 = arith.constant 0 : i32
    %c0_i32_0 = arith.constant 0 : i32
    %c0_i32_1 = arith.constant 0 : i32
    return %c0_i32, %c0_i32_0 : i32, i32
  }
  func.func @transform_4(%arg0: i32) -> (i32, i32) {
    %c0_i32 = arith.constant 0 : i32
    %c0_i32_0 = arith.constant 0 : i32
    %c0_i32_1 = arith.constant 0 : i32
    return %c0_i32, %c0_i32_0 : i32, i32
  }
  func.func @transform_5(%arg0: i32) -> (i32, i32) {
    %c0_i32 = arith.constant 0 : i32
    %c0_i32_0 = arith.constant 0 : i32
    %c0_i32_1 = arith.constant 0 : i32
    return %c0_i32, %c0_i32_0 : i32, i32
  }
  func.func @transform_6(%arg0: i32) -> (i32, i32) {
    %c0_i32 = arith.constant 0 : i32
    %c0_i32_0 = arith.constant 0 : i32
    %c0_i32_1 = arith.constant 0 : i32
    return %c0_i32, %c0_i32_0 : i32, i32
  }
  func.func @transform_7(%arg0: i32) -> (i32, i32) {
    %c0_i32 = arith.constant 0 : i32
    %c0_i32_0 = arith.constant 0 : i32
    return %arg0, %c0_i32 : i32, i32
  }
}

module attributes {stable_mosaic.version = 14 : i64} {
  func.func @_dense_body(%arg0: i32, %arg1: memref<512x8xf32, #tpu.memory_space<vmem>>, %arg2: memref<512x256xf32, #tpu.memory_space<vmem>>, %arg3: memref<512x256xf32, #tpu.memory_space<vmem>>, %arg4: memref<8x128xf32, #tpu.memory_space<vmem>>, %arg5: memref<128x256xf32, #tpu.memory_space<vmem>>, %arg6: memref<1x256xf32, #tpu.memory_space<vmem>>, %arg7: memref<1x256xf32, #tpu.memory_space<vmem>>, %arg8: memref<1x256xf32, #tpu.memory_space<vmem>>, %arg9: memref<256x128xf32, #tpu.memory_space<vmem>>, %arg10: memref<1x128xf32, #tpu.memory_space<vmem>>, %arg11: memref<256x128xf32, #tpu.memory_space<vmem>>, %arg12: memref<1x128xf32, #tpu.memory_space<vmem>>, %arg13: memref<256x128xf32, #tpu.memory_space<vmem>>, %arg14: memref<1x128xf32, #tpu.memory_space<vmem>>, %arg15: memref<128x512xf32, #tpu.memory_space<vmem>>, %arg16: memref<2x512xf32, #tpu.memory_space<vmem>>, %arg17: memref<128x512xf32, #tpu.memory_space<vmem>>, %arg18: memref<2x512xf32, #tpu.memory_space<vmem>>, %arg19: memref<512x128xf32, #tpu.memory_space<vmem>>, %arg20: memref<512x128xf32, #tpu.memory_space<vmem>>, %arg21: memref<512x512xf32, #tpu.memory_space<vmem>>, %arg22: memref<512x512xf32, #tpu.memory_space<vmem>>, %arg23: memref<512x8xf32, #tpu.memory_space<vmem>>, %arg24: memref<512x8xf32, #tpu.memory_space<vmem>>) attributes {dimension_semantics = [#tpu.dimension_semantics<arbitrary>], iteration_bounds = array<i64: 8>, scalar_prefetch = 0 : i64, scratch_operands = 0 : i64, tpu.core_type = #tpu.core_type<tc>, window_params = [{transform_indices = @transform_0, window_bounds = array<i64: 512, 8>}, {transform_indices = @transform_1, window_bounds = array<i64: 512, 256>}, {transform_indices = @transform_2, window_bounds = array<i64: 512, 256>}, {pipeline_mode = #tpu.pipeline_mode<synchronous>, transform_indices = @transform_3, window_bounds = array<i64: 8, 128>}, {pipeline_mode = #tpu.pipeline_mode<synchronous>, transform_indices = @transform_4, window_bounds = array<i64: 128, 256>}, {pipeline_mode = #tpu.pipeline_mode<synchronous>, transform_indices = @transform_5, window_bounds = array<i64: 1, 256>}, {pipeline_mode = #tpu.pipeline_mode<synchronous>, transform_indices = @transform_6, window_bounds = array<i64: 1, 256>}, {pipeline_mode = #tpu.pipeline_mode<synchronous>, transform_indices = @transform_7, window_bounds = array<i64: 1, 256>}, {pipeline_mode = #tpu.pipeline_mode<synchronous>, transform_indices = @transform_8, window_bounds = array<i64: 256, 128>}, {pipeline_mode = #tpu.pipeline_mode<synchronous>, transform_indices = @transform_9, window_bounds = array<i64: 1, 128>}, {pipeline_mode = #tpu.pipeline_mode<synchronous>, transform_indices = @transform_10, window_bounds = array<i64: 256, 128>}, {pipeline_mode = #tpu.pipeline_mode<synchronous>, transform_indices = @transform_11, window_bounds = array<i64: 1, 128>}, {pipeline_mode = #tpu.pipeline_mode<synchronous>, transform_indices = @transform_12, window_bounds = array<i64: 256, 128>}, {pipeline_mode = #tpu.pipeline_mode<synchronous>, transform_indices = @transform_13, window_bounds = array<i64: 1, 128>}, {pipeline_mode = #tpu.pipeline_mode<synchronous>, transform_indices = @transform_14, window_bounds = array<i64: 128, 512>}, {pipeline_mode = #tpu.pipeline_mode<synchronous>, transform_indices = @transform_15, window_bounds = array<i64: 2, 512>}, {pipeline_mode = #tpu.pipeline_mode<synchronous>, transform_indices = @transform_16, window_bounds = array<i64: 128, 512>}, {pipeline_mode = #tpu.pipeline_mode<synchronous>, transform_indices = @transform_17, window_bounds = array<i64: 2, 512>}, {transform_indices = @transform_18, window_bounds = array<i64: 512, 128>}, {transform_indices = @transform_19, window_bounds = array<i64: 512, 128>}, {transform_indices = @transform_20, window_bounds = array<i64: 512, 512>}, {transform_indices = @transform_21, window_bounds = array<i64: 512, 512>}, {transform_indices = @transform_22, window_bounds = array<i64: 512, 8>}, {transform_indices = @transform_23, window_bounds = array<i64: 512, 8>}]} {
    %get3A = arith.constant 0 : index
    %get3A_0 = arith.constant 2 : index
    %get3A_1 = vector.load %arg1[%get3A, %get3A_0] : memref<512x8xf32, #tpu.memory_space<vmem>>, vector<512x1xf32>
    %get3A_2 = arith.constant 0 : index
    %get3A_3 = arith.constant 0 : index
    %get3A_4 = vector.load %arg4[%get3A_2, %get3A_3] : memref<8x128xf32, #tpu.memory_space<vmem>>, vector<8x128xf32>
    %get3A_5 = arith.constant 0 : index
    %get3A_6 = arith.constant 0 : index
    %get3A_7 = vector.load %arg5[%get3A_5, %get3A_6] : memref<128x256xf32, #tpu.memory_space<vmem>>, vector<128x256xf32>
    %dot_general3A = arith.constant dense<0.000000e+00> : vector<8x256xf32>
    %dot_general3A_8 = tpu.matmul %get3A_4, %get3A_7, %dot_general3A {dimension_numbers = #tpu.dot_dimension_numbers<[1], [0], [0], [1], [0, 0, 1, 1], [], []>, transpose_lhs_hint = false} : vector<8x128xf32>, vector<128x256xf32>, vector<8x256xf32> -> vector<8x256xf32>
    %get3A_9 = arith.constant 0 : index
    %get3A_10 = arith.constant 0 : index
    %get3A_11 = vector.load %arg6[%get3A_9, %get3A_10] : memref<1x256xf32, #tpu.memory_space<vmem>>, vector<1x256xf32>
    %add3A = vector.broadcast %get3A_11 : vector<1x256xf32> to vector<8x256xf32>
    %add3A_12 = arith.addf %dot_general3A_8, %add3A : vector<8x256xf32>
    %max3A = arith.constant 0.000000e+00 : f32
    %max3A_13 = vector.broadcast %max3A : f32 to vector<8x256xf32>
    %max3A_14 = arith.maximumf %add3A_12, %max3A_13 : vector<8x256xf32>
    %get3A_15 = arith.constant 0 : index
    %get3A_16 = arith.constant 0 : index
    %get3A_17 = vector.load %arg7[%get3A_15, %get3A_16] : memref<1x256xf32, #tpu.memory_space<vmem>>, vector<1x256xf32>
    %get3A_18 = arith.constant 0 : index
    %get3A_19 = arith.constant 0 : index
    %get3A_20 = vector.load %arg8[%get3A_18, %get3A_19] : memref<1x256xf32, #tpu.memory_space<vmem>>, vector<1x256xf32>
    %reduce_sum3A = arith.constant dense<0.000000e+00> : vector<8xf32>
    %reduce_sum3A_21 = vector.multi_reduction <add>, %max3A_14, %reduce_sum3A [1] : vector<8x256xf32> to vector<8xf32>
    %broadcast_in_dim3A = vector.shape_cast %reduce_sum3A_21 : vector<8xf32> to vector<8x1xf32>
    %div3A = arith.constant 2.560000e+02 : f32
    %div3A_22 = vector.broadcast %div3A : f32 to vector<8x1xf32>
    %div3A_23 = arith.divf %broadcast_in_dim3A, %div3A_22 : vector<8x1xf32>
    %sub3A = vector.broadcast %div3A_23 : vector<8x1xf32> to vector<8x256xf32>
    %sub3A_24 = arith.subf %max3A_14, %sub3A : vector<8x256xf32>
    %sub3A_25 = vector.broadcast %div3A_23 : vector<8x1xf32> to vector<8x256xf32>
    %sub3A_26 = arith.subf %max3A_14, %sub3A_25 : vector<8x256xf32>
    %mul3A = arith.mulf %sub3A_24, %sub3A_26 : vector<8x256xf32>
    %reduce_sum3A_27 = arith.constant dense<0.000000e+00> : vector<8xf32>
    %reduce_sum3A_28 = vector.multi_reduction <add>, %mul3A, %reduce_sum3A_27 [1] : vector<8x256xf32> to vector<8xf32>
    %broadcast_in_dim3A_29 = vector.shape_cast %reduce_sum3A_28 : vector<8xf32> to vector<8x1xf32>
    %div3A_30 = arith.constant 2.560000e+02 : f32
    %div3A_31 = vector.broadcast %div3A_30 : f32 to vector<8x1xf32>
    %div3A_32 = arith.divf %broadcast_in_dim3A_29, %div3A_31 : vector<8x1xf32>
    %sub3A_33 = vector.broadcast %div3A_23 : vector<8x1xf32> to vector<8x256xf32>
    %sub3A_34 = arith.subf %max3A_14, %sub3A_33 : vector<8x256xf32>
    %add3A_35 = arith.constant 9.99999974E-6 : f32
    %add3A_36 = vector.broadcast %add3A_35 : f32 to vector<8x1xf32>
    %add3A_37 = arith.addf %div3A_32, %add3A_36 : vector<8x1xf32>
    %sqrt3A = math.sqrt %add3A_37 : vector<8x1xf32>
    %div3A_38 = vector.broadcast %sqrt3A : vector<8x1xf32> to vector<8x256xf32>
    %div3A_39 = arith.divf %sub3A_34, %div3A_38 : vector<8x256xf32>
    %mul3A_40 = vector.broadcast %get3A_17 : vector<1x256xf32> to vector<8x256xf32>
    %mul3A_41 = arith.mulf %div3A_39, %mul3A_40 : vector<8x256xf32>
    %add3A_42 = vector.broadcast %get3A_20 : vector<1x256xf32> to vector<8x256xf32>
    %add3A_43 = arith.addf %mul3A_41, %add3A_42 : vector<8x256xf32>
    %iota3A = tpu.iota {dimensions = array<i32: 1>} : vector<1x8xi32>
    %convert_element_type3A = arith.sitofp %iota3A : vector<1x8xi32> to vector<1x8xf32>
    %eq3A = vector.broadcast %get3A_1 : vector<512x1xf32> to vector<512x8xf32>
    %eq3A_44 = vector.broadcast %convert_element_type3A : vector<1x8xf32> to vector<512x8xf32>
    %eq3A_45 = arith.cmpf oeq, %eq3A, %eq3A_44 : vector<512x8xf32>
    %convert_element_type3A_46 = arith.extui %eq3A_45 : vector<512x8xi1> to vector<512x8xi32>
    %convert_element_type3A_47 = arith.sitofp %convert_element_type3A_46 : vector<512x8xi32> to vector<512x8xf32>
    %dot_general3A_48 = arith.constant dense<0.000000e+00> : vector<512x256xf32>
    %dot_general3A_49 = tpu.matmul %convert_element_type3A_47, %add3A_43, %dot_general3A_48 {dimension_numbers = #tpu.dot_dimension_numbers<[1], [0], [0], [1], [0, 0, 1, 1], [], []>, transpose_lhs_hint = false} : vector<512x8xf32>, vector<8x256xf32>, vector<512x256xf32> -> vector<512x256xf32>
    %get3A_50 = arith.constant 0 : index
    %get3A_51 = arith.constant 0 : index
    %get3A_52 = vector.load %arg2[%get3A_50, %get3A_51] : memref<512x256xf32, #tpu.memory_space<vmem>>, vector<512x256xf32>
    %get3A_53 = arith.constant 0 : index
    %get3A_54 = arith.constant 0 : index
    %get3A_55 = vector.load %arg3[%get3A_53, %get3A_54] : memref<512x256xf32, #tpu.memory_space<vmem>>, vector<512x256xf32>
    %add3A_56 = arith.addf %get3A_52, %get3A_55 : vector<512x256xf32>
    %add3A_57 = arith.addf %add3A_56, %dot_general3A_49 : vector<512x256xf32>
    %get3A_58 = arith.constant 0 : index
    %get3A_59 = arith.constant 0 : index
    %get3A_60 = vector.load %arg9[%get3A_58, %get3A_59] : memref<256x128xf32, #tpu.memory_space<vmem>>, vector<256x128xf32>
    %dot_general3A_61 = arith.constant dense<0.000000e+00> : vector<512x128xf32>
    %dot_general3A_62 = tpu.matmul %add3A_57, %get3A_60, %dot_general3A_61 {dimension_numbers = #tpu.dot_dimension_numbers<[1], [0], [0], [1], [0, 0, 1, 1], [], []>, transpose_lhs_hint = false} : vector<512x256xf32>, vector<256x128xf32>, vector<512x128xf32> -> vector<512x128xf32>
    %get3A_63 = arith.constant 0 : index
    %get3A_64 = arith.constant 0 : index
    %get3A_65 = vector.load %arg10[%get3A_63, %get3A_64] : memref<1x128xf32, #tpu.memory_space<vmem>>, vector<1x128xf32>
    %add3A_66 = vector.broadcast %get3A_65 : vector<1x128xf32> to vector<512x128xf32>
    %add3A_67 = arith.addf %dot_general3A_62, %add3A_66 : vector<512x128xf32>
    %get3A_68 = arith.constant 0 : index
    %get3A_69 = arith.constant 0 : index
    %get3A_70 = vector.load %arg11[%get3A_68, %get3A_69] : memref<256x128xf32, #tpu.memory_space<vmem>>, vector<256x128xf32>
    %dot_general3A_71 = arith.constant dense<0.000000e+00> : vector<512x128xf32>
    %dot_general3A_72 = tpu.matmul %add3A_57, %get3A_70, %dot_general3A_71 {dimension_numbers = #tpu.dot_dimension_numbers<[1], [0], [0], [1], [0, 0, 1, 1], [], []>, transpose_lhs_hint = false} : vector<512x256xf32>, vector<256x128xf32>, vector<512x128xf32> -> vector<512x128xf32>
    %get3A_73 = arith.constant 0 : index
    %get3A_74 = arith.constant 0 : index
    %get3A_75 = vector.load %arg12[%get3A_73, %get3A_74] : memref<1x128xf32, #tpu.memory_space<vmem>>, vector<1x128xf32>
    %add3A_76 = vector.broadcast %get3A_75 : vector<1x128xf32> to vector<512x128xf32>
    %add3A_77 = arith.addf %dot_general3A_72, %add3A_76 : vector<512x128xf32>
    %get3A_78 = arith.constant 0 : index
    %get3A_79 = arith.constant 0 : index
    %get3A_80 = vector.load %arg13[%get3A_78, %get3A_79] : memref<256x128xf32, #tpu.memory_space<vmem>>, vector<256x128xf32>
    %dot_general3A_81 = arith.constant dense<0.000000e+00> : vector<512x128xf32>
    %dot_general3A_82 = tpu.matmul %add3A_57, %get3A_80, %dot_general3A_81 {dimension_numbers = #tpu.dot_dimension_numbers<[1], [0], [0], [1], [0, 0, 1, 1], [], []>, transpose_lhs_hint = false} : vector<512x256xf32>, vector<256x128xf32>, vector<512x128xf32> -> vector<512x128xf32>
    %get3A_83 = arith.constant 0 : index
    %get3A_84 = arith.constant 0 : index
    %get3A_85 = vector.load %arg14[%get3A_83, %get3A_84] : memref<1x128xf32, #tpu.memory_space<vmem>>, vector<1x128xf32>
    %add3A_86 = vector.broadcast %get3A_85 : vector<1x128xf32> to vector<512x128xf32>
    %add3A_87 = arith.addf %dot_general3A_82, %add3A_86 : vector<512x128xf32>
    %swap3A = arith.constant 0 : index
    %swap3A_88 = arith.constant 0 : index
    %swap3A_89 = vector.load %arg19[%swap3A, %swap3A_88] : memref<512x128xf32, #tpu.memory_space<vmem>>, vector<512x128xf32>
    tpu.vector_store %arg19[%swap3A, %swap3A_88], %add3A_67 {strides = array<i32>} : memref<512x128xf32, #tpu.memory_space<vmem>>, vector<512x128xf32>,
    %swap3A_90 = arith.constant 0 : index
    %swap3A_91 = arith.constant 0 : index
    %swap3A_92 = vector.load %arg20[%swap3A_90, %swap3A_91] : memref<512x128xf32, #tpu.memory_space<vmem>>, vector<512x128xf32>
    tpu.vector_store %arg20[%swap3A_90, %swap3A_91], %add3A_77 {strides = array<i32>} : memref<512x128xf32, #tpu.memory_space<vmem>>, vector<512x128xf32>,
    %iota3A_93 = tpu.iota {dimensions = array<i32: 0>} : vector<512x4xi32>
    %jit3A = arith.constant 128 : i32
    %div3A_94 = vector.broadcast %jit3A : i32 to vector<512x4xi32>
    %div3A_95 = arith.divsi %iota3A_93, %div3A_94 : vector<512x4xi32>
    %sign3A = arith.constant 0 : i32
    %sign3A_96 = vector.broadcast %sign3A : i32 to vector<512x4xi32>
    %sign3A_97 = arith.cmpi sgt, %iota3A_93, %sign3A_96 : vector<512x4xi32>
    %sign3A_98 = arith.extui %sign3A_97 : vector<512x4xi1> to vector<512x4xi32>
    %sign3A_99 = arith.constant 0 : i32
    %sign3A_100 = vector.broadcast %sign3A_99 : i32 to vector<512x4xi32>
    %sign3A_101 = arith.cmpi slt, %iota3A_93, %sign3A_100 : vector<512x4xi32>
    %sign3A_102 = arith.extui %sign3A_101 : vector<512x4xi1> to vector<512x4xi32>
    %sign3A_103 = arith.subi %sign3A_98, %sign3A_102 : vector<512x4xi32>
    %sign3A_104 = arith.constant 0 : i32
    %sign3A_105 = arith.cmpi sgt, %jit3A, %sign3A_104 : i32
    %sign3A_106 = arith.extui %sign3A_105 : i1 to i32
    %sign3A_107 = arith.constant 0 : i32
    %sign3A_108 = arith.cmpi slt, %jit3A, %sign3A_107 : i32
    %sign3A_109 = arith.extui %sign3A_108 : i1 to i32
    %sign3A_110 = arith.subi %sign3A_106, %sign3A_109 : i32
    %ne3A = vector.broadcast %sign3A_110 : i32 to vector<512x4xi32>
    %ne3A_111 = arith.cmpi ne, %sign3A_103, %ne3A : vector<512x4xi32>
    %rem3A = vector.broadcast %jit3A : i32 to vector<512x4xi32>
    %rem3A_112 = arith.remsi %iota3A_93, %rem3A : vector<512x4xi32>
    %ne3A_113 = arith.constant 0 : i32
    %ne3A_114 = vector.broadcast %ne3A_113 : i32 to vector<512x4xi32>
    %ne3A_115 = arith.cmpi ne, %rem3A_112, %ne3A_114 : vector<512x4xi32>
    %and3A = arith.andi %ne3A_111, %ne3A_115 : vector<512x4xi1>
    %sub3A_116 = arith.constant 1 : i32
    %sub3A_117 = vector.broadcast %sub3A_116 : i32 to vector<512x4xi32>
    %sub3A_118 = arith.subi %div3A_95, %sub3A_117 : vector<512x4xi32>
    %select_n3A = arith.select %and3A, %sub3A_118, %div3A_95 : vector<512x4xi1>, vector<512x4xi32>
    %iota3A_119 = tpu.iota {dimensions = array<i32: 1>} : vector<512x4xi32>
    %eq3A_120 = arith.cmpi eq, %select_n3A, %iota3A_119 : vector<512x4xi32>
    %convert_element_type3A_121 = arith.extui %eq3A_120 : vector<512x4xi1> to vector<512x4xi32>
    %convert_element_type3A_122 = arith.sitofp %convert_element_type3A_121 : vector<512x4xi32> to vector<512x4xf32>
    %get3A_123 = arith.constant 0 : index
    %get3A_124 = arith.constant 0 : index
    %get3A_125 = vector.load %arg15[%get3A_123, %get3A_124] : memref<128x512xf32, #tpu.memory_space<vmem>>, vector<128x512xf32>
    %dot_general3A_126 = arith.constant dense<0.000000e+00> : vector<512x512xf32>
    %dot_general3A_127 = tpu.matmul %add3A_67, %get3A_125, %dot_general3A_126 {dimension_numbers = #tpu.dot_dimension_numbers<[1], [0], [0], [1], [0, 0, 1, 1], [], []>, transpose_lhs_hint = false} : vector<512x128xf32>, vector<128x512xf32>, vector<512x512xf32> -> vector<512x512xf32>
    %swap3A_128 = arith.constant 0 : index
    %swap3A_129 = arith.constant 0 : index
    %swap3A_130 = vector.load %arg21[%swap3A_128, %swap3A_129] : memref<512x512xf32, #tpu.memory_space<vmem>>, vector<512x512xf32>
    tpu.vector_store %arg21[%swap3A_128, %swap3A_129], %dot_general3A_127 {strides = array<i32>} : memref<512x512xf32, #tpu.memory_space<vmem>>, vector<512x512xf32>,
    %get3A_131 = arith.constant 0 : index
    %get3A_132 = arith.constant 0 : index
    %get3A_133 = vector.load %arg16[%get3A_131, %get3A_132] : memref<2x512xf32, #tpu.memory_space<vmem>>, vector<1x512xf32>
    %mul3A_134 = vector.broadcast %get3A_133 : vector<1x512xf32> to vector<512x512xf32>
    %mul3A_135 = arith.mulf %dot_general3A_127, %mul3A_134 : vector<512x512xf32>
    %dot_general3A_136 = arith.constant dense<0.000000e+00> : vector<512x4xf32>
    %dot_general3A_137 = tpu.matmul %mul3A_135, %convert_element_type3A_122, %dot_general3A_136 {dimension_numbers = #tpu.dot_dimension_numbers<[1], [0], [0], [1], [0, 0, 1, 1], [], []>, transpose_lhs_hint = false} : vector<512x512xf32>, vector<512x4xf32>, vector<512x4xf32> -> vector<512x4xf32>
    %get3A_138 = arith.constant 1 : index
    %get3A_139 = arith.constant 0 : index
    %get3A_140 = vector.load %arg16[%get3A_138, %get3A_139] : memref<2x512xf32, #tpu.memory_space<vmem>>, vector<1x512xf32>
    %mul3A_141 = vector.broadcast %get3A_140 : vector<1x512xf32> to vector<512x512xf32>
    %mul3A_142 = arith.mulf %dot_general3A_127, %mul3A_141 : vector<512x512xf32>
    %dot_general3A_143 = arith.constant dense<0.000000e+00> : vector<512x4xf32>
    %dot_general3A_144 = tpu.matmul %mul3A_142, %convert_element_type3A_122, %dot_general3A_143 {dimension_numbers = #tpu.dot_dimension_numbers<[1], [0], [0], [1], [0, 0, 1, 1], [], []>, transpose_lhs_hint = false} : vector<512x512xf32>, vector<512x4xf32>, vector<512x4xf32> -> vector<512x4xf32>
    %concatenate3A = tpu.concatenate %dot_general3A_137, %dot_general3A_144 in 1 : vector<512x4xf32>, vector<512x4xf32> -> vector<512x8xf32>
    %swap3A_145 = arith.constant 0 : index
    %swap3A_146 = arith.constant 0 : index
    %swap3A_147 = vector.load %arg23[%swap3A_145, %swap3A_146] : memref<512x8xf32, #tpu.memory_space<vmem>>, vector<512x8xf32>
    tpu.vector_store %arg23[%swap3A_145, %swap3A_146], %concatenate3A {strides = array<i32>} : memref<512x8xf32, #tpu.memory_space<vmem>>, vector<512x8xf32>,
    %get3A_148 = arith.constant 0 : index
    %get3A_149 = arith.constant 0 : index
    %get3A_150 = vector.load %arg17[%get3A_148, %get3A_149] : memref<128x512xf32, #tpu.memory_space<vmem>>, vector<128x512xf32>
    %dot_general3A_151 = arith.constant dense<0.000000e+00> : vector<512x512xf32>
    %dot_general3A_152 = tpu.matmul %add3A_87, %get3A_150, %dot_general3A_151 {dimension_numbers = #tpu.dot_dimension_numbers<[1], [0], [0], [1], [0, 0, 1, 1], [], []>, transpose_lhs_hint = false} : vector<512x128xf32>, vector<128x512xf32>, vector<512x512xf32> -> vector<512x512xf32>
    %swap3A_153 = arith.constant 0 : index
    %swap3A_154 = arith.constant 0 : index
    %swap3A_155 = vector.load %arg22[%swap3A_153, %swap3A_154] : memref<512x512xf32, #tpu.memory_space<vmem>>, vector<512x512xf32>
    tpu.vector_store %arg22[%swap3A_153, %swap3A_154], %dot_general3A_152 {strides = array<i32>} : memref<512x512xf32, #tpu.memory_space<vmem>>, vector<512x512xf32>,
    %get3A_156 = arith.constant 0 : index
    %get3A_157 = arith.constant 0 : index
    %get3A_158 = vector.load %arg18[%get3A_156, %get3A_157] : memref<2x512xf32, #tpu.memory_space<vmem>>, vector<1x512xf32>
    %mul3A_159 = vector.broadcast %get3A_158 : vector<1x512xf32> to vector<512x512xf32>
    %mul3A_160 = arith.mulf %dot_general3A_152, %mul3A_159 : vector<512x512xf32>
    %dot_general3A_161 = arith.constant dense<0.000000e+00> : vector<512x4xf32>
    %dot_general3A_162 = tpu.matmul %mul3A_160, %convert_element_type3A_122, %dot_general3A_161 {dimension_numbers = #tpu.dot_dimension_numbers<[1], [0], [0], [1], [0, 0, 1, 1], [], []>, transpose_lhs_hint = false} : vector<512x512xf32>, vector<512x4xf32>, vector<512x4xf32> -> vector<512x4xf32>
    %get3A_163 = arith.constant 1 : index
    %get3A_164 = arith.constant 0 : index
    %get3A_165 = vector.load %arg18[%get3A_163, %get3A_164] : memref<2x512xf32, #tpu.memory_space<vmem>>, vector<1x512xf32>
    %mul3A_166 = vector.broadcast %get3A_165 : vector<1x512xf32> to vector<512x512xf32>
    %mul3A_167 = arith.mulf %dot_general3A_152, %mul3A_166 : vector<512x512xf32>
    %dot_general3A_168 = arith.constant dense<0.000000e+00> : vector<512x4xf32>
    %dot_general3A_169 = tpu.matmul %mul3A_167, %convert_element_type3A_122, %dot_general3A_168 {dimension_numbers = #tpu.dot_dimension_numbers<[1], [0], [0], [1], [0, 0, 1, 1], [], []>, transpose_lhs_hint = false} : vector<512x512xf32>, vector<512x4xf32>, vector<512x4xf32> -> vector<512x4xf32>
    %concatenate3A_170 = tpu.concatenate %dot_general3A_162, %dot_general3A_169 in 1 : vector<512x4xf32>, vector<512x4xf32> -> vector<512x8xf32>
    %swap3A_171 = arith.constant 0 : index
    %swap3A_172 = arith.constant 0 : index
    %swap3A_173 = vector.load %arg24[%swap3A_171, %swap3A_172] : memref<512x8xf32, #tpu.memory_space<vmem>>, vector<512x8xf32>
    tpu.vector_store %arg24[%swap3A_171, %swap3A_172], %concatenate3A_170 {strides = array<i32>} : memref<512x8xf32, #tpu.memory_space<vmem>>, vector<512x8xf32>,
    return
  }
  func.func @transform_0(%arg0: i32) -> (i32, i32) {
    %c0_i32 = arith.constant 0 : i32
    %c0_i32_0 = arith.constant 0 : i32
    return %arg0, %c0_i32 : i32, i32
  }
  func.func @transform_1(%arg0: i32) -> (i32, i32) {
    %c0_i32 = arith.constant 0 : i32
    %c0_i32_0 = arith.constant 0 : i32
    return %arg0, %c0_i32 : i32, i32
  }
  func.func @transform_2(%arg0: i32) -> (i32, i32) {
    %c0_i32 = arith.constant 0 : i32
    %c0_i32_0 = arith.constant 0 : i32
    return %arg0, %c0_i32 : i32, i32
  }
  func.func @transform_3(%arg0: i32) -> (i32, i32) {
    %c0_i32 = arith.constant 0 : i32
    %c0_i32_0 = arith.constant 0 : i32
    %c0_i32_1 = arith.constant 0 : i32
    return %c0_i32, %c0_i32_0 : i32, i32
  }
  func.func @transform_4(%arg0: i32) -> (i32, i32) {
    %c0_i32 = arith.constant 0 : i32
    %c0_i32_0 = arith.constant 0 : i32
    %c0_i32_1 = arith.constant 0 : i32
    return %c0_i32, %c0_i32_0 : i32, i32
  }
  func.func @transform_5(%arg0: i32) -> (i32, i32) {
    %c0_i32 = arith.constant 0 : i32
    %c0_i32_0 = arith.constant 0 : i32
    %c0_i32_1 = arith.constant 0 : i32
    return %c0_i32, %c0_i32_0 : i32, i32
  }
  func.func @transform_6(%arg0: i32) -> (i32, i32) {
    %c0_i32 = arith.constant 0 : i32
    %c0_i32_0 = arith.constant 0 : i32
    %c0_i32_1 = arith.constant 0 : i32
    return %c0_i32, %c0_i32_0 : i32, i32
  }
  func.func @transform_7(%arg0: i32) -> (i32, i32) {
    %c0_i32 = arith.constant 0 : i32
    %c0_i32_0 = arith.constant 0 : i32
    %c0_i32_1 = arith.constant 0 : i32
    return %c0_i32, %c0_i32_0 : i32, i32
  }
  func.func @transform_8(%arg0: i32) -> (i32, i32) {
    %c0_i32 = arith.constant 0 : i32
    %c0_i32_0 = arith.constant 0 : i32
    %c0_i32_1 = arith.constant 0 : i32
    return %c0_i32, %c0_i32_0 : i32, i32
  }
  func.func @transform_9(%arg0: i32) -> (i32, i32) {
    %c0_i32 = arith.constant 0 : i32
    %c0_i32_0 = arith.constant 0 : i32
    %c0_i32_1 = arith.constant 0 : i32
    return %c0_i32, %c0_i32_0 : i32, i32
  }
  func.func @transform_10(%arg0: i32) -> (i32, i32) {
    %c0_i32 = arith.constant 0 : i32
    %c0_i32_0 = arith.constant 0 : i32
    %c0_i32_1 = arith.constant 0 : i32
    return %c0_i32, %c0_i32_0 : i32, i32
  }
  func.func @transform_11(%arg0: i32) -> (i32, i32) {
    %c0_i32 = arith.constant 0 : i32
    %c0_i32_0 = arith.constant 0 : i32
    %c0_i32_1 = arith.constant 0 : i32
    return %c0_i32, %c0_i32_0 : i32, i32
  }
  func.func @transform_12(%arg0: i32) -> (i32, i32) {
    %c0_i32 = arith.constant 0 : i32
    %c0_i32_0 = arith.constant 0 : i32
    %c0_i32_1 = arith.constant 0 : i32
    return %c0_i32, %c0_i32_0 : i32, i32
  }
  func.func @transform_13(%arg0: i32) -> (i32, i32) {
    %c0_i32 = arith.constant 0 : i32
    %c0_i32_0 = arith.constant 0 : i32
    %c0_i32_1 = arith.constant 0 : i32
    return %c0_i32, %c0_i32_0 : i32, i32
  }
  func.func @transform_14(%arg0: i32) -> (i32, i32) {
    %c0_i32 = arith.constant 0 : i32
    %c0_i32_0 = arith.constant 0 : i32
    %c0_i32_1 = arith.constant 0 : i32
    return %c0_i32, %c0_i32_0 : i32, i32
  }
  func.func @transform_15(%arg0: i32) -> (i32, i32) {
    %c0_i32 = arith.constant 0 : i32
    %c0_i32_0 = arith.constant 0 : i32
    %c0_i32_1 = arith.constant 0 : i32
    return %c0_i32, %c0_i32_0 : i32, i32
  }
  func.func @transform_16(%arg0: i32) -> (i32, i32) {
    %c0_i32 = arith.constant 0 : i32
    %c0_i32_0 = arith.constant 0 : i32
    %c0_i32_1 = arith.constant 0 : i32
    return %c0_i32, %c0_i32_0 : i32, i32
  }
  func.func @transform_17(%arg0: i32) -> (i32, i32) {
    %c0_i32 = arith.constant 0 : i32
    %c0_i32_0 = arith.constant 0 : i32
    %c0_i32_1 = arith.constant 0 : i32
    return %c0_i32, %c0_i32_0 : i32, i32
  }
  func.func @transform_18(%arg0: i32) -> (i32, i32) {
    %c0_i32 = arith.constant 0 : i32
    %c0_i32_0 = arith.constant 0 : i32
    return %arg0, %c0_i32 : i32, i32
  }
  func.func @transform_19(%arg0: i32) -> (i32, i32) {
    %c0_i32 = arith.constant 0 : i32
    %c0_i32_0 = arith.constant 0 : i32
    return %arg0, %c0_i32 : i32, i32
  }
  func.func @transform_20(%arg0: i32) -> (i32, i32) {
    %c0_i32 = arith.constant 0 : i32
    %c0_i32_0 = arith.constant 0 : i32
    return %arg0, %c0_i32 : i32, i32
  }
  func.func @transform_21(%arg0: i32) -> (i32, i32) {
    %c0_i32 = arith.constant 0 : i32
    %c0_i32_0 = arith.constant 0 : i32
    return %arg0, %c0_i32 : i32, i32
  }
  func.func @transform_22(%arg0: i32) -> (i32, i32) {
    %c0_i32 = arith.constant 0 : i32
    %c0_i32_0 = arith.constant 0 : i32
    return %arg0, %c0_i32 : i32, i32
  }
  func.func @transform_23(%arg0: i32) -> (i32, i32) {
    %c0_i32 = arith.constant 0 : i32
    %c0_i32_0 = arith.constant 0 : i32
    return %arg0, %c0_i32 : i32, i32
  }
}

module attributes {stable_mosaic.version = 14 : i64} {
  func.func @_topk_body(%arg0: i32, %arg1: memref<512x8xf32, #tpu.memory_space<vmem>>, %arg2: memref<8x4096xf32, #tpu.memory_space<vmem>>, %arg3: memref<512x128xf32, #tpu.memory_space<vmem>>, %arg4: memref<128x4096xf32, #tpu.memory_space<vmem>>, %arg5: memref<8x512xi32, #tpu.memory_space<vmem>>, %arg6: memref<8x512xi32, #tpu.memory_space<vmem>>) attributes {dimension_semantics = [#tpu.dimension_semantics<arbitrary>], iteration_bounds = array<i64: 8>, scalar_prefetch = 0 : i64, scratch_operands = 0 : i64, tpu.core_type = #tpu.core_type<tc>, window_params = [{transform_indices = @transform_0, window_bounds = array<i64: 512, 8>}, {pipeline_mode = #tpu.pipeline_mode<synchronous>, transform_indices = @transform_1, window_bounds = array<i64: 8, 4096>}, {transform_indices = @transform_2, window_bounds = array<i64: 512, 128>}, {pipeline_mode = #tpu.pipeline_mode<synchronous>, transform_indices = @transform_3, window_bounds = array<i64: 128, 4096>}, {transform_indices = @transform_4, window_bounds = array<i64: 8, 512>}, {transform_indices = @transform_5, window_bounds = array<i64: 8, 512>}]} {
    %get3A = arith.constant 0 : index
    %get3A_0 = arith.constant 0 : index
    %get3A_1 = vector.load %arg3[%get3A, %get3A_0] : memref<512x128xf32, #tpu.memory_space<vmem>>, vector<512x128xf32>
    %get3A_2 = arith.constant 0 : index
    %get3A_3 = arith.constant 0 : index
    %get3A_4 = vector.load %arg4[%get3A_2, %get3A_3] : memref<128x4096xf32, #tpu.memory_space<vmem>>, vector<128x4096xf32>
    %dot_general3A = arith.constant dense<0.000000e+00> : vector<512x4096xf32>
    %dot_general3A_5 = tpu.matmul %get3A_1, %get3A_4, %dot_general3A {dimension_numbers = #tpu.dot_dimension_numbers<[1], [0], [0], [1], [0, 0, 1, 1], [], []>, transpose_lhs_hint = false} : vector<512x128xf32>, vector<128x4096xf32>, vector<512x4096xf32> -> vector<512x4096xf32>
    %get3A_6 = arith.constant 0 : index
    %get3A_7 = arith.constant 2 : index
    %get3A_8 = vector.load %arg1[%get3A_6, %get3A_7] : memref<512x8xf32, #tpu.memory_space<vmem>>, vector<512x1xf32>
    %get3A_9 = arith.constant 2 : index
    %get3A_10 = arith.constant 0 : index
    %get3A_11 = vector.load %arg2[%get3A_9, %get3A_10] : memref<8x4096xf32, #tpu.memory_space<vmem>>, vector<1x4096xf32>
    %eq3A = vector.broadcast %get3A_8 : vector<512x1xf32> to vector<512x4096xf32>
    %eq3A_12 = vector.broadcast %get3A_11 : vector<1x4096xf32> to vector<512x4096xf32>
    %eq3A_13 = arith.cmpf oeq, %eq3A, %eq3A_12 : vector<512x4096xf32>
    %convert_element_type3A = arith.extui %eq3A_13 : vector<512x4096xi1> to vector<512x4096xi32>
    %convert_element_type3A_14 = arith.sitofp %convert_element_type3A : vector<512x4096xi32> to vector<512x4096xf32>
    %mul3A = arith.constant 3.000000e-01 : f32
    %mul3A_15 = vector.broadcast %mul3A : f32 to vector<512x4096xf32>
    %mul3A_16 = arith.mulf %mul3A_15, %convert_element_type3A_14 : vector<512x4096xf32>
    %add3A = arith.addf %dot_general3A_5, %mul3A_16 : vector<512x4096xf32>
    %iota3A = tpu.iota {dimensions = array<i32: 1>} : vector<512x4096xi32>
    %reduce_max3A = arith.constant dense<0xFF800000> : vector<512xf32>
    %reduce_max3A_17 = vector.multi_reduction <maximumf>, %add3A, %reduce_max3A [1] : vector<512x4096xf32> to vector<512xf32>
    %broadcast_in_dim3A = vector.shape_cast %reduce_max3A_17 : vector<512xf32> to vector<512x1xf32>
    %eq3A_18 = vector.broadcast %broadcast_in_dim3A : vector<512x1xf32> to vector<512x4096xf32>
    %eq3A_19 = arith.cmpf oeq, %add3A, %eq3A_18 : vector<512x4096xf32>
    %jit3A = arith.constant 1073741824 : i32
    %broadcast_in_dim3A_20 = vector.broadcast %jit3A : i32 to vector<512x4096xi32>
    %select_n3A = arith.select %eq3A_19, %iota3A, %broadcast_in_dim3A_20 : vector<512x4096xi1>, vector<512x4096xi32>
    %reduce_min3A = arith.constant dense<2147483647> : vector<512xi32>
    %reduce_min3A_21 = vector.multi_reduction <minsi>, %select_n3A, %reduce_min3A [1] : vector<512x4096xi32> to vector<512xi32>
    %swap3A = arith.constant 0 : index
    %swap3A_22 = arith.constant 0 : index
    %swap3A_23 = vector.load %arg5[%swap3A, %swap3A_22] : memref<8x512xi32, #tpu.memory_space<vmem>>, vector<1x512xi32>
    %swap3A_24 = vector.shape_cast %swap3A_23 : vector<1x512xi32> to vector<512xi32>
    %swap3A_25 = vector.shape_cast %reduce_min3A_21 : vector<512xi32> to vector<1x512xi32>
    tpu.vector_store %arg5[%swap3A, %swap3A_22], %swap3A_25 {strides = array<i32>} : memref<8x512xi32, #tpu.memory_space<vmem>>, vector<1x512xi32>,
    %broadcast_in_dim3A_26 = vector.shape_cast %reduce_min3A_21 : vector<512xi32> to vector<512x1xi32>
    %eq3A_27 = vector.broadcast %broadcast_in_dim3A_26 : vector<512x1xi32> to vector<512x4096xi32>
    %eq3A_28 = arith.cmpi eq, %iota3A, %eq3A_27 : vector<512x4096xi32>
    %jit3A_29 = arith.constant -3.000000e+38 : f32
    %broadcast_in_dim3A_30 = vector.broadcast %jit3A_29 : f32 to vector<512x4096xf32>
    %select_n3A_31 = arith.select %eq3A_28, %broadcast_in_dim3A_30, %add3A : vector<512x4096xi1>, vector<512x4096xf32>
    %reduce_max3A_32 = arith.constant dense<0xFF800000> : vector<512xf32>
    %reduce_max3A_33 = vector.multi_reduction <maximumf>, %select_n3A_31, %reduce_max3A_32 [1] : vector<512x4096xf32> to vector<512xf32>
    %broadcast_in_dim3A_34 = vector.shape_cast %reduce_max3A_33 : vector<512xf32> to vector<512x1xf32>
    %eq3A_35 = vector.broadcast %broadcast_in_dim3A_34 : vector<512x1xf32> to vector<512x4096xf32>
    %eq3A_36 = arith.cmpf oeq, %select_n3A_31, %eq3A_35 : vector<512x4096xf32>
    %jit3A_37 = arith.constant 1073741824 : i32
    %broadcast_in_dim3A_38 = vector.broadcast %jit3A_37 : i32 to vector<512x4096xi32>
    %select_n3A_39 = arith.select %eq3A_36, %iota3A, %broadcast_in_dim3A_38 : vector<512x4096xi1>, vector<512x4096xi32>
    %reduce_min3A_40 = arith.constant dense<2147483647> : vector<512xi32>
    %reduce_min3A_41 = vector.multi_reduction <minsi>, %select_n3A_39, %reduce_min3A_40 [1] : vector<512x4096xi32> to vector<512xi32>
    %swap3A_42 = arith.constant 1 : index
    %swap3A_43 = arith.constant 0 : index
    %swap3A_44 = vector.load %arg5[%swap3A_42, %swap3A_43] : memref<8x512xi32, #tpu.memory_space<vmem>>, vector<1x512xi32>
    %swap3A_45 = vector.shape_cast %swap3A_44 : vector<1x512xi32> to vector<512xi32>
    %swap3A_46 = vector.shape_cast %reduce_min3A_41 : vector<512xi32> to vector<1x512xi32>
    tpu.vector_store %arg5[%swap3A_42, %swap3A_43], %swap3A_46 {strides = array<i32>} : memref<8x512xi32, #tpu.memory_space<vmem>>, vector<1x512xi32>,
    %broadcast_in_dim3A_47 = vector.shape_cast %reduce_min3A_41 : vector<512xi32> to vector<512x1xi32>
    %eq3A_48 = vector.broadcast %broadcast_in_dim3A_47 : vector<512x1xi32> to vector<512x4096xi32>
    %eq3A_49 = arith.cmpi eq, %iota3A, %eq3A_48 : vector<512x4096xi32>
    %jit3A_50 = arith.constant -3.000000e+38 : f32
    %broadcast_in_dim3A_51 = vector.broadcast %jit3A_50 : f32 to vector<512x4096xf32>
    %select_n3A_52 = arith.select %eq3A_49, %broadcast_in_dim3A_51, %select_n3A_31 : vector<512x4096xi1>, vector<512x4096xf32>
    %reduce_max3A_53 = arith.constant dense<0xFF800000> : vector<512xf32>
    %reduce_max3A_54 = vector.multi_reduction <maximumf>, %select_n3A_52, %reduce_max3A_53 [1] : vector<512x4096xf32> to vector<512xf32>
    %broadcast_in_dim3A_55 = vector.shape_cast %reduce_max3A_54 : vector<512xf32> to vector<512x1xf32>
    %eq3A_56 = vector.broadcast %broadcast_in_dim3A_55 : vector<512x1xf32> to vector<512x4096xf32>
    %eq3A_57 = arith.cmpf oeq, %select_n3A_52, %eq3A_56 : vector<512x4096xf32>
    %jit3A_58 = arith.constant 1073741824 : i32
    %broadcast_in_dim3A_59 = vector.broadcast %jit3A_58 : i32 to vector<512x4096xi32>
    %select_n3A_60 = arith.select %eq3A_57, %iota3A, %broadcast_in_dim3A_59 : vector<512x4096xi1>, vector<512x4096xi32>
    %reduce_min3A_61 = arith.constant dense<2147483647> : vector<512xi32>
    %reduce_min3A_62 = vector.multi_reduction <minsi>, %select_n3A_60, %reduce_min3A_61 [1] : vector<512x4096xi32> to vector<512xi32>
    %swap3A_63 = arith.constant 2 : index
    %swap3A_64 = arith.constant 0 : index
    %swap3A_65 = vector.load %arg5[%swap3A_63, %swap3A_64] : memref<8x512xi32, #tpu.memory_space<vmem>>, vector<1x512xi32>
    %swap3A_66 = vector.shape_cast %swap3A_65 : vector<1x512xi32> to vector<512xi32>
    %swap3A_67 = vector.shape_cast %reduce_min3A_62 : vector<512xi32> to vector<1x512xi32>
    tpu.vector_store %arg5[%swap3A_63, %swap3A_64], %swap3A_67 {strides = array<i32>} : memref<8x512xi32, #tpu.memory_space<vmem>>, vector<1x512xi32>,
    %broadcast_in_dim3A_68 = vector.shape_cast %reduce_min3A_62 : vector<512xi32> to vector<512x1xi32>
    %eq3A_69 = vector.broadcast %broadcast_in_dim3A_68 : vector<512x1xi32> to vector<512x4096xi32>
    %eq3A_70 = arith.cmpi eq, %iota3A, %eq3A_69 : vector<512x4096xi32>
    %jit3A_71 = arith.constant -3.000000e+38 : f32
    %broadcast_in_dim3A_72 = vector.broadcast %jit3A_71 : f32 to vector<512x4096xf32>
    %select_n3A_73 = arith.select %eq3A_70, %broadcast_in_dim3A_72, %select_n3A_52 : vector<512x4096xi1>, vector<512x4096xf32>
    %reduce_max3A_74 = arith.constant dense<0xFF800000> : vector<512xf32>
    %reduce_max3A_75 = vector.multi_reduction <maximumf>, %select_n3A_73, %reduce_max3A_74 [1] : vector<512x4096xf32> to vector<512xf32>
    %broadcast_in_dim3A_76 = vector.shape_cast %reduce_max3A_75 : vector<512xf32> to vector<512x1xf32>
    %eq3A_77 = vector.broadcast %broadcast_in_dim3A_76 : vector<512x1xf32> to vector<512x4096xf32>
    %eq3A_78 = arith.cmpf oeq, %select_n3A_73, %eq3A_77 : vector<512x4096xf32>
    %jit3A_79 = arith.constant 1073741824 : i32
    %broadcast_in_dim3A_80 = vector.broadcast %jit3A_79 : i32 to vector<512x4096xi32>
    %select_n3A_81 = arith.select %eq3A_78, %iota3A, %broadcast_in_dim3A_80 : vector<512x4096xi1>, vector<512x4096xi32>
    %reduce_min3A_82 = arith.constant dense<2147483647> : vector<512xi32>
    %reduce_min3A_83 = vector.multi_reduction <minsi>, %select_n3A_81, %reduce_min3A_82 [1] : vector<512x4096xi32> to vector<512xi32>
    %swap3A_84 = arith.constant 3 : index
    %swap3A_85 = arith.constant 0 : index
    %swap3A_86 = vector.load %arg5[%swap3A_84, %swap3A_85] : memref<8x512xi32, #tpu.memory_space<vmem>>, vector<1x512xi32>
    %swap3A_87 = vector.shape_cast %swap3A_86 : vector<1x512xi32> to vector<512xi32>
    %swap3A_88 = vector.shape_cast %reduce_min3A_83 : vector<512xi32> to vector<1x512xi32>
    tpu.vector_store %arg5[%swap3A_84, %swap3A_85], %swap3A_88 {strides = array<i32>} : memref<8x512xi32, #tpu.memory_space<vmem>>, vector<1x512xi32>,
    %broadcast_in_dim3A_89 = vector.shape_cast %reduce_min3A_83 : vector<512xi32> to vector<512x1xi32>
    %eq3A_90 = vector.broadcast %broadcast_in_dim3A_89 : vector<512x1xi32> to vector<512x4096xi32>
    %eq3A_91 = arith.cmpi eq, %iota3A, %eq3A_90 : vector<512x4096xi32>
    %jit3A_92 = arith.constant -3.000000e+38 : f32
    %broadcast_in_dim3A_93 = vector.broadcast %jit3A_92 : f32 to vector<512x4096xf32>
    %select_n3A_94 = arith.select %eq3A_91, %broadcast_in_dim3A_93, %select_n3A_73 : vector<512x4096xi1>, vector<512x4096xf32>
    %reduce_max3A_95 = arith.constant dense<0xFF800000> : vector<512xf32>
    %reduce_max3A_96 = vector.multi_reduction <maximumf>, %select_n3A_94, %reduce_max3A_95 [1] : vector<512x4096xf32> to vector<512xf32>
    %broadcast_in_dim3A_97 = vector.shape_cast %reduce_max3A_96 : vector<512xf32> to vector<512x1xf32>
    %eq3A_98 = vector.broadcast %broadcast_in_dim3A_97 : vector<512x1xf32> to vector<512x4096xf32>
    %eq3A_99 = arith.cmpf oeq, %select_n3A_94, %eq3A_98 : vector<512x4096xf32>
    %jit3A_100 = arith.constant 1073741824 : i32
    %broadcast_in_dim3A_101 = vector.broadcast %jit3A_100 : i32 to vector<512x4096xi32>
    %select_n3A_102 = arith.select %eq3A_99, %iota3A, %broadcast_in_dim3A_101 : vector<512x4096xi1>, vector<512x4096xi32>
    %reduce_min3A_103 = arith.constant dense<2147483647> : vector<512xi32>
    %reduce_min3A_104 = vector.multi_reduction <minsi>, %select_n3A_102, %reduce_min3A_103 [1] : vector<512x4096xi32> to vector<512xi32>
    %swap3A_105 = arith.constant 4 : index
    %swap3A_106 = arith.constant 0 : index
    %swap3A_107 = vector.load %arg5[%swap3A_105, %swap3A_106] : memref<8x512xi32, #tpu.memory_space<vmem>>, vector<1x512xi32>
    %swap3A_108 = vector.shape_cast %swap3A_107 : vector<1x512xi32> to vector<512xi32>
    %swap3A_109 = vector.shape_cast %reduce_min3A_104 : vector<512xi32> to vector<1x512xi32>
    tpu.vector_store %arg5[%swap3A_105, %swap3A_106], %swap3A_109 {strides = array<i32>} : memref<8x512xi32, #tpu.memory_space<vmem>>, vector<1x512xi32>,
    %get3A_110 = arith.constant 0 : index
    %get3A_111 = arith.constant 0 : index
    %get3A_112 = vector.load %arg1[%get3A_110, %get3A_111] : memref<512x8xf32, #tpu.memory_space<vmem>>, vector<512x1xf32>
    %get3A_113 = arith.constant 0 : index
    %get3A_114 = arith.constant 1 : index
    %get3A_115 = vector.load %arg1[%get3A_113, %get3A_114] : memref<512x8xf32, #tpu.memory_space<vmem>>, vector<512x1xf32>
    %get3A_116 = arith.constant 0 : index
    %get3A_117 = arith.constant 0 : index
    %get3A_118 = vector.load %arg2[%get3A_116, %get3A_117] : memref<8x4096xf32, #tpu.memory_space<vmem>>, vector<1x4096xf32>
    %get3A_119 = arith.constant 1 : index
    %get3A_120 = arith.constant 0 : index
    %get3A_121 = vector.load %arg2[%get3A_119, %get3A_120] : memref<8x4096xf32, #tpu.memory_space<vmem>>, vector<1x4096xf32>
    %mul3A_122 = arith.mulf %get3A_112, %get3A_112 : vector<512x1xf32>
    %mul3A_123 = arith.mulf %get3A_115, %get3A_115 : vector<512x1xf32>
    %add3A_124 = arith.addf %mul3A_122, %mul3A_123 : vector<512x1xf32>
    %mul3A_125 = arith.mulf %get3A_118, %get3A_118 : vector<1x4096xf32>
    %mul3A_126 = arith.mulf %get3A_121, %get3A_121 : vector<1x4096xf32>
    %add3A_127 = arith.addf %mul3A_125, %mul3A_126 : vector<1x4096xf32>
    %convert_element_type3A_128 = arith.truncf %get3A_112 : vector<512x1xf32> to vector<512x1xbf16>
    %convert_element_type3A_129 = arith.extf %convert_element_type3A_128 : vector<512x1xbf16> to vector<512x1xf32>
    %convert_element_type3A_130 = arith.truncf %get3A_115 : vector<512x1xf32> to vector<512x1xbf16>
    %convert_element_type3A_131 = arith.extf %convert_element_type3A_130 : vector<512x1xbf16> to vector<512x1xf32>
    %convert_element_type3A_132 = arith.truncf %get3A_118 : vector<1x4096xf32> to vector<1x4096xbf16>
    %convert_element_type3A_133 = arith.extf %convert_element_type3A_132 : vector<1x4096xbf16> to vector<1x4096xf32>
    %convert_element_type3A_134 = arith.truncf %get3A_121 : vector<1x4096xf32> to vector<1x4096xbf16>
    %convert_element_type3A_135 = arith.extf %convert_element_type3A_134 : vector<1x4096xbf16> to vector<1x4096xf32>
    %mul3A_136 = vector.broadcast %convert_element_type3A_129 : vector<512x1xf32> to vector<512x4096xf32>
    %mul3A_137 = vector.broadcast %convert_element_type3A_133 : vector<1x4096xf32> to vector<512x4096xf32>
    %mul3A_138 = arith.mulf %mul3A_136, %mul3A_137 : vector<512x4096xf32>
    %mul3A_139 = vector.broadcast %convert_element_type3A_131 : vector<512x1xf32> to vector<512x4096xf32>
    %mul3A_140 = vector.broadcast %convert_element_type3A_135 : vector<1x4096xf32> to vector<512x4096xf32>
    %mul3A_141 = arith.mulf %mul3A_139, %mul3A_140 : vector<512x4096xf32>
    %add3A_142 = arith.addf %mul3A_138, %mul3A_141 : vector<512x4096xf32>
    %add3A_143 = vector.broadcast %add3A_124 : vector<512x1xf32> to vector<512x4096xf32>
    %add3A_144 = vector.broadcast %add3A_127 : vector<1x4096xf32> to vector<512x4096xf32>
    %add3A_145 = arith.addf %add3A_143, %add3A_144 : vector<512x4096xf32>
    %mul3A_146 = arith.constant 2.000000e+00 : f32
    %mul3A_147 = vector.broadcast %mul3A_146 : f32 to vector<512x4096xf32>
    %mul3A_148 = arith.mulf %mul3A_147, %add3A_142 : vector<512x4096xf32>
    %sub3A = arith.subf %add3A_145, %mul3A_148 : vector<512x4096xf32>
    %max3A = arith.constant 0.000000e+00 : f32
    %max3A_149 = vector.broadcast %max3A : f32 to vector<512x4096xf32>
    %max3A_150 = arith.maximumf %sub3A, %max3A_149 : vector<512x4096xf32>
    %neg3A = arith.constant 0.000000e+00 : f32
    %neg3A_151 = vector.broadcast %neg3A : f32 to vector<512x4096xf32>
    %neg3A_152 = arith.subf %neg3A_151, %max3A_150 : vector<512x4096xf32>
    %iota3A_153 = tpu.iota {dimensions = array<i32: 1>} : vector<512x4096xi32>
    %reduce_max3A_154 = arith.constant dense<0xFF800000> : vector<512xf32>
    %reduce_max3A_155 = vector.multi_reduction <maximumf>, %neg3A_152, %reduce_max3A_154 [1] : vector<512x4096xf32> to vector<512xf32>
    %broadcast_in_dim3A_156 = vector.shape_cast %reduce_max3A_155 : vector<512xf32> to vector<512x1xf32>
    %eq3A_157 = vector.broadcast %broadcast_in_dim3A_156 : vector<512x1xf32> to vector<512x4096xf32>
    %eq3A_158 = arith.cmpf oeq, %neg3A_152, %eq3A_157 : vector<512x4096xf32>
    %jit3A_159 = arith.constant 1073741824 : i32
    %broadcast_in_dim3A_160 = vector.broadcast %jit3A_159 : i32 to vector<512x4096xi32>
    %select_n3A_161 = arith.select %eq3A_158, %iota3A_153, %broadcast_in_dim3A_160 : vector<512x4096xi1>, vector<512x4096xi32>
    %reduce_min3A_162 = arith.constant dense<2147483647> : vector<512xi32>
    %reduce_min3A_163 = vector.multi_reduction <minsi>, %select_n3A_161, %reduce_min3A_162 [1] : vector<512x4096xi32> to vector<512xi32>
    %swap3A_164 = arith.constant 0 : index
    %swap3A_165 = arith.constant 0 : index
    %swap3A_166 = vector.load %arg6[%swap3A_164, %swap3A_165] : memref<8x512xi32, #tpu.memory_space<vmem>>, vector<1x512xi32>
    %swap3A_167 = vector.shape_cast %swap3A_166 : vector<1x512xi32> to vector<512xi32>
    %swap3A_168 = vector.shape_cast %reduce_min3A_163 : vector<512xi32> to vector<1x512xi32>
    tpu.vector_store %arg6[%swap3A_164, %swap3A_165], %swap3A_168 {strides = array<i32>} : memref<8x512xi32, #tpu.memory_space<vmem>>, vector<1x512xi32>,
    %broadcast_in_dim3A_169 = vector.shape_cast %reduce_min3A_163 : vector<512xi32> to vector<512x1xi32>
    %eq3A_170 = vector.broadcast %broadcast_in_dim3A_169 : vector<512x1xi32> to vector<512x4096xi32>
    %eq3A_171 = arith.cmpi eq, %iota3A_153, %eq3A_170 : vector<512x4096xi32>
    %jit3A_172 = arith.constant -3.000000e+38 : f32
    %broadcast_in_dim3A_173 = vector.broadcast %jit3A_172 : f32 to vector<512x4096xf32>
    %select_n3A_174 = arith.select %eq3A_171, %broadcast_in_dim3A_173, %neg3A_152 : vector<512x4096xi1>, vector<512x4096xf32>
    %reduce_max3A_175 = arith.constant dense<0xFF800000> : vector<512xf32>
    %reduce_max3A_176 = vector.multi_reduction <maximumf>, %select_n3A_174, %reduce_max3A_175 [1] : vector<512x4096xf32> to vector<512xf32>
    %broadcast_in_dim3A_177 = vector.shape_cast %reduce_max3A_176 : vector<512xf32> to vector<512x1xf32>
    %eq3A_178 = vector.broadcast %broadcast_in_dim3A_177 : vector<512x1xf32> to vector<512x4096xf32>
    %eq3A_179 = arith.cmpf oeq, %select_n3A_174, %eq3A_178 : vector<512x4096xf32>
    %jit3A_180 = arith.constant 1073741824 : i32
    %broadcast_in_dim3A_181 = vector.broadcast %jit3A_180 : i32 to vector<512x4096xi32>
    %select_n3A_182 = arith.select %eq3A_179, %iota3A_153, %broadcast_in_dim3A_181 : vector<512x4096xi1>, vector<512x4096xi32>
    %reduce_min3A_183 = arith.constant dense<2147483647> : vector<512xi32>
    %reduce_min3A_184 = vector.multi_reduction <minsi>, %select_n3A_182, %reduce_min3A_183 [1] : vector<512x4096xi32> to vector<512xi32>
    %swap3A_185 = arith.constant 1 : index
    %swap3A_186 = arith.constant 0 : index
    %swap3A_187 = vector.load %arg6[%swap3A_185, %swap3A_186] : memref<8x512xi32, #tpu.memory_space<vmem>>, vector<1x512xi32>
    %swap3A_188 = vector.shape_cast %swap3A_187 : vector<1x512xi32> to vector<512xi32>
    %swap3A_189 = vector.shape_cast %reduce_min3A_184 : vector<512xi32> to vector<1x512xi32>
    tpu.vector_store %arg6[%swap3A_185, %swap3A_186], %swap3A_189 {strides = array<i32>} : memref<8x512xi32, #tpu.memory_space<vmem>>, vector<1x512xi32>,
    %broadcast_in_dim3A_190 = vector.shape_cast %reduce_min3A_184 : vector<512xi32> to vector<512x1xi32>
    %eq3A_191 = vector.broadcast %broadcast_in_dim3A_190 : vector<512x1xi32> to vector<512x4096xi32>
    %eq3A_192 = arith.cmpi eq, %iota3A_153, %eq3A_191 : vector<512x4096xi32>
    %jit3A_193 = arith.constant -3.000000e+38 : f32
    %broadcast_in_dim3A_194 = vector.broadcast %jit3A_193 : f32 to vector<512x4096xf32>
    %select_n3A_195 = arith.select %eq3A_192, %broadcast_in_dim3A_194, %select_n3A_174 : vector<512x4096xi1>, vector<512x4096xf32>
    %reduce_max3A_196 = arith.constant dense<0xFF800000> : vector<512xf32>
    %reduce_max3A_197 = vector.multi_reduction <maximumf>, %select_n3A_195, %reduce_max3A_196 [1] : vector<512x4096xf32> to vector<512xf32>
    %broadcast_in_dim3A_198 = vector.shape_cast %reduce_max3A_197 : vector<512xf32> to vector<512x1xf32>
    %eq3A_199 = vector.broadcast %broadcast_in_dim3A_198 : vector<512x1xf32> to vector<512x4096xf32>
    %eq3A_200 = arith.cmpf oeq, %select_n3A_195, %eq3A_199 : vector<512x4096xf32>
    %jit3A_201 = arith.constant 1073741824 : i32
    %broadcast_in_dim3A_202 = vector.broadcast %jit3A_201 : i32 to vector<512x4096xi32>
    %select_n3A_203 = arith.select %eq3A_200, %iota3A_153, %broadcast_in_dim3A_202 : vector<512x4096xi1>, vector<512x4096xi32>
    %reduce_min3A_204 = arith.constant dense<2147483647> : vector<512xi32>
    %reduce_min3A_205 = vector.multi_reduction <minsi>, %select_n3A_203, %reduce_min3A_204 [1] : vector<512x4096xi32> to vector<512xi32>
    %swap3A_206 = arith.constant 2 : index
    %swap3A_207 = arith.constant 0 : index
    %swap3A_208 = vector.load %arg6[%swap3A_206, %swap3A_207] : memref<8x512xi32, #tpu.memory_space<vmem>>, vector<1x512xi32>
    %swap3A_209 = vector.shape_cast %swap3A_208 : vector<1x512xi32> to vector<512xi32>
    %swap3A_210 = vector.shape_cast %reduce_min3A_205 : vector<512xi32> to vector<1x512xi32>
    tpu.vector_store %arg6[%swap3A_206, %swap3A_207], %swap3A_210 {strides = array<i32>} : memref<8x512xi32, #tpu.memory_space<vmem>>, vector<1x512xi32>,
    %broadcast_in_dim3A_211 = vector.shape_cast %reduce_min3A_205 : vector<512xi32> to vector<512x1xi32>
    %eq3A_212 = vector.broadcast %broadcast_in_dim3A_211 : vector<512x1xi32> to vector<512x4096xi32>
    %eq3A_213 = arith.cmpi eq, %iota3A_153, %eq3A_212 : vector<512x4096xi32>
    %jit3A_214 = arith.constant -3.000000e+38 : f32
    %broadcast_in_dim3A_215 = vector.broadcast %jit3A_214 : f32 to vector<512x4096xf32>
    %select_n3A_216 = arith.select %eq3A_213, %broadcast_in_dim3A_215, %select_n3A_195 : vector<512x4096xi1>, vector<512x4096xf32>
    %reduce_max3A_217 = arith.constant dense<0xFF800000> : vector<512xf32>
    %reduce_max3A_218 = vector.multi_reduction <maximumf>, %select_n3A_216, %reduce_max3A_217 [1] : vector<512x4096xf32> to vector<512xf32>
    %broadcast_in_dim3A_219 = vector.shape_cast %reduce_max3A_218 : vector<512xf32> to vector<512x1xf32>
    %eq3A_220 = vector.broadcast %broadcast_in_dim3A_219 : vector<512x1xf32> to vector<512x4096xf32>
    %eq3A_221 = arith.cmpf oeq, %select_n3A_216, %eq3A_220 : vector<512x4096xf32>
    %jit3A_222 = arith.constant 1073741824 : i32
    %broadcast_in_dim3A_223 = vector.broadcast %jit3A_222 : i32 to vector<512x4096xi32>
    %select_n3A_224 = arith.select %eq3A_221, %iota3A_153, %broadcast_in_dim3A_223 : vector<512x4096xi1>, vector<512x4096xi32>
    %reduce_min3A_225 = arith.constant dense<2147483647> : vector<512xi32>
    %reduce_min3A_226 = vector.multi_reduction <minsi>, %select_n3A_224, %reduce_min3A_225 [1] : vector<512x4096xi32> to vector<512xi32>
    %swap3A_227 = arith.constant 3 : index
    %swap3A_228 = arith.constant 0 : index
    %swap3A_229 = vector.load %arg6[%swap3A_227, %swap3A_228] : memref<8x512xi32, #tpu.memory_space<vmem>>, vector<1x512xi32>
    %swap3A_230 = vector.shape_cast %swap3A_229 : vector<1x512xi32> to vector<512xi32>
    %swap3A_231 = vector.shape_cast %reduce_min3A_226 : vector<512xi32> to vector<1x512xi32>
    tpu.vector_store %arg6[%swap3A_227, %swap3A_228], %swap3A_231 {strides = array<i32>} : memref<8x512xi32, #tpu.memory_space<vmem>>, vector<1x512xi32>,
    %broadcast_in_dim3A_232 = vector.shape_cast %reduce_min3A_226 : vector<512xi32> to vector<512x1xi32>
    %eq3A_233 = vector.broadcast %broadcast_in_dim3A_232 : vector<512x1xi32> to vector<512x4096xi32>
    %eq3A_234 = arith.cmpi eq, %iota3A_153, %eq3A_233 : vector<512x4096xi32>
    %jit3A_235 = arith.constant -3.000000e+38 : f32
    %broadcast_in_dim3A_236 = vector.broadcast %jit3A_235 : f32 to vector<512x4096xf32>
    %select_n3A_237 = arith.select %eq3A_234, %broadcast_in_dim3A_236, %select_n3A_216 : vector<512x4096xi1>, vector<512x4096xf32>
    %reduce_max3A_238 = arith.constant dense<0xFF800000> : vector<512xf32>
    %reduce_max3A_239 = vector.multi_reduction <maximumf>, %select_n3A_237, %reduce_max3A_238 [1] : vector<512x4096xf32> to vector<512xf32>
    %broadcast_in_dim3A_240 = vector.shape_cast %reduce_max3A_239 : vector<512xf32> to vector<512x1xf32>
    %eq3A_241 = vector.broadcast %broadcast_in_dim3A_240 : vector<512x1xf32> to vector<512x4096xf32>
    %eq3A_242 = arith.cmpf oeq, %select_n3A_237, %eq3A_241 : vector<512x4096xf32>
    %jit3A_243 = arith.constant 1073741824 : i32
    %broadcast_in_dim3A_244 = vector.broadcast %jit3A_243 : i32 to vector<512x4096xi32>
    %select_n3A_245 = arith.select %eq3A_242, %iota3A_153, %broadcast_in_dim3A_244 : vector<512x4096xi1>, vector<512x4096xi32>
    %reduce_min3A_246 = arith.constant dense<2147483647> : vector<512xi32>
    %reduce_min3A_247 = vector.multi_reduction <minsi>, %select_n3A_245, %reduce_min3A_246 [1] : vector<512x4096xi32> to vector<512xi32>
    %swap3A_248 = arith.constant 4 : index
    %swap3A_249 = arith.constant 0 : index
    %swap3A_250 = vector.load %arg6[%swap3A_248, %swap3A_249] : memref<8x512xi32, #tpu.memory_space<vmem>>, vector<1x512xi32>
    %swap3A_251 = vector.shape_cast %swap3A_250 : vector<1x512xi32> to vector<512xi32>
    %swap3A_252 = vector.shape_cast %reduce_min3A_247 : vector<512xi32> to vector<1x512xi32>
    tpu.vector_store %arg6[%swap3A_248, %swap3A_249], %swap3A_252 {strides = array<i32>} : memref<8x512xi32, #tpu.memory_space<vmem>>, vector<1x512xi32>,
    return
  }
  func.func @transform_0(%arg0: i32) -> (i32, i32) {
    %c0_i32 = arith.constant 0 : i32
    %c0_i32_0 = arith.constant 0 : i32
    return %arg0, %c0_i32 : i32, i32
  }
  func.func @transform_1(%arg0: i32) -> (i32, i32) {
    %c0_i32 = arith.constant 0 : i32
    %c0_i32_0 = arith.constant 0 : i32
    %c0_i32_1 = arith.constant 0 : i32
    return %c0_i32, %c0_i32_0 : i32, i32
  }
  func.func @transform_2(%arg0: i32) -> (i32, i32) {
    %c0_i32 = arith.constant 0 : i32
    %c0_i32_0 = arith.constant 0 : i32
    return %arg0, %c0_i32 : i32, i32
  }
  func.func @transform_3(%arg0: i32) -> (i32, i32) {
    %c0_i32 = arith.constant 0 : i32
    %c0_i32_0 = arith.constant 0 : i32
    %c0_i32_1 = arith.constant 0 : i32
    return %c0_i32, %c0_i32_0 : i32, i32
  }
  func.func @transform_4(%arg0: i32) -> (i32, i32) {
    %c0_i32 = arith.constant 0 : i32
    %c0_i32_0 = arith.constant 0 : i32
    return %c0_i32, %arg0 : i32, i32
  }
  func.func @transform_5(%arg0: i32) -> (i32, i32) {
    %c0_i32 = arith.constant 0 : i32
    %c0_i32_0 = arith.constant 0 : i32
    return %c0_i32, %arg0 : i32, i32
  }
}

module attributes {stable_mosaic.version = 14 : i64} {
  func.func @_mid_body(%arg0: i32, %arg1: memref<512x512xf32, #tpu.memory_space<vmem>>, %arg2: memref<512x512xf32, #tpu.memory_space<vmem>>, %arg3: memref<512x128xf32, #tpu.memory_space<vmem>>, %arg4: memref<512x128xf32, #tpu.memory_space<vmem>>, %arg5: memref<1x128xf32, #tpu.memory_space<vmem>>, %arg6: memref<1x128xf32, #tpu.memory_space<vmem>>, %arg7: memref<1x128xf32, #tpu.memory_space<vmem>>, %arg8: memref<128x128xf32, #tpu.memory_space<vmem>>, %arg9: memref<1x128xf32, #tpu.memory_space<vmem>>, %arg10: memref<128x128xf32, #tpu.memory_space<vmem>>, %arg11: memref<1x128xf32, #tpu.memory_space<vmem>>, %arg12: memref<1x128xf32, #tpu.memory_space<vmem>>, %arg13: memref<1x128xf32, #tpu.memory_space<vmem>>, %arg14: memref<512x128xf32, #tpu.memory_space<vmem>>) attributes {dimension_semantics = [#tpu.dimension_semantics<arbitrary>], iteration_bounds = array<i64: 8>, scalar_prefetch = 0 : i64, scratch_operands = 0 : i64, tpu.core_type = #tpu.core_type<tc>, window_params = [{transform_indices = @transform_0, window_bounds = array<i64: 512, 512>}, {transform_indices = @transform_1, window_bounds = array<i64: 512, 512>}, {pipeline_mode = #tpu.pipeline_mode<synchronous>, transform_indices = @transform_2, window_bounds = array<i64: 512, 128>}, {pipeline_mode = #tpu.pipeline_mode<synchronous>, transform_indices = @transform_3, window_bounds = array<i64: 512, 128>}, {pipeline_mode = #tpu.pipeline_mode<synchronous>, transform_indices = @transform_4, window_bounds = array<i64: 1, 128>}, {pipeline_mode = #tpu.pipeline_mode<synchronous>, transform_indices = @transform_5, window_bounds = array<i64: 1, 128>}, {pipeline_mode = #tpu.pipeline_mode<synchronous>, transform_indices = @transform_6, window_bounds = array<i64: 1, 128>}, {pipeline_mode = #tpu.pipeline_mode<synchronous>, transform_indices = @transform_7, window_bounds = array<i64: 128, 128>}, {pipeline_mode = #tpu.pipeline_mode<synchronous>, transform_indices = @transform_8, window_bounds = array<i64: 1, 128>}, {pipeline_mode = #tpu.pipeline_mode<synchronous>, transform_indices = @transform_9, window_bounds = array<i64: 128, 128>}, {pipeline_mode = #tpu.pipeline_mode<synchronous>, transform_indices = @transform_10, window_bounds = array<i64: 1, 128>}, {pipeline_mode = #tpu.pipeline_mode<synchronous>, transform_indices = @transform_11, window_bounds = array<i64: 1, 128>}, {pipeline_mode = #tpu.pipeline_mode<synchronous>, transform_indices = @transform_12, window_bounds = array<i64: 1, 128>}, {transform_indices = @transform_13, window_bounds = array<i64: 512, 128>}]} {
    %get3A = arith.constant 0 : index
    %get3A_0 = arith.constant 0 : index
    %get3A_1 = vector.load %arg1[%get3A, %get3A_0] : memref<512x512xf32, #tpu.memory_space<vmem>>, vector<512x512xf32>
    %get3A_2 = arith.constant 0 : index
    %get3A_3 = arith.constant 0 : index
    %get3A_4 = vector.load %arg3[%get3A_2, %get3A_3] : memref<512x128xf32, #tpu.memory_space<vmem>>, vector<512x128xf32>
    %dot_general3A = arith.constant dense<0.000000e+00> : vector<512x128xf32>
    %dot_general3A_5 = tpu.matmul %get3A_1, %get3A_4, %dot_general3A {dimension_numbers = #tpu.dot_dimension_numbers<[1], [0], [0], [1], [0, 0, 1, 1], [], []>, transpose_lhs_hint = false} : vector<512x512xf32>, vector<512x128xf32>, vector<512x128xf32> -> vector<512x128xf32>
    %get3A_6 = arith.constant 0 : index
    %get3A_7 = arith.constant 0 : index
    %get3A_8 = vector.load %arg2[%get3A_6, %get3A_7] : memref<512x512xf32, #tpu.memory_space<vmem>>, vector<512x512xf32>
    %get3A_9 = arith.constant 0 : index
    %get3A_10 = arith.constant 0 : index
    %get3A_11 = vector.load %arg4[%get3A_9, %get3A_10] : memref<512x128xf32, #tpu.memory_space<vmem>>, vector<512x128xf32>
    %dot_general3A_12 = arith.constant dense<0.000000e+00> : vector<512x128xf32>
    %dot_general3A_13 = tpu.matmul %get3A_8, %get3A_11, %dot_general3A_12 {dimension_numbers = #tpu.dot_dimension_numbers<[1], [0], [0], [1], [0, 0, 1, 1], [], []>, transpose_lhs_hint = false} : vector<512x512xf32>, vector<512x128xf32>, vector<512x128xf32> -> vector<512x128xf32>
    %add3A = arith.addf %dot_general3A_5, %dot_general3A_13 : vector<512x128xf32>
    %get3A_14 = arith.constant 0 : index
    %get3A_15 = arith.constant 0 : index
    %get3A_16 = vector.load %arg5[%get3A_14, %get3A_15] : memref<1x128xf32, #tpu.memory_space<vmem>>, vector<1x128xf32>
    %add3A_17 = vector.broadcast %get3A_16 : vector<1x128xf32> to vector<512x128xf32>
    %add3A_18 = arith.addf %add3A, %add3A_17 : vector<512x128xf32>
    %max3A = arith.constant 0.000000e+00 : f32
    %max3A_19 = vector.broadcast %max3A : f32 to vector<512x128xf32>
    %max3A_20 = arith.maximumf %add3A_18, %max3A_19 : vector<512x128xf32>
    %get3A_21 = arith.constant 0 : index
    %get3A_22 = arith.constant 0 : index
    %get3A_23 = vector.load %arg6[%get3A_21, %get3A_22] : memref<1x128xf32, #tpu.memory_space<vmem>>, vector<1x128xf32>
    %get3A_24 = arith.constant 0 : index
    %get3A_25 = arith.constant 0 : index
    %get3A_26 = vector.load %arg7[%get3A_24, %get3A_25] : memref<1x128xf32, #tpu.memory_space<vmem>>, vector<1x128xf32>
    %reduce_sum3A = arith.constant dense<0.000000e+00> : vector<512xf32>
    %reduce_sum3A_27 = vector.multi_reduction <add>, %max3A_20, %reduce_sum3A [1] : vector<512x128xf32> to vector<512xf32>
    %broadcast_in_dim3A = vector.shape_cast %reduce_sum3A_27 : vector<512xf32> to vector<512x1xf32>
    %div3A = arith.constant 1.280000e+02 : f32
    %div3A_28 = vector.broadcast %div3A : f32 to vector<512x1xf32>
    %div3A_29 = arith.divf %broadcast_in_dim3A, %div3A_28 : vector<512x1xf32>
    %sub3A = vector.broadcast %div3A_29 : vector<512x1xf32> to vector<512x128xf32>
    %sub3A_30 = arith.subf %max3A_20, %sub3A : vector<512x128xf32>
    %sub3A_31 = vector.broadcast %div3A_29 : vector<512x1xf32> to vector<512x128xf32>
    %sub3A_32 = arith.subf %max3A_20, %sub3A_31 : vector<512x128xf32>
    %mul3A = arith.mulf %sub3A_30, %sub3A_32 : vector<512x128xf32>
    %reduce_sum3A_33 = arith.constant dense<0.000000e+00> : vector<512xf32>
    %reduce_sum3A_34 = vector.multi_reduction <add>, %mul3A, %reduce_sum3A_33 [1] : vector<512x128xf32> to vector<512xf32>
    %broadcast_in_dim3A_35 = vector.shape_cast %reduce_sum3A_34 : vector<512xf32> to vector<512x1xf32>
    %div3A_36 = arith.constant 1.280000e+02 : f32
    %div3A_37 = vector.broadcast %div3A_36 : f32 to vector<512x1xf32>
    %div3A_38 = arith.divf %broadcast_in_dim3A_35, %div3A_37 : vector<512x1xf32>
    %sub3A_39 = vector.broadcast %div3A_29 : vector<512x1xf32> to vector<512x128xf32>
    %sub3A_40 = arith.subf %max3A_20, %sub3A_39 : vector<512x128xf32>
    %add3A_41 = arith.constant 9.99999974E-6 : f32
    %add3A_42 = vector.broadcast %add3A_41 : f32 to vector<512x1xf32>
    %add3A_43 = arith.addf %div3A_38, %add3A_42 : vector<512x1xf32>
    %sqrt3A = math.sqrt %add3A_43 : vector<512x1xf32>
    %div3A_44 = vector.broadcast %sqrt3A : vector<512x1xf32> to vector<512x128xf32>
    %div3A_45 = arith.divf %sub3A_40, %div3A_44 : vector<512x128xf32>
    %mul3A_46 = vector.broadcast %get3A_23 : vector<1x128xf32> to vector<512x128xf32>
    %mul3A_47 = arith.mulf %div3A_45, %mul3A_46 : vector<512x128xf32>
    %add3A_48 = vector.broadcast %get3A_26 : vector<1x128xf32> to vector<512x128xf32>
    %add3A_49 = arith.addf %mul3A_47, %add3A_48 : vector<512x128xf32>
    %get3A_50 = arith.constant 0 : index
    %get3A_51 = arith.constant 0 : index
    %get3A_52 = vector.load %arg8[%get3A_50, %get3A_51] : memref<128x128xf32, #tpu.memory_space<vmem>>, vector<128x128xf32>
    %dot_general3A_53 = arith.constant dense<0.000000e+00> : vector<512x128xf32>
    %dot_general3A_54 = tpu.matmul %add3A_49, %get3A_52, %dot_general3A_53 {dimension_numbers = #tpu.dot_dimension_numbers<[1], [0], [0], [1], [0, 0, 1, 1], [], []>, transpose_lhs_hint = false} : vector<512x128xf32>, vector<128x128xf32>, vector<512x128xf32> -> vector<512x128xf32>
    %get3A_55 = arith.constant 0 : index
    %get3A_56 = arith.constant 0 : index
    %get3A_57 = vector.load %arg9[%get3A_55, %get3A_56] : memref<1x128xf32, #tpu.memory_space<vmem>>, vector<1x128xf32>
    %add3A_58 = vector.broadcast %get3A_57 : vector<1x128xf32> to vector<512x128xf32>
    %add3A_59 = arith.addf %dot_general3A_54, %add3A_58 : vector<512x128xf32>
    %integer_pow3A = arith.mulf %add3A_59, %add3A_59 : vector<512x128xf32>
    %integer_pow3A_60 = arith.mulf %add3A_59, %integer_pow3A : vector<512x128xf32>
    %mul3A_61 = arith.constant 4.471500e-02 : f32
    %mul3A_62 = vector.broadcast %mul3A_61 : f32 to vector<512x128xf32>
    %mul3A_63 = arith.mulf %mul3A_62, %integer_pow3A_60 : vector<512x128xf32>
    %add3A_64 = arith.addf %add3A_59, %mul3A_63 : vector<512x128xf32>
    %mul3A_65 = arith.constant 0.797884583 : f32
    %mul3A_66 = vector.broadcast %mul3A_65 : f32 to vector<512x128xf32>
    %mul3A_67 = arith.mulf %mul3A_66, %add3A_64 : vector<512x128xf32>
    %tanh3A = math.tanh %mul3A_67 : vector<512x128xf32>
    %add3A_68 = arith.constant 1.000000e+00 : f32
    %add3A_69 = vector.broadcast %add3A_68 : f32 to vector<512x128xf32>
    %add3A_70 = arith.addf %add3A_69, %tanh3A : vector<512x128xf32>
    %mul3A_71 = arith.constant 5.000000e-01 : f32
    %mul3A_72 = vector.broadcast %mul3A_71 : f32 to vector<512x128xf32>
    %mul3A_73 = arith.mulf %mul3A_72, %add3A_70 : vector<512x128xf32>
    %mul3A_74 = arith.mulf %add3A_59, %mul3A_73 : vector<512x128xf32>
    %get3A_75 = arith.constant 0 : index
    %get3A_76 = arith.constant 0 : index
    %get3A_77 = vector.load %arg10[%get3A_75, %get3A_76] : memref<128x128xf32, #tpu.memory_space<vmem>>, vector<128x128xf32>
    %dot_general3A_78 = arith.constant dense<0.000000e+00> : vector<512x128xf32>
    %dot_general3A_79 = tpu.matmul %mul3A_74, %get3A_77, %dot_general3A_78 {dimension_numbers = #tpu.dot_dimension_numbers<[1], [0], [0], [1], [0, 0, 1, 1], [], []>, transpose_lhs_hint = false} : vector<512x128xf32>, vector<128x128xf32>, vector<512x128xf32> -> vector<512x128xf32>
    %get3A_80 = arith.constant 0 : index
    %get3A_81 = arith.constant 0 : index
    %get3A_82 = vector.load %arg11[%get3A_80, %get3A_81] : memref<1x128xf32, #tpu.memory_space<vmem>>, vector<1x128xf32>
    %add3A_83 = vector.broadcast %get3A_82 : vector<1x128xf32> to vector<512x128xf32>
    %add3A_84 = arith.addf %dot_general3A_79, %add3A_83 : vector<512x128xf32>
    %add3A_85 = arith.addf %add3A_84, %add3A_59 : vector<512x128xf32>
    %get3A_86 = arith.constant 0 : index
    %get3A_87 = arith.constant 0 : index
    %get3A_88 = vector.load %arg12[%get3A_86, %get3A_87] : memref<1x128xf32, #tpu.memory_space<vmem>>, vector<1x128xf32>
    %get3A_89 = arith.constant 0 : index
    %get3A_90 = arith.constant 0 : index
    %get3A_91 = vector.load %arg13[%get3A_89, %get3A_90] : memref<1x128xf32, #tpu.memory_space<vmem>>, vector<1x128xf32>
    %reduce_sum3A_92 = arith.constant dense<0.000000e+00> : vector<512xf32>
    %reduce_sum3A_93 = vector.multi_reduction <add>, %add3A_85, %reduce_sum3A_92 [1] : vector<512x128xf32> to vector<512xf32>
    %broadcast_in_dim3A_94 = vector.shape_cast %reduce_sum3A_93 : vector<512xf32> to vector<512x1xf32>
    %div3A_95 = arith.constant 1.280000e+02 : f32
    %div3A_96 = vector.broadcast %div3A_95 : f32 to vector<512x1xf32>
    %div3A_97 = arith.divf %broadcast_in_dim3A_94, %div3A_96 : vector<512x1xf32>
    %sub3A_98 = vector.broadcast %div3A_97 : vector<512x1xf32> to vector<512x128xf32>
    %sub3A_99 = arith.subf %add3A_85, %sub3A_98 : vector<512x128xf32>
    %sub3A_100 = vector.broadcast %div3A_97 : vector<512x1xf32> to vector<512x128xf32>
    %sub3A_101 = arith.subf %add3A_85, %sub3A_100 : vector<512x128xf32>
    %mul3A_102 = arith.mulf %sub3A_99, %sub3A_101 : vector<512x128xf32>
    %reduce_sum3A_103 = arith.constant dense<0.000000e+00> : vector<512xf32>
    %reduce_sum3A_104 = vector.multi_reduction <add>, %mul3A_102, %reduce_sum3A_103 [1] : vector<512x128xf32> to vector<512xf32>
    %broadcast_in_dim3A_105 = vector.shape_cast %reduce_sum3A_104 : vector<512xf32> to vector<512x1xf32>
    %div3A_106 = arith.constant 1.280000e+02 : f32
    %div3A_107 = vector.broadcast %div3A_106 : f32 to vector<512x1xf32>
    %div3A_108 = arith.divf %broadcast_in_dim3A_105, %div3A_107 : vector<512x1xf32>
    %sub3A_109 = vector.broadcast %div3A_97 : vector<512x1xf32> to vector<512x128xf32>
    %sub3A_110 = arith.subf %add3A_85, %sub3A_109 : vector<512x128xf32>
    %add3A_111 = arith.constant 9.99999974E-6 : f32
    %add3A_112 = vector.broadcast %add3A_111 : f32 to vector<512x1xf32>
    %add3A_113 = arith.addf %div3A_108, %add3A_112 : vector<512x1xf32>
    %sqrt3A_114 = math.sqrt %add3A_113 : vector<512x1xf32>
    %div3A_115 = vector.broadcast %sqrt3A_114 : vector<512x1xf32> to vector<512x128xf32>
    %div3A_116 = arith.divf %sub3A_110, %div3A_115 : vector<512x128xf32>
    %mul3A_117 = vector.broadcast %get3A_88 : vector<1x128xf32> to vector<512x128xf32>
    %mul3A_118 = arith.mulf %div3A_116, %mul3A_117 : vector<512x128xf32>
    %add3A_119 = vector.broadcast %get3A_91 : vector<1x128xf32> to vector<512x128xf32>
    %add3A_120 = arith.addf %mul3A_118, %add3A_119 : vector<512x128xf32>
    %swap3A = arith.constant 0 : index
    %swap3A_121 = arith.constant 0 : index
    %swap3A_122 = vector.load %arg14[%swap3A, %swap3A_121] : memref<512x128xf32, #tpu.memory_space<vmem>>, vector<512x128xf32>
    tpu.vector_store %arg14[%swap3A, %swap3A_121], %add3A_120 {strides = array<i32>} : memref<512x128xf32, #tpu.memory_space<vmem>>, vector<512x128xf32>,
    return
  }
  func.func @transform_0(%arg0: i32) -> (i32, i32) {
    %c0_i32 = arith.constant 0 : i32
    %c0_i32_0 = arith.constant 0 : i32
    return %arg0, %c0_i32 : i32, i32
  }
  func.func @transform_1(%arg0: i32) -> (i32, i32) {
    %c0_i32 = arith.constant 0 : i32
    %c0_i32_0 = arith.constant 0 : i32
    return %arg0, %c0_i32 : i32, i32
  }
  func.func @transform_2(%arg0: i32) -> (i32, i32) {
    %c0_i32 = arith.constant 0 : i32
    %c0_i32_0 = arith.constant 0 : i32
    %c0_i32_1 = arith.constant 0 : i32
    return %c0_i32, %c0_i32_0 : i32, i32
  }
  func.func @transform_3(%arg0: i32) -> (i32, i32) {
    %c0_i32 = arith.constant 0 : i32
    %c0_i32_0 = arith.constant 0 : i32
    %c0_i32_1 = arith.constant 0 : i32
    return %c0_i32, %c0_i32_0 : i32, i32
  }
  func.func @transform_4(%arg0: i32) -> (i32, i32) {
    %c0_i32 = arith.constant 0 : i32
    %c0_i32_0 = arith.constant 0 : i32
    %c0_i32_1 = arith.constant 0 : i32
    return %c0_i32, %c0_i32_0 : i32, i32
  }
  func.func @transform_5(%arg0: i32) -> (i32, i32) {
    %c0_i32 = arith.constant 0 : i32
    %c0_i32_0 = arith.constant 0 : i32
    %c0_i32_1 = arith.constant 0 : i32
    return %c0_i32, %c0_i32_0 : i32, i32
  }
  func.func @transform_6(%arg0: i32) -> (i32, i32) {
    %c0_i32 = arith.constant 0 : i32
    %c0_i32_0 = arith.constant 0 : i32
    %c0_i32_1 = arith.constant 0 : i32
    return %c0_i32, %c0_i32_0 : i32, i32
  }
  func.func @transform_7(%arg0: i32) -> (i32, i32) {
    %c0_i32 = arith.constant 0 : i32
    %c0_i32_0 = arith.constant 0 : i32
    %c0_i32_1 = arith.constant 0 : i32
    return %c0_i32, %c0_i32_0 : i32, i32
  }
  func.func @transform_8(%arg0: i32) -> (i32, i32) {
    %c0_i32 = arith.constant 0 : i32
    %c0_i32_0 = arith.constant 0 : i32
    %c0_i32_1 = arith.constant 0 : i32
    return %c0_i32, %c0_i32_0 : i32, i32
  }
  func.func @transform_9(%arg0: i32) -> (i32, i32) {
    %c0_i32 = arith.constant 0 : i32
    %c0_i32_0 = arith.constant 0 : i32
    %c0_i32_1 = arith.constant 0 : i32
    return %c0_i32, %c0_i32_0 : i32, i32
  }
  func.func @transform_10(%arg0: i32) -> (i32, i32) {
    %c0_i32 = arith.constant 0 : i32
    %c0_i32_0 = arith.constant 0 : i32
    %c0_i32_1 = arith.constant 0 : i32
    return %c0_i32, %c0_i32_0 : i32, i32
  }
  func.func @transform_11(%arg0: i32) -> (i32, i32) {
    %c0_i32 = arith.constant 0 : i32
    %c0_i32_0 = arith.constant 0 : i32
    %c0_i32_1 = arith.constant 0 : i32
    return %c0_i32, %c0_i32_0 : i32, i32
  }
  func.func @transform_12(%arg0: i32) -> (i32, i32) {
    %c0_i32 = arith.constant 0 : i32
    %c0_i32_0 = arith.constant 0 : i32
    %c0_i32_1 = arith.constant 0 : i32
    return %c0_i32, %c0_i32_0 : i32, i32
  }
  func.func @transform_13(%arg0: i32) -> (i32, i32) {
    %c0_i32 = arith.constant 0 : i32
    %c0_i32_0 = arith.constant 0 : i32
    return %arg0, %c0_i32 : i32, i32
  }
}

module attributes {stable_mosaic.version = 14 : i64} {
  func.func @_loss_body(%arg0: i32, %arg1: memref<512x128xf32, #tpu.memory_space<vmem>>, %arg2: memref<128x4096xf32, #tpu.memory_space<vmem>>, %arg3: memref<1x1xf32, #tpu.memory_space<vmem>>, %arg4: memref<1x4096xf32, #tpu.memory_space<vmem>>, %arg5: memref<1x4096xf32, #tpu.memory_space<vmem>>, %arg6: memref<2xf32, #tpu.memory_space<smem>>) attributes {dimension_semantics = [#tpu.dimension_semantics<arbitrary>], iteration_bounds = array<i64: 8>, scalar_prefetch = 0 : i64, scratch_operands = 3 : i64, tpu.core_type = #tpu.core_type<tc>, window_params = [{transform_indices = @transform_0, window_bounds = array<i64: 512, 128>}, {pipeline_mode = #tpu.pipeline_mode<synchronous>, transform_indices = @transform_1, window_bounds = array<i64: 128, 4096>}, {pipeline_mode = #tpu.pipeline_mode<synchronous>, transform_indices = @transform_2, window_bounds = array<i64: 1, 1>}]} {
    %get3A = arith.constant 0 : index
    %get3A_0 = arith.constant 0 : index
    %get3A_1 = vector.load %arg1[%get3A, %get3A_0] : memref<512x128xf32, #tpu.memory_space<vmem>>, vector<512x128xf32>
    %get3A_2 = arith.constant 0 : index
    %get3A_3 = arith.constant 0 : index
    %get3A_4 = vector.load %arg2[%get3A_2, %get3A_3] : memref<128x4096xf32, #tpu.memory_space<vmem>>, vector<128x4096xf32>
    %dot_general3A = arith.constant dense<0.000000e+00> : vector<512x4096xf32>
    %dot_general3A_5 = tpu.matmul %get3A_1, %get3A_4, %dot_general3A {dimension_numbers = #tpu.dot_dimension_numbers<[1], [0], [0], [1], [0, 0, 1, 1], [], []>, transpose_lhs_hint = false} : vector<512x128xf32>, vector<128x4096xf32>, vector<512x4096xf32> -> vector<512x4096xf32>
    %iota3A = tpu.iota {dimensions = array<i32: 1>} : vector<512x4096xi32>
    %iota3A_6 = tpu.iota {dimensions = array<i32: 0>} : vector<512x4096xi32>
    %mul3A = arith.constant 512 : i32
    %mul3A_7 = arith.muli %arg0, %mul3A : i32
    %add3A = vector.broadcast %mul3A_7 : i32 to vector<512x4096xi32>
    %add3A_8 = arith.addi %iota3A_6, %add3A : vector<512x4096xi32>
    %eq3A = arith.cmpi eq, %iota3A, %add3A_8 : vector<512x4096xi32>
    %jit3A = arith.constant 0.000000e+00 : f32
    %broadcast_in_dim3A = vector.broadcast %jit3A : f32 to vector<512x4096xf32>
    %select_n3A = arith.select %eq3A, %dot_general3A_5, %broadcast_in_dim3A : vector<512x4096xi1>, vector<512x4096xf32>
    %reduce_sum3A = vector.shape_cast %select_n3A : vector<512x4096xf32> to vector<1x512x4096xf32>
    %reduce_sum3A_9 = arith.constant dense<0.000000e+00> : vector<1xf32>
    %reduce_sum3A_10 = vector.multi_reduction <add>, %reduce_sum3A, %reduce_sum3A_9 [1, 2] : vector<1x512x4096xf32> to vector<1xf32>
    %reduce_sum3A_11 = vector.shape_cast %reduce_sum3A_10 : vector<1xf32> to vector<1x1x1xf32>
    %reduce_sum3A_12 = vector.extract %reduce_sum3A_11[0, 0, 0] : f32 from vector<1x1x1xf32>
    %reduce_max3A = arith.constant dense<0xFF800000> : vector<512xf32>
    %reduce_max3A_13 = vector.multi_reduction <maximumf>, %dot_general3A_5, %reduce_max3A [1] : vector<512x4096xf32> to vector<512xf32>
    %broadcast_in_dim3A_14 = vector.shape_cast %reduce_max3A_13 : vector<512xf32> to vector<512x1xf32>
    %squeeze3A = vector.shape_cast %broadcast_in_dim3A_14 : vector<512x1xf32> to vector<512xf32>
    %sub3A = vector.broadcast %broadcast_in_dim3A_14 : vector<512x1xf32> to vector<512x4096xf32>
    %sub3A_15 = arith.subf %dot_general3A_5, %sub3A : vector<512x4096xf32>
    %exp3A = math.exp %sub3A_15 : vector<512x4096xf32>
    %reduce_sum3A_16 = arith.constant dense<0.000000e+00> : vector<512xf32>
    %reduce_sum3A_17 = vector.multi_reduction <add>, %exp3A, %reduce_sum3A_16 [1] : vector<512x4096xf32> to vector<512xf32>
    %log3A = math.log %reduce_sum3A_17 : vector<512xf32>
    %add3A_18 = arith.addf %squeeze3A, %log3A : vector<512xf32>
    %reduce_sum3A_19 = vector.shape_cast %add3A_18 : vector<512xf32> to vector<1x512xf32>
    %reduce_sum3A_20 = arith.constant dense<0.000000e+00> : vector<1xf32>
    %reduce_sum3A_21 = vector.multi_reduction <add>, %reduce_sum3A_19, %reduce_sum3A_20 [1] : vector<1x512xf32> to vector<1xf32>
    %reduce_sum3A_22 = vector.shape_cast %reduce_sum3A_21 : vector<1xf32> to vector<1x1xf32>
    %reduce_sum3A_23 = vector.extract %reduce_sum3A_22[0, 0] : f32 from vector<1x1xf32>
    %eq3A_24 = arith.constant 0 : i32
    %eq3A_25 = arith.cmpi eq, %arg0, %eq3A_24 : i32
    %convert_element_type3A = arith.extui %eq3A_25 : i1 to i32
    %cond3A = arith.constant 0 : i32
    %cond3A_26 = arith.cmpi ne, %convert_element_type3A, %cond3A : i32
    scf.if %cond3A_26 {
      %broadcast_in_dim3A_69 = arith.constant -3.000000e+38 : f32
      %broadcast_in_dim3A_70 = vector.broadcast %broadcast_in_dim3A_69 : f32 to vector<1x4096xf32>
      %swap3A_71 = arith.constant 0 : index
      %swap3A_72 = arith.constant 0 : index
      %swap3A_73 = vector.load %arg4[%swap3A_71, %swap3A_72] : memref<1x4096xf32, #tpu.memory_space<vmem>>, vector<1x4096xf32>
      tpu.vector_store %arg4[%swap3A_71, %swap3A_72], %broadcast_in_dim3A_70 {strides = array<i32>} : memref<1x4096xf32, #tpu.memory_space<vmem>>, vector<1x4096xf32>,
      %broadcast_in_dim3A_74 = arith.constant 0.000000e+00 : f32
      %broadcast_in_dim3A_75 = vector.broadcast %broadcast_in_dim3A_74 : f32 to vector<1x4096xf32>
      %swap3A_76 = arith.constant 0 : index
      %swap3A_77 = arith.constant 0 : index
      %swap3A_78 = vector.load %arg5[%swap3A_76, %swap3A_77] : memref<1x4096xf32, #tpu.memory_space<vmem>>, vector<1x4096xf32>
      tpu.vector_store %arg5[%swap3A_76, %swap3A_77], %broadcast_in_dim3A_75 {strides = array<i32>} : memref<1x4096xf32, #tpu.memory_space<vmem>>, vector<1x4096xf32>,
      %swap3A_79 = arith.constant 0.000000e+00 : f32
      %swap3A_80 = arith.constant 0 : index
      %swap3A_81 = memref.load %arg6[%swap3A_80] : memref<2xf32, #tpu.memory_space<smem>>
      memref.store %swap3A_79, %arg6[%swap3A_80] : memref<2xf32, #tpu.memory_space<smem>>
      %swap3A_82 = arith.constant 0.000000e+00 : f32
      %swap3A_83 = arith.constant 1 : index
      %swap3A_84 = memref.load %arg6[%swap3A_83] : memref<2xf32, #tpu.memory_space<smem>>
      memref.store %swap3A_82, %arg6[%swap3A_83] : memref<2xf32, #tpu.memory_space<smem>>
    } else {
    }
    %reduce_max3A_27 = arith.constant dense<0xFF800000> : vector<4096xf32>
    %reduce_max3A_28 = vector.multi_reduction <maximumf>, %dot_general3A_5, %reduce_max3A_27 [0] : vector<512x4096xf32> to vector<4096xf32>
    %broadcast_in_dim3A_29 = vector.shape_cast %reduce_max3A_28 : vector<4096xf32> to vector<1x4096xf32>
    %get3A_30 = arith.constant 0 : index
    %get3A_31 = arith.constant 0 : index
    %get3A_32 = vector.load %arg4[%get3A_30, %get3A_31] : memref<1x4096xf32, #tpu.memory_space<vmem>>, vector<1x4096xf32>
    %max3A = arith.maximumf %get3A_32, %broadcast_in_dim3A_29 : vector<1x4096xf32>
    %get3A_33 = arith.constant 0 : index
    %get3A_34 = arith.constant 0 : index
    %get3A_35 = vector.load %arg5[%get3A_33, %get3A_34] : memref<1x4096xf32, #tpu.memory_space<vmem>>, vector<1x4096xf32>
    %get3A_36 = arith.constant 0 : index
    %get3A_37 = arith.constant 0 : index
    %get3A_38 = vector.load %arg4[%get3A_36, %get3A_37] : memref<1x4096xf32, #tpu.memory_space<vmem>>, vector<1x4096xf32>
    %sub3A_39 = arith.subf %get3A_38, %max3A : vector<1x4096xf32>
    %exp3A_40 = math.exp %sub3A_39 : vector<1x4096xf32>
    %mul3A_41 = arith.mulf %get3A_35, %exp3A_40 : vector<1x4096xf32>
    %sub3A_42 = vector.broadcast %max3A : vector<1x4096xf32> to vector<512x4096xf32>
    %sub3A_43 = arith.subf %dot_general3A_5, %sub3A_42 : vector<512x4096xf32>
    %exp3A_44 = math.exp %sub3A_43 : vector<512x4096xf32>
    %reduce_sum3A_45 = arith.constant dense<0.000000e+00> : vector<4096xf32>
    %reduce_sum3A_46 = vector.multi_reduction <add>, %exp3A_44, %reduce_sum3A_45 [0] : vector<512x4096xf32> to vector<4096xf32>
    %broadcast_in_dim3A_47 = vector.shape_cast %reduce_sum3A_46 : vector<4096xf32> to vector<1x4096xf32>
    %add3A_48 = arith.addf %mul3A_41, %broadcast_in_dim3A_47 : vector<1x4096xf32>
    %swap3A = arith.constant 0 : index
    %swap3A_49 = arith.constant 0 : index
    %swap3A_50 = vector.load %arg5[%swap3A, %swap3A_49] : memref<1x4096xf32, #tpu.memory_space<vmem>>, vector<1x4096xf32>
    tpu.vector_store %arg5[%swap3A, %swap3A_49], %add3A_48 {strides = array<i32>} : memref<1x4096xf32, #tpu.memory_space<vmem>>, vector<1x4096xf32>,
    %swap3A_51 = arith.constant 0 : index
    %swap3A_52 = arith.constant 0 : index
    %swap3A_53 = vector.load %arg4[%swap3A_51, %swap3A_52] : memref<1x4096xf32, #tpu.memory_space<vmem>>, vector<1x4096xf32>
    tpu.vector_store %arg4[%swap3A_51, %swap3A_52], %max3A {strides = array<i32>} : memref<1x4096xf32, #tpu.memory_space<vmem>>, vector<1x4096xf32>,
    %get3A_54 = arith.constant 0 : index
    %get3A_55 = memref.load %arg6[%get3A_54] : memref<2xf32, #tpu.memory_space<smem>>
    %add3A_56 = arith.addf %get3A_55, %reduce_sum3A_12 : f32
    %swap3A_57 = arith.constant 0 : index
    %swap3A_58 = memref.load %arg6[%swap3A_57] : memref<2xf32, #tpu.memory_space<smem>>
    memref.store %add3A_56, %arg6[%swap3A_57] : memref<2xf32, #tpu.memory_space<smem>>
    %get3A_59 = arith.constant 1 : index
    %get3A_60 = memref.load %arg6[%get3A_59] : memref<2xf32, #tpu.memory_space<smem>>
    %add3A_61 = arith.addf %get3A_60, %reduce_sum3A_23 : f32
    %swap3A_62 = arith.constant 1 : index
    %swap3A_63 = memref.load %arg6[%swap3A_62] : memref<2xf32, #tpu.memory_space<smem>>
    memref.store %add3A_61, %arg6[%swap3A_62] : memref<2xf32, #tpu.memory_space<smem>>
    %eq3A_64 = arith.constant 7 : i32
    %eq3A_65 = arith.cmpi eq, %arg0, %eq3A_64 : i32
    %convert_element_type3A_66 = arith.extui %eq3A_65 : i1 to i32
    %cond3A_67 = arith.constant 0 : i32
    %cond3A_68 = arith.cmpi ne, %convert_element_type3A_66, %cond3A_67 : i32
    scf.if %cond3A_68 {
      %get3A_69 = arith.constant 0 : index
      %get3A_70 = arith.constant 0 : index
      %get3A_71 = vector.load %arg4[%get3A_69, %get3A_70] : memref<1x4096xf32, #tpu.memory_space<vmem>>, vector<1x4096xf32>
      %get3A_72 = arith.constant 0 : index
      %get3A_73 = arith.constant 0 : index
      %get3A_74 = vector.load %arg5[%get3A_72, %get3A_73] : memref<1x4096xf32, #tpu.memory_space<vmem>>, vector<1x4096xf32>
      %log3A_75 = math.log %get3A_74 : vector<1x4096xf32>
      %add3A_76 = arith.addf %get3A_71, %log3A_75 : vector<1x4096xf32>
      %reduce_sum3A_77 = vector.shape_cast %add3A_76 : vector<1x4096xf32> to vector<1x1x4096xf32>
      %reduce_sum3A_78 = arith.constant dense<0.000000e+00> : vector<1xf32>
      %reduce_sum3A_79 = vector.multi_reduction <add>, %reduce_sum3A_77, %reduce_sum3A_78 [1, 2] : vector<1x1x4096xf32> to vector<1xf32>
      %reduce_sum3A_80 = vector.shape_cast %reduce_sum3A_79 : vector<1xf32> to vector<1x1x1xf32>
      %reduce_sum3A_81 = vector.extract %reduce_sum3A_80[0, 0, 0] : f32 from vector<1x1x1xf32>
      %get3A_82 = arith.constant 1 : index
      %get3A_83 = memref.load %arg6[%get3A_82] : memref<2xf32, #tpu.memory_space<smem>>
      %div3A = arith.constant 4.096000e+03 : f32
      %div3A_84 = arith.divf %get3A_83, %div3A : f32
      %div3A_85 = arith.constant 4.096000e+03 : f32
      %div3A_86 = arith.divf %reduce_sum3A_81, %div3A_85 : f32
      %add3A_87 = arith.addf %div3A_84, %div3A_86 : f32
      %mul3A_88 = arith.constant 5.000000e-01 : f32
      %mul3A_89 = arith.mulf %mul3A_88, %add3A_87 : f32
      %get3A_90 = arith.constant 0 : index
      %get3A_91 = memref.load %arg6[%get3A_90] : memref<2xf32, #tpu.memory_space<smem>>
      %div3A_92 = arith.constant 4.096000e+03 : f32
      %div3A_93 = arith.divf %get3A_91, %div3A_92 : f32
      %sub3A_94 = arith.subf %mul3A_89, %div3A_93 : f32
      %reshape3A = vector.broadcast %sub3A_94 : f32 to vector<1x1xf32>
      %swap3A_95 = arith.constant 0 : index
      %swap3A_96 = arith.constant 0 : index
      %swap3A_97 = vector.load %arg3[%swap3A_95, %swap3A_96] : memref<1x1xf32, #tpu.memory_space<vmem>>, vector<1x1xf32>
      tpu.vector_store %arg3[%swap3A_95, %swap3A_96], %reshape3A {strides = array<i32>} : memref<1x1xf32, #tpu.memory_space<vmem>>, vector<1x1xf32>,
    } else {
    }
    return
  }
  func.func @transform_0(%arg0: i32) -> (i32, i32) {
    %c0_i32 = arith.constant 0 : i32
    %c0_i32_0 = arith.constant 0 : i32
    return %arg0, %c0_i32 : i32, i32
  }
  func.func @transform_1(%arg0: i32) -> (i32, i32) {
    %c0_i32 = arith.constant 0 : i32
    %c0_i32_0 = arith.constant 0 : i32
    %c0_i32_1 = arith.constant 0 : i32
    return %c0_i32, %c0_i32_0 : i32, i32
  }
  func.func @transform_2(%arg0: i32) -> (i32, i32) {
    %c0_i32 = arith.constant 0 : i32
    %c0_i32_0 = arith.constant 0 : i32
    %c0_i32_1 = arith.constant 0 : i32
    return %c0_i32, %c0_i32_0 : i32, i32
  }
}

</mosaic_0001>

<sc_bundles>
// kernel: kernel.8.cloned.1.call-start
scs
__scs_entry_jumppad:
0x0: {  	(pc) =	sbr.rel $0x88, $3  }
0x1: {  	(tag) =	ssettag $0x0;
	lr =	simm.s32 $0x1  }
0x2: {  	[smem:$0x3F78] =	sst lr;
	_ =	strace $0xD0000000  }
0x3: {  	_ = 	snop  }
0x4: {  	_ = 	snop  }
0x5: {  	_ = 	snop  }
0x6: {  	_ = 	snop  }
0x7: {  	_ = 	snop  }
__scs_overlays_trampoline_lowered:
0x8: {  	[smem:$0x3F87] =	sst s0  }
0x9: {  	[smem:$0x3F88] =	sst s1  }
0xa: {  	[smem:$0x3F89] =	sst s2  }
0xb: {  	[smem:$0x3F8A] =	sst s3  }
0xc: {  	[smem:$0x3F8B] =	sst s4  }
0xd: {  	[smem:$0x3F8C] =	sst s5  }
0xe: {  	[smem:$0x3F8D] =	sst s6  }
0xf: {  	[smem:$0x3F8E] =	sst s7  }
0x10: {  	[smem:$0x3F8F] =	sst s8  }
0x11: {  	[smem:$0x3F90] =	sst s9;
	s0 =	simm.s32 @!p0 $0x0  }
0x12: {  	s1 =	sld [smem:$0x3F76];
	s0 =	simm.s32 @p0 $0x1  }
0x13: {  	[smem:$0x3F91] =	sst s0;
	s0 =	simm.s32 @!p1 $0x0  }
0x14: {  	s2 =	sld [smem:$0x3F75];
	s0 =	simm.s32 @p1 $0x1  }
0x15: {  	[smem:$0x3F92] =	sst s0;
	s0 =	simm.s32 @!p2 $0x0  }
0x16: {  	s3 =	sld [smem:$0x3FDB];
	s0 =	simm.s32 @p2 $0x1  }
0x17: {  	s4 =	simm.s32 $0x1BF5;
	[smem:$0x3F94] =	sst s0  }
0x18: {  	s0 =	sld [smem:$0x3F77];
	_ =	swait.ge [sflag:s4], $0x0  }
0x19: {  	s7 =	sld [smem:$0x3F78]  }
0x1a: {  	s8 =	sadd.s32 $0xFFFFE003, lr  }
0x1b: {  	s9 =	sadd.s32 $0xFFFFFEF7, lr;
	s5 =	simm.s32 $0xFFFFFFFF;
	p2 =	slt.u32 s8, $0xFFFFF086  }
0x1c: {  	p1 =	slt.u32 s9, $0xF7A;
	s5 =	simm.s32 @!p2 $0x0  }
0x1d: {  	s5 =	simm.s32 @p1 $0x1;
	p0 =	seq.s32 s7, s2  }
0x1e: {  	s7 =	smul.u32 @!p0 $0xF7A, s2;
	p2 =	seq.s32 @!p0 s5, $0x0  }
0x1f: {  	s9 =	smul.u32 $0xF7A, s1;
	s8 =	simm.s32 @!p0 $0x1BF5;
	p2 =	por !p2, p0  }
0x20: {  	[sflag:s8] =	ssyncset.s32 @!p0 $0xFFFFF086;
	s6 =	sadd.s32 @!p0 s3, s7;
	s7 =	simm.s32 @!p0 $0x108  }
0x21: {  	s3 =	sadd.s32 s3, s9;
	s6 =	sadd.s32 @!p0 $0x88, s6;
	s7 =	simm.s32 @p2 $0x1082  }
0x22: {  	[simem:s7], [sflag:s8] =	dma.local @!p0 [hbm:s6], $0xF7A  }
0x23: {  	s9 =	sor.u32 $0xD0000000, s2;
	s6 =	simm.s32 $0x108;
	_ =	swait.ge @!p0 [sflag:s8], $0x0  }
0x24: {  	s3 =	sadd.s32 $0x88, s3;
	s6 =	simm.s32 @!p1 $0x1082;
	[sflag:s4] =	ssyncset.s32 $0xFFFFF086  }
0x25: {  	[simem:s6], [sflag:s4] =	dma.local [hbm:s3], $0xF7A  }
0x26: {  	[smem:$0x3F78] =	sst s1;
	(tag) =	ssettag s2;
	_ =	strace s9  }
0x27: {  	s1 =	sld [smem:$0x3F88]  }
0x28: {  	s2 =	sld [smem:$0x3F89]  }
0x29: {  	s4 =	sld [smem:$0x3F8B]  }
0x2a: {  	p0 =	seq.s32 s5, $0x0;
	s5 =	sld [smem:$0x3F8C]  }
0x2b: {  	s6 =	sld [smem:$0x3F8D]  }
0x2c: {  	s7 =	sld [smem:$0x3F8E]  }
0x2d: {  	s3 =	simm.s32 $0x108;
	s8 =	sld [smem:$0x3F8F]  }
0x2e: {  	s3 =	simm.s32 @!p0 $0x1082;
	s9 =	sld [smem:$0x3F90]  }
0x2f: {  	lr =	sadd.s32 s0, s3;
	s0 =	sld [smem:$0x3F87]  }
0x30: {  	s3 =	sld [smem:$0x3F8A]  }
0x31: {  	[smem:$0x3F93] =	sst s10  }
0x32: {  	s10 =	sld [smem:$0x3F91];
	_ =	sdelay $0x3  }
0x33: {  	p0 =	seq.s32 s10, $0x1;
	s10 =	sld [smem:$0x3F93];
	_ =	sdelay $0x3  }
0x34: {  	[smem:$0x3F93] =	sst s10  }
0x35: {  	s10 =	sld [smem:$0x3F92];
	_ =	sdelay $0x3  }
0x36: {  	p1 =	seq.s32 s10, $0x1;
	s10 =	sld [smem:$0x3F93];
	_ =	sdelay $0x3  }
0x37: {  	[smem:$0x3F93] =	sst s10  }
0x38: {  	s10 =	sld [smem:$0x3F94]  }
0x39: {  	_ = 	snop;
	(pc) =	sbr.ind lr, $3  }
0x3a: {  	_ = 	snop  }
0x3b: {  	_ = 	snop  }
0x3c: {  	p2 =	seq.s32 s10, $0x1;
	s10 =	sld [smem:$0x3F93]  }
0x3d: {  	_ =	shalt  }
0x3e: {  	_ =	shalt  }
0x3f: {  	_ =	shalt  }
0x40: {  	_ =	shalt  }
0x41: {  	_ =	shalt  }
0x42: {  	_ =	shalt  }
0x43: {  	_ =	shalt  }
0x44: {  	_ =	shalt  }
0x45: {  	_ =	shalt  }
0x46: {  	_ =	shalt  }
0x47: {  	_ =	shalt  }
0x48: {  	_ =	shalt  }
0x49: {  	_ =	shalt  }
0x4a: {  	_ =	shalt  }
0x4b: {  	_ =	shalt  }
0x4c: {  	_ =	shalt  }
0x4d: {  	_ =	shalt  }
0x4e: {  	_ =	shalt  }
0x4f: {  	_ =	shalt  }
0x50: {  	_ =	shalt  }
0x51: {  	_ =	shalt  }
0x52: {  	_ =	shalt  }
0x53: {  	_ =	shalt  }
0x54: {  	_ =	shalt  }
0x55: {  	_ =	shalt  }
0x56: {  	_ =	shalt  }
0x57: {  	_ =	shalt  }
0x58: {  	_ =	shalt  }
0x59: {  	_ =	shalt  }
0x5a: {  	_ =	shalt  }
0x5b: {  	_ =	shalt  }
0x5c: {  	_ =	shalt  }
0x5d: {  	_ =	shalt  }
0x5e: {  	_ =	shalt  }
0x5f: {  	_ =	shalt  }
0x60: {  	_ =	shalt  }
0x61: {  	_ =	shalt  }
0x62: {  	_ =	shalt  }
0x63: {  	_ =	shalt  }
0x64: {  	_ =	shalt  }
0x65: {  	_ =	shalt  }
0x66: {  	_ =	shalt  }
0x67: {  	_ =	shalt  }
0x68: {  	_ =	shalt  }
0x69: {  	_ =	shalt  }
0x6a: {  	_ =	shalt  }
0x6b: {  	_ =	shalt  }
0x6c: {  	_ =	shalt  }
0x6d: {  	_ =	shalt  }
0x6e: {  	_ =	shalt  }
0x6f: {  	_ =	shalt  }
0x70: {  	_ =	shalt  }
0x71: {  	_ =	shalt  }
0x72: {  	_ =	shalt  }
0x73: {  	_ =	shalt  }
0x74: {  	_ =	shalt  }
0x75: {  	_ =	shalt  }
0x76: {  	_ =	shalt  }
0x77: {  	_ =	shalt  }
0x78: {  	_ =	shalt  }
0x79: {  	_ =	shalt  }
0x7a: {  	_ =	shalt  }
0x7b: {  	_ =	shalt  }
0x7c: {  	_ =	shalt  }
0x7d: {  	_ =	shalt  }
0x7e: {  	_ =	shalt  }
0x7f: {  	_ =	shalt  }
0x80: {  	_ =	shalt  }
0x81: {  	_ =	shalt  }
0x82: {  	_ =	shalt  }
0x83: {  	_ =	shalt  }
0x84: {  	_ =	shalt  }
0x85: {  	_ =	shalt  }
0x86: {  	_ =	shalt  }
0x87: {  	_ =	shalt  }
.Lfunc_end0:
.L_simem_size_0:
called_computation.2_lowered:
.L_overlay_start_0:
0x88: {  	s2 =	sld [smem:$0x3FD9]  }
0x89: {  	s3 =	sld [smem:$0x3FFE];
	_ =	sdelay $0x1  }
0x8a: {  	s1 =	srdreg.scid  }
0x8b: {  	s0 =	sand.u32 $0x1, s1  }
0x8c: {  	s17 =	sshll.u32 s0, $0xA;
	s2 =	sadd.s32 s3, s2  }
0x8d: {  	s2 =	sadd.s32 s2, s17  }
0x8e: {  	[smem:$0x3F9F] =	sst s2  }
0x8f: {  	_ = 	snop  }
0x90: {  	s2 =	sld [smem:$0x3FC5]  }
0x91: {  	s18 =	sld [smem:$0x3FC4];
	(tm) =	ssettm $0x1  }
0x92: {  	s4 =	sld [smem:$0x3FFB];
	_ =	sdelay $0x3  }
0x93: {  	_ =	strace s4  }
0x94: {  	s4 =	sld [smem:$0x3FFC];
	_ =	sdelay $0x3  }
0x95: {  	_ =	strace s4  }
0x96: {  	s4 =	sld [smem:$0x3FFD];
	_ =	sdelay $0x3  }
0x97: {  	_ =	strace s4  }
0x98: {  	_ =	strace $0x8FFFFFFF  }
0x99: {  	s19 =	sld [smem:$0x3FDB];
	_ =	sdelay $0x1  }
0x9a: {  	s5 =	simm.s32 $_scs_section_size  }
0x9b: {  	s6 =	simm.s32 $_size__tile_overlayer_lowered;
	s7 =	simm.s32 $_tile_overlayer_lowered  }
0x9c: {  	s22 =	simm.s32 $0x1BFF;
	s21 =	sshll.u32 s7, $0x1;
	s4 =	sadd.s32 s5, s19  }
0x9d: {  	s8 =	simm.s32 $0x0;
	s20 =	sshll.u32 s6, $0x1;
	s6 =	sadd.s32 s21, s4  }
0x9e: {  	[timem:s8], [sflag:s22] =	dma.local [hbm:s6], s20  }
0x9f: {  	_ =	swait.ge [sflag:s22], s20  }
0xa0: {  	s5 =	ssub.s32 $0x0, s20;
	[sflag:s22] =	ssyncset.done $0x0  }
0xa1: {  	[sflag:s22] =	ssyncadd.s32 s5;
	_ =	sdelay $0x1  }
0xa2: {  	s23 =	simm.s32 $0x1B8B  }
0xa3: {  	_ =	swait.ge [sflag:s23], $0x1  }
0xa4: {  	[sflag:s23] =	ssyncset.done $0x0  }
0xa5: {  	s25 =	simm.s32 $0x1B8E;
	s24 =	sld [smem:$0x3FFE];
	[sflag:s23] =	ssyncadd.s32 $0xFFFFFFFF  }
0xa6: {  	s26 =	simm.s32 $execute0_lowered;
	[smem:$0x3FD2] =	sst s25  }
0xa7: {  	s6 =	sshll.u32 s26, $0x1;
	_ =	strace $0x80000046;
	[dreg:$0x1] =	wrdreg $0xFFFFFFFF  }
0xa8: {  	s28 =	simm.s32 $_size_execute0_lowered;
	s4 =	sadd.s32 s4, s6;
	[dreg:$0x0] =	wrdreg $0x0  }
0xa9: {  	s6 =	sshll.u32 s28, $0x1;
	[dreg:$0x2] =	wrdreg s4  }
0xaa: {  	[dreg:$0x3] =	wrdreg s6  }
0xab: {  	[dreg:$0x4] =	wrdreg $0xC0  }
0xac: {  	_ =	task [dreg:s8], $0x5FFFF  }
0xad: {  	[dreg:$0x1] =	wrdreg $0xFFFFFFFF  }
0xae: {  	[dreg:$0x0] =	wrdreg $0x60  }
0xaf: {  	[dreg:$0x2] =	wrdreg s2  }
0xb0: {  	[dreg:$0x3] =	wrdreg s18  }
0xb1: {  	[dreg:$0x4] =	wrdreg s24  }
0xb2: {  	[dreg:$0x5] =	wrdreg $0x9  }
0xb3: {  	_ =	task.clear_ibuf [dreg:s8], $0x6FFFF;
	_ =	strace $0x90000046  }
0xb4: {  	s29 =	simm.s32 $0x9;
	_ =	strace $0x80000048  }
0xb5: {  	_ =	swait.ge [sflag:s29], $0x1  }
0xb6: {  	[sflag:s29] =	ssyncadd.s32 $0xFFFFFFFF  }
0xb7: {  	_ =	strace $0x90000048  }
0xb8: {  	_ =	sfence  }
0xb9: {  	s30 =	sld [smem:$0x0];
	_ =	sdelay $0x2  }
0xba: {  	s31 =	sshll.u32 s1, $0xD;
	s1 =	sshrl.u32 s1, $0x2  }
0xbb: {  	s3 =	sand.u32 $0x4000, s31;
	s1 =	sadd.s32 s1, s30  }
0xbc: {  	s0 =	sor.u32 s3, s0;
	s1 =	sshll.u32 s1, $0x11  }
0xbd: {  	s0 =	sor.u32 s1, s0  }
0xbe: {  	s0 =	sadd.s32 $0x8F2B, s0  }
0xbf: {  	[sflag:s0] =	ssyncadd.remote.s32 $0x1  }
0xc0: {  	_ =	sfence.sel $0xFFFF  }
0xc1: {  	[dreg:$0x0] =	wrdreg $0xFFFFFFFF;
	(pc) =	sbr.abs _section_cstart, $3  }
0xc2: {  	[dreg:$0x1] =	wrdreg $0xFFFFFFFF  }
0xc3: {  	_ =	task.clear_ibuf [dreg:s8], $0x2FFFF;
	_ =	strace $0x9FFFFFFF  }
0xc4: {  	(tm) =	ssettm $0x7FFFFFFF  }
0xc5: {  	_ =	shalt  }
tec
execute0_lowered:
.L_overlay_start_1:
0x0: {  	(tag) =	ssettag $0x1  }
0x1: {  	s1 =	rddreg [dreg:$0x0]  }
0x2: {  	s2 =	rddreg [dreg:$0x1]  }
0x3: {  	s0 =	rddreg [dreg:$0x2]  }
0x4: {  	s3 =	srdreg.scid;
	s4 =	simm.s32 $0x0;
	s5 =	stileid.u32  }
0x5: {  	s9 =	simm.s32 $0x3;
	s11 =	simm.s32 $0x100;
	s30 =	simm.s32 $0x9100  }
0x6: {  	s31 =	simm.s32 $0x9900;
	s10 =	simm.s32 $0xB100;
	s12 =	simm.s32 $0xB900  }
0x7: {  	s13 =	simm.s32 $0xC100;
	s14 =	simm.s32 $0xC900;
	s15 =	simm.s32 $0xD100  }
0x8: {  	s16 =	simm.s32 $0xD900;
	s17 =	simm.s32 $0xE100;
	s18 =	simm.s32 $0xE900  }
0x9: {  	s19 =	simm.s32 $0xF100;
	s20 =	simm.s32 $0xF900;
	s21 =	simm.s32 $0x1  }
0xa: {  	s22 =	simm.s32 $0x2;
	s23 =	simm.s32 $0x0;
	s3 =	sand.u32 $0x1, s3  }
0xb: {  	[smem:$0x7FF] =	sst s4;
	s5 =	sshll.u32 s5, $0x8;
	s6 =	sshll.u32 s3, $0x7  }
0xc: {  	_ =	strace $0x80000047;
	s3 =	ssub.s32 $0x2, s3;
	s5 =	sor.u32 s6, s5  }
0xd: {  	s29 =	sshrl.u32 s3, $0x1;
	s6 =	sshrl.u32 s5, $0x3;
	s5 =	sshll.u32 s5, $0x5  }
0xe: {  	v2 =	vlaneseq.u32;
	s3 =	ssub.s32 s3, s29;
	s6 =	sadd.s32 s6, s0;
	s0 =	sadd.s32 s5, s0  }
0xf: {  	vm0 =	vmmov $0xffff;
	v1 =	vshrl.u32 v2, $0x3;
	s8 =	smax.u32 s3, $0x1;
	s3 =	simm.s32 $0xA900;
	s5 =	sadd.s32 $0x6C00, s6  }
0x10: {  	v0 =	vand.u32 $0x7, v2;
	v2 =	vor.u32 $0x8, v2;
	v1 =	vmul.u32 $0x8, v1;
	s6 =	sadd.s32 $0x6A00, s6;
	s7 =	sadd.s32 $0x6E00, s0;
	s0 =	simm.s32 $0xA100  }
.LBB2_1:
0x11: {  	[tilespmem:s4], [sflag:$0x3] =	stream.linear.gather [hbm4b:s5+s4], $0x80, $0x38;
	[tilespmem:$0x10100] =	vst v63  }
0x12: {  	_ =	swait.ge [sflag:s9], $0x80  }
0x13: {  	[sflag:s9] =	ssyncset.done $0x0  }
0x14: {  	s24 =	simm.s32 $0x80;
	[sflag:s9] =	ssyncadd.s32 $0xFFFFFF80  }
0x15: {  	[tilespmem:s24], [sflag:$0x3] =	stream.linear.gather [hbm4b:s6+s4], $0x80, $0x38;
	[tilespmem:$0x10100] =	vst v63  }
0x16: {  	_ =	swait.ge [sflag:s9], $0x80  }
0x17: {  	[sflag:s9] =	ssyncset.done $0x0  }
0x18: {  	[sflag:s9] =	ssyncadd.s32 $0xFFFFFF80  }
0x19: {  	v3 =	vld [tilespmem:$0x0];
	_ =	sdelay $0x4  }
0x1a: {  	v4 =	vshll.u32 v3, $0x1  }
0x1b: {  	v3 =	vand.u32 $0x7, v3;
	v4 =	vand.u32 $0xFFFFFFF0, v4  }
0x1c: {  	v3 =	vor.u32 v3, v4  }
0x1d: {  	v4 =	vperm.xlane v3, v0;
	_ =	sdelay $0x1  }
0x1e: {  	v3 =	vperm.xlane v3, v2;
	v4 =	vadd.s32 v1, v4;
	_ =	sdelay $0x1  }
0x1f: {  	v3 =	vadd.s32 v1, v3;
	_ =	sdelay $0x2  }
0x20: {  	[tilespmem:s11], [sflag:$0x1] =	stream.indirect_vreg.gather [hbm4b:s1+s4], $0x80, v4, vm0, $0xb8;
	[tilespmem:$0x10100] =	vst v63  }
0x21: {  	s28 =	simm.s32 $0x900  }
0x22: {  	[tilespmem:s28], [sflag:$0x1] =	stream.indirect_vreg.gather [hbm4b:s1+s4], $0x80, v3, vm0, $0xb8;
	[tilespmem:$0x10100] =	vst v63  }
0x23: {  	v3 =	vld [tilespmem:$0x10];
	_ =	sdelay $0x4  }
0x24: {  	v4 =	vshll.u32 v3, $0x1  }
0x25: {  	v3 =	vand.u32 $0x7, v3;
	v4 =	vand.u32 $0xFFFFFFF0, v4  }
0x26: {  	v3 =	vor.u32 v3, v4  }
0x27: {  	v4 =	vperm.xlane v3, v0;
	_ =	sdelay $0x1  }
0x28: {  	v3 =	vperm.xlane v3, v2;
	v4 =	vadd.s32 v1, v4;
	_ =	sdelay $0x1  }
0x29: {  	v3 =	vadd.s32 v1, v3;
	_ =	sdelay $0x1  }
0x2a: {  	s29 =	simm.s32 $0x1100  }
0x2b: {  	[tilespmem:s29], [sflag:$0x1] =	stream.indirect_vreg.gather [hbm4b:s1+s4], $0x80, v4, vm0, $0xb8;
	[tilespmem:$0x10100] =	vst v63  }
0x2c: {  	s25 =	simm.s32 $0x1900  }
0x2d: {  	[tilespmem:s25], [sflag:$0x1] =	stream.indirect_vreg.gather [hbm4b:s1+s4], $0x80, v3, vm0, $0xb8;
	[tilespmem:$0x10100] =	vst v63  }
0x2e: {  	v3 =	vld [tilespmem:$0x20];
	_ =	sdelay $0x4  }
0x2f: {  	v4 =	vshll.u32 v3, $0x1  }
0x30: {  	v3 =	vand.u32 $0x7, v3;
	v4 =	vand.u32 $0xFFFFFFF0, v4  }
0x31: {  	v3 =	vor.u32 v3, v4  }
0x32: {  	v4 =	vperm.xlane v3, v0;
	_ =	sdelay $0x1  }
0x33: {  	v3 =	vperm.xlane v3, v2;
	v4 =	vadd.s32 v1, v4;
	_ =	sdelay $0x1  }
0x34: {  	v3 =	vadd.s32 v1, v3;
	_ =	sdelay $0x1  }
0x35: {  	s26 =	simm.s32 $0x2100  }
0x36: {  	[tilespmem:s26], [sflag:$0x1] =	stream.indirect_vreg.gather [hbm4b:s1+s4], $0x80, v4, vm0, $0xb8;
	[tilespmem:$0x10100] =	vst v63  }
0x37: {  	s28 =	simm.s32 $0x2900  }
0x38: {  	[tilespmem:s28], [sflag:$0x1] =	stream.indirect_vreg.gather [hbm4b:s1+s4], $0x80, v3, vm0, $0xb8;
	[tilespmem:$0x10100] =	vst v63  }
0x39: {  	v3 =	vld [tilespmem:$0x30];
	_ =	sdelay $0x4  }
0x3a: {  	v4 =	vshll.u32 v3, $0x1  }
0x3b: {  	v3 =	vand.u32 $0x7, v3;
	v4 =	vand.u32 $0xFFFFFFF0, v4  }
0x3c: {  	v3 =	vor.u32 v3, v4  }
0x3d: {  	v4 =	vperm.xlane v3, v0;
	_ =	sdelay $0x1  }
0x3e: {  	v3 =	vperm.xlane v3, v2;
	v4 =	vadd.s32 v1, v4;
	_ =	sdelay $0x1  }
0x3f: {  	v3 =	vadd.s32 v1, v3;
	_ =	sdelay $0x1  }
0x40: {  	s29 =	simm.s32 $0x3100  }
0x41: {  	[tilespmem:s29], [sflag:$0x1] =	stream.indirect_vreg.gather [hbm4b:s1+s4], $0x80, v4, vm0, $0xb8;
	[tilespmem:$0x10100] =	vst v63  }
0x42: {  	s25 =	simm.s32 $0x3900  }
0x43: {  	[tilespmem:s25], [sflag:$0x1] =	stream.indirect_vreg.gather [hbm4b:s1+s4], $0x80, v3, vm0, $0xb8;
	[tilespmem:$0x10100] =	vst v63  }
0x44: {  	v3 =	vld [tilespmem:$0x40];
	_ =	sdelay $0x4  }
0x45: {  	v4 =	vshll.u32 v3, $0x1  }
0x46: {  	v3 =	vand.u32 $0x7, v3;
	v4 =	vand.u32 $0xFFFFFFF0, v4  }
0x47: {  	v3 =	vor.u32 v3, v4  }
0x48: {  	v4 =	vperm.xlane v3, v0;
	_ =	sdelay $0x1  }
0x49: {  	v3 =	vperm.xlane v3, v2;
	v4 =	vadd.s32 v1, v4;
	_ =	sdelay $0x1  }
0x4a: {  	v3 =	vadd.s32 v1, v3;
	_ =	sdelay $0x1  }
0x4b: {  	s26 =	simm.s32 $0x4100  }
0x4c: {  	[tilespmem:s26], [sflag:$0x1] =	stream.indirect_vreg.gather [hbm4b:s1+s4], $0x80, v4, vm0, $0xb8;
	[tilespmem:$0x10100] =	vst v63  }
0x4d: {  	s28 =	simm.s32 $0x4900  }
0x4e: {  	[tilespmem:s28], [sflag:$0x1] =	stream.indirect_vreg.gather [hbm4b:s1+s4], $0x80, v3, vm0, $0xb8;
	[tilespmem:$0x10100] =	vst v63  }
0x4f: {  	v3 =	vld [tilespmem:$0x50];
	_ =	sdelay $0x4  }
0x50: {  	v4 =	vshll.u32 v3, $0x1  }
0x51: {  	v3 =	vand.u32 $0x7, v3;
	v4 =	vand.u32 $0xFFFFFFF0, v4  }
0x52: {  	v3 =	vor.u32 v3, v4  }
0x53: {  	v4 =	vperm.xlane v3, v0;
	_ =	sdelay $0x1  }
0x54: {  	v3 =	vperm.xlane v3, v2;
	v4 =	vadd.s32 v1, v4;
	_ =	sdelay $0x1  }
0x55: {  	v3 =	vadd.s32 v1, v3;
	_ =	sdelay $0x1  }
0x56: {  	s29 =	simm.s32 $0x5100  }
0x57: {  	[tilespmem:s29], [sflag:$0x1] =	stream.indirect_vreg.gather [hbm4b:s1+s4], $0x80, v4, vm0, $0xb8;
	[tilespmem:$0x10100] =	vst v63  }
0x58: {  	s25 =	simm.s32 $0x5900  }
0x59: {  	[tilespmem:s25], [sflag:$0x1] =	stream.indirect_vreg.gather [hbm4b:s1+s4], $0x80, v3, vm0, $0xb8;
	[tilespmem:$0x10100] =	vst v63  }
0x5a: {  	v3 =	vld [tilespmem:$0x60];
	_ =	sdelay $0x4  }
0x5b: {  	v4 =	vshll.u32 v3, $0x1  }
0x5c: {  	v3 =	vand.u32 $0x7, v3;
	v4 =	vand.u32 $0xFFFFFFF0, v4  }
0x5d: {  	v3 =	vor.u32 v3, v4  }
0x5e: {  	v4 =	vperm.xlane v3, v0;
	_ =	sdelay $0x1  }
0x5f: {  	v3 =	vperm.xlane v3, v2;
	v4 =	vadd.s32 v1, v4;
	_ =	sdelay $0x1  }
0x60: {  	v3 =	vadd.s32 v1, v3;
	_ =	sdelay $0x1  }
0x61: {  	s26 =	simm.s32 $0x6100  }
0x62: {  	[tilespmem:s26], [sflag:$0x1] =	stream.indirect_vreg.gather [hbm4b:s1+s4], $0x80, v4, vm0, $0xb8;
	[tilespmem:$0x10100] =	vst v63  }
0x63: {  	s28 =	simm.s32 $0x6900  }
0x64: {  	[tilespmem:s28], [sflag:$0x1] =	stream.indirect_vreg.gather [hbm4b:s1+s4], $0x80, v3, vm0, $0xb8;
	[tilespmem:$0x10100] =	vst v63  }
0x65: {  	v3 =	vld [tilespmem:$0x70];
	_ =	sdelay $0x4  }
0x66: {  	v4 =	vshll.u32 v3, $0x1  }
0x67: {  	v3 =	vand.u32 $0x7, v3;
	v4 =	vand.u32 $0xFFFFFFF0, v4  }
0x68: {  	v3 =	vor.u32 v3, v4  }
0x69: {  	v4 =	vperm.xlane v3, v0;
	_ =	sdelay $0x1  }
0x6a: {  	v3 =	vperm.xlane v3, v2;
	v4 =	vadd.s32 v1, v4;
	_ =	sdelay $0x1  }
0x6b: {  	v3 =	vadd.s32 v1, v3;
	_ =	sdelay $0x1  }
0x6c: {  	s29 =	simm.s32 $0x7100  }
0x6d: {  	[tilespmem:s29], [sflag:$0x1] =	stream.indirect_vreg.gather [hbm4b:s1+s4], $0x80, v4, vm0, $0xb8;
	[tilespmem:$0x10100] =	vst v63  }
0x6e: {  	s25 =	simm.s32 $0x7900  }
0x6f: {  	[tilespmem:s25], [sflag:$0x1] =	stream.indirect_vreg.gather [hbm4b:s1+s4], $0x80, v3, vm0, $0xb8;
	[tilespmem:$0x10100] =	vst v63  }
0x70: {  	v3 =	vld [tilespmem:$0x80];
	_ =	sdelay $0x4  }
0x71: {  	v4 =	vshll.u32 v3, $0x1  }
0x72: {  	v3 =	vand.u32 $0x7, v3;
	v4 =	vand.u32 $0xFFFFFFF0, v4  }
0x73: {  	v3 =	vor.u32 v3, v4  }
0x74: {  	v4 =	vperm.xlane v3, v0;
	_ =	sdelay $0x1  }
0x75: {  	v3 =	vperm.xlane v3, v2;
	v4 =	vadd.s32 v1, v4;
	_ =	sdelay $0x1  }
0x76: {  	v3 =	vadd.s32 v1, v3;
	_ =	sdelay $0x1  }
0x77: {  	s26 =	simm.s32 $0x8100  }
0x78: {  	[tilespmem:s26], [sflag:$0x2] =	stream.indirect_vreg.gather [hbm4b:s2+s4], $0x80, v4, vm0, $0xb8;
	[tilespmem:$0x10100] =	vst v63  }
0x79: {  	s28 =	simm.s32 $0x8900  }
0x7a: {  	[tilespmem:s28], [sflag:$0x2] =	stream.indirect_vreg.gather [hbm4b:s2+s4], $0x80, v3, vm0, $0xb8;
	[tilespmem:$0x10100] =	vst v63  }
0x7b: {  	v3 =	vld [tilespmem:$0x90];
	_ =	sdelay $0x4  }
0x7c: {  	v4 =	vshll.u32 v3, $0x1  }
0x7d: {  	v3 =	vand.u32 $0x7, v3;
	v4 =	vand.u32 $0xFFFFFFF0, v4  }
0x7e: {  	v3 =	vor.u32 v3, v4  }
0x7f: {  	v4 =	vperm.xlane v3, v0;
	_ =	sdelay $0x1  }
0x80: {  	v3 =	vperm.xlane v3, v2;
	v4 =	vadd.s32 v1, v4;
	_ =	sdelay $0x1  }
0x81: {  	v3 =	vadd.s32 v1, v3;
	_ =	sdelay $0x2  }
0x82: {  	[tilespmem:s30], [sflag:$0x2] =	stream.indirect_vreg.gather [hbm4b:s2+s4], $0x80, v4, vm0, $0xb8;
	[tilespmem:$0x10100] =	vst v63  }
0x83: {  	_ = 	snop  }
0x84: {  	[tilespmem:s31], [sflag:$0x2] =	stream.indirect_vreg.gather [hbm4b:s2+s4], $0x80, v3, vm0, $0xb8;
	[tilespmem:$0x10100] =	vst v63  }
0x85: {  	v3 =	vld [tilespmem:$0xA0];
	_ =	sdelay $0x4  }
0x86: {  	v4 =	vshll.u32 v3, $0x1  }
0x87: {  	v3 =	vand.u32 $0x7, v3;
	v4 =	vand.u32 $0xFFFFFFF0, v4  }
0x88: {  	v3 =	vor.u32 v3, v4  }
0x89: {  	v4 =	vperm.xlane v3, v0;
	_ =	sdelay $0x1  }
0x8a: {  	v3 =	vperm.xlane v3, v2;
	v4 =	vadd.s32 v1, v4;
	_ =	sdelay $0x1  }
0x8b: {  	v3 =	vadd.s32 v1, v3;
	_ =	sdelay $0x2  }
0x8c: {  	[tilespmem:s0], [sflag:$0x2] =	stream.indirect_vreg.gather [hbm4b:s2+s4], $0x80, v4, vm0, $0xb8;
	[tilespmem:$0x10100] =	vst v63  }
0x8d: {  	_ = 	snop  }
0x8e: {  	[tilespmem:s3], [sflag:$0x2] =	stream.indirect_vreg.gather [hbm4b:s2+s4], $0x80, v3, vm0, $0xb8;
	[tilespmem:$0x10100] =	vst v63  }
0x8f: {  	v3 =	vld [tilespmem:$0xB0];
	_ =	sdelay $0x4  }
0x90: {  	v4 =	vshll.u32 v3, $0x1  }
0x91: {  	v3 =	vand.u32 $0x7, v3;
	v4 =	vand.u32 $0xFFFFFFF0, v4  }
0x92: {  	v3 =	vor.u32 v3, v4  }
0x93: {  	v4 =	vperm.xlane v3, v0;
	_ =	sdelay $0x1  }
0x94: {  	v3 =	vperm.xlane v3, v2;
	v4 =	vadd.s32 v1, v4;
	_ =	sdelay $0x1  }
0x95: {  	v3 =	vadd.s32 v1, v3;
	_ =	sdelay $0x2  }
0x96: {  	[tilespmem:s10], [sflag:$0x2] =	stream.indirect_vreg.gather [hbm4b:s2+s4], $0x80, v4, vm0, $0xb8;
	[tilespmem:$0x10100] =	vst v63  }
0x97: {  	_ = 	snop  }
0x98: {  	[tilespmem:s12], [sflag:$0x2] =	stream.indirect_vreg.gather [hbm4b:s2+s4], $0x80, v3, vm0, $0xb8;
	[tilespmem:$0x10100] =	vst v63  }
0x99: {  	v3 =	vld [tilespmem:$0xC0];
	_ =	sdelay $0x4  }
0x9a: {  	v4 =	vshll.u32 v3, $0x1  }
0x9b: {  	v3 =	vand.u32 $0x7, v3;
	v4 =	vand.u32 $0xFFFFFFF0, v4  }
0x9c: {  	v3 =	vor.u32 v3, v4  }
0x9d: {  	v4 =	vperm.xlane v3, v0;
	_ =	sdelay $0x1  }
0x9e: {  	v3 =	vperm.xlane v3, v2;
	v4 =	vadd.s32 v1, v4;
	_ =	sdelay $0x1  }
0x9f: {  	v3 =	vadd.s32 v1, v3;
	_ =	sdelay $0x2  }
0xa0: {  	[tilespmem:s13], [sflag:$0x2] =	stream.indirect_vreg.gather [hbm4b:s2+s4], $0x80, v4, vm0, $0xb8;
	[tilespmem:$0x10100] =	vst v63  }
0xa1: {  	_ = 	snop  }
0xa2: {  	[tilespmem:s14], [sflag:$0x2] =	stream.indirect_vreg.gather [hbm4b:s2+s4], $0x80, v3, vm0, $0xb8;
	[tilespmem:$0x10100] =	vst v63  }
0xa3: {  	v3 =	vld [tilespmem:$0xD0];
	_ =	sdelay $0x4  }
0xa4: {  	v4 =	vshll.u32 v3, $0x1  }
0xa5: {  	v3 =	vand.u32 $0x7, v3;
	v4 =	vand.u32 $0xFFFFFFF0, v4  }
0xa6: {  	v3 =	vor.u32 v3, v4  }
0xa7: {  	v4 =	vperm.xlane v3, v0;
	_ =	sdelay $0x1  }
0xa8: {  	v3 =	vperm.xlane v3, v2;
	v4 =	vadd.s32 v1, v4;
	_ =	sdelay $0x1  }
0xa9: {  	v3 =	vadd.s32 v1, v3;
	_ =	sdelay $0x2  }
0xaa: {  	[tilespmem:s15], [sflag:$0x2] =	stream.indirect_vreg.gather [hbm4b:s2+s4], $0x80, v4, vm0, $0xb8;
	[tilespmem:$0x10100] =	vst v63  }
0xab: {  	_ = 	snop  }
0xac: {  	[tilespmem:s16], [sflag:$0x2] =	stream.indirect_vreg.gather [hbm4b:s2+s4], $0x80, v3, vm0, $0xb8;
	[tilespmem:$0x10100] =	vst v63  }
0xad: {  	v3 =	vld [tilespmem:$0xE0];
	_ =	sdelay $0x4  }
0xae: {  	v4 =	vshll.u32 v3, $0x1  }
0xaf: {  	v3 =	vand.u32 $0x7, v3;
	v4 =	vand.u32 $0xFFFFFFF0, v4  }
0xb0: {  	v3 =	vor.u32 v3, v4  }
0xb1: {  	v4 =	vperm.xlane v3, v0;
	_ =	sdelay $0x1  }
0xb2: {  	v3 =	vperm.xlane v3, v2;
	v4 =	vadd.s32 v1, v4;
	_ =	sdelay $0x1  }
0xb3: {  	v3 =	vadd.s32 v1, v3;
	_ =	sdelay $0x2  }
0xb4: {  	[tilespmem:s17], [sflag:$0x2] =	stream.indirect_vreg.gather [hbm4b:s2+s4], $0x80, v4, vm0, $0xb8;
	[tilespmem:$0x10100] =	vst v63  }
0xb5: {  	_ = 	snop  }
0xb6: {  	[tilespmem:s18], [sflag:$0x2] =	stream.indirect_vreg.gather [hbm4b:s2+s4], $0x80, v3, vm0, $0xb8;
	[tilespmem:$0x10100] =	vst v63  }
0xb7: {  	v3 =	vld [tilespmem:$0xF0];
	_ =	sdelay $0x4  }
0xb8: {  	v4 =	vshll.u32 v3, $0x1  }
0xb9: {  	v3 =	vand.u32 $0x7, v3;
	v4 =	vand.u32 $0xFFFFFFF0, v4  }
0xba: {  	v3 =	vor.u32 v3, v4  }
0xbb: {  	v4 =	vperm.xlane v3, v0;
	_ =	sdelay $0x1  }
0xbc: {  	v3 =	vperm.xlane v3, v2;
	v4 =	vadd.s32 v1, v4;
	_ =	sdelay $0x1  }
0xbd: {  	v3 =	vadd.s32 v1, v3;
	_ =	sdelay $0x2  }
0xbe: {  	[tilespmem:s19], [sflag:$0x2] =	stream.indirect_vreg.gather [hbm4b:s2+s4], $0x80, v4, vm0, $0xb8;
	[tilespmem:$0x10100] =	vst v63  }
0xbf: {  	_ = 	snop  }
0xc0: {  	[tilespmem:s20], [sflag:$0x2] =	stream.indirect_vreg.gather [hbm4b:s2+s4], $0x80, v3, vm0, $0xb8;
	[tilespmem:$0x10100] =	vst v63  }
0xc1: {  	_ =	swait.ge [sflag:s21], $0x8000  }
0xc2: {  	[sflag:s21] =	ssyncset.done $0x0  }
0xc3: {  	[sflag:s21] =	ssyncadd.s32 $0xFFFF8000  }
0xc4: {  	_ =	swait.ge [sflag:s22], $0x8000  }
0xc5: {  	s29 =	sand.u32 $0x7800, s4;
	s25 =	sand.u32 $0x380, s4;
	[sflag:s22] =	ssyncset.done $0x0  }
0xc6: {  	s24 =	sor.u32 s25, s29;
	[sflag:s22] =	ssyncadd.s32 $0xFFFF8000  }
0xc7: {  	v10 =	vld [tilespmem:s24+$0x8100]  }
0xc8: {  	v11 =	vld [tilespmem:s24+$0x8110]  }
0xc9: {  	v12 =	vld [tilespmem:s24+$0x8120]  }
0xca: {  	v13 =	vld [tilespmem:s24+$0x8130]  }
0xcb: {  	v14 =	vld [tilespmem:s24+$0x8140]  }
0xcc: {  	v15 =	vld [tilespmem:s24+$0x8150]  }
0xcd: {  	v16 =	vld [tilespmem:s24+$0x8160]  }
0xce: {  	v17 =	vld [tilespmem:s24+$0x8170]  }
0xcf: {  	v18 =	vld [tilespmem:s24+$0x8500]  }
0xd0: {  	v9 =	vld [tilespmem:s24+$0x8510]  }
0xd1: {  	v8 =	vld [tilespmem:s24+$0x8520]  }
0xd2: {  	v7 =	vld [tilespmem:s24+$0x8530]  }
0xd3: {  	v6 =	vld [tilespmem:s24+$0x8540]  }
0xd4: {  	v5 =	vld [tilespmem:s24+$0x8550]  }
0xd5: {  	v4 =	vld [tilespmem:s24+$0x8560]  }
0xd6: {  	v3 =	vld [tilespmem:s24+$0x8570]  }
0xd7: {  	v19 =	vld [tilespmem:s24+$0x100]  }
0xd8: {  	v20 =	vld [tilespmem:s24+$0x110]  }
0xd9: {  	v21 =	vld [tilespmem:s24+$0x120]  }
0xda: {  	v22 =	vld [tilespmem:s24+$0x130]  }
0xdb: {  	v23 =	vld [tilespmem:s24+$0x140]  }
0xdc: {  	v10 =	vadd.f32 v10, v19;
	v19 =	vld [tilespmem:s24+$0x150]  }
0xdd: {  	v61 =	vld [tilespmem:s24+$0x160];
	v11 =	vadd.f32 v11, v20  }
0xde: {  	v62 =	vld [tilespmem:s24+$0x170];
	[tilespmem:s24+$0x100] =	vst v10;
	v10 =	vadd.f32 v12, v21  }
0xdf: {  	v63 =	vld [tilespmem:s24+$0x500];
	[tilespmem:s24+$0x110] =	vst v11;
	v11 =	vadd.f32 v13, v22  }
0xe0: {  	v13 =	vld [tilespmem:s24+$0x510];
	[tilespmem:s24+$0x120] =	vst v10;
	v10 =	vadd.f32 v14, v23  }
0xe1: {  	v12 =	vld [tilespmem:s24+$0x520];
	[tilespmem:s24+$0x130] =	vst v11;
	v11 =	vadd.f32 v15, v19  }
0xe2: {  	v14 =	vadd.f32 v16, v61;
	[tilespmem:s24+$0x140] =	vst v10;
	v10 =	vld [tilespmem:s24+$0x530]  }
0xe3: {  	v16 =	vadd.f32 v17, v62;
	[tilespmem:s24+$0x150] =	vst v11;
	v11 =	vld [tilespmem:s24+$0x540]  }
0xe4: {  	s25 =	simm.s32 $0x80;
	s26 =	simm.s32 $0x100;
	v15 =	vadd.f32 v18, v63;
	[tilespmem:s24+$0x160] =	vst v14;
	v14 =	vld [tilespmem:s24+$0x550]  }
.LBB2_2:
0xe5: {  	s28 =	sand.u32 $0x7800, s26;
	s29 =	sand.u32 $0x380, s25;
	p0 =	sne.s32 s26, $0x7F00;
	[tilespmem:s24+$0x170] =	vst v16;
	v9 =	vadd.f32 v9, v13;
	v13 =	vld [tilespmem:s24+$0x560]  }
0xe6: {  	s28 =	sor.u32 s29, s28;
	[tilespmem:s24+$0x500] =	vst v15;
	v8 =	vadd.f32 v8, v12;
	v12 =	vld [tilespmem:s24+$0x570]  }
0xe7: {  	v15 =	vld [tilespmem:s28+$0x8100];
	[tilespmem:s24+$0x510] =	vst v9;
	v7 =	vadd.f32 v7, v10  }
0xe8: {  	v10 =	vld [tilespmem:s28+$0x8110];
	[tilespmem:s24+$0x520] =	vst v8;
	v6 =	vadd.f32 v6, v11  }
0xe9: {  	v11 =	vld [tilespmem:s28+$0x8120];
	[tilespmem:s24+$0x530] =	vst v7;
	v5 =	vadd.f32 v5, v14  }
0xea: {  	v14 =	vld [tilespmem:s28+$0x8130];
	[tilespmem:s24+$0x540] =	vst v6;
	v4 =	vadd.f32 v4, v13  }
0xeb: {  	v13 =	vld [tilespmem:s28+$0x8140];
	[tilespmem:s24+$0x550] =	vst v5;
	v3 =	vadd.f32 v3, v12  }
0xec: {  	v12 =	vld [tilespmem:s28+$0x8150];
	[tilespmem:s24+$0x560] =	vst v4  }
0xed: {  	v16 =	vld [tilespmem:s28+$0x8160];
	[tilespmem:s24+$0x570] =	vst v3;
	s24 =	smov.u32 s28  }
0xee: {  	v17 =	vld [tilespmem:s24+$0x8170]  }
0xef: {  	v18 =	vld [tilespmem:s24+$0x8500]  }
0xf0: {  	v9 =	vld [tilespmem:s24+$0x8510]  }
0xf1: {  	v8 =	vld [tilespmem:s24+$0x8520]  }
0xf2: {  	v7 =	vld [tilespmem:s24+$0x8530]  }
0xf3: {  	v6 =	vld [tilespmem:s24+$0x8540]  }
0xf4: {  	v5 =	vld [tilespmem:s24+$0x8550]  }
0xf5: {  	v4 =	vld [tilespmem:s24+$0x8560]  }
0xf6: {  	v3 =	vld [tilespmem:s24+$0x8570]  }
0xf7: {  	v19 =	vld [tilespmem:s24+$0x100]  }
0xf8: {  	v20 =	vld [tilespmem:s24+$0x110]  }
0xf9: {  	v21 =	vld [tilespmem:s24+$0x120]  }
0xfa: {  	v22 =	vld [tilespmem:s24+$0x130]  }
0xfb: {  	v23 =	vld [tilespmem:s24+$0x140]  }
0xfc: {  	v15 =	vadd.f32 v15, v19;
	v19 =	vld [tilespmem:s24+$0x150]  }
0xfd: {  	v10 =	vadd.f32 v10, v20;
	v20 =	vld [tilespmem:s24+$0x160]  }
0xfe: {  	[tilespmem:s24+$0x100] =	vst v15;
	v11 =	vadd.f32 v11, v21;
	v15 =	vld [tilespmem:s24+$0x170]  }
0xff: {  	[tilespmem:s24+$0x110] =	vst v10;
	v10 =	vadd.f32 v14, v22;
	v14 =	vld [tilespmem:s24+$0x500]  }
.Ltmp0:
0x100: {  	[tilespmem:s24+$0x120] =	vst v11;
	v11 =	vadd.f32 v13, v23;
	v13 =	vld [tilespmem:s24+$0x510];
	(pc) =	sbr.rel @p0 .LBB2_2-.Ltmp0, $4  }
0x101: {  	[tilespmem:s24+$0x130] =	vst v10;
	v19 =	vadd.f32 v12, v19;
	v12 =	vld [tilespmem:s24+$0x520]  }
0x102: {  	[tilespmem:s24+$0x140] =	vst v11;
	v20 =	vadd.f32 v16, v20;
	v10 =	vld [tilespmem:s24+$0x530]  }
0x103: {  	[tilespmem:s24+$0x150] =	vst v19;
	v16 =	vadd.f32 v17, v15;
	v11 =	vld [tilespmem:s24+$0x540]  }
0x104: {  	s25 =	sadd.s32 $0x80, s25;
	s26 =	sadd.s32 $0x100, s26;
	[tilespmem:s24+$0x160] =	vst v20;
	v15 =	vadd.f32 v18, v14;
	v14 =	vld [tilespmem:s24+$0x550]  }
0x105: {  	[tilespmem:s24+$0x170] =	vst v16;
	v9 =	vadd.f32 v9, v13;
	v62 =	vld [tilespmem:s24+$0x560]  }
0x106: {  	v63 =	vld [tilespmem:s24+$0x570];
	[tilespmem:s24+$0x500] =	vst v15;
	v8 =	vadd.f32 v8, v12  }
0x107: {  	[tilespmem:s24+$0x510] =	vst v9;
	v7 =	vadd.f32 v7, v10  }
0x108: {  	[tilespmem:s24+$0x520] =	vst v8;
	v6 =	vadd.f32 v6, v11  }
0x109: {  	[tilespmem:s24+$0x530] =	vst v7;
	v5 =	vadd.f32 v5, v14  }
0x10a: {  	[tilespmem:s24+$0x540] =	vst v6;
	v4 =	vadd.f32 v4, v62  }
0x10b: {  	s23 =	sadd.s32 $0x1, s23;
	v3 =	vadd.f32 v3, v63;
	[tilespmem:s24+$0x550] =	vst v5  }
0x10c: {  	p0 =	sne.s32 s23, s8;
	[tilespmem:s24+$0x560] =	vst v4  }
.Ltmp1:
0x10d: {  	[tilespmem:s24+$0x570] =	vst v3;
	(pc) =	sbr.rel @p0 .LBB2_1-.Ltmp1, $4  }
0x10e: {  	[hbm4b:s7+s4] =	stream.linear.scatter [tilespmem:s11], [sflag:$0x3], $0x8000, $0x38;
	[tilespmem:$0x10100] =	vst v63  }
0x10f: {  	_ =	swait.ge [sflag:s9], $0x8000  }
0x110: {  	[sflag:s9] =	ssyncset.done $0x0  }
0x111: {  	[sflag:s9] =	ssyncadd.s32 $0xFFFF8000  }
0x112: {  	_ =	sfence.sel $0x180000  }
0x113: {  	[bflag:$0x0] =	sbarrier.arrive $0xFFFF  }
0x114: {  	_ =	strace $0x90000047  }
0x115: {  	s0 =	stileid.u32;
	[bflag:$0x2] =	sbarrier.arrive $0xFFFF  }
0x116: {  	p0 =	sne.s32 s0, $0x0;
	s0 =	rddreg [dreg:$0x3]  }
0x117: {  	s0 =	sadd.s32 @!p0 $0x100000, s0  }
0x118: {  	[sflag:s0] =	ssyncadd.tile.s32 @!p0 $0x1;
	_ =	shalt  }
.Lfunc_end2:
_tile_overlayer_lowered:
.L_overlay_start_2:
0x119: {  	(tag) =	ssettag $0x2  }
0x11a: {  	s0 =	rddreg [dreg:$0x0];
	s2 =	stileid.u32  }
0x11b: {  	s1 =	rddreg [dreg:$0x1];
	p0 =	sne.s32 s2, $0x0  }
0x11c: {  	s3 =	rddreg [dreg:$0x2];
	[bflag:$0x3] =	sbarrier.arrive $0xFFFF;
	s2 =	simm.s32 @!p0 $0x1C03  }
0x11d: {  	[timem:s3], [sflag:s2] =	dma.local @!p0 [hbm:s0], s1  }
0x11e: {  	s0 =	simm.s32 @!p0 $0x3  }
0x11f: {  	_ =	swait.ge @!p0 [sflag:s0], s1  }
0x120: {  	s1 =	ssub.s32 @!p0 $0x0, s1;
	[sflag:s0] =	ssyncset.done @!p0 $0x0  }
0x121: {  	[sflag:s0] =	ssyncadd.s32 @!p0 s1  }
0x122: {  	[bflag:$0x3] =	sbarrier.arrive $0xFFFF  }
0x123: {  	_ =	shalt  }

// kernel: scatter_offload_async_start.1
scs
__scs_entry_jumppad:
0x0: {  	(pc) =	sbr.rel $0x88, $3  }
0x1: {  	(tag) =	ssettag $0x0;
	lr =	simm.s32 $0x1  }
0x2: {  	[smem:$0x3F78] =	sst lr;
	_ =	strace $0xD0000000  }
0x3: {  	_ = 	snop  }
0x4: {  	_ = 	snop  }
0x5: {  	_ = 	snop  }
0x6: {  	_ = 	snop  }
0x7: {  	_ = 	snop  }
__scs_overlays_trampoline_lowered:
0x8: {  	[smem:$0x3F87] =	sst s0  }
0x9: {  	[smem:$0x3F88] =	sst s1  }
0xa: {  	[smem:$0x3F89] =	sst s2  }
0xb: {  	[smem:$0x3F8A] =	sst s3  }
0xc: {  	[smem:$0x3F8B] =	sst s4  }
0xd: {  	[smem:$0x3F8C] =	sst s5  }
0xe: {  	[smem:$0x3F8D] =	sst s6  }
0xf: {  	[smem:$0x3F8E] =	sst s7  }
0x10: {  	[smem:$0x3F8F] =	sst s8  }
0x11: {  	[smem:$0x3F90] =	sst s9;
	s0 =	simm.s32 @!p0 $0x0  }
0x12: {  	s1 =	sld [smem:$0x3F76];
	s0 =	simm.s32 @p0 $0x1  }
0x13: {  	[smem:$0x3F91] =	sst s0;
	s0 =	simm.s32 @!p1 $0x0  }
0x14: {  	s2 =	sld [smem:$0x3F75];
	s0 =	simm.s32 @p1 $0x1  }
0x15: {  	[smem:$0x3F92] =	sst s0;
	s0 =	simm.s32 @!p2 $0x0  }
0x16: {  	s3 =	sld [smem:$0x3FDB];
	s0 =	simm.s32 @p2 $0x1  }
0x17: {  	s4 =	simm.s32 $0x1BF5;
	[smem:$0x3F94] =	sst s0  }
0x18: {  	s0 =	sld [smem:$0x3F77];
	_ =	swait.ge [sflag:s4], $0x0  }
0x19: {  	s7 =	sld [smem:$0x3F78]  }
0x1a: {  	s8 =	sadd.s32 $0xFFFFE003, lr  }
0x1b: {  	s9 =	sadd.s32 $0xFFFFFEF7, lr;
	s5 =	simm.s32 $0xFFFFFFFF;
	p2 =	slt.u32 s8, $0xFFFFF086  }
0x1c: {  	p1 =	slt.u32 s9, $0xF7A;
	s5 =	simm.s32 @!p2 $0x0  }
0x1d: {  	s5 =	simm.s32 @p1 $0x1;
	p0 =	seq.s32 s7, s2  }
0x1e: {  	s7 =	smul.u32 @!p0 $0xF7A, s2;
	p2 =	seq.s32 @!p0 s5, $0x0  }
0x1f: {  	s9 =	smul.u32 $0xF7A, s1;
	s8 =	simm.s32 @!p0 $0x1BF5;
	p2 =	por !p2, p0  }
0x20: {  	[sflag:s8] =	ssyncset.s32 @!p0 $0xFFFFF086;
	s6 =	sadd.s32 @!p0 s3, s7;
	s7 =	simm.s32 @!p0 $0x108  }
0x21: {  	s3 =	sadd.s32 s3, s9;
	s6 =	sadd.s32 @!p0 $0x88, s6;
	s7 =	simm.s32 @p2 $0x1082  }
0x22: {  	[simem:s7], [sflag:s8] =	dma.local @!p0 [hbm:s6], $0xF7A  }
0x23: {  	s9 =	sor.u32 $0xD0000000, s2;
	s6 =	simm.s32 $0x108;
	_ =	swait.ge @!p0 [sflag:s8], $0x0  }
0x24: {  	s3 =	sadd.s32 $0x88, s3;
	s6 =	simm.s32 @!p1 $0x1082;
	[sflag:s4] =	ssyncset.s32 $0xFFFFF086  }
0x25: {  	[simem:s6], [sflag:s4] =	dma.local [hbm:s3], $0xF7A  }
0x26: {  	[smem:$0x3F78] =	sst s1;
	(tag) =	ssettag s2;
	_ =	strace s9  }
0x27: {  	s1 =	sld [smem:$0x3F88]  }
0x28: {  	s2 =	sld [smem:$0x3F89]  }
0x29: {  	s4 =	sld [smem:$0x3F8B]  }
0x2a: {  	p0 =	seq.s32 s5, $0x0;
	s5 =	sld [smem:$0x3F8C]  }
0x2b: {  	s6 =	sld [smem:$0x3F8D]  }
0x2c: {  	s7 =	sld [smem:$0x3F8E]  }
0x2d: {  	s3 =	simm.s32 $0x108;
	s8 =	sld [smem:$0x3F8F]  }
0x2e: {  	s3 =	simm.s32 @!p0 $0x1082;
	s9 =	sld [smem:$0x3F90]  }
0x2f: {  	lr =	sadd.s32 s0, s3;
	s0 =	sld [smem:$0x3F87]  }
0x30: {  	s3 =	sld [smem:$0x3F8A]  }
0x31: {  	[smem:$0x3F93] =	sst s10  }
0x32: {  	s10 =	sld [smem:$0x3F91];
	_ =	sdelay $0x3  }
0x33: {  	p0 =	seq.s32 s10, $0x1;
	s10 =	sld [smem:$0x3F93];
	_ =	sdelay $0x3  }
0x34: {  	[smem:$0x3F93] =	sst s10  }
0x35: {  	s10 =	sld [smem:$0x3F92];
	_ =	sdelay $0x3  }
0x36: {  	p1 =	seq.s32 s10, $0x1;
	s10 =	sld [smem:$0x3F93];
	_ =	sdelay $0x3  }
0x37: {  	[smem:$0x3F93] =	sst s10  }
0x38: {  	s10 =	sld [smem:$0x3F94]  }
0x39: {  	_ = 	snop;
	(pc) =	sbr.ind lr, $3  }
0x3a: {  	_ = 	snop  }
0x3b: {  	_ = 	snop  }
0x3c: {  	p2 =	seq.s32 s10, $0x1;
	s10 =	sld [smem:$0x3F93]  }
0x3d: {  	_ =	shalt  }
0x3e: {  	_ =	shalt  }
0x3f: {  	_ =	shalt  }
0x40: {  	_ =	shalt  }
0x41: {  	_ =	shalt  }
0x42: {  	_ =	shalt  }
0x43: {  	_ =	shalt  }
0x44: {  	_ =	shalt  }
0x45: {  	_ =	shalt  }
0x46: {  	_ =	shalt  }
0x47: {  	_ =	shalt  }
0x48: {  	_ =	shalt  }
0x49: {  	_ =	shalt  }
0x4a: {  	_ =	shalt  }
0x4b: {  	_ =	shalt  }
0x4c: {  	_ =	shalt  }
0x4d: {  	_ =	shalt  }
0x4e: {  	_ =	shalt  }
0x4f: {  	_ =	shalt  }
0x50: {  	_ =	shalt  }
0x51: {  	_ =	shalt  }
0x52: {  	_ =	shalt  }
0x53: {  	_ =	shalt  }
0x54: {  	_ =	shalt  }
0x55: {  	_ =	shalt  }
0x56: {  	_ =	shalt  }
0x57: {  	_ =	shalt  }
0x58: {  	_ =	shalt  }
0x59: {  	_ =	shalt  }
0x5a: {  	_ =	shalt  }
0x5b: {  	_ =	shalt  }
0x5c: {  	_ =	shalt  }
0x5d: {  	_ =	shalt  }
0x5e: {  	_ =	shalt  }
0x5f: {  	_ =	shalt  }
0x60: {  	_ =	shalt  }
0x61: {  	_ =	shalt  }
0x62: {  	_ =	shalt  }
0x63: {  	_ =	shalt  }
0x64: {  	_ =	shalt  }
0x65: {  	_ =	shalt  }
0x66: {  	_ =	shalt  }
0x67: {  	_ =	shalt  }
0x68: {  	_ =	shalt  }
0x69: {  	_ =	shalt  }
0x6a: {  	_ =	shalt  }
0x6b: {  	_ =	shalt  }
0x6c: {  	_ =	shalt  }
0x6d: {  	_ =	shalt  }
0x6e: {  	_ =	shalt  }
0x6f: {  	_ =	shalt  }
0x70: {  	_ =	shalt  }
0x71: {  	_ =	shalt  }
0x72: {  	_ =	shalt  }
0x73: {  	_ =	shalt  }
0x74: {  	_ =	shalt  }
0x75: {  	_ =	shalt  }
0x76: {  	_ =	shalt  }
0x77: {  	_ =	shalt  }
0x78: {  	_ =	shalt  }
0x79: {  	_ =	shalt  }
0x7a: {  	_ =	shalt  }
0x7b: {  	_ =	shalt  }
0x7c: {  	_ =	shalt  }
0x7d: {  	_ =	shalt  }
0x7e: {  	_ =	shalt  }
0x7f: {  	_ =	shalt  }
0x80: {  	_ =	shalt  }
0x81: {  	_ =	shalt  }
0x82: {  	_ =	shalt  }
0x83: {  	_ =	shalt  }
0x84: {  	_ =	shalt  }
0x85: {  	_ =	shalt  }
0x86: {  	_ =	shalt  }
0x87: {  	_ =	shalt  }
.Lfunc_end0:
.L_simem_size_0:
called_computation.1_lowered:
.L_overlay_start_0:
0x88: {  	s2 =	sld [smem:$0x3FD9]  }
0x89: {  	s3 =	sld [smem:$0x3FFE];
	_ =	sdelay $0x1  }
0x8a: {  	s1 =	srdreg.scid  }
0x8b: {  	s0 =	sand.u32 $0x1, s1  }
0x8c: {  	s15 =	sshll.u32 s0, $0xA;
	s2 =	sadd.s32 s3, s2  }
0x8d: {  	s2 =	sadd.s32 s2, s15  }
0x8e: {  	[smem:$0x3F9F] =	sst s2  }
0x8f: {  	_ = 	snop  }
0x90: {  	(tm) =	ssettm $0x1  }
0x91: {  	s16 =	sld [smem:$0x3FFB];
	_ =	sdelay $0x3  }
0x92: {  	_ =	strace s16  }
0x93: {  	s2 =	sld [smem:$0x3FFC];
	_ =	sdelay $0x3  }
0x94: {  	_ =	strace s2  }
0x95: {  	s2 =	sld [smem:$0x3FFD];
	_ =	sdelay $0x3  }
0x96: {  	_ =	strace s2  }
0x97: {  	_ =	strace $0x8FFFFFFF  }
0x98: {  	s17 =	sld [smem:$0x3FDB];
	_ =	sdelay $0x1  }
0x99: {  	s18 =	simm.s32 $_scs_section_size  }
0x9a: {  	s4 =	simm.s32 $_size__tile_overlayer_lowered;
	s5 =	simm.s32 $_tile_overlayer_lowered  }
0x9b: {  	s6 =	simm.s32 $0x1BFF;
	s19 =	sshll.u32 s5, $0x1;
	s3 =	sadd.s32 s18, s17  }
0x9c: {  	s20 =	simm.s32 $0x0;
	s4 =	sshll.u32 s4, $0x1;
	s5 =	sadd.s32 s19, s3  }
0x9d: {  	[timem:s20], [sflag:s6] =	dma.local [hbm:s5], s4  }
0x9e: {  	_ =	swait.ge [sflag:s6], s4  }
0x9f: {  	s4 =	ssub.s32 $0x0, s4;
	[sflag:s6] =	ssyncset.done $0x0  }
0xa0: {  	[sflag:s6] =	ssyncadd.s32 s4;
	_ =	sdelay $0x1  }
0xa1: {  	s21 =	simm.s32 $0x1B8B  }
0xa2: {  	_ =	swait.ge [sflag:s21], $0x1  }
0xa3: {  	[sflag:s21] =	ssyncset.done $0x0  }
0xa4: {  	s22 =	sld [smem:$0x3FFE];
	[sflag:s21] =	ssyncadd.s32 $0xFFFFFFFF  }
0xa5: {  	s24 =	simm.s32 $0x1B8E;
	s23 =	sld [smem:$0x0]  }
0xa6: {  	s25 =	simm.s32 $execute0_lowered;
	[smem:$0x3FD2] =	sst s24  }
0xa7: {  	s6 =	sshll.u32 s25, $0x1;
	_ =	strace $0x80000049;
	[dreg:$0x1] =	wrdreg $0xFFFFFFFF  }
0xa8: {  	s7 =	simm.s32 $_size_execute0_lowered;
	s6 =	sadd.s32 s3, s6;
	[dreg:$0x0] =	wrdreg $0x0  }
0xa9: {  	s7 =	sshll.u32 s7, $0x1;
	[dreg:$0x2] =	wrdreg s6  }
0xaa: {  	[dreg:$0x3] =	wrdreg s7  }
0xab: {  	[dreg:$0x4] =	wrdreg $0xC0  }
0xac: {  	s26 =	simm.s32 $execute1_lowered;
	_ =	task [dreg:s20], $0x5FFFF  }
0xad: {  	s6 =	sshll.u32 s26, $0x1;
	[dreg:$0x1] =	wrdreg $0xFFFFFFFF  }
0xae: {  	s3 =	sadd.s32 s3, s6;
	[dreg:$0x0] =	wrdreg $0x60  }
0xaf: {  	[dreg:$0x2] =	wrdreg s3  }
0xb0: {  	[dreg:$0x3] =	wrdreg s22  }
0xb1: {  	[dreg:$0x4] =	wrdreg $0xB  }
0xb2: {  	_ =	task.clear_ibuf [dreg:s20], $0x5FFFF;
	_ =	strace $0x90000049  }
0xb3: {  	s28 =	simm.s32 $0xB;
	_ =	strace $0x8000004B  }
0xb4: {  	_ =	swait.ge [sflag:s28], $0x1  }
0xb5: {  	[sflag:s28] =	ssyncadd.s32 $0xFFFFFFFF  }
0xb6: {  	_ =	strace $0x9000004B  }
0xb7: {  	s3 =	sld [smem:$0x0]  }
0xb8: {  	s6 =	sand.u32 $0xFFFFFFFE, s1  }
0xb9: {  	p0 =	sne.s32 s1, s6  }
0xba: {  	s6 =	sshll.u32 @p0 s6, $0xE  }
0xbb: {  	s6 =	sadd.s32 @p0 $0x11BF3, s6;
	s7 =	sshll.u32 @p0 s3, $0x11  }
0xbc: {  	s6 =	sor.u32 @p0 s7, s6  }
0xbd: {  	[sflag:s6] =	ssyncadd.remote.s32 @p0 $0x1;
	_ =	sdelay $0x1  }
0xbe: {  	s6 =	simm.s32 @p0 $0x1BF3  }
0xbf: {  	_ =	swait.eq @p0 [sflag:s6], $0x1  }
0xc0: {  	[sflag:s6] =	ssyncadd.s32 @p0 $0xFFFFFFFF  }
0xc1: {  	s7 =	sshll.u32 @!p0 s1, $0xE  }
0xc2: {  	s7 =	sor.u32 @!p0 $0x4000, s7;
	s6 =	simm.s32 @!p0 $0x1BF3  }
0xc3: {  	s3 =	sshll.u32 @!p0 s3, $0x11;
	s7 =	sadd.s32 @!p0 $0x11BF3, s7;
	_ =	swait.eq @!p0 [sflag:s6], $0x1  }
0xc4: {  	s3 =	sor.u32 @!p0 s3, s7;
	[sflag:s6] =	ssyncadd.s32 @!p0 $0xFFFFFFFF  }
0xc5: {  	[sflag:s3] =	ssyncadd.remote.s32 @!p0 $0x1  }
0xc6: {  	_ =	strace $0x8000004C;
	[dreg:$0x1] =	wrdreg $0xFFFFFFFF  }
0xc7: {  	[dreg:$0x0] =	wrdreg $0x2030  }
0xc8: {  	[dreg:$0x2] =	wrdreg s22  }
0xc9: {  	[dreg:$0x3] =	wrdreg s1  }
0xca: {  	[dreg:$0x4] =	wrdreg s23  }
0xcb: {  	[dreg:$0x5] =	wrdreg $0xC  }
0xcc: {  	_ =	task.clear_ibuf [dreg:s20], $0x6FFFF;
	_ =	strace $0x9000004C  }
0xcd: {  	s29 =	simm.s32 $0xC;
	_ =	strace $0x8000004E  }
0xce: {  	_ =	swait.ge [sflag:s29], $0x1  }
0xcf: {  	[sflag:s29] =	ssyncadd.s32 $0xFFFFFFFF  }
0xd0: {  	_ =	strace $0x9000004E  }
0xd1: {  	_ =	sfence  }
0xd2: {  	s30 =	sld [smem:$0x0];
	_ =	sdelay $0x2  }
0xd3: {  	s31 =	sshll.u32 s1, $0xD;
	s1 =	sshrl.u32 s1, $0x2  }
0xd4: {  	s4 =	sand.u32 $0x4000, s31;
	s1 =	sadd.s32 s1, s30  }
0xd5: {  	s0 =	sor.u32 s4, s0;
	s1 =	sshll.u32 s1, $0x11  }
0xd6: {  	s0 =	sor.u32 s1, s0  }
0xd7: {  	s0 =	sadd.s32 $0x8F2B, s0  }
0xd8: {  	[sflag:s0] =	ssyncadd.remote.s32 $0x1  }
0xd9: {  	_ =	sfence.sel $0xFFFF  }
0xda: {  	[dreg:$0x0] =	wrdreg $0xFFFFFFFF;
	(pc) =	sbr.abs _section_cstart, $3  }
0xdb: {  	[dreg:$0x1] =	wrdreg $0xFFFFFFFF  }
0xdc: {  	_ =	task.clear_ibuf [dreg:s20], $0x2FFFF;
	_ =	strace $0x9FFFFFFF  }
0xdd: {  	(tm) =	ssettm $0x7FFFFFFF  }
tec
execute0_lowered:
.L_overlay_start_1:
0x0: {  	(tag) =	ssettag $0x1  }
0x1: {  	s2 =	rddreg [dreg:$0x0]  }
0x2: {  	s3 =	rddreg [dreg:$0x1]  }
0x3: {  	s0 =	rddreg [dreg:$0x2];
	s4 =	stileid.u32;
	[bflag:$0x3] =	sbarrier.arrive $0xFFFF  }
0x4: {  	s1 =	simm.s32 $_size_execute1_lowered;
	s29 =	srdreg.scid;
	p0 =	sne.s32 s4, $0x0  }
0x5: {  	s1 =	sshll.u32 s1, $0x1;
	s5 =	simm.s32 @!p0 $0x1C3F;
	s6 =	simm.s32 @!p0 $0x4060  }
0x6: {  	[timem:s6], [sflag:s5] =	dma.local @!p0 [hbm:s2], s1  }
0x7: {  	s8 =	simm.s32 $0x2;
	s12 =	simm.s32 $0x0;
	s2 =	sshll.u32 s29, $0x7  }
0x8: {  	s9 =	simm.s32 $0x80;
	s4 =	sshll.u32 s4, $0x8;
	s2 =	sand.u32 $0x80, s2  }
0x9: {  	s10 =	simm.s32 $0x0;
	s11 =	simm.s32 $0x0;
	s2 =	sor.u32 s4, s2  }
0xa: {  	_ =	strace $0x8000004A;
	s4 =	sshll.u32 s2, $0x4;
	s31 =	ssub.s32 $0x1000, s2  }
.Ltmp0:
0xb: {  	s30 =	sadd.s32 s4, s3;
	s7 =	sand.u32 $0xF80, s31;
	(pc) =	sbr.rel .LBB2_1-.Ltmp0, $4  }
0xc: {  	s3 =	sadd.s32 $0xFAE00, s3;
	p1 =	sne.s32 s7, $0x0;
	s7 =	simm.s32 $0x1  }
0xd: {  	s4 =	simm.s32 $0x1;
	s5 =	sshrl.u32 s31, $0xC;
	s7 =	simm.s32 @!p1 $0x0  }
0xe: {  	[sflag:s4] =	ssyncpa.u1 $0x0;
	s6 =	sadd.s32 $0x8000, s30;
	s5 =	sadd.s32 s7, s5  }
0xf: {  	[sflag:s8] =	ssyncpa.u1 $0x0;
	s8 =	simm.s32 $0x20;
	s7 =	sadd.s32 $0x1, s5  }
.LBB2_4:
0x10: {  	_ =	sdelay $0x2  }
0x11: {  	s12 =	sshll.u32 s12, $0x4  }
0x12: {  	[tilespmem:v1+s13+$0x0 ss:$0x1] =	vst.idx.msk $0xffff, v2;
	s12 =	sand.u32 $0xFFF0, s12  }
0x13: {  	[tilespmem:v1+s13+$0xFFFFFFF0 ss:$0x1] =	vst.idx.msk $0xffff, v3;
	s12 =	sadd.s32 s3, s12  }
0x14: {  	[hbm4b:s12+s8] =	stream.strided.scatter [tilespmem:s14], [sflag:$0x2], $0x1000, s9, s8, $0x38;
	[tilespmem:$0x4000] =	vst v63  }
.LBB2_5:
0x15: {  	p2 =	sne.s32 s11, s7  }
.Ltmp1:
0x16: {  	p1 =	slt.u32 s11, $0x2;
	(pc) =	sbr.rel @!p2 .LBB2_6-.Ltmp1, $4  }
0x17: {  	s12 =	simm.s32 @!p1 $0x2  }
0x18: {  	_ =	swait.ge @!p1 [sflag:s12], $0x1000  }
0x19: {  	s13 =	sadd.s32 $0x1, s11;
	s10 =	sadd.s32 $0x1000, s10;
	[sflag:s12] =	ssyncset.done @!p1 $0x0  }
0x1a: {  	s11 =	smov.u32 s13;
	[sflag:s12] =	ssyncadd.s32 @!p1 $0xFFFFF000;
	s12 =	smov.u32 s2  }
.LBB2_1:
0x1b: {  	p1 =	sge.u32 s11, s5  }
0x1c: {  	s13 =	sxor.u32 @!p1 $0xFFFFFFFF, s11  }
0x1d: {  	s31 =	sadd.s32 $0xFFFFFFFF, s11;
	s13 =	sshll.u32 @!p1 s13, $0xC  }
0x1e: {  	s14 =	simm.s32 @!p1 $0x20;
	s15 =	simm.s32 @!p1 $0x80;
	s13 =	sand.u32 @!p1 $0x1000, s13  }
0x1f: {  	[tilespmem:s13], [sflag:$0x1] =	stream.strided.gather @!p1 [hbm4b:s6+s14], $0x1000, s15, s14, $0x38;
	[tilespmem:$0x4000] =	vst v63  }
0x20: {  	p1 =	sge.u32 s31, s5  }
.Ltmp2:
0x21: {  	_ = 	snop;
	(pc) =	sbr.rel @p1 .LBB2_5-.Ltmp2, $1  }
0x22: {  	_ =	sdelay $0x3  }
0x23: {  	s14 =	sand.u32 $0x1000, s10  }
0x24: {  	s13 =	sor.u32 $0x10, s14  }
0x25: {  	v0 =	vmov s13;
	_ =	sdelay $0x1  }
0x26: {  	_ =	swait.ge [sflag:s4], $0x1000  }
0x27: {  	[sflag:s4] =	ssyncset.done $0x0  }
0x28: {  	s15 =	sshll.u32 s11, $0xC;
	[sflag:s4] =	ssyncadd.s32 $0xFFFFF000;
	s13 =	simm.s32 $0x0  }
0x29: {  	s16 =	sor.u32 $0x2010, s14;
	s31 =	sand.u32 $0x1000, s15;
	v2 =	vld.idx.msk [tilespmem:v0+s13+$0x0 ss:$0x1], $0xffff  }
0x2a: {  	s15 =	simm.s32 $0x80;
	s14 =	sor.u32 $0x2000, s31;
	v1 =	vmov s16;
	v3 =	vld.idx.msk [tilespmem:v0+s13+$0xFFFFFFF0 ss:$0x1], $0xffff  }
.LBB2_3:
0x2b: {  	p1 =	sne.s32 s15, $0x3F80  }
.Ltmp3:
0x2c: {  	_ = 	snop;
	(pc) =	sbr.rel @p1 .LBB2_3-.Ltmp3, $4  }
0x2d: {  	_ = 	snop  }
0x2e: {  	s16 =	sshra.s32 s15, $0x2;
	s15 =	sadd.s32 $0x80, s15  }
0x2f: {  	[tilespmem:v1+s13+$0x0 ss:$0x1] =	vst.idx.msk $0xffff, v2;
	v2 =	vld.idx.msk [tilespmem:v0+s16+$0x0 ss:$0x1], $0xffff  }
0x30: {  	[tilespmem:v1+s13+$0xFFFFFFF0 ss:$0x1] =	vst.idx.msk $0xffff, v3;
	v3 =	vld.idx.msk [tilespmem:v0+s16+$0xFFFFFFF0 ss:$0x1], $0xffff;
	s13 =	smov.u32 s16  }
.Ltmp4:
0x31: {  	_ = 	snop;
	(pc) =	sbr.rel .LBB2_4-.Ltmp4, $1  }
0x32: {  	_ =	sdelay $0x3  }
.LBB2_6:
0x33: {  	_ =	sfence.sel $0x180000  }
0x34: {  	s2 =	simm.s32 $0x1;
	[bflag:$0x0] =	sbarrier.arrive $0xFFFF  }
0x35: {  	s31 =	simm.s32 $0x2;
	[sflag:s2] =	ssyncpa.u1 $0x1  }
0x36: {  	[sflag:s31] =	ssyncpa.u1 $0x1  }
0x37: {  	_ =	strace $0x9000004A  }
0x38: {  	s0 =	sadd.s32 @!p0 $0x100000, s0;
	[bflag:$0x2] =	sbarrier.arrive $0xFFFF  }
0x39: {  	[sflag:s0] =	ssyncadd.tile.s32 @!p0 $0x1;
	s0 =	simm.s32 @!p0 $0x3F  }
0x3a: {  	_ =	swait.ge @!p0 [sflag:s0], s1  }
0x3b: {  	s1 =	ssub.s32 @!p0 $0x0, s1;
	[sflag:s0] =	ssyncset.done @!p0 $0x0  }
0x3c: {  	[sflag:s0] =	ssyncadd.s32 @!p0 s1  }
0x3d: {  	[bflag:$0x3] =	sbarrier.arrive $0xFFFF  }
0x3e: {  	_ =	shalt  }
.Lfunc_end2:
execute1_lowered:
.L_overlay_start_2:
0x3f: {  	(tag) =	ssettag $0x2  }
0x40: {  	s11 =	rddreg [dreg:$0x0]  }
0x41: {  	s2 =	rddreg [dreg:$0x1];
	_ =	strace $0x8000004D;
	s12 =	simm.s32 $0x1  }
0x42: {  	v0 =	vimm.s32 $0x0;
	[sflag:s12] =	ssyncpa.u1 $0x0  }
0x43: {  	[tilespmem:$0x28] =	vst v0  }
0x44: {  	[tilespmem:$0x38] =	vst v0  }
0x45: {  	[tilespmem:$0x48] =	vst v0  }
0x46: {  	[tilespmem:$0x58] =	vst v0  }
0x47: {  	[tilespmem:$0x68] =	vst v0  }
0x48: {  	[tilespmem:$0x78] =	vst v0  }
0x49: {  	[tilespmem:$0x88] =	vst v0  }
0x4a: {  	[tilespmem:$0x98] =	vst v0  }
0x4b: {  	[tilespmem:$0xA8] =	vst v0  }
0x4c: {  	[tilespmem:$0xB8] =	vst v0  }
0x4d: {  	[tilespmem:$0xC8] =	vst v0  }
0x4e: {  	[tilespmem:$0xD8] =	vst v0  }
0x4f: {  	[tilespmem:$0xE8] =	vst v0  }
0x50: {  	[tilespmem:$0xF8] =	vst v0  }
0x51: {  	[tilespmem:$0x108] =	vst v0  }
0x52: {  	[tilespmem:$0x118] =	vst v0  }
0x53: {  	[tilespmem:$0x128] =	vst v0  }
0x54: {  	[tilespmem:$0x138] =	vst v0  }
0x55: {  	[tilespmem:$0x148] =	vst v0  }
0x56: {  	[tilespmem:$0x158] =	vst v0  }
0x57: {  	[tilespmem:$0x168] =	vst v0  }
0x58: {  	[tilespmem:$0x178] =	vst v0  }
0x59: {  	[tilespmem:$0x188] =	vst v0  }
0x5a: {  	[tilespmem:$0x198] =	vst v0  }
0x5b: {  	[tilespmem:$0x1A8] =	vst v0  }
0x5c: {  	[tilespmem:$0x1B8] =	vst v0  }
0x5d: {  	[tilespmem:$0x1C8] =	vst v0  }
0x5e: {  	[tilespmem:$0x1D8] =	vst v0  }
0x5f: {  	[tilespmem:$0x1E8] =	vst v0  }
0x60: {  	[tilespmem:$0x1F8] =	vst v0  }
0x61: {  	[tilespmem:$0x208] =	vst v0  }
0x62: {  	[tilespmem:$0x218] =	vst v0  }
0x63: {  	[tilespmem:$0x228] =	vst v0  }
0x64: {  	[tilespmem:$0x238] =	vst v0  }
0x65: {  	[tilespmem:$0x248] =	vst v0  }
0x66: {  	[tilespmem:$0x258] =	vst v0  }
0x67: {  	[tilespmem:$0x268] =	vst v0  }
0x68: {  	[tilespmem:$0x278] =	vst v0  }
0x69: {  	[tilespmem:$0x288] =	vst v0  }
0x6a: {  	[tilespmem:$0x298] =	vst v0  }
0x6b: {  	[tilespmem:$0x2A8] =	vst v0  }
0x6c: {  	[tilespmem:$0x2B8] =	vst v0  }
0x6d: {  	[tilespmem:$0x2C8] =	vst v0  }
0x6e: {  	[tilespmem:$0x2D8] =	vst v0  }
0x6f: {  	[tilespmem:$0x2E8] =	vst v0  }
0x70: {  	[tilespmem:$0x2F8] =	vst v0  }
0x71: {  	[tilespmem:$0x308] =	vst v0  }
0x72: {  	[tilespmem:$0x318] =	vst v0  }
0x73: {  	[tilespmem:$0x328] =	vst v0  }
0x74: {  	[tilespmem:$0x338] =	vst v0  }
0x75: {  	[tilespmem:$0x348] =	vst v0  }
0x76: {  	[tilespmem:$0x358] =	vst v0  }
0x77: {  	[tilespmem:$0x368] =	vst v0  }
0x78: {  	[tilespmem:$0x378] =	vst v0  }
0x79: {  	[tilespmem:$0x388] =	vst v0  }
0x7a: {  	[tilespmem:$0x398] =	vst v0  }
0x7b: {  	[tilespmem:$0x3A8] =	vst v0  }
0x7c: {  	[tilespmem:$0x3B8] =	vst v0  }
0x7d: {  	[tilespmem:$0x3C8] =	vst v0  }
0x7e: {  	[tilespmem:$0x3D8] =	vst v0  }
0x7f: {  	[tilespmem:$0x3E8] =	vst v0  }
0x80: {  	[tilespmem:$0x3F8] =	vst v0  }
0x81: {  	[tilespmem:$0x408] =	vst v0  }
0x82: {  	[tilespmem:$0x418] =	vst v0  }
0x83: {  	[tilespmem:$0x428] =	vst v0  }
0x84: {  	[tilespmem:$0x438] =	vst v0  }
0x85: {  	[tilespmem:$0x448] =	vst v0  }
0x86: {  	[tilespmem:$0x458] =	vst v0  }
0x87: {  	[tilespmem:$0x468] =	vst v0  }
0x88: {  	[tilespmem:$0x478] =	vst v0  }
0x89: {  	[tilespmem:$0x488] =	vst v0  }
0x8a: {  	[tilespmem:$0x498] =	vst v0  }
0x8b: {  	[tilespmem:$0x4A8] =	vst v0  }
0x8c: {  	[tilespmem:$0x4B8] =	vst v0  }
0x8d: {  	[tilespmem:$0x4C8] =	vst v0  }
0x8e: {  	[tilespmem:$0x4D8] =	vst v0  }
0x8f: {  	[tilespmem:$0x4E8] =	vst v0  }
0x90: {  	[tilespmem:$0x4F8] =	vst v0  }
0x91: {  	[tilespmem:$0x508] =	vst v0  }
0x92: {  	[tilespmem:$0x518] =	vst v0  }
0x93: {  	[tilespmem:$0x528] =	vst v0  }
0x94: {  	[tilespmem:$0x538] =	vst v0  }
0x95: {  	[tilespmem:$0x548] =	vst v0  }
0x96: {  	[tilespmem:$0x558] =	vst v0  }
0x97: {  	[tilespmem:$0x568] =	vst v0  }
0x98: {  	[tilespmem:$0x578] =	vst v0  }
0x99: {  	[tilespmem:$0x588] =	vst v0  }
0x9a: {  	[tilespmem:$0x598] =	vst v0  }
0x9b: {  	[tilespmem:$0x5A8] =	vst v0  }
0x9c: {  	[tilespmem:$0x5B8] =	vst v0  }
0x9d: {  	[tilespmem:$0x5C8] =	vst v0  }
0x9e: {  	[tilespmem:$0x5D8] =	vst v0  }
0x9f: {  	[tilespmem:$0x5E8] =	vst v0  }
0xa0: {  	[tilespmem:$0x5F8] =	vst v0  }
0xa1: {  	[tilespmem:$0x608] =	vst v0  }
0xa2: {  	[tilespmem:$0x618] =	vst v0  }
0xa3: {  	[tilespmem:$0x628] =	vst v0  }
0xa4: {  	[tilespmem:$0x638] =	vst v0  }
0xa5: {  	[tilespmem:$0x648] =	vst v0  }
0xa6: {  	[tilespmem:$0x658] =	vst v0  }
0xa7: {  	[tilespmem:$0x668] =	vst v0  }
0xa8: {  	[tilespmem:$0x678] =	vst v0  }
0xa9: {  	[tilespmem:$0x688] =	vst v0  }
0xaa: {  	[tilespmem:$0x698] =	vst v0  }
0xab: {  	[tilespmem:$0x6A8] =	vst v0  }
0xac: {  	[tilespmem:$0x6B8] =	vst v0  }
0xad: {  	[tilespmem:$0x6C8] =	vst v0  }
0xae: {  	[tilespmem:$0x6D8] =	vst v0  }
0xaf: {  	[tilespmem:$0x6E8] =	vst v0  }
0xb0: {  	[tilespmem:$0x6F8] =	vst v0  }
0xb1: {  	[tilespmem:$0x708] =	vst v0  }
0xb2: {  	[tilespmem:$0x718] =	vst v0  }
0xb3: {  	[tilespmem:$0x728] =	vst v0  }
0xb4: {  	[tilespmem:$0x738] =	vst v0  }
0xb5: {  	[tilespmem:$0x748] =	vst v0  }
0xb6: {  	[tilespmem:$0x758] =	vst v0  }
0xb7: {  	[tilespmem:$0x768] =	vst v0  }
0xb8: {  	[tilespmem:$0x778] =	vst v0  }
0xb9: {  	[tilespmem:$0x788] =	vst v0  }
0xba: {  	[tilespmem:$0x798] =	vst v0  }
0xbb: {  	[tilespmem:$0x7A8] =	vst v0  }
0xbc: {  	[tilespmem:$0x7B8] =	vst v0  }
0xbd: {  	[tilespmem:$0x7C8] =	vst v0  }
0xbe: {  	[tilespmem:$0x7D8] =	vst v0  }
0xbf: {  	[tilespmem:$0x7E8] =	vst v0  }
0xc0: {  	[tilespmem:$0x7F8] =	vst v0  }
0xc1: {  	[tilespmem:$0x808] =	vst v0  }
0xc2: {  	[tilespmem:$0x818] =	vst v0  }
0xc3: {  	[tilespmem:$0x828] =	vst v0  }
0xc4: {  	[tilespmem:$0x838] =	vst v0  }
0xc5: {  	[tilespmem:$0x848] =	vst v0  }
0xc6: {  	[tilespmem:$0x858] =	vst v0  }
0xc7: {  	[tilespmem:$0x868] =	vst v0  }
0xc8: {  	[tilespmem:$0x878] =	vst v0  }
0xc9: {  	[tilespmem:$0x888] =	vst v0  }
0xca: {  	[tilespmem:$0x898] =	vst v0  }
0xcb: {  	[tilespmem:$0x8A8] =	vst v0  }
0xcc: {  	[tilespmem:$0x8B8] =	vst v0  }
0xcd: {  	[tilespmem:$0x8C8] =	vst v0  }
0xce: {  	[tilespmem:$0x8D8] =	vst v0  }
0xcf: {  	[tilespmem:$0x8E8] =	vst v0  }
0xd0: {  	[tilespmem:$0x8F8] =	vst v0  }
0xd1: {  	[tilespmem:$0x908] =	vst v0  }
0xd2: {  	[tilespmem:$0x918] =	vst v0  }
0xd3: {  	[tilespmem:$0x928] =	vst v0  }
0xd4: {  	[tilespmem:$0x938] =	vst v0  }
0xd5: {  	[tilespmem:$0x948] =	vst v0  }
0xd6: {  	[tilespmem:$0x958] =	vst v0  }
0xd7: {  	[tilespmem:$0x968] =	vst v0  }
0xd8: {  	[tilespmem:$0x978] =	vst v0  }
0xd9: {  	[tilespmem:$0x988] =	vst v0  }
0xda: {  	[tilespmem:$0x998] =	vst v0  }
0xdb: {  	[tilespmem:$0x9A8] =	vst v0  }
0xdc: {  	[tilespmem:$0x9B8] =	vst v0  }
0xdd: {  	[tilespmem:$0x9C8] =	vst v0  }
0xde: {  	[tilespmem:$0x9D8] =	vst v0  }
0xdf: {  	[tilespmem:$0x9E8] =	vst v0  }
0xe0: {  	[tilespmem:$0x9F8] =	vst v0  }
0xe1: {  	[tilespmem:$0xA08] =	vst v0  }
0xe2: {  	[tilespmem:$0xA18] =	vst v0  }
0xe3: {  	[tilespmem:$0xA28] =	vst v0  }
0xe4: {  	[tilespmem:$0xA38] =	vst v0  }
0xe5: {  	[tilespmem:$0xA48] =	vst v0  }
0xe6: {  	[tilespmem:$0xA58] =	vst v0  }
0xe7: {  	[tilespmem:$0xA68] =	vst v0  }
0xe8: {  	[tilespmem:$0xA78] =	vst v0  }
0xe9: {  	[tilespmem:$0xA88] =	vst v0  }
0xea: {  	[tilespmem:$0xA98] =	vst v0  }
0xeb: {  	[tilespmem:$0xAA8] =	vst v0  }
0xec: {  	[tilespmem:$0xAB8] =	vst v0  }
0xed: {  	[tilespmem:$0xAC8] =	vst v0  }
0xee: {  	[tilespmem:$0xAD8] =	vst v0  }
0xef: {  	[tilespmem:$0xAE8] =	vst v0  }
0xf0: {  	[tilespmem:$0xAF8] =	vst v0  }
0xf1: {  	[tilespmem:$0xB08] =	vst v0  }
0xf2: {  	[tilespmem:$0xB18] =	vst v0  }
0xf3: {  	[tilespmem:$0xB28] =	vst v0  }
0xf4: {  	[tilespmem:$0xB38] =	vst v0  }
0xf5: {  	[tilespmem:$0xB48] =	vst v0  }
0xf6: {  	[tilespmem:$0xB58] =	vst v0  }
0xf7: {  	[tilespmem:$0xB68] =	vst v0  }
0xf8: {  	[tilespmem:$0xB78] =	vst v0  }
0xf9: {  	[tilespmem:$0xB88] =	vst v0  }
0xfa: {  	[tilespmem:$0xB98] =	vst v0  }
0xfb: {  	[tilespmem:$0xBA8] =	vst v0  }
0xfc: {  	[tilespmem:$0xBB8] =	vst v0  }
0xfd: {  	[tilespmem:$0xBC8] =	vst v0  }
0xfe: {  	[tilespmem:$0xBD8] =	vst v0  }
0xff: {  	[tilespmem:$0xBE8] =	vst v0  }
0x100: {  	[tilespmem:$0xBF8] =	vst v0  }
0x101: {  	[tilespmem:$0xC08] =	vst v0  }
0x102: {  	[tilespmem:$0xC18] =	vst v0  }
0x103: {  	[tilespmem:$0xC28] =	vst v0  }
0x104: {  	[tilespmem:$0xC38] =	vst v0  }
0x105: {  	[tilespmem:$0xC48] =	vst v0  }
0x106: {  	[tilespmem:$0xC58] =	vst v0  }
0x107: {  	[tilespmem:$0xC68] =	vst v0  }
0x108: {  	[tilespmem:$0xC78] =	vst v0  }
0x109: {  	[tilespmem:$0xC88] =	vst v0  }
0x10a: {  	[tilespmem:$0xC98] =	vst v0  }
0x10b: {  	[tilespmem:$0xCA8] =	vst v0  }
0x10c: {  	[tilespmem:$0xCB8] =	vst v0  }
0x10d: {  	[tilespmem:$0xCC8] =	vst v0  }
0x10e: {  	[tilespmem:$0xCD8] =	vst v0  }
0x10f: {  	[tilespmem:$0xCE8] =	vst v0  }
0x110: {  	[tilespmem:$0xCF8] =	vst v0  }
0x111: {  	[tilespmem:$0xD08] =	vst v0  }
0x112: {  	[tilespmem:$0xD18] =	vst v0  }
0x113: {  	[tilespmem:$0xD28] =	vst v0  }
0x114: {  	[tilespmem:$0xD38] =	vst v0  }
0x115: {  	[tilespmem:$0xD48] =	vst v0  }
0x116: {  	[tilespmem:$0xD58] =	vst v0  }
0x117: {  	[tilespmem:$0xD68] =	vst v0  }
0x118: {  	[tilespmem:$0xD78] =	vst v0  }
0x119: {  	[tilespmem:$0xD88] =	vst v0  }
0x11a: {  	[tilespmem:$0xD98] =	vst v0  }
0x11b: {  	[tilespmem:$0xDA8] =	vst v0  }
0x11c: {  	[tilespmem:$0xDB8] =	vst v0  }
0x11d: {  	[tilespmem:$0xDC8] =	vst v0  }
0x11e: {  	[tilespmem:$0xDD8] =	vst v0  }
0x11f: {  	[tilespmem:$0xDE8] =	vst v0  }
0x120: {  	[tilespmem:$0xDF8] =	vst v0  }
0x121: {  	[tilespmem:$0xE08] =	vst v0  }
0x122: {  	[tilespmem:$0xE18] =	vst v0  }
0x123: {  	[tilespmem:$0xE28] =	vst v0  }
0x124: {  	[tilespmem:$0xE38] =	vst v0  }
0x125: {  	[tilespmem:$0xE48] =	vst v0  }
0x126: {  	[tilespmem:$0xE58] =	vst v0  }
0x127: {  	[tilespmem:$0xE68] =	vst v0  }
0x128: {  	[tilespmem:$0xE78] =	vst v0  }
0x129: {  	[tilespmem:$0xE88] =	vst v0  }
0x12a: {  	[tilespmem:$0xE98] =	vst v0  }
0x12b: {  	[tilespmem:$0xEA8] =	vst v0  }
0x12c: {  	[tilespmem:$0xEB8] =	vst v0  }
0x12d: {  	[tilespmem:$0xEC8] =	vst v0  }
0x12e: {  	[tilespmem:$0xED8] =	vst v0  }
0x12f: {  	[tilespmem:$0xEE8] =	vst v0  }
0x130: {  	[tilespmem:$0xEF8] =	vst v0  }
0x131: {  	[tilespmem:$0xF08] =	vst v0  }
0x132: {  	[tilespmem:$0xF18] =	vst v0  }
0x133: {  	[tilespmem:$0xF28] =	vst v0  }
0x134: {  	[tilespmem:$0xF38] =	vst v0  }
0x135: {  	[tilespmem:$0xF48] =	vst v0  }
0x136: {  	[tilespmem:$0xF58] =	vst v0  }
0x137: {  	[tilespmem:$0xF68] =	vst v0  }
0x138: {  	[tilespmem:$0xF78] =	vst v0  }
0x139: {  	[tilespmem:$0xF88] =	vst v0  }
0x13a: {  	[tilespmem:$0xF98] =	vst v0  }
0x13b: {  	[tilespmem:$0xFA8] =	vst v0  }
0x13c: {  	[tilespmem:$0xFB8] =	vst v0  }
0x13d: {  	[tilespmem:$0xFC8] =	vst v0  }
0x13e: {  	[tilespmem:$0xFD8] =	vst v0  }
0x13f: {  	[tilespmem:$0xFE8] =	vst v0  }
0x140: {  	[tilespmem:$0xFF8] =	vst v0  }
0x141: {  	[tilespmem:$0x1028] =	vst v0  }
0x142: {  	[tilespmem:$0x10E8] =	vst v0  }
0x143: {  	[tilespmem:$0x1068] =	vst v0  }
0x144: {  	[tilespmem:$0x1B28] =	vst v0  }
0x145: {  	[tilespmem:$0x1B18] =	vst v0  }
0x146: {  	[tilespmem:$0x1B08] =	vst v0  }
0x147: {  	[tilespmem:$0x1AF8] =	vst v0  }
0x148: {  	[tilespmem:$0x1AE8] =	vst v0  }
0x149: {  	[tilespmem:$0x1AD8] =	vst v0  }
0x14a: {  	[tilespmem:$0x1AC8] =	vst v0  }
0x14b: {  	[tilespmem:$0x1AB8] =	vst v0  }
0x14c: {  	[tilespmem:$0x1AA8] =	vst v0  }
0x14d: {  	[tilespmem:$0x1A98] =	vst v0  }
0x14e: {  	[tilespmem:$0x1A88] =	vst v0  }
0x14f: {  	[tilespmem:$0x1A78] =	vst v0  }
0x150: {  	[tilespmem:$0x1A68] =	vst v0  }
0x151: {  	[tilespmem:$0x1A58] =	vst v0  }
0x152: {  	[tilespmem:$0x1A48] =	vst v0  }
0x153: {  	[tilespmem:$0x1A38] =	vst v0  }
0x154: {  	[tilespmem:$0x1A28] =	vst v0  }
0x155: {  	[tilespmem:$0x1A18] =	vst v0  }
0x156: {  	[tilespmem:$0x1A08] =	vst v0  }
0x157: {  	[tilespmem:$0x19F8] =	vst v0  }
0x158: {  	[tilespmem:$0x19E8] =	vst v0  }
0x159: {  	[tilespmem:$0x19D8] =	vst v0  }
0x15a: {  	[tilespmem:$0x19C8] =	vst v0  }
0x15b: {  	[tilespmem:$0x19B8] =	vst v0  }
0x15c: {  	[tilespmem:$0x19A8] =	vst v0  }
0x15d: {  	[tilespmem:$0x1998] =	vst v0  }
0x15e: {  	[tilespmem:$0x1988] =	vst v0  }
0x15f: {  	[tilespmem:$0x1978] =	vst v0  }
0x160: {  	[tilespmem:$0x1968] =	vst v0  }
0x161: {  	[tilespmem:$0x1958] =	vst v0  }
0x162: {  	[tilespmem:$0x1948] =	vst v0  }
0x163: {  	[tilespmem:$0x1938] =	vst v0  }
0x164: {  	[tilespmem:$0x1928] =	vst v0  }
0x165: {  	[tilespmem:$0x1918] =	vst v0  }
0x166: {  	[tilespmem:$0x1908] =	vst v0  }
0x167: {  	[tilespmem:$0x18F8] =	vst v0  }
0x168: {  	[tilespmem:$0x18E8] =	vst v0  }
0x169: {  	[tilespmem:$0x18D8] =	vst v0  }
0x16a: {  	[tilespmem:$0x18C8] =	vst v0  }
0x16b: {  	[tilespmem:$0x18B8] =	vst v0  }
0x16c: {  	[tilespmem:$0x18A8] =	vst v0  }
0x16d: {  	[tilespmem:$0x1898] =	vst v0  }
0x16e: {  	[tilespmem:$0x1888] =	vst v0  }
0x16f: {  	[tilespmem:$0x1878] =	vst v0  }
0x170: {  	[tilespmem:$0x1868] =	vst v0  }
0x171: {  	[tilespmem:$0x1858] =	vst v0  }
0x172: {  	[tilespmem:$0x1848] =	vst v0  }
0x173: {  	[tilespmem:$0x1838] =	vst v0  }
0x174: {  	[tilespmem:$0x1828] =	vst v0  }
0x175: {  	[tilespmem:$0x1818] =	vst v0  }
0x176: {  	[tilespmem:$0x1808] =	vst v0  }
0x177: {  	[tilespmem:$0x17F8] =	vst v0  }
0x178: {  	[tilespmem:$0x17E8] =	vst v0  }
0x179: {  	[tilespmem:$0x17D8] =	vst v0  }
0x17a: {  	[tilespmem:$0x17C8] =	vst v0  }
0x17b: {  	[tilespmem:$0x17B8] =	vst v0  }
0x17c: {  	[tilespmem:$0x17A8] =	vst v0  }
0x17d: {  	[tilespmem:$0x1798] =	vst v0  }
0x17e: {  	[tilespmem:$0x1788] =	vst v0  }
0x17f: {  	[tilespmem:$0x1778] =	vst v0  }
0x180: {  	[tilespmem:$0x1768] =	vst v0  }
0x181: {  	[tilespmem:$0x1758] =	vst v0  }
0x182: {  	[tilespmem:$0x1748] =	vst v0  }
0x183: {  	[tilespmem:$0x1738] =	vst v0  }
0x184: {  	[tilespmem:$0x1728] =	vst v0  }
0x185: {  	[tilespmem:$0x1718] =	vst v0  }
0x186: {  	[tilespmem:$0x1708] =	vst v0  }
0x187: {  	[tilespmem:$0x16F8] =	vst v0  }
0x188: {  	[tilespmem:$0x16E8] =	vst v0  }
0x189: {  	[tilespmem:$0x16D8] =	vst v0  }
0x18a: {  	[tilespmem:$0x16C8] =	vst v0  }
0x18b: {  	[tilespmem:$0x16B8] =	vst v0  }
0x18c: {  	[tilespmem:$0x16A8] =	vst v0  }
0x18d: {  	[tilespmem:$0x1698] =	vst v0  }
0x18e: {  	[tilespmem:$0x1688] =	vst v0  }
0x18f: {  	[tilespmem:$0x1678] =	vst v0  }
0x190: {  	[tilespmem:$0x1668] =	vst v0  }
0x191: {  	[tilespmem:$0x1658] =	vst v0  }
0x192: {  	[tilespmem:$0x1648] =	vst v0  }
0x193: {  	[tilespmem:$0x1638] =	vst v0  }
0x194: {  	[tilespmem:$0x1628] =	vst v0  }
0x195: {  	[tilespmem:$0x1618] =	vst v0  }
0x196: {  	[tilespmem:$0x1608] =	vst v0  }
0x197: {  	[tilespmem:$0x15F8] =	vst v0  }
0x198: {  	[tilespmem:$0x15E8] =	vst v0  }
0x199: {  	[tilespmem:$0x15D8] =	vst v0  }
0x19a: {  	[tilespmem:$0x15C8] =	vst v0  }
0x19b: {  	[tilespmem:$0x15B8] =	vst v0  }
0x19c: {  	[tilespmem:$0x15A8] =	vst v0  }
0x19d: {  	[tilespmem:$0x1598] =	vst v0  }
0x19e: {  	[tilespmem:$0x1588] =	vst v0  }
0x19f: {  	[tilespmem:$0x1578] =	vst v0  }
0x1a0: {  	[tilespmem:$0x1568] =	vst v0  }
0x1a1: {  	[tilespmem:$0x1558] =	vst v0  }
0x1a2: {  	[tilespmem:$0x1548] =	vst v0  }
0x1a3: {  	[tilespmem:$0x1538] =	vst v0  }
0x1a4: {  	[tilespmem:$0x1528] =	vst v0  }
0x1a5: {  	[tilespmem:$0x1518] =	vst v0  }
0x1a6: {  	[tilespmem:$0x1508] =	vst v0  }
0x1a7: {  	[tilespmem:$0x14F8] =	vst v0  }
0x1a8: {  	[tilespmem:$0x14E8] =	vst v0  }
0x1a9: {  	[tilespmem:$0x14D8] =	vst v0  }
0x1aa: {  	[tilespmem:$0x14C8] =	vst v0  }
0x1ab: {  	[tilespmem:$0x14B8] =	vst v0  }
0x1ac: {  	[tilespmem:$0x14A8] =	vst v0  }
0x1ad: {  	[tilespmem:$0x1498] =	vst v0  }
0x1ae: {  	[tilespmem:$0x1488] =	vst v0  }
0x1af: {  	[tilespmem:$0x1478] =	vst v0  }
0x1b0: {  	[tilespmem:$0x1468] =	vst v0  }
0x1b1: {  	[tilespmem:$0x1458] =	vst v0  }
0x1b2: {  	[tilespmem:$0x1448] =	vst v0  }
0x1b3: {  	[tilespmem:$0x1438] =	vst v0  }
0x1b4: {  	[tilespmem:$0x1428] =	vst v0  }
0x1b5: {  	[tilespmem:$0x1418] =	vst v0  }
0x1b6: {  	[tilespmem:$0x1408] =	vst v0  }
0x1b7: {  	[tilespmem:$0x13F8] =	vst v0  }
0x1b8: {  	[tilespmem:$0x13E8] =	vst v0  }
0x1b9: {  	[tilespmem:$0x13D8] =	vst v0  }
0x1ba: {  	[tilespmem:$0x13C8] =	vst v0  }
0x1bb: {  	[tilespmem:$0x13B8] =	vst v0  }
0x1bc: {  	[tilespmem:$0x13A8] =	vst v0  }
0x1bd: {  	[tilespmem:$0x1398] =	vst v0  }
0x1be: {  	[tilespmem:$0x1388] =	vst v0  }
0x1bf: {  	[tilespmem:$0x1378] =	vst v0  }
0x1c0: {  	[tilespmem:$0x1368] =	vst v0  }
0x1c1: {  	[tilespmem:$0x1358] =	vst v0  }
0x1c2: {  	[tilespmem:$0x1348] =	vst v0  }
0x1c3: {  	[tilespmem:$0x1338] =	vst v0  }
0x1c4: {  	[tilespmem:$0x1328] =	vst v0  }
0x1c5: {  	[tilespmem:$0x1318] =	vst v0  }
0x1c6: {  	[tilespmem:$0x1308] =	vst v0  }
0x1c7: {  	[tilespmem:$0x12F8] =	vst v0  }
0x1c8: {  	[tilespmem:$0x12E8] =	vst v0  }
0x1c9: {  	[tilespmem:$0x12D8] =	vst v0  }
0x1ca: {  	[tilespmem:$0x12C8] =	vst v0  }
0x1cb: {  	[tilespmem:$0x12B8] =	vst v0  }
0x1cc: {  	[tilespmem:$0x12A8] =	vst v0  }
0x1cd: {  	[tilespmem:$0x1298] =	vst v0  }
0x1ce: {  	[tilespmem:$0x1288] =	vst v0  }
0x1cf: {  	[tilespmem:$0x1278] =	vst v0  }
0x1d0: {  	[tilespmem:$0x1268] =	vst v0  }
0x1d1: {  	[tilespmem:$0x1258] =	vst v0  }
0x1d2: {  	[tilespmem:$0x1248] =	vst v0  }
0x1d3: {  	[tilespmem:$0x1238] =	vst v0  }
0x1d4: {  	[tilespmem:$0x1228] =	vst v0  }
0x1d5: {  	[tilespmem:$0x1218] =	vst v0  }
0x1d6: {  	[tilespmem:$0x1208] =	vst v0  }
0x1d7: {  	[tilespmem:$0x11F8] =	vst v0  }
0x1d8: {  	[tilespmem:$0x11E8] =	vst v0  }
0x1d9: {  	[tilespmem:$0x11D8] =	vst v0  }
0x1da: {  	[tilespmem:$0x11C8] =	vst v0  }
0x1db: {  	[tilespmem:$0x11B8] =	vst v0  }
0x1dc: {  	[tilespmem:$0x11A8] =	vst v0  }
0x1dd: {  	[tilespmem:$0x1198] =	vst v0  }
0x1de: {  	[tilespmem:$0x1188] =	vst v0  }
0x1df: {  	[tilespmem:$0x1178] =	vst v0  }
0x1e0: {  	[tilespmem:$0x1168] =	vst v0  }
0x1e1: {  	[tilespmem:$0x1158] =	vst v0  }
0x1e2: {  	[tilespmem:$0x1148] =	vst v0  }
0x1e3: {  	[tilespmem:$0x1138] =	vst v0  }
0x1e4: {  	[tilespmem:$0x1128] =	vst v0  }
0x1e5: {  	s4 =	stileid.u32;
	[tilespmem:$0x1118] =	vst v0  }
0x1e6: {  	s0 =	smin.u32 s4, $0xD;
	[tilespmem:$0x1108] =	vst v0  }
0x1e7: {  	[tilespmem:$0x10F8] =	vst v0;
	s0 =	sadd.s32 s4, s0  }
0x1e8: {  	s1 =	simm.s32 $0x360;
	p0 =	slt.u32 s4, $0xD;
	[tilespmem:$0x10D8] =	vst v0;
	s6 =	smul.u32 $0x1B0, s0  }
0x1e9: {  	s1 =	simm.s32 @!p0 $0x1B0;
	[tilespmem:$0x1038] =	vst v0  }
0x1ea: {  	[tilespmem:$0x10C8] =	vst v0;
	s0 =	sadd.s32 s1, s6  }
0x1eb: {  	[tilespmem:$0x10B8] =	vst v0;
	s7 =	smin.u32 s0, $0x3000  }
0x1ec: {  	[tilespmem:$0x10A8] =	vst v0;
	s0 =	ssub.s32 s7, s6  }
0x1ed: {  	s3 =	simm.s32 $0x2;
	s8 =	simm.s32 $0x9;
	[tilespmem:$0x1098] =	vst v0;
	p0 =	sgt.s32 s0, $0x0  }
0x1ee: {  	s10 =	simm.s32 $0xA;
	s30 =	simm.s32 $0xB;
	[tilespmem:$0x1088] =	vst v0;
	s0 =	simm.s32 @!p0 $0x0  }
0x1ef: {  	s16 =	simm.s32 $0x0;
	p4 =	por $0x0, $0x0;
	[tilespmem:$0x1078] =	vst v0;
	s29 =	sand.u32 $0xFFF0, s0  }
0x1f0: {  	s17 =	simm.s32 $0xC;
	s21 =	simm.s32 $0x0;
	[tilespmem:$0x1058] =	vst v0;
	s1 =	sshrl.u32 s29, $0x4  }
0x1f1: {  	s18 =	simm.s32 $0x0;
	s2 =	sand.u32 $0x1, s2;
	[tilespmem:$0x1048] =	vst v0;
	s1 =	smul.u32 $0x12F7, s1  }
0x1f2: {  	s20 =	simm.s32 $0x0;
	s31 =	sshll.u32 s4, $0x5;
	[tilespmem:$0x1018] =	vst v0;
	[dreg:$0x5] =	wrdreg s2  }
0x1f3: {  	s2 =	smul.u32 $0x600, s2;
	[tilespmem:$0x1008] =	vst v0;
	[sflag:s3] =	ssyncpa.u1 $0x0;
	s1 =	sshrl.u32 s1, $0x11  }
0x1f4: {  	v0 =	vimm.s32 $0xFFFFFFFF;
	s3 =	sadd.s32 $0xFAE00, s11;
	[dreg:$0x4] =	wrdreg s31;
	s5 =	smul.u32 $0x1B0, s1  }
.Ltmp5:
0x1f5: {  	[tilespmem:$0x3648] =	vst v0;
	[sflag:s8] =	ssyncpa.u1 $0x0;
	s2 =	sadd.s32 s2, s11;
	(pc) =	sbr.rel .LBB3_1-.Ltmp5, $4  }
0x1f6: {  	[sflag:s10] =	ssyncpa.u1 $0x0;
	s11 =	sadd.s32 $0x3AE00, s11;
	p0 =	sne.s32 s0, s5  }
0x1f7: {  	[sflag:s30] =	ssyncpa.u1 $0x0;
	s14 =	sadd.s32 $0x18C00, s2;
	s12 =	simm.s32 @!p0 $0x0  }
0x1f8: {  	s15 =	sadd.s32 $0x18000, s2;
	s19 =	smov.u32 s6;
	s12 =	sadd.s32 s1, s12  }
0x1f9: {  	v0 =	vlaneseq.u32;
	[dreg:$0x6] =	wrdreg s6;
	p0 =	por $0x1, $0x1;
	s4 =	sadd.s32 $0x1, s12  }
.LBB3_18:
0x1fa: {  	s0 =	simm.s32 $0x2  }
0x1fb: {  	_ =	swait.ge [sflag:s0], $0x0  }
0x1fc: {  	[sflag:s0] =	ssyncset.done $0x0;
	s0 =	simm.s32 $0x0  }
.LBB3_19:
0x1fd: {  	_ =	swait.ge [sflag:s17], s0  }
0x1fe: {  	s31 =	ssub.s32 $0x0, s0;
	v1 =	vmov s23;
	vm0 =	veq.s32 v0, $0x0;
	[sflag:s17] =	ssyncset.done $0x0  }
0x1ff: {  	vm15 =	veq.s32 v0, $0x2;
	v1 =	vsel vm0, s29, v1;
	[sflag:s17] =	ssyncadd.s32 s31  }
0x200: {  	v1 =	vsel vm15, s21, v1;
	[sflag:s17] =	ssyncpa.u1 $0x1  }
0x201: {  	[tilespmem:$0x3648] =	vst v1  }
.LBB3_20:
0x202: {  	s0 =	sadd.s32 $0x1B0, s19  }
0x203: {  	s1 =	smov.u32 s6;
	p1 =	slt.s32 s0, s7  }
0x204: {  	s1 =	smov.u32 @p1 s0;
	p1 =	sne.s32 s20, s4  }
.Ltmp6:
0x205: {  	_ = 	snop;
	(pc) =	sbr.rel @!p1 .LBB3_21-.Ltmp6, $4  }
0x206: {  	_ = 	snop  }
0x207: {  	s21 =	smov.u32 s18  }
0x208: {  	s31 =	sadd.s32 $0x1, s20;
	s18 =	smov.u32 s19;
	p0 =	por !p0, !p0  }
0x209: {  	p4 =	por !p4, !p4;
	s20 =	smov.u32 s31;
	s19 =	smov.u32 s1  }
.LBB3_1:
0x20a: {  	p2 =	sge.u32 s20, s12  }
0x20b: {  	s0 =	smulhi.u32 @!p2 $0xAAAAAAAB, s20  }
0x20c: {  	s1 =	smov.u32 s19;
	p3 =	sgt.s32 @!p2 s19, $0x2E50  }
0x20d: {  	s2 =	sshra.s32 @!p2 s19, $0x1F;
	p3 =	por !p3, p2;
	s0 =	sshrl.u32 @!p2 s0, $0x1  }
0x20e: {  	s2 =	sand.u32 @!p2 s2, s19;
	s1 =	simm.s32 @p3 $0x2E50;
	s0 =	smul.u32 @!p2 $0x3, s0  }
0x20f: {  	s1 =	ssub.s32 @!p2 s1, s2  }
0x210: {  	s23 =	sadd.s32 $0xFFFFFFFF, s20;
	s1 =	sadd.s32 @!p2 $0xFFFFD1B0, s1;
	s0 =	ssub.s32 @!p2 s20, s0  }
0x211: {  	s2 =	sshll.u32 @!p2 s1, $0x2;
	p3 =	sgt.s32 @!p2 s1, $0x1AF;
	s0 =	smul.u32 @!p2 $0x6C0, s0  }
0x212: {  	s5 =	sand.u32 @!p2 $0x7, s19;
	s1 =	ssub.s32 @!p2 $0x6C0, s2;
	p3 =	por !p3, p2  }
0x213: {  	s2 =	sshrl.u32 @!p2 s19, $0x3;
	s1 =	sshrl.u32 @!p2 s1, $0x2;
	s0 =	sshrl.u32 @!p2 s0, $0x2  }
0x214: {  	s2 =	sadd.s32 @!p2 s2, s14;
	s1 =	simm.s32 @!p3 $0x0;
	s0 =	sadd.s32 @!p2 $0x3888, s0  }
0x215: {  	[tilespmem:s0], [sflag:$0xA] =	stream.linear.gather @!p2 [hbm4b:s2+s5], s1, $0x38;
	[tilespmem:$0x1F0F8] =	vst v63  }
0x216: {  	p2 =	sge.u32 s23, s12  }
0x217: {  	p3 =	sgt.s32 @!p2 s18, $0x2E50  }
0x218: {  	s0 =	smov.u32 s18;
	s1 =	sshra.s32 @!p2 s18, $0x1F;
	p3 =	por !p3, p2  }
0x219: {  	s1 =	sand.u32 @!p2 s1, s18;
	s0 =	simm.s32 @p3 $0x2E50  }
0x21a: {  	s0 =	ssub.s32 @!p2 s0, s1  }
0x21b: {  	s0 =	sadd.s32 @!p2 $0xFFFFD1B0, s0  }
0x21c: {  	s1 =	sshll.u32 @!p2 s0, $0x2  }
0x21d: {  	p3 =	sgt.s32 @!p2 s0, $0x1AF;
	s0 =	ssub.s32 @!p2 $0x6C0, s1  }
0x21e: {  	s22 =	ssub.s32 @!p2 $0x3000, s18;
	p3 =	por !p3, p2;
	s0 =	sshrl.u32 @!p2 s0, $0x2  }
0x21f: {  	s1 =	sand.u32 @!p2 $0x1, s23;
	s0 =	simm.s32 @!p3 $0x0;
	p3 =	slt.s32 @!p2 s22, $0x1  }
0x220: {  	s2 =	simm.s32 @!p2 $0xA;
	s1 =	smul.u32 @!p2 $0x6C0, s1;
	p3 =	por p2, p3  }
.Ltmp7:
0x221: {  	_ =	swait.ge @!p2 [sflag:s2], s0;
	(pc) =	sbr.rel @p3 .LBB3_7-.Ltmp7, $4  }
0x222: {  	s5 =	ssub.s32 @!p2 $0x0, s0;
	[sflag:s2] =	ssyncset.done @!p2 $0x0  }
0x223: {  	s1 =	sshrl.u32 @!p2 s1, $0x2;
	[sflag:s2] =	ssyncadd.s32 @!p2 s5;
	s2 =	sshrl.u32 @!p2 s18, $0x3  }
0x224: {  	s1 =	sadd.s32 @!p2 $0x3D98, s1;
	s5 =	sand.u32 @!p2 $0x7, s18;
	s2 =	sadd.s32 @!p2 s2, s15  }
0x225: {  	[tilespmem:s1], [sflag:$0xB] =	stream.linear.gather @!p2 [hbm4b:s2+s5], s0, $0x38;
	[tilespmem:$0x1F0F8] =	vst v63  }
0x226: {  	s0 =	smulhi.u32 $0xAAAAAAAB, s23;
	_ =	sdelay $0x1  }
0x227: {  	s0 =	sshrl.u32 s0, $0x1  }
0x228: {  	s0 =	smul.u32 $0x3, s0;
	_ =	sdelay $0x1  }
0x229: {  	s0 =	ssub.s32 s23, s0  }
0x22a: {  	s1 =	simm.s32 $0x1;
	s0 =	smul.u32 $0x6C0, s0  }
.Ltmp8:
0x22b: {  	s1 =	simm.s32 @!p0 $0x0;
	(pc) =	sbr.rel .LBB3_4-.Ltmp8, $4  }
0x22c: {  	s1 =	smul.u32 $0x36000, s1  }
0x22d: {  	p3 =	slt.s32 @!p2 s22, $0x1B0;
	s0 =	sshrl.u32 s0, $0x2  }
0x22e: {  	p2 =	por !p3, p2;
	s1 =	sshrl.u32 s1, $0x2;
	s0 =	sadd.s32 $0x3888, s0  }
0x22f: {  	s24 =	simm.s32 $0x0;
	s22 =	simm.s32 @p2 $0x1B0;
	s23 =	sadd.s32 $0x40F8, s1;
	v1 =	vmov s0  }
.LBB3_3:
0x230: {  	p2 =	sge.s32 s24, s22  }
.Ltmp9:
0x231: {  	_ = 	snop;
	(pc) =	sbr.rel @p2 .LBB3_7-.Ltmp9, $2  }
0x232: {  	_ =	sdelay $0x2  }
0x233: {  	s23 =	sadd.s32 $0x800, s23  }
.LBB3_4:
0x234: {  	p2 =	sle.s32 s22, s24  }
.Ltmp10:
0x235: {  	_ = 	snop;
	(pc) =	sbr.rel @p2 .LBB3_3-.Ltmp10, $2  }
0x236: {  	_ =	sdelay $0x2  }
0x237: {  	s0 =	smov.u32 s24;
	s24 =	sadd.s32 $0x10, s24  }
0x238: {  	s1 =	ssub.s32 s22, s0  }
0x239: {  	p2 =	slt.s32 s1, $0x10  }
0x23a: {  	s1 =	simm.s32 @!p2 $0x10  }
0x23b: {  	v2 =	vmov s1  }
0x23c: {  	vm0 =	vgt.s32 v2, v0;
	_ =	sdelay $0x5  }
0x23d: {  	v2 =	vld.idx.msk [tilespmem:v1+s0+$0x0 ss:$0x1], vm0;
	_ =	sdelay $0x2  }
0x23e: {  	p2 =	slt.s32 s24, s22;
	s1 =	smov.u32 s22  }
0x23f: {  	s2 =	smov.u32 s23;
	s25 =	simm.s32 $0x0;
	s1 =	smov.u32 @p2 s24  }
.LBB3_6:
0x240: {  	(v2sf) =	vpush v2, s25;
	_ =	sdelay $0xc  }
0x241: {  	s25 =	sadd.s32 $0x1, s25  }
0x242: {  	s31 =	sadd.s32 s25, s0  }
0x243: {  	p2 =	slt.s32 s31, s1;
	s5 =	spop (v2sf)  }
.Ltmp11:
0x244: {  	s5 =	sshll.u32 s5, $0x4;
	(pc) =	sbr.rel @p2 .LBB3_6-.Ltmp11, $4  }
0x245: {  	s5 =	sand.u32 $0x1FFFFFF0, s5  }
0x246: {  	s5 =	sadd.s32 s11, s5  }
0x247: {  	[tilespmem:s2], [sflag:$0x9] =	stream.linear.gather [hbm4b:s5+s16], $0x4, $0x38;
	[tilespmem:$0x1F0F8] =	vst v63  }
0x248: {  	s2 =	sadd.s32 $0x80, s2  }
.Ltmp12:
0x249: {  	_ = 	snop;
	(pc) =	sbr.rel .LBB3_3-.Ltmp12, $1  }
0x24a: {  	_ =	sdelay $0x3  }
.LBB3_7:
0x24b: {  	p2 =	slt.u32 s20, $0x2  }
.Ltmp13:
0x24c: {  	_ = 	snop;
	(pc) =	sbr.rel @p2 .LBB3_20-.Ltmp13, $1  }
0x24d: {  	_ =	sdelay $0x3  }
0x24e: {  	p2 =	sgt.s32 s21, $0x2E50  }
0x24f: {  	s0 =	smov.u32 s21;
	s1 =	sshra.s32 s21, $0x1F;
	s2 =	ssub.s32 $0x3000, s21  }
0x250: {  	s0 =	simm.s32 @!p2 $0x2E50;
	s1 =	sand.u32 s1, s21;
	p2 =	slt.s32 s2, $0x1B0  }
0x251: {  	s0 =	ssub.s32 s0, s1;
	s2 =	simm.s32 @!p2 $0x1B0  }
0x252: {  	s0 =	sadd.s32 $0xFFFFD1B0, s0;
	s24 =	sshll.u32 s2, $0x2  }
0x253: {  	s29 =	simm.s32 $0x9;
	s25 =	sshll.u32 s0, $0x2;
	s1 =	sand.u32 $0x3FFFFFFC, s24  }
0x254: {  	p2 =	sgt.s32 s0, $0x1AF;
	s26 =	ssub.s32 $0x6C0, s25;
	_ =	swait.ge [sflag:s29], s1  }
0x255: {  	s1 =	ssub.s32 $0x0, s1;
	[sflag:s29] =	ssyncset.done $0x0;
	s0 =	sshrl.u32 s26, $0x2  }
0x256: {  	s30 =	simm.s32 $0xB;
	[sflag:s29] =	ssyncadd.s32 s1;
	s0 =	simm.s32 @p2 $0x0  }
0x257: {  	_ =	swait.ge [sflag:s30], s0  }
0x258: {  	s0 =	ssub.s32 $0x0, s0;
	[sflag:s30] =	ssyncset.done $0x0  }
0x259: {  	[sflag:s30] =	ssyncadd.s32 s0  }
0x25a: {  	v1 =	vld [tilespmem:$0x3648];
	_ =	sdelay $0x4  }
0x25b: {  	(v2sf) =	vpush v1, $0x0  }
0x25c: {  	(v2sf) =	vpush v1, $0x1  }
0x25d: {  	(v2sf) =	vpush v1, $0x2;
	_ =	sdelay $0x3  }
0x25e: {  	s0 =	sadd.s32 $0x1B0, s21  }
0x25f: {  	s1 =	ssub.s32 $0x6000, s21;
	p2 =	slt.s32 s7, s0  }
0x260: {  	s0 =	smov.u32 @p2 s7;
	p2 =	sgt.s32 s1, $0x0  }
0x261: {  	s26 =	ssub.s32 s0, s21;
	s1 =	simm.s32 @!p2 $0x0  }
0x262: {  	p2 =	slt.s32 s1, s26  }
0x263: {  	s26 =	smov.u32 @p2 s1  }
0x264: {  	s24 =	simm.s32 $0x1;
	p2 =	slt.s32 s26, $0x1  }
.Ltmp14:
0x265: {  	s24 =	simm.s32 @!p4 $0x0;
	(pc) =	sbr.rel @p2 .LBB3_12-.Ltmp14, $4  }
0x266: {  	s31 =	smul.u32 $0x6C0, s24  }
0x267: {  	s25 =	spop (v2sf)  }
0x268: {  	s0 =	sshrl.u32 s31, $0x2;
	s28 =	spop (v2sf)  }
0x269: {  	s22 =	sadd.s32 $0x3D98, s0;
	s21 =	spop (v2sf)  }
0x26a: {  	s0 =	smin.u32 s26, $0x10  }
0x26b: {  	v1 =	vmov s0  }
0x26c: {  	p3 =	sgt.s32 s26, $0x10;
	vm1 =	vgt.u32 v1, v0  }
.Ltmp15:
0x26d: {  	_ = 	snop;
	(pc) =	sbr.rel @!p3 .LBB3_11-.Ltmp15, $2  }
0x26e: {  	_ =	sdelay $0x2  }
0x26f: {  	s23 =	simm.s32 $0x10;
	s29 =	sadd.s32 $0xFFFFFFF0, s26;
	s0 =	smov.u32 s22;
	vm0 =	vmmov vm1  }
.LBB3_10:
0x270: {  	s1 =	smin.u32 s29, $0x10;
	s23 =	sadd.s32 $0x10, s23;
	v1 =	vld.msk [tilespmem:s0+$0x0 ss:$0x1], vm1  }
0x271: {  	v2 =	vmov s1;
	p3 =	slt.s32 s23, s26  }
0x272: {  	vm1 =	vgt.u32 v2, v0  }
.Ltmp16:
0x273: {  	(pc) =	sbr.rel @p3 .LBB3_10-.Ltmp16, $3  }
0x274: {  	_ =	sdelay $0x1  }
0x275: {  	v1 =	vshll.u32 v1, $0x4  }
0x276: {  	s29 =	sadd.s32 $0xFFFFFFF0, s29;
	[tilespmem:s0+$0x0] =	vst.msk vm0, v1;
	s0 =	sadd.s32 $0x10, s0;
	vm0 =	vmmov vm1  }
.LBB3_11:
0x277: {  	_ =	sdelay $0x4  }
0x278: {  	v1 =	vld.msk [tilespmem:s0+$0x0 ss:$0x1], vm1;
	_ =	sdelay $0x4  }
0x279: {  	v1 =	vshll.u32 v1, $0x4  }
0x27a: {  	[tilespmem:s0+$0x0] =	vst.msk vm0, v1  }
.LBB3_12:
0x27b: {  	s0 =	sand.u32 $0x1, s20  }
0x27c: {  	s0 =	smul.u32 $0x1B0, s0  }
0x27d: {  	p3 =	sne.s32 s28, $0xFFFFFFFF  }
0x27e: {  	v1 =	vld.msk @!p3 [tilespmem:s0+$0x3D98], $0x1;
	_ =	sdelay $0x4  }
0x27f: {  	(v2sf) =	vpush @!p3 v1, $0x0;
	_ =	sdelay $0xc  }
.Ltmp17:
0x280: {  	_ = 	snop;
	(pc) =	sbr.rel @p2 .LBB3_18-.Ltmp17, $4  }
0x281: {  	_ = 	snop  }
0x282: {  	s29 =	spop @!p3 (v2sf)  }
0x283: {  	s21 =	simm.s32 @!p3 $0x0;
	s23 =	smov.u32 s29  }
0x284: {  	[sflag:s17] =	ssyncpa.u1 $0x0;
	s29 =	smov.u32 @p3 s25;
	s23 =	smov.u32 @p3 s28  }
0x285: {  	v1 =	vld.msk [tilespmem:s22+$0x0], $0x1;
	_ =	sdelay $0x4  }
0x286: {  	(v2sf) =	vpush v1, $0x0;
	_ =	sdelay $0xe  }
0x287: {  	s31 =	spop (v2sf)  }
0x288: {  	p2 =	seq.s32 s29, s31  }
0x289: {  	s0 =	simm.s32 @!p4 $0x0;
	p3 =	sgt.s32 @!p2 s29, $0x0  }
0x28a: {  	s1 =	smov.u32 s29;
	s28 =	sadd.s32 $0xFFFFFFFF, s26;
	p3 =	por !p3, p2  }
0x28b: {  	s25 =	smul.u32 $0x36000, s24;
	s1 =	simm.s32 @p3 $0x0;
	p3 =	sne.s32 s28, $0x0  }
.Ltmp18:
0x28c: {  	s6 =	smov.u32 s4;
	s0 =	simm.s32 @p4 $0x1;
	(pc) =	sbr.rel @!p3 .LBB3_15-.Ltmp18, $4  }
0x28d: {  	[smem:$0x7FD] =	sst s0;
	s0 =	sshrl.u32 s25, $0x2;
	s25 =	simm.s32 $0x0  }
0x28e: {  	s24 =	sadd.s32 $0x40F8, s0;
	s0 =	simm.s32 @!p2 $0x1;
	s2 =	smin.u32 @!p2 s1, $0xFFFF  }
0x28f: {  	s30 =	sadd.s32 $0x1, s22;
	s0 =	smov.u32 @p2 s25;
	s5 =	sand.u32 @!p2 $0xFFF8, s2  }
0x290: {  	s1 =	simm.s32 @!p2 $0x1B38;
	s2 =	sand.u32 @!p2 $0x7, s2;
	s5 =	sadd.s32 @!p2 s3, s5  }
.LBB3_14:
0x291: {  	s4 =	smov.u32 s0  }
0x292: {  	[tilespmem:s1], [sflag:$0x2] =	stream.linear.gather @!p2 [hbm4b:s5+s2], $0x4, $0x38;
	[tilespmem:$0x1F0F8] =	vst v63  }
0x293: {  	s28 =	sadd.s32 $0xFFFFFFFF, s28;
	s2 =	smov.u32 s31;
	v1 =	vld.msk [tilespmem:s30+$0x0], $0x1  }
0x294: {  	p3 =	sne.s32 s28, $0x0;
	_ =	sdelay $0x3  }
0x295: {  	(v2sf) =	vpush v1, $0x0;
	_ =	sdelay $0xe  }
0x296: {  	s31 =	spop (v2sf)  }
0x297: {  	p2 =	seq.s32 s2, s31  }
0x298: {  	p4 =	sgt.s32 @!p2 s2, $0x0;
	s1 =	sshll.u32 @!p2 s0, $0x6;
	s0 =	sadd.s32 @!p2 $0x1, s0  }
.Ltmp19:
0x299: {  	p4 =	por !p4, p2;
	s1 =	sshra.s32 @!p2 s1, $0x2;
	(pc) =	sbr.rel @p3 .LBB3_14-.Ltmp19, $4  }
0x29a: {  	s0 =	smov.u32 @p2 s4;
	s2 =	simm.s32 @p4 $0x0;
	s1 =	sadd.s32 @!p2 $0x1B38, s1  }
0x29b: {  	s2 =	smin.u32 @!p2 s2, $0xFFFF  }
0x29c: {  	s4 =	sand.u32 @!p2 $0xFFF8, s2;
	s2 =	sand.u32 @!p2 $0x7, s2  }
0x29d: {  	s30 =	sadd.s32 $0x1, s30;
	s5 =	sadd.s32 @!p2 s3, s4  }
.LBB3_15:
0x29e: {  	[tilespmem:s1], [sflag:$0x2] =	stream.linear.gather @!p2 [hbm4b:s5+s2], $0x4, $0x38;
	[tilespmem:$0x1F0F8] =	vst v63  }
0x29f: {  	s0 =	sshll.u32 s0, $0x2  }
0x2a0: {  	s31 =	simm.s32 $0x2;
	s0 =	sand.u32 $0x3FFFFFFC, s0  }
0x2a1: {  	_ =	swait.ge [sflag:s31], s0  }
0x2a2: {  	s0 =	ssub.s32 $0x0, s0;
	[sflag:s31] =	ssyncset.done $0x0  }
0x2a3: {  	[sflag:s31] =	ssyncadd.s32 s0  }
0x2a4: {  	v1 =	vld.msk [tilespmem:s22+$0x0], $0x1;
	_ =	sdelay $0x4  }
0x2a5: {  	(v2sf) =	vpush v1, $0x0;
	_ =	sdelay $0xe  }
0x2a6: {  	s28 =	spop (v2sf)  }
0x2a7: {  	p2 =	sne.s32 s29, s28  }
0x2a8: {  	p4 =	sne.s32 @p2 s29, s23  }
0x2a9: {  	p3 =	por !p4, !p2  }
0x2aa: {  	s0 =	simm.s32 @!p3 $0x0  }
0x2ab: {  	v1 =	vld.msk @!p3 [tilespmem:s0+$0x1B38], $0xf  }
0x2ac: {  	p5 =	sgt.u32 @!p3 s29, $0xFFFF  }
0x2ad: {  	s1 =	sshll.u32 @!p3 s21, $0x6;
	p6 =	por @p2 p5, !p4  }
0x2ae: {  	s1 =	sshra.s32 @!p3 s1, $0x2;
	p1 =	por p6, !p2;
	p6 =	por p4, !p2  }
0x2af: {  	s2 =	sadd.s32 @!p3 $0x28, s1;
	s4 =	sand.u32 @!p1 $0xFFF8, s29;
	s5 =	sshll.u32 @!p6 s21, $0x6  }
0x2b0: {  	s29 =	sand.u32 @!p1 $0x7, s29;
	[tilespmem:s1+$0x28] =	vst.add.f32.msk @!p3 $0xf, v1;
	s1 =	sadd.s32 @!p1 s3, s4;
	s4 =	sshra.s32 @!p6 s5, $0x2  }
0x2b1: {  	[hbm4b:s1+s29] =	stream.linear.scatter @!p1 [tilespmem:s2], [sflag:$0xC], $0x4, $0x38;
	[tilespmem:$0x1F0F8] =	vst v63  }
0x2b2: {  	s0 =	rddreg [dreg:$0x4];
	s1 =	sadd.s32 @!p6 $0x28, s4;
	s2 =	simm.s32 @!p6 $0x1  }
0x2b3: {  	[spmem:s0] =	stream.linear.scatter @!p6 [tilespmem:s1], [sflag:$0x1], $0x4, $0x38;
	[tilespmem:$0x1F0F8] =	vst v63  }
0x2b4: {  	s0 =	sadd.s32 @p2 $0x1, s21;
	_ =	swait.ge @!p6 [sflag:s2], $0x4  }
0x2b5: {  	s1 =	sshrl.u32 @p2 s0, $0x4;
	[sflag:s2] =	ssyncset.done @!p6 $0x0  }
0x2b6: {  	s1 =	smulhi.u32 @p2 $0x97B425F, s1;
	[sflag:s2] =	ssyncadd.s32 @!p6 $0xFFFFFFFC  }
0x2b7: {  	s26 =	sadd.s32 $0xFFFFFFFF, s26;
	v1 =	vld.msk @p2 [tilespmem:s24+$0x0], $0xf  }
0x2b8: {  	p1 =	por @p2 !p5, !p4;
	p4 =	sne.s32 s26, $0x0;
	s1 =	smul.u32 @p2 $0x1B0, s1  }
.Ltmp20:
0x2b9: {  	p1 =	por !p1, !p2;
	s2 =	simm.s32 @!p3 $0x0;
	(pc) =	sbr.rel @!p4 .LBB3_17-.Ltmp20, $4  }
0x2ba: {  	s4 =	sshll.u32 @!p2 s21, $0x6;
	s2 =	simm.s32 @!p1 $0x10;
	s0 =	ssub.s32 @p2 s0, s1  }
0x2bb: {  	s29 =	simm.s32 $0x0;
	s2 =	sadd.s32 @!p3 $0x0, s2;
	s5 =	sshll.u32 @p2 s0, $0x4  }
0x2bc: {  	s30 =	sshra.s32 @!p2 s4, $0x2;
	s1 =	simm.s32 @p2 $0x1;
	s2 =	smov.u32 @p3 s25;
	[tilespmem:s5+$0x28] =	vst.msk @p2 $0xf, v1  }
0x2bd: {  	s21 =	smov.u32 @p2 s0;
	s29 =	smov.u32 @p2 s2;
	s25 =	smov.u32 @p2 s1;
	v1 =	vld.msk @!p2 [tilespmem:s24+$0x0], $0xf  }
.LBB3_16:
0x2be: {  	_ =	sdelay $0x3  }
0x2bf: {  	s22 =	sadd.s32 $0x1, s22;
	[tilespmem:s30+$0x28] =	vst.add.f32.msk @!p2 $0xf, v1  }
0x2c0: {  	v1 =	vld.msk [tilespmem:s22+$0x0], $0x1;
	_ =	sdelay $0x4  }
0x2c1: {  	(v2sf) =	vpush v1, $0x0;
	_ =	sdelay $0xe  }
0x2c2: {  	s0 =	smov.u32 s28;
	s28 =	spop (v2sf)  }
0x2c3: {  	p2 =	sne.s32 s0, s28  }
0x2c4: {  	p5 =	sne.s32 @p2 s0, s23  }
0x2c5: {  	s4 =	sshll.u32 @!p2 s21, $0x6;
	p4 =	por !p5, !p2  }
0x2c6: {  	s30 =	sshra.s32 @!p2 s4, $0x2;
	s4 =	sshll.u32 @!p4 s25, $0x6  }
0x2c7: {  	s4 =	sshra.s32 @!p4 s4, $0x2  }
0x2c8: {  	p1 =	sgt.u32 @!p4 s0, $0xFFFF;
	v1 =	vld.msk @!p4 [tilespmem:s4+$0x1B38], $0xf  }
0x2c9: {  	s31 =	sshll.u32 @!p4 s21, $0x6;
	p6 =	por @p2 p1, !p5;
	p1 =	por @p2 !p1, !p5  }
0x2ca: {  	s8 =	simm.s32 @!p4 $0x0;
	s31 =	sshra.s32 @!p4 s31, $0x2;
	p1 =	por !p1, !p2  }
0x2cb: {  	p5 =	por p5, !p2;
	s8 =	simm.s32 @!p1 $0x10;
	p1 =	por p6, !p2  }
0x2cc: {  	s4 =	sadd.s32 @!p4 $0x28, s31;
	s13 =	sshll.u32 @!p5 s21, $0x6;
	s10 =	sand.u32 @!p1 $0xFFF8, s0  }
0x2cd: {  	s13 =	sshra.s32 @!p5 s13, $0x2;
	s0 =	sand.u32 @!p1 $0x7, s0;
	s10 =	sadd.s32 @!p1 s3, s10;
	[tilespmem:s31+$0x28] =	vst.add.f32.msk @!p4 $0xf, v1  }
0x2ce: {  	[hbm4b:s10+s0] =	stream.linear.scatter @!p1 [tilespmem:s4], [sflag:$0xC], $0x4, $0x38;
	[tilespmem:$0x1F0F8] =	vst v63  }
0x2cf: {  	s1 =	rddreg [dreg:$0x4];
	s0 =	sadd.s32 @!p5 $0x28, s13;
	s4 =	simm.s32 @!p5 $0x1  }
0x2d0: {  	[spmem:s1] =	stream.linear.scatter @!p5 [tilespmem:s0], [sflag:$0x1], $0x4, $0x38;
	[tilespmem:$0x1F0F8] =	vst v63  }
0x2d1: {  	s2 =	sadd.s32 @p2 $0x1, s21;
	_ =	swait.ge @!p5 [sflag:s4], $0x4  }
0x2d2: {  	s5 =	sshrl.u32 @p2 s2, $0x4;
	[sflag:s4] =	ssyncset.done @!p5 $0x0  }
0x2d3: {  	s24 =	sadd.s32 $0x80, s24;
	s5 =	smulhi.u32 @p2 $0x97B425F, s5;
	[sflag:s4] =	ssyncadd.s32 @!p5 $0xFFFFFFFC  }
0x2d4: {  	s26 =	sadd.s32 $0xFFFFFFFF, s26;
	v1 =	vld.msk @p2 [tilespmem:s24+$0x0], $0xf  }
0x2d5: {  	p3 =	sne.s32 s26, $0x0;
	s5 =	smul.u32 @p2 $0x1B0, s5  }
.Ltmp21:
0x2d6: {  	_ = 	snop;
	(pc) =	sbr.rel @p3 .LBB3_16-.Ltmp21, $4  }
0x2d7: {  	s2 =	ssub.s32 @p2 s2, s5  }
0x2d8: {  	s8 =	sadd.s32 @!p4 s8, s29;
	s5 =	sshll.u32 @p2 s2, $0x4  }
0x2d9: {  	s9 =	sadd.s32 @p2 $0x1, s25;
	s8 =	smov.u32 @p4 s29;
	[tilespmem:s5+$0x28] =	vst.msk @p2 $0xf, v1  }
0x2da: {  	s25 =	smov.u32 @p2 s9;
	s21 =	smov.u32 @p2 s2;
	s29 =	smov.u32 @p2 s8;
	v1 =	vld.msk @!p2 [tilespmem:s24+$0x0], $0xf  }
.LBB3_17:
.Ltmp22:
0x2db: {  	_ = 	snop;
	(pc) =	sbr.rel .LBB3_19-.Ltmp22, $3  }
0x2dc: {  	s1 =	sld [smem:$0x7FD];
	_ =	sdelay $0x1  }
0x2dd: {  	s0 =	sshrl.u32 s29, $0x2;
	s29 =	smov.u32 s28  }
0x2de: {  	s4 =	smov.u32 s6;
	s6 =	rddreg [dreg:$0x6];
	p4 =	seq.s32 s1, $0x1;
	[tilespmem:s30+$0x28] =	vst.add.f32.msk @!p2 $0xf, v1  }
.LBB3_21:
0x2df: {  	_ =	sfence.sel $0x180000  }
0x2e0: {  	s0 =	simm.s32 $0x9;
	[bflag:$0x0] =	sbarrier.arrive $0xFFFF  }
0x2e1: {  	s24 =	simm.s32 $0xA;
	[sflag:s0] =	ssyncpa.u1 $0x1  }
0x2e2: {  	s25 =	simm.s32 $0xB;
	[sflag:s24] =	ssyncpa.u1 $0x1  }
0x2e3: {  	s26 =	simm.s32 $0x2;
	[sflag:s25] =	ssyncpa.u1 $0x1  }
0x2e4: {  	[sflag:s26] =	ssyncpa.u1 $0x1  }
0x2e5: {  	v0 =	vld [tilespmem:$0x3648];
	_ =	sdelay $0x4  }
0x2e6: {  	(v2sf) =	vpush v0, $0x0  }
0x2e7: {  	(v2sf) =	vpush v0, $0x1;
	_ =	sdelay $0x1  }
0x2e8: {  	(v2sf) =	vpush v0, $0x2;
	_ =	sdelay $0xb  }
0x2e9: {  	s0 =	spop (v2sf)  }
0x2ea: {  	s1 =	spop (v2sf)  }
0x2eb: {  	s2 =	smov.u32 s0;
	p0 =	sne.s32 s0, s1  }
0x2ec: {  	s4 =	spop (v2sf);
	s2 =	simm.s32 @!p0 $0xFFFFFFFF  }
0x2ed: {  	v2 =	vimm.s32 $0x1;
	v3 =	vlaneseq.u32;
	p0 =	seq.s32 s4, $0xFFFFFFFF;
	v1 =	vmov s2  }
0x2ee: {  	s16 =	stileid.u32;
	v0 =	vperm.xlane v0, v2;
	p1 =	sne.s32 @!p0 s0, s1;
	v1 =	vperm.xlane v1, v3  }
0x2ef: {  	vm0 =	vcmask $0x3F04;
	s6 =	simm.s32 $0x3648;
	s0 =	simm.s32 @!p0 $0x1;
	p1 =	por !p1, p0  }
0x2f0: {  	s2 =	sshll.u32 s16, $0x1;
	s1 =	sshll.u32 @!p0 s4, $0x6;
	s0 =	simm.s32 @p1 $0x0;
	v0 =	vsel vm0, v1, v0  }
0x2f1: {  	s5 =	sor.u32 $0x200, s2;
	s1 =	sshra.s32 @!p0 s1, $0x2;
	s0 =	sor.u32 @!p0 s0, s2;
	[tilespmem:$0x3648] =	vst v0  }
0x2f2: {  	[spmem:s5] =	stream.linear.scatter [tilespmem:s6], [sflag:$0x1], $0x2, $0x38;
	[tilespmem:$0x1F0F8] =	vst v63  }
0x2f3: {  	s1 =	sadd.s32 @!p0 $0x28, s1;
	s0 =	sshll.u32 @!p0 s0, $0x4  }
0x2f4: {  	[spmem:s0] =	stream.linear.scatter @!p0 [tilespmem:s1], [sflag:$0x1], $0x10, $0x38;
	[tilespmem:$0x1F0F8] =	vst v63  }
0x2f5: {  	s0 =	simm.s32 @!p0 $0x12  }
0x2f6: {  	s28 =	simm.s32 $0x1;
	s0 =	simm.s32 @p0 $0x2  }
0x2f7: {  	_ =	swait.ge [sflag:s28], s0  }
0x2f8: {  	s0 =	ssub.s32 $0x0, s0;
	[sflag:s28] =	ssyncset.done $0x0  }
0x2f9: {  	p0 =	sne.s32 s16, $0x0;
	[sflag:s28] =	ssyncadd.s32 s0  }
.Ltmp23:
0x2fa: {  	_ =	sfence.stream.spmem;
	(pc) =	sbr.rel @p0 .LBB3_38-.Ltmp23, $4  }
0x2fb: {  	s29 =	simm.s32 $0x3;
	[bflag:$0x0] =	sbarrier.arrive $0xFFFF  }
0x2fc: {  	s30 =	simm.s32 $0x4;
	[sflag:s29] =	ssyncpa.u1 $0x1  }
0x2fd: {  	s31 =	simm.s32 $0x3C;
	[sflag:s30] =	ssyncpa.u1 $0x1  }
0x2fe: {  	s17 =	rddreg [dreg:$0x5];
	[sflag:s31] =	ssyncpa.u1 $0x1  }
0x2ff: {  	_ =	sfence.stream.spmem;
	s0 =	simm.s32 $0x5  }
0x300: {  	s1 =	simm.s32 $0x200;
	s2 =	simm.s32 $0x3658;
	[sflag:s0] =	ssyncpa.u1 $0x0  }
0x301: {  	[tilespmem:s2], [sflag:$0x5] =	stream.linear.gather [spmem:s1], $0x20, $0x38;
	[tilespmem:$0x1F0F8] =	vst v63  }
0x302: {  	s26 =	simm.s32 $0x0;
	s28 =	simm.s32 $0x3678  }
0x303: {  	[tilespmem:s28], [sflag:$0x5] =	stream.linear.gather [spmem:s26], $0x200, $0x38;
	[tilespmem:$0x1F0F8] =	vst v63  }
0x304: {  	_ =	swait.ge [sflag:s0], $0x220  }
0x305: {  	[sflag:s0] =	ssyncset.done $0x0  }
0x306: {  	s29 =	simm.s32 $0x0;
	[sflag:s0] =	ssyncadd.s32 $0xFFFFFDE0  }
0x307: {  	v0 =	vld.msk [tilespmem:s29+$0x3658], $0x1;
	_ =	sdelay $0x1  }
0x308: {  	s30 =	simm.s32 $0x1  }
0x309: {  	v1 =	vld.msk [tilespmem:s30+$0x3658], $0x1;
	_ =	sdelay $0x1  }
0x30a: {  	(v2sf) =	vpush v0, $0x0;
	_ =	sdelay $0x2  }
0x30b: {  	(v2sf) =	vpush v1, $0x0;
	_ =	sdelay $0x2  }
0x30c: {  	s31 =	simm.s32 $0x2  }
0x30d: {  	v0 =	vld.msk [tilespmem:s31+$0x3658], $0x1;
	_ =	sdelay $0x2  }
0x30e: {  	s6 =	simm.s32 $0xFFFFFFFF;
	s1 =	simm.s32 $0xFFFFFFFF;
	s0 =	simm.s32 $0xC  }
.LBB3_23:
0x30f: {  	s2 =	smov.u32 s6;
	s4 =	smov.u32 s1  }
0x310: {  	s1 =	sshra.s32 s0, $0x2;
	p1 =	sne.s32 s0, $0x7C;
	s0 =	sadd.s32 $0x4, s0;
	(v2sf) =	vpush v0, $0x0  }
0x311: {  	v0 =	vld.msk [tilespmem:s1+$0x3658], $0x1  }
.Ltmp24:
0x312: {  	(pc) =	sbr.rel @p1 .LBB3_23-.Ltmp24, $4  }
0x313: {  	s6 =	spop (v2sf)  }
0x314: {  	p2 =	sne.s32 s4, $0xFFFFFFFF;
	s1 =	smov.u32 s6  }
0x315: {  	p3 =	seq.s32 s6, $0xFFFFFFFF;
	s1 =	smov.u32 @p2 s4  }
0x316: {  	s6 =	smov.u32 @p3 s2;
	s1 =	smov.u32 @p3 s4  }
0x317: {  	(v2sf) =	vpush v0, $0x0;
	_ =	sdelay $0x8  }
0x318: {  	s0 =	spop (v2sf)  }
0x319: {  	p1 =	sne.s32 s1, $0xFFFFFFFF;
	s2 =	smov.u32 s0  }
0x31a: {  	s9 =	simm.s32 $0x6;
	p2 =	seq.s32 s0, $0xFFFFFFFF;
	s2 =	smov.u32 @p1 s1  }
0x31b: {  	s10 =	simm.s32 $0x3638;
	s2 =	smov.u32 @p2 s1;
	s1 =	spop (v2sf)  }
0x31c: {  	s0 =	smov.u32 @p2 s6;
	p1 =	sne.s32 s2, $0xFFFFFFFF;
	s4 =	smov.u32 s1  }
.Ltmp25:
0x31d: {  	p2 =	seq.s32 s1, $0xFFFFFFFF;
	s4 =	smov.u32 @p1 s2;
	(pc) =	sbr.rel .LBB3_25-.Ltmp25, $4  }
0x31e: {  	s11 =	simm.s32 $0x0;
	s4 =	smov.u32 @p2 s2;
	s7 =	spop (v2sf)  }
0x31f: {  	[sflag:s9] =	ssyncpa.u1 $0x0;
	p1 =	sne.s32 s4, $0xFFFFFFFF;
	s8 =	smov.u32 s7  }
0x320: {  	s1 =	smov.u32 @p2 s0;
	p2 =	seq.s32 s7, $0xFFFFFFFF;
	s8 =	smov.u32 @p1 s4  }
0x321: {  	s6 =	simm.s32 $0x0;
	s7 =	smov.u32 @p2 s1;
	s8 =	smov.u32 @p2 s4  }
.LBB3_30:
0x322: {  	p1 =	sgt.u32 s12, $0xFFFF  }
0x323: {  	p2 =	seq.s32 @!p1 s12, s8  }
0x324: {  	p1 =	por p1, p2  }
0x325: {  	p2 =	sne.s32 @!p1 s12, s7  }
0x326: {  	p1 =	por p1, !p2  }
0x327: {  	s0 =	sshll.u32 @p1 s11, $0x6  }
0x328: {  	s0 =	sand.u32 @!p1 $0xFFF8, s12  }
0x329: {  	s1 =	sand.u32 @!p1 $0x7, s12;
	s0 =	sadd.s32 @!p1 s3, s0  }
0x32a: {  	[tilespmem:s10], [sflag:$0x6] =	stream.linear.gather @!p1 [hbm4b:s0+s1], $0x4, $0x38;
	[tilespmem:$0x1F0F8] =	vst v63  }
0x32b: {  	_ =	swait.ge @!p1 [sflag:s9], $0x4  }
0x32c: {  	[sflag:s9] =	ssyncset.done @!p1 $0x0  }
0x32d: {  	[sflag:s9] =	ssyncadd.s32 @!p1 $0xFFFFFFFC  }
0x32e: {  	v1 =	vld @!p1 [tilespmem:$0x3638];
	_ =	sdelay $0x2  }
0x32f: {  	s0 =	sshll.u32 @!p1 s11, $0x6  }
0x330: {  	s1 =	sshrl.u32 @!p1 s0, $0x2  }
0x331: {  	[tilespmem:s1+$0x3678] =	vst.add.f32.msk @!p1 $0xffff, v1  }
0x332: {  	s0 =	sshrl.u32 s0, $0x2;
	[tilespmem:s6+$0x3658] =	vst.msk $0x1, v0  }
0x333: {  	v0 =	vld [tilespmem:s0+$0x3678];
	_ =	sdelay $0x2  }
0x334: {  	s31 =	sshll.u32 s6, $0x6  }
0x335: {  	s0 =	sshra.s32 s31, $0x2  }
0x336: {  	s6 =	sadd.s32 $0x1, s6;
	[tilespmem:s0+$0x3678] =	vst v0  }
.LBB3_32:
0x337: {  	s11 =	sadd.s32 $0x1, s11  }
0x338: {  	p1 =	sne.s32 s11, $0x20  }
.Ltmp26:
0x339: {  	_ = 	snop;
	(pc) =	sbr.rel @!p1 .LBB3_33-.Ltmp26, $1  }
0x33a: {  	_ =	sdelay $0x3  }
.LBB3_25:
0x33b: {  	v0 =	vld.msk [tilespmem:s11+$0x3658], $0x1;
	_ =	sdelay $0x4  }
0x33c: {  	(v2sf) =	vpush v0, $0x0;
	_ =	sdelay $0xe  }
0x33d: {  	s12 =	spop (v2sf)  }
0x33e: {  	p1 =	seq.s32 s12, $0xFFFFFFFF  }
.Ltmp27:
0x33f: {  	_ = 	snop;
	(pc) =	sbr.rel @p1 .LBB3_32-.Ltmp27, $1  }
0x340: {  	_ =	sdelay $0x3  }
0x341: {  	p1 =	slt.s32 s6, $0x1  }
.Ltmp28:
0x342: {  	_ = 	snop;
	(pc) =	sbr.rel @p1 .LBB3_30-.Ltmp28, $1  }
0x343: {  	_ =	sdelay $0x3  }
0x344: {  	s13 =	simm.s32 $0x3658;
	p1 =	por $0x0, $0x0  }
0x345: {  	v1 =	vld.msk @!p1 [tilespmem:s13+$0x0], $0x1;
	_ =	sdelay $0x4  }
0x346: {  	(v2sf) =	vpush @!p1 v1, $0x0;
	_ =	sdelay $0xd  }
0x347: {  	p3 =	sne.s32 s6, $0x1  }
.Ltmp29:
0x348: {  	s0 =	spop @!p1 (v2sf);
	(pc) =	sbr.rel @!p3 .LBB3_29-.Ltmp29, $4  }
0x349: {  	p2 =	seq.s32 @!p1 s12, s0  }
0x34a: {  	s14 =	simm.s32 $0x0;
	p2 =	por !p2, p1  }
0x34b: {  	s0 =	simm.s32 $0xFFFFFFFF;
	s14 =	simm.s32 @p2 $0xFFFFFFFF  }
0x34c: {  	s15 =	simm.s32 $0x1;
	s14 =	smov.u32 @p1 s0  }
.LBB3_28:
0x34d: {  	s0 =	smov.u32 s14;
	p1 =	sne.s32 s14, $0xFFFFFFFF  }
0x34e: {  	s13 =	sadd.s32 $0x1, s13;
	s14 =	smov.u32 s15;
	s15 =	sadd.s32 $0x1, s15  }
0x34f: {  	p2 =	sne.s32 s6, s15;
	v1 =	vld.msk @!p1 [tilespmem:s13+$0x0], $0x1;
	_ =	sdelay $0x4  }
0x350: {  	(v2sf) =	vpush @!p1 v1, $0x0;
	_ =	sdelay $0xe  }
.Ltmp30:
0x351: {  	s1 =	spop @!p1 (v2sf);
	(pc) =	sbr.rel @p2 .LBB3_28-.Ltmp30, $4  }
0x352: {  	p3 =	seq.s32 @!p1 s12, s1  }
0x353: {  	p3 =	por !p3, p1  }
0x354: {  	s14 =	simm.s32 @p3 $0xFFFFFFFF  }
0x355: {  	s14 =	smov.u32 @p1 s0  }
.LBB3_29:
0x356: {  	p1 =	sne.s32 s14, $0xFFFFFFFF  }
.Ltmp31:
0x357: {  	_ = 	snop;
	(pc) =	sbr.rel @!p1 .LBB3_30-.Ltmp31, $1  }
0x358: {  	_ =	sdelay $0x3  }
0x359: {  	s0 =	sshll.u32 s11, $0x4  }
0x35a: {  	s0 =	sand.u32 $0x3FFFFFF0, s0  }
0x35b: {  	v0 =	vld [tilespmem:s0+$0x3678]  }
.Ltmp32:
0x35c: {  	_ = 	snop;
	(pc) =	sbr.rel .LBB3_32-.Ltmp32, $4  }
0x35d: {  	_ = 	snop  }
0x35e: {  	s31 =	sshll.u32 s14, $0x6  }
0x35f: {  	s0 =	sshra.s32 s31, $0x2  }
0x360: {  	[tilespmem:s0+$0x3678] =	vst.add.f32.msk $0xffff, v0  }
.LBB3_33:
0x361: {  	s0 =	simm.s32 $0x6;
	p1 =	seq.s32 s6, $0x0  }
0x362: {  	[sflag:s0] =	ssyncpa.u1 $0x1;
	v0 =	vimm.s32 @p1 $0xFFFFFFFF  }
0x363: {  	s9 =	sadd.s32 $0xFFFFFFFF, s6;
	[tilespmem:$0x3878] =	vst @p1 v0  }
0x364: {  	v0 =	vld.msk @!p1 [tilespmem:s9+$0x3658], $0x1;
	_ =	sdelay $0x1  }
0x365: {  	v1 =	vld.msk @!p1 [tilespmem:$0x3658], $0x1;
	_ =	sdelay $0x2  }
0x366: {  	p2 =	seq.s32 @!p1 s9, $0x0;
	v0 =	vbroadcast @!p1 v0, $0x0  }
0x367: {  	vm0 =	vmmov @!p1 $0x1;
	p2 =	por !p2, p1  }
0x368: {  	v1 =	vnsel @!p1 vm0, $0xFFFFFFFF, v1;
	vm0 =	vcmask @!p1 $0x308;
	v0 =	vpsel !p2, $0xFFFFFFFF, v0  }
0x369: {  	p2 =	sne.s32 @!p1 s8, s7;
	v0 =	vsel @!p1 vm0, v1, v0  }
0x36a: {  	s0 =	simm.s32 @!p1 $0x3678;
	s1 =	simm.s32 @!p1 $0x0;
	p3 =	por !p2, p1;
	[tilespmem:$0x3878] =	vst @!p1 v0  }
0x36b: {  	[spmem:s1] =	stream.linear.scatter @!p1 [tilespmem:s0], [sflag:$0x1], $0x10, $0x38;
	[tilespmem:$0x1F0F8] =	vst v63  }
0x36c: {  	s0 =	sshll.u32 @!p3 s9, $0x6  }
0x36d: {  	s0 =	sshra.s32 @!p3 s0, $0x2  }
0x36e: {  	s1 =	simm.s32 @!p3 $0x10;
	s0 =	sadd.s32 @!p3 $0x3678, s0  }
0x36f: {  	[spmem:s1] =	stream.linear.scatter @!p3 [tilespmem:s0], [sflag:$0x1], $0x10, $0x38;
	[tilespmem:$0x1F0F8] =	vst v63  }
0x370: {  	s0 =	simm.s32 @!p3 $0x1  }
0x371: {  	_ =	swait.ge @!p3 [sflag:s0], $0x20  }
0x372: {  	p1 =	por p2, p1;
	[sflag:s0] =	ssyncset.done @!p3 $0x0  }
0x373: {  	[sflag:s0] =	ssyncadd.s32 @!p3 $0xFFFFFFE0;
	s0 =	simm.s32 @!p1 $0x1  }
0x374: {  	_ =	swait.ge @!p1 [sflag:s0], $0x10  }
0x375: {  	s29 =	simm.s32 $0x3878;
	[sflag:s0] =	ssyncset.done @!p1 $0x0  }
0x376: {  	s30 =	simm.s32 $0x200;
	s31 =	simm.s32 $0x1;
	[sflag:s0] =	ssyncadd.s32 @!p1 $0xFFFFFFF0  }
0x377: {  	[spmem:s30] =	stream.linear.scatter [tilespmem:s29], [sflag:$0x1], $0x10, $0x38;
	[tilespmem:$0x1F0F8] =	vst v63  }
0x378: {  	_ =	swait.ge [sflag:s31], $0x10  }
0x379: {  	[sflag:s31] =	ssyncset.done $0x0  }
0x37a: {  	p1 =	seq.s32 s17, $0x0;
	s8 =	rddreg [dreg:$0x1];
	[sflag:s31] =	ssyncadd.s32 $0xFFFFFFF0  }
0x37b: {  	s1 =	sshll.u32 @p1 s8, $0xE;
	s7 =	rddreg [dreg:$0x2]  }
0x37c: {  	s0 =	sadd.s32 @p1 $0x15C3C, s1;
	s1 =	sshll.u32 @p1 s7, $0x11  }
0x37d: {  	_ =	sfence.stream.spmem;
	s0 =	sor.u32 @p1 s1, s0  }
0x37e: {  	[sflag:s0] =	ssyncadd.remote.s32 @p1 $0x1;
	s0 =	simm.s32 @p1 $0x4  }
0x37f: {  	s2 =	simm.s32 @!p1 $0x3C;
	s1 =	sand.u32 $0xFFFFFFFE, s8;
	_ =	swait.ge @p1 [sflag:s0], $0x6  }
0x380: {  	s4 =	simm.s32 @!p1 $0x0;
	s1 =	sadd.s32 @!p1 $0x4, s1;
	[sflag:s0] =	ssyncset.done @p1 $0x0  }
0x381: {  	s5 =	simm.s32 @!p1 $0x20;
	[sflag:s0] =	ssyncadd.s32 @p1 $0xFFFFFFFA;
	s0 =	sshll.u32 @!p1 s1, $0x1A  }
0x382: {  	s1 =	sshll.u32 @!p1 s1, $0xD;
	s0 =	sor.u32 @!p1 s0, s7;
	_ =	swait.eq @!p1 [sflag:s2], $0x1  }
0x383: {  	s1 =	sor.u32 @!p1 $0x1C04, s1;
	s2 =	simm.s32 @!p1 $0x1C03;
	s0 =	sor.u32 @!p1 $0x80004000, s0  }
0x384: {  	[spmem:s5], [sflag:s1] =	dma.general @!p1 [spmem:s4], [sflag:s2], length:$0x4, [dreg:$0x0], stride_count:$0x0, ici_dest:s0, dma_misc:DstOpCode:WRITE  }
0x385: {  	p2 =	slt.s32 s9, $0x2;
	s4 =	simm.s32 @!p1 $0x40;
	s5 =	simm.s32 @!p1 $0x42  }
0x386: {  	[spmem:s5], [sflag:s1] =	dma.general @!p1 [spmem:s4], [sflag:s2], length:$0x2, [dreg:$0x0], stride_count:$0x0, ici_dest:s0, dma_misc:DstOpCode:WRITE  }
.Ltmp33:
0x387: {  	s0 =	simm.s32 @!p1 $0x3;
	(pc) =	sbr.rel @p2 .LBB3_37-.Ltmp33, $4  }
0x388: {  	s1 =	sshll.u32 @!p1 s8, $0xE;
	_ =	swait.ge @!p1 [sflag:s0], $0x6  }
0x389: {  	s2 =	sshll.u32 @!p1 s7, $0x11;
	s1 =	sadd.s32 @!p1 $0x11C3C, s1;
	[sflag:s0] =	ssyncset.done @!p1 $0x0  }
0x38a: {  	[sflag:s0] =	ssyncadd.s32 @!p1 $0xFFFFFFFA;
	s0 =	sor.u32 @!p1 s2, s1  }
0x38b: {  	[sflag:s0] =	ssyncadd.remote.s32 @!p1 $0xFFFFFFFF;
	s0 =	simm.s32 $0x0  }
0x38c: {  	s0 =	simm.s32 $0x3659  }
0x38d: {  	v0 =	vld.msk [tilespmem:s0+$0x0], $0x1;
	_ =	sdelay $0x4  }
0x38e: {  	(v2sf) =	vpush v0, $0x0;
	_ =	sdelay $0xd  }
0x38f: {  	s2 =	sadd.s32 $0xFFFFFFFE, s6  }
0x390: {  	s2 =	sadd.s32 $0xFFFFFFFF, s2;
	s0 =	spop (v2sf)  }
0x391: {  	p2 =	sne.s32 s2, $0x0;
	p1 =	sgt.u32 s0, $0xFFFF  }
.Ltmp34:
0x392: {  	s4 =	sand.u32 @!p1 $0xFFF8, s0;
	(pc) =	sbr.rel @!p2 .LBB3_36-.Ltmp34, $4  }
0x393: {  	s1 =	simm.s32 $0x3688;
	s0 =	sand.u32 @!p1 $0x7, s0;
	s4 =	sadd.s32 @!p1 s3, s4  }
0x394: {  	[hbm4b:s4+s0] =	stream.linear.scatter @!p1 [tilespmem:s1], [sflag:$0x5], $0x4, $0x38;
	[tilespmem:$0x1F0F8] =	vst v63  }
0x395: {  	s0 =	simm.s32 $0x0  }
0x396: {  	s6 =	simm.s32 $0x0;
	s7 =	simm.s32 $0x365A;
	s0 =	simm.s32 @!p1 $0x10  }
.LBB3_35:
0x397: {  	v0 =	vld.msk [tilespmem:s7+$0x0], $0x1;
	s2 =	sadd.s32 $0xFFFFFFFF, s2;
	s6 =	sadd.s32 s6, s0  }
0x398: {  	p1 =	sne.s32 s2, $0x0;
	_ =	sdelay $0x3  }
0x399: {  	(v2sf) =	vpush v0, $0x0;
	_ =	sdelay $0xe  }
.Ltmp35:
0x39a: {  	s4 =	spop (v2sf);
	(pc) =	sbr.rel @p1 .LBB3_35-.Ltmp35, $4  }
0x39b: {  	s0 =	simm.s32 $0x0;
	p2 =	sgt.u32 s4, $0xFFFF  }
0x39c: {  	s1 =	sadd.s32 $0x10, s1;
	s0 =	simm.s32 @!p2 $0x10;
	s5 =	sand.u32 @!p2 $0xFFF8, s4  }
0x39d: {  	s7 =	sadd.s32 $0x1, s7;
	s4 =	sand.u32 @!p2 $0x7, s4;
	s5 =	sadd.s32 @!p2 s3, s5  }
0x39e: {  	[hbm4b:s5+s4] =	stream.linear.scatter @!p2 [tilespmem:s1], [sflag:$0x5], $0x4, $0x38;
	[tilespmem:$0x1F0F8] =	vst v63  }
.LBB3_36:
0x39f: {  	s0 =	sadd.s32 s6, s0  }
0x3a0: {  	s0 =	sshrl.u32 s0, $0x2  }
.LBB3_37:
0x3a1: {  	s1 =	simm.s32 $0x5  }
0x3a2: {  	_ =	swait.ge [sflag:s1], s0  }
0x3a3: {  	s31 =	ssub.s32 $0x0, s0;
	[sflag:s1] =	ssyncset.done $0x0  }
0x3a4: {  	[sflag:s1] =	ssyncadd.s32 s31  }
0x3a5: {  	[sflag:s1] =	ssyncpa.u1 $0x1  }
.LBB3_38:
0x3a6: {  	s0 =	sor.u32 s17, s16  }
0x3a7: {  	p1 =	sne.s32 s0, $0x0  }
.Ltmp36:
0x3a8: {  	_ = 	snop;
	(pc) =	sbr.rel @p1 .LBB3_53-.Ltmp36, $3  }
0x3a9: {  	_ =	sdelay $0x1  }
0x3aa: {  	[bflag:$0x0] =	sbarrier.arrive $0xFFFF  }
0x3ab: {  	_ =	sfence  }
0x3ac: {  	s0 =	simm.s32 $0x7  }
0x3ad: {  	s1 =	simm.s32 $0x200;
	s2 =	simm.s32 $0x3658;
	[sflag:s0] =	ssyncpa.u1 $0x0  }
0x3ae: {  	[tilespmem:s2], [sflag:$0x7] =	stream.linear.gather [spmem:s1], $0x20, $0x38;
	[tilespmem:$0x1F0F8] =	vst v63  }
0x3af: {  	s30 =	simm.s32 $0x3678;
	s1 =	simm.s32 $0x0  }
0x3b0: {  	[tilespmem:s30], [sflag:$0x7] =	stream.linear.gather [spmem:s1], $0x200, $0x38;
	[tilespmem:$0x1F0F8] =	vst v63  }
.Ltmp37:
0x3b1: {  	_ = 	snop;
	(pc) =	sbr.rel .LBB3_40-.Ltmp37, $4  }
0x3b2: {  	_ =	swait.ge [sflag:s0], $0x220  }
0x3b3: {  	[sflag:s0] =	ssyncset.done $0x0  }
0x3b4: {  	s31 =	simm.s32 $0x8;
	[sflag:s0] =	ssyncadd.s32 $0xFFFFFDE0  }
0x3b5: {  	s2 =	simm.s32 $0x0;
	[sflag:s31] =	ssyncpa.u1 $0x0  }
.LBB3_45:
0x3b6: {  	p1 =	slt.u32 s4, $0x10000  }
0x3b7: {  	s0 =	sand.u32 @p1 $0xFFF8, s4  }
0x3b8: {  	s4 =	sand.u32 @p1 $0x7, s4;
	s5 =	simm.s32 @p1 $0x3638;
	s0 =	sadd.s32 @p1 s3, s0  }
0x3b9: {  	[tilespmem:s5], [sflag:$0x8] =	stream.linear.gather @p1 [hbm4b:s0+s4], $0x4, $0x38;
	[tilespmem:$0x1F0F8] =	vst v63  }
0x3ba: {  	s0 =	simm.s32 @p1 $0x8  }
0x3bb: {  	_ =	swait.ge @p1 [sflag:s0], $0x4  }
0x3bc: {  	[sflag:s0] =	ssyncset.done @p1 $0x0  }
0x3bd: {  	[sflag:s0] =	ssyncadd.s32 @p1 $0xFFFFFFFC  }
0x3be: {  	v1 =	vld @p1 [tilespmem:$0x3638];
	_ =	sdelay $0x2  }
0x3bf: {  	s0 =	sshll.u32 @p1 s2, $0x6  }
0x3c0: {  	s5 =	sshll.u32 @!p1 s2, $0x6;
	s4 =	sshrl.u32 @p1 s0, $0x2  }
0x3c1: {  	s5 =	smov.u32 @p1 s0;
	[tilespmem:s4+$0x3678] =	vst.add.f32.msk @p1 $0xffff, v1  }
0x3c2: {  	s0 =	sshrl.u32 s5, $0x2;
	[tilespmem:s1+$0x3658] =	vst.msk $0x1, v0  }
0x3c3: {  	v0 =	vld [tilespmem:s0+$0x3678];
	_ =	sdelay $0x2  }
0x3c4: {  	s31 =	sshll.u32 s1, $0x6  }
0x3c5: {  	s0 =	sshra.s32 s31, $0x2  }
0x3c6: {  	s1 =	sadd.s32 $0x1, s1;
	[tilespmem:s0+$0x3678] =	vst v0  }
.LBB3_47:
0x3c7: {  	s2 =	sadd.s32 $0x1, s2  }
0x3c8: {  	p1 =	sne.s32 s2, $0x20  }
.Ltmp38:
0x3c9: {  	_ = 	snop;
	(pc) =	sbr.rel @!p1 .LBB3_48-.Ltmp38, $1  }
0x3ca: {  	_ =	sdelay $0x3  }
.LBB3_40:
0x3cb: {  	v0 =	vld.msk [tilespmem:s2+$0x3658], $0x1;
	_ =	sdelay $0x4  }
0x3cc: {  	(v2sf) =	vpush v0, $0x0;
	_ =	sdelay $0xe  }
0x3cd: {  	s4 =	spop (v2sf)  }
0x3ce: {  	p1 =	seq.s32 s4, $0xFFFFFFFF  }
.Ltmp39:
0x3cf: {  	_ = 	snop;
	(pc) =	sbr.rel @p1 .LBB3_47-.Ltmp39, $1  }
0x3d0: {  	_ =	sdelay $0x3  }
0x3d1: {  	p1 =	slt.s32 s1, $0x1  }
.Ltmp40:
0x3d2: {  	_ = 	snop;
	(pc) =	sbr.rel @p1 .LBB3_45-.Ltmp40, $1  }
0x3d3: {  	_ =	sdelay $0x3  }
0x3d4: {  	s5 =	simm.s32 $0x3658;
	p1 =	por $0x0, $0x0  }
0x3d5: {  	v1 =	vld.msk @!p1 [tilespmem:s5+$0x0], $0x1;
	_ =	sdelay $0x4  }
0x3d6: {  	(v2sf) =	vpush @!p1 v1, $0x0;
	_ =	sdelay $0xd  }
0x3d7: {  	p3 =	sne.s32 s1, $0x1  }
.Ltmp41:
0x3d8: {  	s0 =	spop @!p1 (v2sf);
	(pc) =	sbr.rel @!p3 .LBB3_44-.Ltmp41, $4  }
0x3d9: {  	p2 =	seq.s32 @!p1 s4, s0  }
0x3da: {  	s6 =	simm.s32 $0x0;
	p2 =	por !p2, p1  }
0x3db: {  	s0 =	simm.s32 $0xFFFFFFFF;
	s6 =	simm.s32 @p2 $0xFFFFFFFF  }
0x3dc: {  	s7 =	simm.s32 $0x1;
	s6 =	smov.u32 @p1 s0  }
.LBB3_43:
0x3dd: {  	s0 =	smov.u32 s6;
	p1 =	sne.s32 s6, $0xFFFFFFFF  }
0x3de: {  	s5 =	sadd.s32 $0x1, s5;
	s6 =	smov.u32 s7;
	s7 =	sadd.s32 $0x1, s7  }
0x3df: {  	p2 =	sne.s32 s1, s7;
	v1 =	vld.msk @!p1 [tilespmem:s5+$0x0], $0x1;
	_ =	sdelay $0x4  }
0x3e0: {  	(v2sf) =	vpush @!p1 v1, $0x0;
	_ =	sdelay $0xe  }
.Ltmp42:
0x3e1: {  	s8 =	spop @!p1 (v2sf);
	(pc) =	sbr.rel @p2 .LBB3_43-.Ltmp42, $4  }
0x3e2: {  	p3 =	seq.s32 @!p1 s4, s8  }
0x3e3: {  	p3 =	por !p3, p1  }
0x3e4: {  	s6 =	simm.s32 @p3 $0xFFFFFFFF  }
0x3e5: {  	s6 =	smov.u32 @p1 s0  }
.LBB3_44:
0x3e6: {  	p1 =	sne.s32 s6, $0xFFFFFFFF  }
.Ltmp43:
0x3e7: {  	_ = 	snop;
	(pc) =	sbr.rel @!p1 .LBB3_45-.Ltmp43, $1  }
0x3e8: {  	_ =	sdelay $0x3  }
0x3e9: {  	s0 =	sshll.u32 s2, $0x4  }
0x3ea: {  	s0 =	sand.u32 $0x3FFFFFF0, s0  }
0x3eb: {  	v0 =	vld [tilespmem:s0+$0x3678]  }
.Ltmp44:
0x3ec: {  	_ = 	snop;
	(pc) =	sbr.rel .LBB3_47-.Ltmp44, $4  }
0x3ed: {  	_ = 	snop  }
0x3ee: {  	s31 =	sshll.u32 s6, $0x6  }
0x3ef: {  	s0 =	sshra.s32 s31, $0x2  }
0x3f0: {  	[tilespmem:s0+$0x3678] =	vst.add.f32.msk $0xffff, v0  }
.LBB3_48:
0x3f1: {  	p1 =	slt.s32 s1, $0x1  }
.Ltmp45:
0x3f2: {  	_ = 	snop;
	(pc) =	sbr.rel @p1 .LBB3_52-.Ltmp45, $3  }
0x3f3: {  	_ =	sdelay $0x1  }
0x3f4: {  	s0 =	simm.s32 $0x8  }
0x3f5: {  	s2 =	simm.s32 $0x0;
	[sflag:s0] =	ssyncpa.u1 $0x1  }
0x3f6: {  	s0 =	simm.s32 $0x3658  }
0x3f7: {  	v0 =	vld.msk [tilespmem:s0+$0x0], $0x1;
	_ =	sdelay $0x4  }
0x3f8: {  	(v2sf) =	vpush v0, $0x0;
	_ =	sdelay $0xe  }
0x3f9: {  	s1 =	sadd.s32 $0xFFFFFFFF, s1;
	s0 =	spop (v2sf)  }
0x3fa: {  	p2 =	sne.s32 s1, $0x0;
	p1 =	sgt.u32 s0, $0xFFFF  }
.Ltmp46:
0x3fb: {  	s5 =	sand.u32 @!p1 $0xFFF8, s0;
	(pc) =	sbr.rel @!p2 .LBB3_51-.Ltmp46, $4  }
0x3fc: {  	s4 =	simm.s32 $0x3678;
	s0 =	sand.u32 @!p1 $0x7, s0;
	s5 =	sadd.s32 @!p1 s3, s5  }
0x3fd: {  	[hbm4b:s5+s0] =	stream.linear.scatter @!p1 [tilespmem:s4], [sflag:$0x7], $0x4, $0x38;
	[tilespmem:$0x1F0F8] =	vst v63  }
0x3fe: {  	s0 =	simm.s32 $0x0  }
0x3ff: {  	s5 =	simm.s32 $0x3659;
	s0 =	simm.s32 @!p1 $0x10  }
.LBB3_50:
0x400: {  	v0 =	vld.msk [tilespmem:s5+$0x0], $0x1;
	s1 =	sadd.s32 $0xFFFFFFFF, s1;
	s2 =	sadd.s32 s2, s0  }
0x401: {  	p1 =	sne.s32 s1, $0x0;
	_ =	sdelay $0x3  }
0x402: {  	(v2sf) =	vpush v0, $0x0;
	_ =	sdelay $0xe  }
.Ltmp47:
0x403: {  	s6 =	spop (v2sf);
	(pc) =	sbr.rel @p1 .LBB3_50-.Ltmp47, $4  }
0x404: {  	s0 =	simm.s32 $0x0;
	p2 =	sgt.u32 s6, $0xFFFF  }
0x405: {  	s4 =	sadd.s32 $0x10, s4;
	s0 =	simm.s32 @!p2 $0x10;
	s7 =	sand.u32 @!p2 $0xFFF8, s6  }
0x406: {  	s5 =	sadd.s32 $0x1, s5;
	s6 =	sand.u32 @!p2 $0x7, s6;
	s7 =	sadd.s32 @!p2 s3, s7  }
0x407: {  	[hbm4b:s7+s6] =	stream.linear.scatter @!p2 [tilespmem:s4], [sflag:$0x7], $0x4, $0x38;
	[tilespmem:$0x1F0F8] =	vst v63  }
.LBB3_51:
0x408: {  	s0 =	sadd.s32 s2, s0  }
0x409: {  	s2 =	sshrl.u32 s0, $0x2  }
.LBB3_52:
0x40a: {  	s0 =	simm.s32 $0x7  }
0x40b: {  	_ =	swait.ge [sflag:s0], s2  }
0x40c: {  	s1 =	ssub.s32 $0x0, s2;
	[sflag:s0] =	ssyncset.done $0x0  }
0x40d: {  	[sflag:s0] =	ssyncadd.s32 s1  }
0x40e: {  	[sflag:s0] =	ssyncpa.u1 $0x1  }
.LBB3_53:
0x40f: {  	_ =	sfence;
	s0 =	simm.s32 $0x1  }
0x410: {  	[sflag:s0] =	ssyncpa.u1 $0x1  }
0x411: {  	_ =	strace $0x9000004D  }
0x412: {  	[bflag:$0x2] =	sbarrier.arrive $0xFFFF  }
0x413: {  	s0 =	rddreg [dreg:$0x3]  }
0x414: {  	s0 =	sadd.s32 @!p0 $0x100000, s0  }
0x415: {  	[sflag:s0] =	ssyncadd.tile.s32 @!p0 $0x1;
	_ =	shalt  }
.Lfunc_end3:
_tile_overlayer_lowered:
.L_overlay_start_3:
0x416: {  	(tag) =	ssettag $0x3  }
0x417: {  	s0 =	rddreg [dreg:$0x0];
	s2 =	stileid.u32  }
0x418: {  	s1 =	rddreg [dreg:$0x1];
	p0 =	sne.s32 s2, $0x0  }
0x419: {  	s3 =	rddreg [dreg:$0x2];
	[bflag:$0x3] =	sbarrier.arrive $0xFFFF;
	s2 =	simm.s32 @!p0 $0x1C01  }
0x41a: {  	[timem:s3], [sflag:s2] =	dma.local @!p0 [hbm:s0], s1  }
0x41b: {  	s0 =	simm.s32 @!p0 $0x1  }
0x41c: {  	_ =	swait.ge @!p0 [sflag:s0], s1  }
0x41d: {  	s1 =	ssub.s32 @!p0 $0x0, s1;
	[sflag:s0] =	ssyncset.done @!p0 $0x0  }
0x41e: {  	[sflag:s0] =	ssyncadd.s32 @!p0 s1  }
0x41f: {  	[bflag:$0x3] =	sbarrier.arrive $0xFFFF  }
0x420: {  	_ =	shalt  }

// kernel: scatter_offload_async_start
scs
__scs_entry_jumppad:
0x0: {  	(pc) =	sbr.rel $0x88, $3  }
0x1: {  	(tag) =	ssettag $0x0;
	lr =	simm.s32 $0x1  }
0x2: {  	[smem:$0x3F78] =	sst lr;
	_ =	strace $0xD0000000  }
0x3: {  	_ = 	snop  }
0x4: {  	_ = 	snop  }
0x5: {  	_ = 	snop  }
0x6: {  	_ = 	snop  }
0x7: {  	_ = 	snop  }
__scs_overlays_trampoline_lowered:
0x8: {  	[smem:$0x3F87] =	sst s0  }
0x9: {  	[smem:$0x3F88] =	sst s1  }
0xa: {  	[smem:$0x3F89] =	sst s2  }
0xb: {  	[smem:$0x3F8A] =	sst s3  }
0xc: {  	[smem:$0x3F8B] =	sst s4  }
0xd: {  	[smem:$0x3F8C] =	sst s5  }
0xe: {  	[smem:$0x3F8D] =	sst s6  }
0xf: {  	[smem:$0x3F8E] =	sst s7  }
0x10: {  	[smem:$0x3F8F] =	sst s8  }
0x11: {  	[smem:$0x3F90] =	sst s9;
	s0 =	simm.s32 @!p0 $0x0  }
0x12: {  	s1 =	sld [smem:$0x3F76];
	s0 =	simm.s32 @p0 $0x1  }
0x13: {  	[smem:$0x3F91] =	sst s0;
	s0 =	simm.s32 @!p1 $0x0  }
0x14: {  	s2 =	sld [smem:$0x3F75];
	s0 =	simm.s32 @p1 $0x1  }
0x15: {  	[smem:$0x3F92] =	sst s0;
	s0 =	simm.s32 @!p2 $0x0  }
0x16: {  	s3 =	sld [smem:$0x3FDB];
	s0 =	simm.s32 @p2 $0x1  }
0x17: {  	s4 =	simm.s32 $0x1BF5;
	[smem:$0x3F94] =	sst s0  }
0x18: {  	s0 =	sld [smem:$0x3F77];
	_ =	swait.ge [sflag:s4], $0x0  }
0x19: {  	s7 =	sld [smem:$0x3F78]  }
0x1a: {  	s8 =	sadd.s32 $0xFFFFE003, lr  }
0x1b: {  	s9 =	sadd.s32 $0xFFFFFEF7, lr;
	s5 =	simm.s32 $0xFFFFFFFF;
	p2 =	slt.u32 s8, $0xFFFFF086  }
0x1c: {  	p1 =	slt.u32 s9, $0xF7A;
	s5 =	simm.s32 @!p2 $0x0  }
0x1d: {  	s5 =	simm.s32 @p1 $0x1;
	p0 =	seq.s32 s7, s2  }
0x1e: {  	s7 =	smul.u32 @!p0 $0xF7A, s2;
	p2 =	seq.s32 @!p0 s5, $0x0  }
0x1f: {  	s9 =	smul.u32 $0xF7A, s1;
	s8 =	simm.s32 @!p0 $0x1BF5;
	p2 =	por !p2, p0  }
0x20: {  	[sflag:s8] =	ssyncset.s32 @!p0 $0xFFFFF086;
	s6 =	sadd.s32 @!p0 s3, s7;
	s7 =	simm.s32 @!p0 $0x108  }
0x21: {  	s3 =	sadd.s32 s3, s9;
	s6 =	sadd.s32 @!p0 $0x88, s6;
	s7 =	simm.s32 @p2 $0x1082  }
0x22: {  	[simem:s7], [sflag:s8] =	dma.local @!p0 [hbm:s6], $0xF7A  }
0x23: {  	s9 =	sor.u32 $0xD0000000, s2;
	s6 =	simm.s32 $0x108;
	_ =	swait.ge @!p0 [sflag:s8], $0x0  }
0x24: {  	s3 =	sadd.s32 $0x88, s3;
	s6 =	simm.s32 @!p1 $0x1082;
	[sflag:s4] =	ssyncset.s32 $0xFFFFF086  }
0x25: {  	[simem:s6], [sflag:s4] =	dma.local [hbm:s3], $0xF7A  }
0x26: {  	[smem:$0x3F78] =	sst s1;
	(tag) =	ssettag s2;
	_ =	strace s9  }
0x27: {  	s1 =	sld [smem:$0x3F88]  }
0x28: {  	s2 =	sld [smem:$0x3F89]  }
0x29: {  	s4 =	sld [smem:$0x3F8B]  }
0x2a: {  	p0 =	seq.s32 s5, $0x0;
	s5 =	sld [smem:$0x3F8C]  }
0x2b: {  	s6 =	sld [smem:$0x3F8D]  }
0x2c: {  	s7 =	sld [smem:$0x3F8E]  }
0x2d: {  	s3 =	simm.s32 $0x108;
	s8 =	sld [smem:$0x3F8F]  }
0x2e: {  	s3 =	simm.s32 @!p0 $0x1082;
	s9 =	sld [smem:$0x3F90]  }
0x2f: {  	lr =	sadd.s32 s0, s3;
	s0 =	sld [smem:$0x3F87]  }
0x30: {  	s3 =	sld [smem:$0x3F8A]  }
0x31: {  	[smem:$0x3F93] =	sst s10  }
0x32: {  	s10 =	sld [smem:$0x3F91];
	_ =	sdelay $0x3  }
0x33: {  	p0 =	seq.s32 s10, $0x1;
	s10 =	sld [smem:$0x3F93];
	_ =	sdelay $0x3  }
0x34: {  	[smem:$0x3F93] =	sst s10  }
0x35: {  	s10 =	sld [smem:$0x3F92];
	_ =	sdelay $0x3  }
0x36: {  	p1 =	seq.s32 s10, $0x1;
	s10 =	sld [smem:$0x3F93];
	_ =	sdelay $0x3  }
0x37: {  	[smem:$0x3F93] =	sst s10  }
0x38: {  	s10 =	sld [smem:$0x3F94]  }
0x39: {  	_ = 	snop;
	(pc) =	sbr.ind lr, $3  }
0x3a: {  	_ = 	snop  }
0x3b: {  	_ = 	snop  }
0x3c: {  	p2 =	seq.s32 s10, $0x1;
	s10 =	sld [smem:$0x3F93]  }
0x3d: {  	_ =	shalt  }
0x3e: {  	_ =	shalt  }
0x3f: {  	_ =	shalt  }
0x40: {  	_ =	shalt  }
0x41: {  	_ =	shalt  }
0x42: {  	_ =	shalt  }
0x43: {  	_ =	shalt  }
0x44: {  	_ =	shalt  }
0x45: {  	_ =	shalt  }
0x46: {  	_ =	shalt  }
0x47: {  	_ =	shalt  }
0x48: {  	_ =	shalt  }
0x49: {  	_ =	shalt  }
0x4a: {  	_ =	shalt  }
0x4b: {  	_ =	shalt  }
0x4c: {  	_ =	shalt  }
0x4d: {  	_ =	shalt  }
0x4e: {  	_ =	shalt  }
0x4f: {  	_ =	shalt  }
0x50: {  	_ =	shalt  }
0x51: {  	_ =	shalt  }
0x52: {  	_ =	shalt  }
0x53: {  	_ =	shalt  }
0x54: {  	_ =	shalt  }
0x55: {  	_ =	shalt  }
0x56: {  	_ =	shalt  }
0x57: {  	_ =	shalt  }
0x58: {  	_ =	shalt  }
0x59: {  	_ =	shalt  }
0x5a: {  	_ =	shalt  }
0x5b: {  	_ =	shalt  }
0x5c: {  	_ =	shalt  }
0x5d: {  	_ =	shalt  }
0x5e: {  	_ =	shalt  }
0x5f: {  	_ =	shalt  }
0x60: {  	_ =	shalt  }
0x61: {  	_ =	shalt  }
0x62: {  	_ =	shalt  }
0x63: {  	_ =	shalt  }
0x64: {  	_ =	shalt  }
0x65: {  	_ =	shalt  }
0x66: {  	_ =	shalt  }
0x67: {  	_ =	shalt  }
0x68: {  	_ =	shalt  }
0x69: {  	_ =	shalt  }
0x6a: {  	_ =	shalt  }
0x6b: {  	_ =	shalt  }
0x6c: {  	_ =	shalt  }
0x6d: {  	_ =	shalt  }
0x6e: {  	_ =	shalt  }
0x6f: {  	_ =	shalt  }
0x70: {  	_ =	shalt  }
0x71: {  	_ =	shalt  }
0x72: {  	_ =	shalt  }
0x73: {  	_ =	shalt  }
0x74: {  	_ =	shalt  }
0x75: {  	_ =	shalt  }
0x76: {  	_ =	shalt  }
0x77: {  	_ =	shalt  }
0x78: {  	_ =	shalt  }
0x79: {  	_ =	shalt  }
0x7a: {  	_ =	shalt  }
0x7b: {  	_ =	shalt  }
0x7c: {  	_ =	shalt  }
0x7d: {  	_ =	shalt  }
0x7e: {  	_ =	shalt  }
0x7f: {  	_ =	shalt  }
0x80: {  	_ =	shalt  }
0x81: {  	_ =	shalt  }
0x82: {  	_ =	shalt  }
0x83: {  	_ =	shalt  }
0x84: {  	_ =	shalt  }
0x85: {  	_ =	shalt  }
0x86: {  	_ =	shalt  }
0x87: {  	_ =	shalt  }
.Lfunc_end0:
.L_simem_size_0:
called_computation_lowered:
.L_overlay_start_0:
0x88: {  	s2 =	sld [smem:$0x3FD9]  }
0x89: {  	s3 =	sld [smem:$0x3FFE];
	_ =	sdelay $0x1  }
0x8a: {  	s1 =	srdreg.scid  }
0x8b: {  	s0 =	sand.u32 $0x1, s1  }
0x8c: {  	s12 =	sshll.u32 s0, $0xA;
	s2 =	sadd.s32 s3, s2  }
0x8d: {  	s2 =	sadd.s32 s2, s12  }
0x8e: {  	[smem:$0x3F9F] =	sst s2  }
0x8f: {  	_ = 	snop  }
0x90: {  	(tm) =	ssettm $0x1  }
0x91: {  	s13 =	sld [smem:$0x3FFB];
	_ =	sdelay $0x3  }
0x92: {  	_ =	strace s13  }
0x93: {  	s2 =	sld [smem:$0x3FFC];
	_ =	sdelay $0x3  }
0x94: {  	_ =	strace s2  }
0x95: {  	s2 =	sld [smem:$0x3FFD];
	_ =	sdelay $0x3  }
0x96: {  	_ =	strace s2  }
0x97: {  	_ =	strace $0x8FFFFFFF  }
0x98: {  	s14 =	sld [smem:$0x3FDB];
	_ =	sdelay $0x1  }
0x99: {  	s15 =	simm.s32 $_scs_section_size  }
0x9a: {  	s4 =	simm.s32 $_size__tile_overlayer_lowered;
	s5 =	simm.s32 $_tile_overlayer_lowered  }
0x9b: {  	s19 =	simm.s32 $0x1BFF;
	s17 =	sshll.u32 s5, $0x1;
	s6 =	sadd.s32 s15, s14  }
0x9c: {  	s20 =	simm.s32 $0x0;
	s16 =	sshll.u32 s4, $0x1;
	s18 =	sadd.s32 s17, s6  }
0x9d: {  	[timem:s20], [sflag:s19] =	dma.local [hbm:s18], s16  }
0x9e: {  	_ =	swait.ge [sflag:s19], s16  }
0x9f: {  	s3 =	ssub.s32 $0x0, s16;
	[sflag:s19] =	ssyncset.done $0x0  }
0xa0: {  	[sflag:s19] =	ssyncadd.s32 s3;
	_ =	sdelay $0x1  }
0xa1: {  	s21 =	simm.s32 $0x1B8B  }
0xa2: {  	_ =	swait.ge [sflag:s21], $0x1  }
0xa3: {  	[sflag:s21] =	ssyncset.done $0x0  }
0xa4: {  	[sflag:s21] =	ssyncadd.s32 $0xFFFFFFFF  }
0xa5: {  	s3 =	sld [smem:$0x0]  }
0xa6: {  	s4 =	sand.u32 $0xFFFFFFFE, s1  }
0xa7: {  	p0 =	sne.s32 s1, s4  }
0xa8: {  	s4 =	sshll.u32 @p0 s4, $0xE  }
0xa9: {  	s5 =	sadd.s32 @p0 $0x11B8D, s4;
	s7 =	sshll.u32 @p0 s3, $0x11  }
0xaa: {  	s5 =	sor.u32 @p0 s7, s5  }
0xab: {  	[sflag:s5] =	ssyncadd.remote.s32 @p0 $0x1;
	_ =	sdelay $0x1  }
0xac: {  	s5 =	simm.s32 @p0 $0x1B8D  }
0xad: {  	_ =	swait.eq @p0 [sflag:s5], $0x1  }
0xae: {  	[sflag:s5] =	ssyncadd.s32 @p0 $0xFFFFFFFF  }
0xaf: {  	s7 =	sshll.u32 @!p0 s1, $0xE  }
0xb0: {  	s7 =	sor.u32 @!p0 $0x4000, s7;
	s5 =	simm.s32 @!p0 $0x1B8D  }
0xb1: {  	s9 =	sshll.u32 @!p0 s3, $0x11;
	s8 =	sadd.s32 @!p0 $0x11B8D, s7;
	_ =	swait.eq @!p0 [sflag:s5], $0x1  }
0xb2: {  	[sflag:s5] =	ssyncadd.s32 @!p0 $0xFFFFFFFF;
	s5 =	sor.u32 @!p0 s9, s8  }
0xb3: {  	s23 =	simm.s32 $0x1B8E;
	s22 =	sld [smem:$0x3FFE];
	[sflag:s5] =	ssyncadd.remote.s32 @!p0 $0x1  }
0xb4: {  	s24 =	simm.s32 $execute0_lowered;
	[smem:$0x3FD2] =	sst s23  }
0xb5: {  	s8 =	sshll.u32 s24, $0x1;
	_ =	strace $0x8000004F;
	[dreg:$0x1] =	wrdreg $0xFFFFFFFF  }
0xb6: {  	s25 =	simm.s32 $_size_execute0_lowered;
	s8 =	sadd.s32 s6, s8;
	[dreg:$0x0] =	wrdreg $0x0  }
0xb7: {  	s9 =	sshll.u32 s25, $0x1;
	[dreg:$0x2] =	wrdreg s8  }
0xb8: {  	[dreg:$0x3] =	wrdreg s9  }
0xb9: {  	[dreg:$0x4] =	wrdreg $0xC0  }
0xba: {  	s26 =	simm.s32 $execute1_lowered;
	_ =	task [dreg:s20], $0x5FFFF  }
0xbb: {  	s8 =	sshll.u32 s26, $0x1;
	[dreg:$0x1] =	wrdreg $0xFFFFFFFF  }
0xbc: {  	s6 =	sadd.s32 s6, s8;
	[dreg:$0x0] =	wrdreg $0x60  }
0xbd: {  	[dreg:$0x2] =	wrdreg s6  }
0xbe: {  	[dreg:$0x3] =	wrdreg s22  }
0xbf: {  	[dreg:$0x4] =	wrdreg $0x9  }
0xc0: {  	_ =	task.clear_ibuf [dreg:s20], $0x5FFFF;
	_ =	strace $0x9000004F  }
0xc1: {  	s28 =	simm.s32 $0x9;
	_ =	strace $0x80000051  }
0xc2: {  	_ =	swait.ge [sflag:s28], $0x1  }
0xc3: {  	[sflag:s28] =	ssyncadd.s32 $0xFFFFFFFF  }
0xc4: {  	_ =	strace $0x90000051  }
0xc5: {  	s6 =	sld [smem:$0x0];
	_ =	sdelay $0x3  }
0xc6: {  	s4 =	sadd.s32 @p0 $0x11BF3, s4;
	s8 =	sshll.u32 @p0 s6, $0x11  }
0xc7: {  	s4 =	sor.u32 @p0 s8, s4  }
0xc8: {  	[sflag:s4] =	ssyncadd.remote.s32 @p0 $0x1;
	_ =	sdelay $0x1  }
0xc9: {  	s4 =	simm.s32 @p0 $0x1BF3  }
0xca: {  	_ =	swait.eq @p0 [sflag:s4], $0x1  }
0xcb: {  	[sflag:s4] =	ssyncadd.s32 @p0 $0xFFFFFFFF;
	_ =	sdelay $0x1  }
0xcc: {  	s4 =	simm.s32 @!p0 $0x1BF3  }
0xcd: {  	s7 =	sadd.s32 @!p0 $0x11BF3, s7;
	s6 =	sshll.u32 @!p0 s6, $0x11;
	_ =	swait.eq @!p0 [sflag:s4], $0x1  }
0xce: {  	[sflag:s4] =	ssyncadd.s32 @!p0 $0xFFFFFFFF;
	s4 =	sor.u32 @!p0 s6, s7  }
0xcf: {  	[sflag:s4] =	ssyncadd.remote.s32 @!p0 $0x1  }
0xd0: {  	_ =	strace $0x80000052;
	[dreg:$0x1] =	wrdreg $0xFFFFFFFF  }
0xd1: {  	[dreg:$0x0] =	wrdreg $0x2030  }
0xd2: {  	[dreg:$0x2] =	wrdreg s22  }
0xd3: {  	[dreg:$0x3] =	wrdreg s1  }
0xd4: {  	[dreg:$0x4] =	wrdreg s3  }
0xd5: {  	[dreg:$0x5] =	wrdreg $0xA  }
0xd6: {  	_ =	task.clear_ibuf [dreg:s20], $0x6FFFF;
	_ =	strace $0x90000052  }
0xd7: {  	s29 =	simm.s32 $0xA;
	_ =	strace $0x80000054  }
0xd8: {  	_ =	swait.ge [sflag:s29], $0x1  }
0xd9: {  	[sflag:s29] =	ssyncadd.s32 $0xFFFFFFFF  }
0xda: {  	_ =	strace $0x90000054  }
0xdb: {  	_ =	sfence  }
0xdc: {  	s30 =	sld [smem:$0x0];
	_ =	sdelay $0x2  }
0xdd: {  	s31 =	sshll.u32 s1, $0xD;
	s1 =	sshrl.u32 s1, $0x2  }
0xde: {  	s4 =	sand.u32 $0x4000, s31;
	s1 =	sadd.s32 s1, s30  }
0xdf: {  	s0 =	sor.u32 s4, s0;
	s1 =	sshll.u32 s1, $0x11  }
0xe0: {  	s0 =	sor.u32 s1, s0  }
0xe1: {  	s0 =	sadd.s32 $0x8F2B, s0  }
0xe2: {  	[sflag:s0] =	ssyncadd.remote.s32 $0x1  }
0xe3: {  	_ =	sfence.sel $0xFFFF  }
0xe4: {  	[dreg:$0x0] =	wrdreg $0xFFFFFFFF;
	(pc) =	sbr.abs _section_cstart, $3  }
0xe5: {  	[dreg:$0x1] =	wrdreg $0xFFFFFFFF  }
0xe6: {  	_ =	task.clear_ibuf [dreg:s20], $0x2FFFF;
	_ =	strace $0x9FFFFFFF  }
0xe7: {  	(tm) =	ssettm $0x7FFFFFFF  }
tec
execute0_lowered:
.L_overlay_start_1:
0x0: {  	(tag) =	ssettag $0x1  }
0x1: {  	s2 =	rddreg [dreg:$0x0]  }
0x2: {  	s3 =	rddreg [dreg:$0x1]  }
0x3: {  	s0 =	rddreg [dreg:$0x2];
	s4 =	stileid.u32;
	[bflag:$0x3] =	sbarrier.arrive $0xFFFF  }
0x4: {  	s1 =	simm.s32 $_size_execute1_lowered;
	s29 =	srdreg.scid;
	p0 =	sne.s32 s4, $0x0  }
0x5: {  	s1 =	sshll.u32 s1, $0x1;
	s5 =	simm.s32 @!p0 $0x1C3F;
	s6 =	simm.s32 @!p0 $0x4060  }
0x6: {  	[timem:s6], [sflag:s5] =	dma.local @!p0 [hbm:s2], s1  }
0x7: {  	s8 =	simm.s32 $0x2;
	s12 =	simm.s32 $0x0;
	s2 =	sshll.u32 s29, $0x7  }
0x8: {  	s9 =	simm.s32 $0x80;
	s4 =	sshll.u32 s4, $0x8;
	s2 =	sand.u32 $0x80, s2  }
0x9: {  	s10 =	simm.s32 $0x0;
	s11 =	simm.s32 $0x0;
	s2 =	sor.u32 s4, s2  }
0xa: {  	_ =	strace $0x80000050;
	s4 =	sshll.u32 s2, $0x4;
	s31 =	ssub.s32 $0x1000, s2  }
.Ltmp0:
0xb: {  	s30 =	sadd.s32 s4, s3;
	s7 =	sand.u32 $0xF80, s31;
	(pc) =	sbr.rel .LBB2_1-.Ltmp0, $4  }
0xc: {  	s3 =	sadd.s32 $0x14AE00, s3;
	p1 =	sne.s32 s7, $0x0;
	s7 =	simm.s32 $0x1  }
0xd: {  	s4 =	simm.s32 $0x1;
	s5 =	sshrl.u32 s31, $0xC;
	s7 =	simm.s32 @!p1 $0x0  }
0xe: {  	[sflag:s4] =	ssyncpa.u1 $0x0;
	s6 =	sadd.s32 $0x8000, s30;
	s5 =	sadd.s32 s7, s5  }
0xf: {  	[sflag:s8] =	ssyncpa.u1 $0x0;
	s8 =	simm.s32 $0x20;
	s7 =	sadd.s32 $0x1, s5  }
.LBB2_4:
0x10: {  	_ =	sdelay $0x2  }
0x11: {  	s12 =	sshll.u32 s12, $0x4  }
0x12: {  	[tilespmem:v1+s13+$0x0 ss:$0x1] =	vst.idx.msk $0xffff, v2;
	s12 =	sand.u32 $0xFFF0, s12  }
0x13: {  	[tilespmem:v1+s13+$0xFFFFFFF0 ss:$0x1] =	vst.idx.msk $0xffff, v3;
	s12 =	sadd.s32 s3, s12  }
0x14: {  	[hbm4b:s12+s8] =	stream.strided.scatter [tilespmem:s14], [sflag:$0x2], $0x1000, s9, s8, $0x38;
	[tilespmem:$0x4000] =	vst v63  }
.LBB2_5:
0x15: {  	p2 =	sne.s32 s11, s7  }
.Ltmp1:
0x16: {  	p1 =	slt.u32 s11, $0x2;
	(pc) =	sbr.rel @!p2 .LBB2_6-.Ltmp1, $4  }
0x17: {  	s12 =	simm.s32 @!p1 $0x2  }
0x18: {  	_ =	swait.ge @!p1 [sflag:s12], $0x1000  }
0x19: {  	s13 =	sadd.s32 $0x1, s11;
	s10 =	sadd.s32 $0x1000, s10;
	[sflag:s12] =	ssyncset.done @!p1 $0x0  }
0x1a: {  	s11 =	smov.u32 s13;
	[sflag:s12] =	ssyncadd.s32 @!p1 $0xFFFFF000;
	s12 =	smov.u32 s2  }
.LBB2_1:
0x1b: {  	p1 =	sge.u32 s11, s5  }
0x1c: {  	s13 =	sxor.u32 @!p1 $0xFFFFFFFF, s11  }
0x1d: {  	s31 =	sadd.s32 $0xFFFFFFFF, s11;
	s13 =	sshll.u32 @!p1 s13, $0xC  }
0x1e: {  	s14 =	simm.s32 @!p1 $0x20;
	s15 =	simm.s32 @!p1 $0x80;
	s13 =	sand.u32 @!p1 $0x1000, s13  }
0x1f: {  	[tilespmem:s13], [sflag:$0x1] =	stream.strided.gather @!p1 [hbm4b:s6+s14], $0x1000, s15, s14, $0x38;
	[tilespmem:$0x4000] =	vst v63  }
0x20: {  	p1 =	sge.u32 s31, s5  }
.Ltmp2:
0x21: {  	_ = 	snop;
	(pc) =	sbr.rel @p1 .LBB2_5-.Ltmp2, $1  }
0x22: {  	_ =	sdelay $0x3  }
0x23: {  	s14 =	sand.u32 $0x1000, s10  }
0x24: {  	s13 =	sor.u32 $0x10, s14  }
0x25: {  	v0 =	vmov s13;
	_ =	sdelay $0x1  }
0x26: {  	_ =	swait.ge [sflag:s4], $0x1000  }
0x27: {  	[sflag:s4] =	ssyncset.done $0x0  }
0x28: {  	s15 =	sshll.u32 s11, $0xC;
	[sflag:s4] =	ssyncadd.s32 $0xFFFFF000;
	s13 =	simm.s32 $0x0  }
0x29: {  	s16 =	sor.u32 $0x2010, s14;
	s31 =	sand.u32 $0x1000, s15;
	v2 =	vld.idx.msk [tilespmem:v0+s13+$0x0 ss:$0x1], $0xffff  }
0x2a: {  	s15 =	simm.s32 $0x80;
	s14 =	sor.u32 $0x2000, s31;
	v1 =	vmov s16;
	v3 =	vld.idx.msk [tilespmem:v0+s13+$0xFFFFFFF0 ss:$0x1], $0xffff  }
.LBB2_3:
0x2b: {  	p1 =	sne.s32 s15, $0x3F80  }
.Ltmp3:
0x2c: {  	_ = 	snop;
	(pc) =	sbr.rel @p1 .LBB2_3-.Ltmp3, $4  }
0x2d: {  	_ = 	snop  }
0x2e: {  	s16 =	sshra.s32 s15, $0x2;
	s15 =	sadd.s32 $0x80, s15  }
0x2f: {  	[tilespmem:v1+s13+$0x0 ss:$0x1] =	vst.idx.msk $0xffff, v2;
	v2 =	vld.idx.msk [tilespmem:v0+s16+$0x0 ss:$0x1], $0xffff  }
0x30: {  	[tilespmem:v1+s13+$0xFFFFFFF0 ss:$0x1] =	vst.idx.msk $0xffff, v3;
	v3 =	vld.idx.msk [tilespmem:v0+s16+$0xFFFFFFF0 ss:$0x1], $0xffff;
	s13 =	smov.u32 s16  }
.Ltmp4:
0x31: {  	_ = 	snop;
	(pc) =	sbr.rel .LBB2_4-.Ltmp4, $1  }
0x32: {  	_ =	sdelay $0x3  }
.LBB2_6:
0x33: {  	_ =	sfence.sel $0x180000  }
0x34: {  	s2 =	simm.s32 $0x1;
	[bflag:$0x0] =	sbarrier.arrive $0xFFFF  }
0x35: {  	s31 =	simm.s32 $0x2;
	[sflag:s2] =	ssyncpa.u1 $0x1  }
0x36: {  	[sflag:s31] =	ssyncpa.u1 $0x1  }
0x37: {  	_ =	strace $0x90000050  }
0x38: {  	s0 =	sadd.s32 @!p0 $0x100000, s0;
	[bflag:$0x2] =	sbarrier.arrive $0xFFFF  }
0x39: {  	[sflag:s0] =	ssyncadd.tile.s32 @!p0 $0x1;
	s0 =	simm.s32 @!p0 $0x3F  }
0x3a: {  	_ =	swait.ge @!p0 [sflag:s0], s1  }
0x3b: {  	s1 =	ssub.s32 @!p0 $0x0, s1;
	[sflag:s0] =	ssyncset.done @!p0 $0x0  }
0x3c: {  	[sflag:s0] =	ssyncadd.s32 @!p0 s1  }
0x3d: {  	[bflag:$0x3] =	sbarrier.arrive $0xFFFF  }
0x3e: {  	_ =	shalt  }
.Lfunc_end2:
execute1_lowered:
.L_overlay_start_2:
0x3f: {  	(tag) =	ssettag $0x2  }
0x40: {  	s11 =	rddreg [dreg:$0x0]  }
0x41: {  	s2 =	rddreg [dreg:$0x1];
	_ =	strace $0x80000053;
	s12 =	simm.s32 $0x1  }
0x42: {  	v0 =	vimm.s32 $0x0;
	[sflag:s12] =	ssyncpa.u1 $0x0  }
0x43: {  	[tilespmem:$0x28] =	vst v0  }
0x44: {  	[tilespmem:$0x38] =	vst v0  }
0x45: {  	[tilespmem:$0x48] =	vst v0  }
0x46: {  	[tilespmem:$0x58] =	vst v0  }
0x47: {  	[tilespmem:$0x68] =	vst v0  }
0x48: {  	[tilespmem:$0x78] =	vst v0  }
0x49: {  	[tilespmem:$0x88] =	vst v0  }
0x4a: {  	[tilespmem:$0x98] =	vst v0  }
0x4b: {  	[tilespmem:$0xA8] =	vst v0  }
0x4c: {  	[tilespmem:$0xB8] =	vst v0  }
0x4d: {  	[tilespmem:$0xC8] =	vst v0  }
0x4e: {  	[tilespmem:$0xD8] =	vst v0  }
0x4f: {  	[tilespmem:$0xE8] =	vst v0  }
0x50: {  	[tilespmem:$0xF8] =	vst v0  }
0x51: {  	[tilespmem:$0x108] =	vst v0  }
0x52: {  	[tilespmem:$0x118] =	vst v0  }
0x53: {  	[tilespmem:$0x128] =	vst v0  }
0x54: {  	[tilespmem:$0x138] =	vst v0  }
0x55: {  	[tilespmem:$0x148] =	vst v0  }
0x56: {  	[tilespmem:$0x158] =	vst v0  }
0x57: {  	[tilespmem:$0x168] =	vst v0  }
0x58: {  	[tilespmem:$0x178] =	vst v0  }
0x59: {  	[tilespmem:$0x188] =	vst v0  }
0x5a: {  	[tilespmem:$0x198] =	vst v0  }
0x5b: {  	[tilespmem:$0x1A8] =	vst v0  }
0x5c: {  	[tilespmem:$0x1B8] =	vst v0  }
0x5d: {  	[tilespmem:$0x1C8] =	vst v0  }
0x5e: {  	[tilespmem:$0x1D8] =	vst v0  }
0x5f: {  	[tilespmem:$0x1E8] =	vst v0  }
0x60: {  	[tilespmem:$0x1F8] =	vst v0  }
0x61: {  	[tilespmem:$0x208] =	vst v0  }
0x62: {  	[tilespmem:$0x218] =	vst v0  }
0x63: {  	[tilespmem:$0x228] =	vst v0  }
0x64: {  	[tilespmem:$0x238] =	vst v0  }
0x65: {  	[tilespmem:$0x248] =	vst v0  }
0x66: {  	[tilespmem:$0x258] =	vst v0  }
0x67: {  	[tilespmem:$0x268] =	vst v0  }
0x68: {  	[tilespmem:$0x278] =	vst v0  }
0x69: {  	[tilespmem:$0x288] =	vst v0  }
0x6a: {  	[tilespmem:$0x298] =	vst v0  }
0x6b: {  	[tilespmem:$0x2A8] =	vst v0  }
0x6c: {  	[tilespmem:$0x2B8] =	vst v0  }
0x6d: {  	[tilespmem:$0x2C8] =	vst v0  }
0x6e: {  	[tilespmem:$0x2D8] =	vst v0  }
0x6f: {  	[tilespmem:$0x2E8] =	vst v0  }
0x70: {  	[tilespmem:$0x2F8] =	vst v0  }
0x71: {  	[tilespmem:$0x308] =	vst v0  }
0x72: {  	[tilespmem:$0x318] =	vst v0  }
0x73: {  	[tilespmem:$0x328] =	vst v0  }
0x74: {  	[tilespmem:$0x338] =	vst v0  }
0x75: {  	[tilespmem:$0x348] =	vst v0  }
0x76: {  	[tilespmem:$0x358] =	vst v0  }
0x77: {  	[tilespmem:$0x368] =	vst v0  }
0x78: {  	[tilespmem:$0x378] =	vst v0  }
0x79: {  	[tilespmem:$0x388] =	vst v0  }
0x7a: {  	[tilespmem:$0x398] =	vst v0  }
0x7b: {  	[tilespmem:$0x3A8] =	vst v0  }
0x7c: {  	[tilespmem:$0x3B8] =	vst v0  }
0x7d: {  	[tilespmem:$0x3C8] =	vst v0  }
0x7e: {  	[tilespmem:$0x3D8] =	vst v0  }
0x7f: {  	[tilespmem:$0x3E8] =	vst v0  }
0x80: {  	[tilespmem:$0x3F8] =	vst v0  }
0x81: {  	[tilespmem:$0x408] =	vst v0  }
0x82: {  	[tilespmem:$0x418] =	vst v0  }
0x83: {  	[tilespmem:$0x428] =	vst v0  }
0x84: {  	[tilespmem:$0x438] =	vst v0  }
0x85: {  	[tilespmem:$0x448] =	vst v0  }
0x86: {  	[tilespmem:$0x458] =	vst v0  }
0x87: {  	[tilespmem:$0x468] =	vst v0  }
0x88: {  	[tilespmem:$0x478] =	vst v0  }
0x89: {  	[tilespmem:$0x488] =	vst v0  }
0x8a: {  	[tilespmem:$0x498] =	vst v0  }
0x8b: {  	[tilespmem:$0x4A8] =	vst v0  }
0x8c: {  	[tilespmem:$0x4B8] =	vst v0  }
0x8d: {  	[tilespmem:$0x4C8] =	vst v0  }
0x8e: {  	[tilespmem:$0x4D8] =	vst v0  }
0x8f: {  	[tilespmem:$0x4E8] =	vst v0  }
0x90: {  	[tilespmem:$0x4F8] =	vst v0  }
0x91: {  	[tilespmem:$0x508] =	vst v0  }
0x92: {  	[tilespmem:$0x518] =	vst v0  }
0x93: {  	[tilespmem:$0x528] =	vst v0  }
0x94: {  	[tilespmem:$0x538] =	vst v0  }
0x95: {  	[tilespmem:$0x548] =	vst v0  }
0x96: {  	[tilespmem:$0x558] =	vst v0  }
0x97: {  	[tilespmem:$0x568] =	vst v0  }
0x98: {  	[tilespmem:$0x578] =	vst v0  }
0x99: {  	[tilespmem:$0x588] =	vst v0  }
0x9a: {  	[tilespmem:$0x598] =	vst v0  }
0x9b: {  	[tilespmem:$0x5A8] =	vst v0  }
0x9c: {  	[tilespmem:$0x5B8] =	vst v0  }
0x9d: {  	[tilespmem:$0x5C8] =	vst v0  }
0x9e: {  	[tilespmem:$0x5D8] =	vst v0  }
0x9f: {  	[tilespmem:$0x5E8] =	vst v0  }
0xa0: {  	[tilespmem:$0x5F8] =	vst v0  }
0xa1: {  	[tilespmem:$0x608] =	vst v0  }
0xa2: {  	[tilespmem:$0x618] =	vst v0  }
0xa3: {  	[tilespmem:$0x628] =	vst v0  }
0xa4: {  	[tilespmem:$0x638] =	vst v0  }
0xa5: {  	[tilespmem:$0x648] =	vst v0  }
0xa6: {  	[tilespmem:$0x658] =	vst v0  }
0xa7: {  	[tilespmem:$0x668] =	vst v0  }
0xa8: {  	[tilespmem:$0x678] =	vst v0  }
0xa9: {  	[tilespmem:$0x688] =	vst v0  }
0xaa: {  	[tilespmem:$0x698] =	vst v0  }
0xab: {  	[tilespmem:$0x6A8] =	vst v0  }
0xac: {  	[tilespmem:$0x6B8] =	vst v0  }
0xad: {  	[tilespmem:$0x6C8] =	vst v0  }
0xae: {  	[tilespmem:$0x6D8] =	vst v0  }
0xaf: {  	[tilespmem:$0x6E8] =	vst v0  }
0xb0: {  	[tilespmem:$0x6F8] =	vst v0  }
0xb1: {  	[tilespmem:$0x708] =	vst v0  }
0xb2: {  	[tilespmem:$0x718] =	vst v0  }
0xb3: {  	[tilespmem:$0x728] =	vst v0  }
0xb4: {  	[tilespmem:$0x738] =	vst v0  }
0xb5: {  	[tilespmem:$0x748] =	vst v0  }
0xb6: {  	[tilespmem:$0x758] =	vst v0  }
0xb7: {  	[tilespmem:$0x768] =	vst v0  }
0xb8: {  	[tilespmem:$0x778] =	vst v0  }
0xb9: {  	[tilespmem:$0x788] =	vst v0  }
0xba: {  	[tilespmem:$0x798] =	vst v0  }
0xbb: {  	[tilespmem:$0x7A8] =	vst v0  }
0xbc: {  	[tilespmem:$0x7B8] =	vst v0  }
0xbd: {  	[tilespmem:$0x7C8] =	vst v0  }
0xbe: {  	[tilespmem:$0x7D8] =	vst v0  }
0xbf: {  	[tilespmem:$0x7E8] =	vst v0  }
0xc0: {  	[tilespmem:$0x7F8] =	vst v0  }
0xc1: {  	[tilespmem:$0x808] =	vst v0  }
0xc2: {  	[tilespmem:$0x818] =	vst v0  }
0xc3: {  	[tilespmem:$0x828] =	vst v0  }
0xc4: {  	[tilespmem:$0x838] =	vst v0  }
0xc5: {  	[tilespmem:$0x848] =	vst v0  }
0xc6: {  	[tilespmem:$0x858] =	vst v0  }
0xc7: {  	[tilespmem:$0x868] =	vst v0  }
0xc8: {  	[tilespmem:$0x878] =	vst v0  }
0xc9: {  	[tilespmem:$0x888] =	vst v0  }
0xca: {  	[tilespmem:$0x898] =	vst v0  }
0xcb: {  	[tilespmem:$0x8A8] =	vst v0  }
0xcc: {  	[tilespmem:$0x8B8] =	vst v0  }
0xcd: {  	[tilespmem:$0x8C8] =	vst v0  }
0xce: {  	[tilespmem:$0x8D8] =	vst v0  }
0xcf: {  	[tilespmem:$0x8E8] =	vst v0  }
0xd0: {  	[tilespmem:$0x8F8] =	vst v0  }
0xd1: {  	[tilespmem:$0x908] =	vst v0  }
0xd2: {  	[tilespmem:$0x918] =	vst v0  }
0xd3: {  	[tilespmem:$0x928] =	vst v0  }
0xd4: {  	[tilespmem:$0x938] =	vst v0  }
0xd5: {  	[tilespmem:$0x948] =	vst v0  }
0xd6: {  	[tilespmem:$0x958] =	vst v0  }
0xd7: {  	[tilespmem:$0x968] =	vst v0  }
0xd8: {  	[tilespmem:$0x978] =	vst v0  }
0xd9: {  	[tilespmem:$0x988] =	vst v0  }
0xda: {  	[tilespmem:$0x998] =	vst v0  }
0xdb: {  	[tilespmem:$0x9A8] =	vst v0  }
0xdc: {  	[tilespmem:$0x9B8] =	vst v0  }
0xdd: {  	[tilespmem:$0x9C8] =	vst v0  }
0xde: {  	[tilespmem:$0x9D8] =	vst v0  }
0xdf: {  	[tilespmem:$0x9E8] =	vst v0  }
0xe0: {  	[tilespmem:$0x9F8] =	vst v0  }
0xe1: {  	[tilespmem:$0xA08] =	vst v0  }
0xe2: {  	[tilespmem:$0xA18] =	vst v0  }
0xe3: {  	[tilespmem:$0xA28] =	vst v0  }
0xe4: {  	[tilespmem:$0xA38] =	vst v0  }
0xe5: {  	[tilespmem:$0xA48] =	vst v0  }
0xe6: {  	[tilespmem:$0xA58] =	vst v0  }
0xe7: {  	[tilespmem:$0xA68] =	vst v0  }
0xe8: {  	[tilespmem:$0xA78] =	vst v0  }
0xe9: {  	[tilespmem:$0xA88] =	vst v0  }
0xea: {  	[tilespmem:$0xA98] =	vst v0  }
0xeb: {  	[tilespmem:$0xAA8] =	vst v0  }
0xec: {  	[tilespmem:$0xAB8] =	vst v0  }
0xed: {  	[tilespmem:$0xAC8] =	vst v0  }
0xee: {  	[tilespmem:$0xAD8] =	vst v0  }
0xef: {  	[tilespmem:$0xAE8] =	vst v0  }
0xf0: {  	[tilespmem:$0xAF8] =	vst v0  }
0xf1: {  	[tilespmem:$0xB08] =	vst v0  }
0xf2: {  	[tilespmem:$0xB18] =	vst v0  }
0xf3: {  	[tilespmem:$0xB28] =	vst v0  }
0xf4: {  	[tilespmem:$0xB38] =	vst v0  }
0xf5: {  	[tilespmem:$0xB48] =	vst v0  }
0xf6: {  	[tilespmem:$0xB58] =	vst v0  }
0xf7: {  	[tilespmem:$0xB68] =	vst v0  }
0xf8: {  	[tilespmem:$0xB78] =	vst v0  }
0xf9: {  	[tilespmem:$0xB88] =	vst v0  }
0xfa: {  	[tilespmem:$0xB98] =	vst v0  }
0xfb: {  	[tilespmem:$0xBA8] =	vst v0  }
0xfc: {  	[tilespmem:$0xBB8] =	vst v0  }
0xfd: {  	[tilespmem:$0xBC8] =	vst v0  }
0xfe: {  	[tilespmem:$0xBD8] =	vst v0  }
0xff: {  	[tilespmem:$0xBE8] =	vst v0  }
0x100: {  	[tilespmem:$0xBF8] =	vst v0  }
0x101: {  	[tilespmem:$0xC08] =	vst v0  }
0x102: {  	[tilespmem:$0xC18] =	vst v0  }
0x103: {  	[tilespmem:$0xC28] =	vst v0  }
0x104: {  	[tilespmem:$0xC38] =	vst v0  }
0x105: {  	[tilespmem:$0xC48] =	vst v0  }
0x106: {  	[tilespmem:$0xC58] =	vst v0  }
0x107: {  	[tilespmem:$0xC68] =	vst v0  }
0x108: {  	[tilespmem:$0xC78] =	vst v0  }
0x109: {  	[tilespmem:$0xC88] =	vst v0  }
0x10a: {  	[tilespmem:$0xC98] =	vst v0  }
0x10b: {  	[tilespmem:$0xCA8] =	vst v0  }
0x10c: {  	[tilespmem:$0xCB8] =	vst v0  }
0x10d: {  	[tilespmem:$0xCC8] =	vst v0  }
0x10e: {  	[tilespmem:$0xCD8] =	vst v0  }
0x10f: {  	[tilespmem:$0xCE8] =	vst v0  }
0x110: {  	[tilespmem:$0xCF8] =	vst v0  }
0x111: {  	[tilespmem:$0xD08] =	vst v0  }
0x112: {  	[tilespmem:$0xD18] =	vst v0  }
0x113: {  	[tilespmem:$0xD28] =	vst v0  }
0x114: {  	[tilespmem:$0xD38] =	vst v0  }
0x115: {  	[tilespmem:$0xD48] =	vst v0  }
0x116: {  	[tilespmem:$0xD58] =	vst v0  }
0x117: {  	[tilespmem:$0xD68] =	vst v0  }
0x118: {  	[tilespmem:$0xD78] =	vst v0  }
0x119: {  	[tilespmem:$0xD88] =	vst v0  }
0x11a: {  	[tilespmem:$0xD98] =	vst v0  }
0x11b: {  	[tilespmem:$0xDA8] =	vst v0  }
0x11c: {  	[tilespmem:$0xDB8] =	vst v0  }
0x11d: {  	[tilespmem:$0xDC8] =	vst v0  }
0x11e: {  	[tilespmem:$0xDD8] =	vst v0  }
0x11f: {  	[tilespmem:$0xDE8] =	vst v0  }
0x120: {  	[tilespmem:$0xDF8] =	vst v0  }
0x121: {  	[tilespmem:$0xE08] =	vst v0  }
0x122: {  	[tilespmem:$0xE18] =	vst v0  }
0x123: {  	[tilespmem:$0xE28] =	vst v0  }
0x124: {  	[tilespmem:$0xE38] =	vst v0  }
0x125: {  	[tilespmem:$0xE48] =	vst v0  }
0x126: {  	[tilespmem:$0xE58] =	vst v0  }
0x127: {  	[tilespmem:$0xE68] =	vst v0  }
0x128: {  	[tilespmem:$0xE78] =	vst v0  }
0x129: {  	[tilespmem:$0xE88] =	vst v0  }
0x12a: {  	[tilespmem:$0xE98] =	vst v0  }
0x12b: {  	[tilespmem:$0xEA8] =	vst v0  }
0x12c: {  	[tilespmem:$0xEB8] =	vst v0  }
0x12d: {  	[tilespmem:$0xEC8] =	vst v0  }
0x12e: {  	[tilespmem:$0xED8] =	vst v0  }
0x12f: {  	[tilespmem:$0xEE8] =	vst v0  }
0x130: {  	[tilespmem:$0xEF8] =	vst v0  }
0x131: {  	[tilespmem:$0xF08] =	vst v0  }
0x132: {  	[tilespmem:$0xF18] =	vst v0  }
0x133: {  	[tilespmem:$0xF28] =	vst v0  }
0x134: {  	[tilespmem:$0xF38] =	vst v0  }
0x135: {  	[tilespmem:$0xF48] =	vst v0  }
0x136: {  	[tilespmem:$0xF58] =	vst v0  }
0x137: {  	[tilespmem:$0xF68] =	vst v0  }
0x138: {  	[tilespmem:$0xF78] =	vst v0  }
0x139: {  	[tilespmem:$0xF88] =	vst v0  }
0x13a: {  	[tilespmem:$0xF98] =	vst v0  }
0x13b: {  	[tilespmem:$0xFA8] =	vst v0  }
0x13c: {  	[tilespmem:$0xFB8] =	vst v0  }
0x13d: {  	[tilespmem:$0xFC8] =	vst v0  }
0x13e: {  	[tilespmem:$0xFD8] =	vst v0  }
0x13f: {  	[tilespmem:$0xFE8] =	vst v0  }
0x140: {  	[tilespmem:$0xFF8] =	vst v0  }
0x141: {  	[tilespmem:$0x1028] =	vst v0  }
0x142: {  	[tilespmem:$0x10E8] =	vst v0  }
0x143: {  	[tilespmem:$0x1068] =	vst v0  }
0x144: {  	[tilespmem:$0x1B28] =	vst v0  }
0x145: {  	[tilespmem:$0x1B18] =	vst v0  }
0x146: {  	[tilespmem:$0x1B08] =	vst v0  }
0x147: {  	[tilespmem:$0x1AF8] =	vst v0  }
0x148: {  	[tilespmem:$0x1AE8] =	vst v0  }
0x149: {  	[tilespmem:$0x1AD8] =	vst v0  }
0x14a: {  	[tilespmem:$0x1AC8] =	vst v0  }
0x14b: {  	[tilespmem:$0x1AB8] =	vst v0  }
0x14c: {  	[tilespmem:$0x1AA8] =	vst v0  }
0x14d: {  	[tilespmem:$0x1A98] =	vst v0  }
0x14e: {  	[tilespmem:$0x1A88] =	vst v0  }
0x14f: {  	[tilespmem:$0x1A78] =	vst v0  }
0x150: {  	[tilespmem:$0x1A68] =	vst v0  }
0x151: {  	[tilespmem:$0x1A58] =	vst v0  }
0x152: {  	[tilespmem:$0x1A48] =	vst v0  }
0x153: {  	[tilespmem:$0x1A38] =	vst v0  }
0x154: {  	[tilespmem:$0x1A28] =	vst v0  }
0x155: {  	[tilespmem:$0x1A18] =	vst v0  }
0x156: {  	[tilespmem:$0x1A08] =	vst v0  }
0x157: {  	[tilespmem:$0x19F8] =	vst v0  }
0x158: {  	[tilespmem:$0x19E8] =	vst v0  }
0x159: {  	[tilespmem:$0x19D8] =	vst v0  }
0x15a: {  	[tilespmem:$0x19C8] =	vst v0  }
0x15b: {  	[tilespmem:$0x19B8] =	vst v0  }
0x15c: {  	[tilespmem:$0x19A8] =	vst v0  }
0x15d: {  	[tilespmem:$0x1998] =	vst v0  }
0x15e: {  	[tilespmem:$0x1988] =	vst v0  }
0x15f: {  	[tilespmem:$0x1978] =	vst v0  }
0x160: {  	[tilespmem:$0x1968] =	vst v0  }
0x161: {  	[tilespmem:$0x1958] =	vst v0  }
0x162: {  	[tilespmem:$0x1948] =	vst v0  }
0x163: {  	[tilespmem:$0x1938] =	vst v0  }
0x164: {  	[tilespmem:$0x1928] =	vst v0  }
0x165: {  	[tilespmem:$0x1918] =	vst v0  }
0x166: {  	[tilespmem:$0x1908] =	vst v0  }
0x167: {  	[tilespmem:$0x18F8] =	vst v0  }
0x168: {  	[tilespmem:$0x18E8] =	vst v0  }
0x169: {  	[tilespmem:$0x18D8] =	vst v0  }
0x16a: {  	[tilespmem:$0x18C8] =	vst v0  }
0x16b: {  	[tilespmem:$0x18B8] =	vst v0  }
0x16c: {  	[tilespmem:$0x18A8] =	vst v0  }
0x16d: {  	[tilespmem:$0x1898] =	vst v0  }
0x16e: {  	[tilespmem:$0x1888] =	vst v0  }
0x16f: {  	[tilespmem:$0x1878] =	vst v0  }
0x170: {  	[tilespmem:$0x1868] =	vst v0  }
0x171: {  	[tilespmem:$0x1858] =	vst v0  }
0x172: {  	[tilespmem:$0x1848] =	vst v0  }
0x173: {  	[tilespmem:$0x1838] =	vst v0  }
0x174: {  	[tilespmem:$0x1828] =	vst v0  }
0x175: {  	[tilespmem:$0x1818] =	vst v0  }
0x176: {  	[tilespmem:$0x1808] =	vst v0  }
0x177: {  	[tilespmem:$0x17F8] =	vst v0  }
0x178: {  	[tilespmem:$0x17E8] =	vst v0  }
0x179: {  	[tilespmem:$0x17D8] =	vst v0  }
0x17a: {  	[tilespmem:$0x17C8] =	vst v0  }
0x17b: {  	[tilespmem:$0x17B8] =	vst v0  }
0x17c: {  	[tilespmem:$0x17A8] =	vst v0  }
0x17d: {  	[tilespmem:$0x1798] =	vst v0  }
0x17e: {  	[tilespmem:$0x1788] =	vst v0  }
0x17f: {  	[tilespmem:$0x1778] =	vst v0  }
0x180: {  	[tilespmem:$0x1768] =	vst v0  }
0x181: {  	[tilespmem:$0x1758] =	vst v0  }
0x182: {  	[tilespmem:$0x1748] =	vst v0  }
0x183: {  	[tilespmem:$0x1738] =	vst v0  }
0x184: {  	[tilespmem:$0x1728] =	vst v0  }
0x185: {  	[tilespmem:$0x1718] =	vst v0  }
0x186: {  	[tilespmem:$0x1708] =	vst v0  }
0x187: {  	[tilespmem:$0x16F8] =	vst v0  }
0x188: {  	[tilespmem:$0x16E8] =	vst v0  }
0x189: {  	[tilespmem:$0x16D8] =	vst v0  }
0x18a: {  	[tilespmem:$0x16C8] =	vst v0  }
0x18b: {  	[tilespmem:$0x16B8] =	vst v0  }
0x18c: {  	[tilespmem:$0x16A8] =	vst v0  }
0x18d: {  	[tilespmem:$0x1698] =	vst v0  }
0x18e: {  	[tilespmem:$0x1688] =	vst v0  }
0x18f: {  	[tilespmem:$0x1678] =	vst v0  }
0x190: {  	[tilespmem:$0x1668] =	vst v0  }
0x191: {  	[tilespmem:$0x1658] =	vst v0  }
0x192: {  	[tilespmem:$0x1648] =	vst v0  }
0x193: {  	[tilespmem:$0x1638] =	vst v0  }
0x194: {  	[tilespmem:$0x1628] =	vst v0  }
0x195: {  	[tilespmem:$0x1618] =	vst v0  }
0x196: {  	[tilespmem:$0x1608] =	vst v0  }
0x197: {  	[tilespmem:$0x15F8] =	vst v0  }
0x198: {  	[tilespmem:$0x15E8] =	vst v0  }
0x199: {  	[tilespmem:$0x15D8] =	vst v0  }
0x19a: {  	[tilespmem:$0x15C8] =	vst v0  }
0x19b: {  	[tilespmem:$0x15B8] =	vst v0  }
0x19c: {  	[tilespmem:$0x15A8] =	vst v0  }
0x19d: {  	[tilespmem:$0x1598] =	vst v0  }
0x19e: {  	[tilespmem:$0x1588] =	vst v0  }
0x19f: {  	[tilespmem:$0x1578] =	vst v0  }
0x1a0: {  	[tilespmem:$0x1568] =	vst v0  }
0x1a1: {  	[tilespmem:$0x1558] =	vst v0  }
0x1a2: {  	[tilespmem:$0x1548] =	vst v0  }
0x1a3: {  	[tilespmem:$0x1538] =	vst v0  }
0x1a4: {  	[tilespmem:$0x1528] =	vst v0  }
0x1a5: {  	[tilespmem:$0x1518] =	vst v0  }
0x1a6: {  	[tilespmem:$0x1508] =	vst v0  }
0x1a7: {  	[tilespmem:$0x14F8] =	vst v0  }
0x1a8: {  	[tilespmem:$0x14E8] =	vst v0  }
0x1a9: {  	[tilespmem:$0x14D8] =	vst v0  }
0x1aa: {  	[tilespmem:$0x14C8] =	vst v0  }
0x1ab: {  	[tilespmem:$0x14B8] =	vst v0  }
0x1ac: {  	[tilespmem:$0x14A8] =	vst v0  }
0x1ad: {  	[tilespmem:$0x1498] =	vst v0  }
0x1ae: {  	[tilespmem:$0x1488] =	vst v0  }
0x1af: {  	[tilespmem:$0x1478] =	vst v0  }
0x1b0: {  	[tilespmem:$0x1468] =	vst v0  }
0x1b1: {  	[tilespmem:$0x1458] =	vst v0  }
0x1b2: {  	[tilespmem:$0x1448] =	vst v0  }
0x1b3: {  	[tilespmem:$0x1438] =	vst v0  }
0x1b4: {  	[tilespmem:$0x1428] =	vst v0  }
0x1b5: {  	[tilespmem:$0x1418] =	vst v0  }
0x1b6: {  	[tilespmem:$0x1408] =	vst v0  }
0x1b7: {  	[tilespmem:$0x13F8] =	vst v0  }
0x1b8: {  	[tilespmem:$0x13E8] =	vst v0  }
0x1b9: {  	[tilespmem:$0x13D8] =	vst v0  }
0x1ba: {  	[tilespmem:$0x13C8] =	vst v0  }
0x1bb: {  	[tilespmem:$0x13B8] =	vst v0  }
0x1bc: {  	[tilespmem:$0x13A8] =	vst v0  }
0x1bd: {  	[tilespmem:$0x1398] =	vst v0  }
0x1be: {  	[tilespmem:$0x1388] =	vst v0  }
0x1bf: {  	[tilespmem:$0x1378] =	vst v0  }
0x1c0: {  	[tilespmem:$0x1368] =	vst v0  }
0x1c1: {  	[tilespmem:$0x1358] =	vst v0  }
0x1c2: {  	[tilespmem:$0x1348] =	vst v0  }
0x1c3: {  	[tilespmem:$0x1338] =	vst v0  }
0x1c4: {  	[tilespmem:$0x1328] =	vst v0  }
0x1c5: {  	[tilespmem:$0x1318] =	vst v0  }
0x1c6: {  	[tilespmem:$0x1308] =	vst v0  }
0x1c7: {  	[tilespmem:$0x12F8] =	vst v0  }
0x1c8: {  	[tilespmem:$0x12E8] =	vst v0  }
0x1c9: {  	[tilespmem:$0x12D8] =	vst v0  }
0x1ca: {  	[tilespmem:$0x12C8] =	vst v0  }
0x1cb: {  	[tilespmem:$0x12B8] =	vst v0  }
0x1cc: {  	[tilespmem:$0x12A8] =	vst v0  }
0x1cd: {  	[tilespmem:$0x1298] =	vst v0  }
0x1ce: {  	[tilespmem:$0x1288] =	vst v0  }
0x1cf: {  	[tilespmem:$0x1278] =	vst v0  }
0x1d0: {  	[tilespmem:$0x1268] =	vst v0  }
0x1d1: {  	[tilespmem:$0x1258] =	vst v0  }
0x1d2: {  	[tilespmem:$0x1248] =	vst v0  }
0x1d3: {  	[tilespmem:$0x1238] =	vst v0  }
0x1d4: {  	[tilespmem:$0x1228] =	vst v0  }
0x1d5: {  	[tilespmem:$0x1218] =	vst v0  }
0x1d6: {  	[tilespmem:$0x1208] =	vst v0  }
0x1d7: {  	[tilespmem:$0x11F8] =	vst v0  }
0x1d8: {  	[tilespmem:$0x11E8] =	vst v0  }
0x1d9: {  	[tilespmem:$0x11D8] =	vst v0  }
0x1da: {  	[tilespmem:$0x11C8] =	vst v0  }
0x1db: {  	[tilespmem:$0x11B8] =	vst v0  }
0x1dc: {  	[tilespmem:$0x11A8] =	vst v0  }
0x1dd: {  	[tilespmem:$0x1198] =	vst v0  }
0x1de: {  	[tilespmem:$0x1188] =	vst v0  }
0x1df: {  	[tilespmem:$0x1178] =	vst v0  }
0x1e0: {  	[tilespmem:$0x1168] =	vst v0  }
0x1e1: {  	[tilespmem:$0x1158] =	vst v0  }
0x1e2: {  	[tilespmem:$0x1148] =	vst v0  }
0x1e3: {  	[tilespmem:$0x1138] =	vst v0  }
0x1e4: {  	[tilespmem:$0x1128] =	vst v0  }
0x1e5: {  	s4 =	stileid.u32;
	[tilespmem:$0x1118] =	vst v0  }
0x1e6: {  	s0 =	smin.u32 s4, $0xD;
	[tilespmem:$0x1108] =	vst v0  }
0x1e7: {  	[tilespmem:$0x10F8] =	vst v0;
	s0 =	sadd.s32 s4, s0  }
0x1e8: {  	s1 =	simm.s32 $0x360;
	p0 =	slt.u32 s4, $0xD;
	[tilespmem:$0x10D8] =	vst v0;
	s6 =	smul.u32 $0x1B0, s0  }
0x1e9: {  	s1 =	simm.s32 @!p0 $0x1B0;
	[tilespmem:$0x1038] =	vst v0  }
0x1ea: {  	[tilespmem:$0x10C8] =	vst v0;
	s0 =	sadd.s32 s1, s6  }
0x1eb: {  	[tilespmem:$0x10B8] =	vst v0;
	s7 =	smin.u32 s0, $0x3000  }
0x1ec: {  	[tilespmem:$0x10A8] =	vst v0;
	s0 =	ssub.s32 s7, s6  }
0x1ed: {  	s3 =	simm.s32 $0x2;
	s8 =	simm.s32 $0x9;
	[tilespmem:$0x1098] =	vst v0;
	p0 =	sgt.s32 s0, $0x0  }
0x1ee: {  	s10 =	simm.s32 $0xA;
	s30 =	simm.s32 $0xB;
	[tilespmem:$0x1088] =	vst v0;
	s0 =	simm.s32 @!p0 $0x0  }
0x1ef: {  	s16 =	simm.s32 $0x0;
	p4 =	por $0x0, $0x0;
	[tilespmem:$0x1078] =	vst v0;
	s29 =	sand.u32 $0xFFF0, s0  }
0x1f0: {  	s17 =	simm.s32 $0xC;
	s21 =	simm.s32 $0x0;
	[tilespmem:$0x1058] =	vst v0;
	s1 =	sshrl.u32 s29, $0x4  }
0x1f1: {  	s18 =	simm.s32 $0x0;
	s2 =	sand.u32 $0x1, s2;
	[tilespmem:$0x1048] =	vst v0;
	s1 =	smul.u32 $0x12F7, s1  }
0x1f2: {  	s20 =	simm.s32 $0x0;
	s31 =	sshll.u32 s4, $0x5;
	[tilespmem:$0x1018] =	vst v0;
	[dreg:$0x5] =	wrdreg s2  }
0x1f3: {  	s2 =	smul.u32 $0x600, s2;
	[tilespmem:$0x1008] =	vst v0;
	[sflag:s3] =	ssyncpa.u1 $0x0;
	s1 =	sshrl.u32 s1, $0x11  }
0x1f4: {  	v0 =	vimm.s32 $0xFFFFFFFF;
	s3 =	sadd.s32 $0x14AE00, s11;
	[dreg:$0x4] =	wrdreg s31;
	s5 =	smul.u32 $0x1B0, s1  }
.Ltmp5:
0x1f5: {  	[tilespmem:$0x3648] =	vst v0;
	[sflag:s8] =	ssyncpa.u1 $0x0;
	s2 =	sadd.s32 s2, s11;
	(pc) =	sbr.rel .LBB3_1-.Ltmp5, $4  }
0x1f6: {  	[sflag:s10] =	ssyncpa.u1 $0x0;
	s11 =	sadd.s32 $0x9AE00, s11;
	p0 =	sne.s32 s0, s5  }
0x1f7: {  	[sflag:s30] =	ssyncpa.u1 $0x0;
	s14 =	sadd.s32 $0x19800, s2;
	s12 =	simm.s32 @!p0 $0x0  }
0x1f8: {  	s15 =	sadd.s32 $0x6A00, s2;
	s19 =	smov.u32 s6;
	s12 =	sadd.s32 s1, s12  }
0x1f9: {  	v0 =	vlaneseq.u32;
	[dreg:$0x6] =	wrdreg s6;
	p0 =	por $0x1, $0x1;
	s4 =	sadd.s32 $0x1, s12  }
.LBB3_18:
0x1fa: {  	s0 =	simm.s32 $0x2  }
0x1fb: {  	_ =	swait.ge [sflag:s0], $0x0  }
0x1fc: {  	[sflag:s0] =	ssyncset.done $0x0;
	s0 =	simm.s32 $0x0  }
.LBB3_19:
0x1fd: {  	_ =	swait.ge [sflag:s17], s0  }
0x1fe: {  	s31 =	ssub.s32 $0x0, s0;
	v1 =	vmov s23;
	vm0 =	veq.s32 v0, $0x0;
	[sflag:s17] =	ssyncset.done $0x0  }
0x1ff: {  	vm15 =	veq.s32 v0, $0x2;
	v1 =	vsel vm0, s29, v1;
	[sflag:s17] =	ssyncadd.s32 s31  }
0x200: {  	v1 =	vsel vm15, s21, v1;
	[sflag:s17] =	ssyncpa.u1 $0x1  }
0x201: {  	[tilespmem:$0x3648] =	vst v1  }
.LBB3_20:
0x202: {  	s0 =	sadd.s32 $0x1B0, s19  }
0x203: {  	s1 =	smov.u32 s6;
	p1 =	slt.s32 s0, s7  }
0x204: {  	s1 =	smov.u32 @p1 s0;
	p1 =	sne.s32 s20, s4  }
.Ltmp6:
0x205: {  	_ = 	snop;
	(pc) =	sbr.rel @!p1 .LBB3_21-.Ltmp6, $4  }
0x206: {  	_ = 	snop  }
0x207: {  	s21 =	smov.u32 s18  }
0x208: {  	s31 =	sadd.s32 $0x1, s20;
	s18 =	smov.u32 s19;
	p0 =	por !p0, !p0  }
0x209: {  	p4 =	por !p4, !p4;
	s20 =	smov.u32 s31;
	s19 =	smov.u32 s1  }
.LBB3_1:
0x20a: {  	p2 =	sge.u32 s20, s12  }
0x20b: {  	s0 =	smulhi.u32 @!p2 $0xAAAAAAAB, s20  }
0x20c: {  	s1 =	smov.u32 s19;
	p3 =	sgt.s32 @!p2 s19, $0x2E50  }
0x20d: {  	s2 =	sshra.s32 @!p2 s19, $0x1F;
	p3 =	por !p3, p2;
	s0 =	sshrl.u32 @!p2 s0, $0x1  }
0x20e: {  	s2 =	sand.u32 @!p2 s2, s19;
	s1 =	simm.s32 @p3 $0x2E50;
	s0 =	smul.u32 @!p2 $0x3, s0  }
0x20f: {  	s1 =	ssub.s32 @!p2 s1, s2  }
0x210: {  	s23 =	sadd.s32 $0xFFFFFFFF, s20;
	s1 =	sadd.s32 @!p2 $0xFFFFD1B0, s1;
	s0 =	ssub.s32 @!p2 s20, s0  }
0x211: {  	s2 =	sshll.u32 @!p2 s1, $0x2;
	p3 =	sgt.s32 @!p2 s1, $0x1AF;
	s0 =	smul.u32 @!p2 $0x6C0, s0  }
0x212: {  	s5 =	sand.u32 @!p2 $0x7, s19;
	s1 =	ssub.s32 @!p2 $0x6C0, s2;
	p3 =	por !p3, p2  }
0x213: {  	s2 =	sshrl.u32 @!p2 s19, $0x3;
	s1 =	sshrl.u32 @!p2 s1, $0x2;
	s0 =	sshrl.u32 @!p2 s0, $0x2  }
0x214: {  	s2 =	sadd.s32 @!p2 s2, s14;
	s1 =	simm.s32 @!p3 $0x0;
	s0 =	sadd.s32 @!p2 $0x3888, s0  }
0x215: {  	[tilespmem:s0], [sflag:$0xA] =	stream.linear.gather @!p2 [hbm4b:s2+s5], s1, $0x38;
	[tilespmem:$0x1F0F8] =	vst v63  }
0x216: {  	p2 =	sge.u32 s23, s12  }
0x217: {  	p3 =	sgt.s32 @!p2 s18, $0x2E50  }
0x218: {  	s0 =	smov.u32 s18;
	s1 =	sshra.s32 @!p2 s18, $0x1F;
	p3 =	por !p3, p2  }
0x219: {  	s1 =	sand.u32 @!p2 s1, s18;
	s0 =	simm.s32 @p3 $0x2E50  }
0x21a: {  	s0 =	ssub.s32 @!p2 s0, s1  }
0x21b: {  	s0 =	sadd.s32 @!p2 $0xFFFFD1B0, s0  }
0x21c: {  	s1 =	sshll.u32 @!p2 s0, $0x2  }
0x21d: {  	p3 =	sgt.s32 @!p2 s0, $0x1AF;
	s0 =	ssub.s32 @!p2 $0x6C0, s1  }
0x21e: {  	s22 =	ssub.s32 @!p2 $0x3000, s18;
	p3 =	por !p3, p2;
	s0 =	sshrl.u32 @!p2 s0, $0x2  }
0x21f: {  	s1 =	sand.u32 @!p2 $0x1, s23;
	s0 =	simm.s32 @!p3 $0x0;
	p3 =	slt.s32 @!p2 s22, $0x1  }
0x220: {  	s2 =	simm.s32 @!p2 $0xA;
	s1 =	smul.u32 @!p2 $0x6C0, s1;
	p3 =	por p2, p3  }
.Ltmp7:
0x221: {  	_ =	swait.ge @!p2 [sflag:s2], s0;
	(pc) =	sbr.rel @p3 .LBB3_7-.Ltmp7, $4  }
0x222: {  	s5 =	ssub.s32 @!p2 $0x0, s0;
	[sflag:s2] =	ssyncset.done @!p2 $0x0  }
0x223: {  	s1 =	sshrl.u32 @!p2 s1, $0x2;
	[sflag:s2] =	ssyncadd.s32 @!p2 s5;
	s2 =	sshrl.u32 @!p2 s18, $0x3  }
0x224: {  	s1 =	sadd.s32 @!p2 $0x3D98, s1;
	s5 =	sand.u32 @!p2 $0x7, s18;
	s2 =	sadd.s32 @!p2 s2, s15  }
0x225: {  	[tilespmem:s1], [sflag:$0xB] =	stream.linear.gather @!p2 [hbm4b:s2+s5], s0, $0x38;
	[tilespmem:$0x1F0F8] =	vst v63  }
0x226: {  	s0 =	smulhi.u32 $0xAAAAAAAB, s23;
	_ =	sdelay $0x1  }
0x227: {  	s0 =	sshrl.u32 s0, $0x1  }
0x228: {  	s0 =	smul.u32 $0x3, s0;
	_ =	sdelay $0x1  }
0x229: {  	s0 =	ssub.s32 s23, s0  }
0x22a: {  	s1 =	simm.s32 $0x1;
	s0 =	smul.u32 $0x6C0, s0  }
.Ltmp8:
0x22b: {  	s1 =	simm.s32 @!p0 $0x0;
	(pc) =	sbr.rel .LBB3_4-.Ltmp8, $4  }
0x22c: {  	s1 =	smul.u32 $0x36000, s1  }
0x22d: {  	p3 =	slt.s32 @!p2 s22, $0x1B0;
	s0 =	sshrl.u32 s0, $0x2  }
0x22e: {  	p2 =	por !p3, p2;
	s1 =	sshrl.u32 s1, $0x2;
	s0 =	sadd.s32 $0x3888, s0  }
0x22f: {  	s24 =	simm.s32 $0x0;
	s22 =	simm.s32 @p2 $0x1B0;
	s23 =	sadd.s32 $0x40F8, s1;
	v1 =	vmov s0  }
.LBB3_3:
0x230: {  	p2 =	sge.s32 s24, s22  }
.Ltmp9:
0x231: {  	_ = 	snop;
	(pc) =	sbr.rel @p2 .LBB3_7-.Ltmp9, $2  }
0x232: {  	_ =	sdelay $0x2  }
0x233: {  	s23 =	sadd.s32 $0x800, s23  }
.LBB3_4:
0x234: {  	p2 =	sle.s32 s22, s24  }
.Ltmp10:
0x235: {  	_ = 	snop;
	(pc) =	sbr.rel @p2 .LBB3_3-.Ltmp10, $2  }
0x236: {  	_ =	sdelay $0x2  }
0x237: {  	s0 =	smov.u32 s24;
	s24 =	sadd.s32 $0x10, s24  }
0x238: {  	s1 =	ssub.s32 s22, s0  }
0x239: {  	p2 =	slt.s32 s1, $0x10  }
0x23a: {  	s1 =	simm.s32 @!p2 $0x10  }
0x23b: {  	v2 =	vmov s1  }
0x23c: {  	vm0 =	vgt.s32 v2, v0;
	_ =	sdelay $0x5  }
0x23d: {  	v2 =	vld.idx.msk [tilespmem:v1+s0+$0x0 ss:$0x1], vm0;
	_ =	sdelay $0x2  }
0x23e: {  	p2 =	slt.s32 s24, s22;
	s1 =	smov.u32 s22  }
0x23f: {  	s2 =	smov.u32 s23;
	s25 =	simm.s32 $0x0;
	s1 =	smov.u32 @p2 s24  }
.LBB3_6:
0x240: {  	(v2sf) =	vpush v2, s25;
	_ =	sdelay $0xc  }
0x241: {  	s25 =	sadd.s32 $0x1, s25  }
0x242: {  	s31 =	sadd.s32 s25, s0  }
0x243: {  	p2 =	slt.s32 s31, s1;
	s5 =	spop (v2sf)  }
.Ltmp11:
0x244: {  	s5 =	sshll.u32 s5, $0x4;
	(pc) =	sbr.rel @p2 .LBB3_6-.Ltmp11, $4  }
0x245: {  	s5 =	sand.u32 $0x1FFFFFF0, s5  }
0x246: {  	s5 =	sadd.s32 s11, s5  }
0x247: {  	[tilespmem:s2], [sflag:$0x9] =	stream.linear.gather [hbm4b:s5+s16], $0x4, $0x38;
	[tilespmem:$0x1F0F8] =	vst v63  }
0x248: {  	s2 =	sadd.s32 $0x80, s2  }
.Ltmp12:
0x249: {  	_ = 	snop;
	(pc) =	sbr.rel .LBB3_3-.Ltmp12, $1  }
0x24a: {  	_ =	sdelay $0x3  }
.LBB3_7:
0x24b: {  	p2 =	slt.u32 s20, $0x2  }
.Ltmp13:
0x24c: {  	_ = 	snop;
	(pc) =	sbr.rel @p2 .LBB3_20-.Ltmp13, $1  }
0x24d: {  	_ =	sdelay $0x3  }
0x24e: {  	p2 =	sgt.s32 s21, $0x2E50  }
0x24f: {  	s0 =	smov.u32 s21;
	s1 =	sshra.s32 s21, $0x1F;
	s2 =	ssub.s32 $0x3000, s21  }
0x250: {  	s0 =	simm.s32 @!p2 $0x2E50;
	s1 =	sand.u32 s1, s21;
	p2 =	slt.s32 s2, $0x1B0  }
0x251: {  	s0 =	ssub.s32 s0, s1;
	s2 =	simm.s32 @!p2 $0x1B0  }
0x252: {  	s0 =	sadd.s32 $0xFFFFD1B0, s0;
	s24 =	sshll.u32 s2, $0x2  }
0x253: {  	s29 =	simm.s32 $0x9;
	s25 =	sshll.u32 s0, $0x2;
	s1 =	sand.u32 $0x3FFFFFFC, s24  }
0x254: {  	p2 =	sgt.s32 s0, $0x1AF;
	s26 =	ssub.s32 $0x6C0, s25;
	_ =	swait.ge [sflag:s29], s1  }
0x255: {  	s1 =	ssub.s32 $0x0, s1;
	[sflag:s29] =	ssyncset.done $0x0;
	s0 =	sshrl.u32 s26, $0x2  }
0x256: {  	s30 =	simm.s32 $0xB;
	[sflag:s29] =	ssyncadd.s32 s1;
	s0 =	simm.s32 @p2 $0x0  }
0x257: {  	_ =	swait.ge [sflag:s30], s0  }
0x258: {  	s0 =	ssub.s32 $0x0, s0;
	[sflag:s30] =	ssyncset.done $0x0  }
0x259: {  	[sflag:s30] =	ssyncadd.s32 s0  }
0x25a: {  	v1 =	vld [tilespmem:$0x3648];
	_ =	sdelay $0x4  }
0x25b: {  	(v2sf) =	vpush v1, $0x0  }
0x25c: {  	(v2sf) =	vpush v1, $0x1  }
0x25d: {  	(v2sf) =	vpush v1, $0x2;
	_ =	sdelay $0x3  }
0x25e: {  	s0 =	sadd.s32 $0x1B0, s21  }
0x25f: {  	s1 =	ssub.s32 $0x6000, s21;
	p2 =	slt.s32 s7, s0  }
0x260: {  	s0 =	smov.u32 @p2 s7;
	p2 =	sgt.s32 s1, $0x0  }
0x261: {  	s26 =	ssub.s32 s0, s21;
	s1 =	simm.s32 @!p2 $0x0  }
0x262: {  	p2 =	slt.s32 s1, s26  }
0x263: {  	s26 =	smov.u32 @p2 s1  }
0x264: {  	s24 =	simm.s32 $0x1;
	p2 =	slt.s32 s26, $0x1  }
.Ltmp14:
0x265: {  	s24 =	simm.s32 @!p4 $0x0;
	(pc) =	sbr.rel @p2 .LBB3_12-.Ltmp14, $4  }
0x266: {  	s31 =	smul.u32 $0x6C0, s24  }
0x267: {  	s25 =	spop (v2sf)  }
0x268: {  	s0 =	sshrl.u32 s31, $0x2;
	s28 =	spop (v2sf)  }
0x269: {  	s22 =	sadd.s32 $0x3D98, s0;
	s21 =	spop (v2sf)  }
0x26a: {  	s0 =	smin.u32 s26, $0x10  }
0x26b: {  	v1 =	vmov s0  }
0x26c: {  	p3 =	sgt.s32 s26, $0x10;
	vm1 =	vgt.u32 v1, v0  }
.Ltmp15:
0x26d: {  	_ = 	snop;
	(pc) =	sbr.rel @!p3 .LBB3_11-.Ltmp15, $2  }
0x26e: {  	_ =	sdelay $0x2  }
0x26f: {  	s23 =	simm.s32 $0x10;
	s29 =	sadd.s32 $0xFFFFFFF0, s26;
	s0 =	smov.u32 s22;
	vm0 =	vmmov vm1  }
.LBB3_10:
0x270: {  	s1 =	smin.u32 s29, $0x10;
	s23 =	sadd.s32 $0x10, s23;
	v1 =	vld.msk [tilespmem:s0+$0x0 ss:$0x1], vm1  }
0x271: {  	v2 =	vmov s1;
	p3 =	slt.s32 s23, s26  }
0x272: {  	vm1 =	vgt.u32 v2, v0  }
.Ltmp16:
0x273: {  	(pc) =	sbr.rel @p3 .LBB3_10-.Ltmp16, $3  }
0x274: {  	_ =	sdelay $0x1  }
0x275: {  	v1 =	vshll.u32 v1, $0x4  }
0x276: {  	s29 =	sadd.s32 $0xFFFFFFF0, s29;
	[tilespmem:s0+$0x0] =	vst.msk vm0, v1;
	s0 =	sadd.s32 $0x10, s0;
	vm0 =	vmmov vm1  }
.LBB3_11:
0x277: {  	_ =	sdelay $0x4  }
0x278: {  	v1 =	vld.msk [tilespmem:s0+$0x0 ss:$0x1], vm1;
	_ =	sdelay $0x4  }
0x279: {  	v1 =	vshll.u32 v1, $0x4  }
0x27a: {  	[tilespmem:s0+$0x0] =	vst.msk vm0, v1  }
.LBB3_12:
0x27b: {  	s0 =	sand.u32 $0x1, s20  }
0x27c: {  	s0 =	smul.u32 $0x1B0, s0  }
0x27d: {  	p3 =	sne.s32 s28, $0xFFFFFFFF  }
0x27e: {  	v1 =	vld.msk @!p3 [tilespmem:s0+$0x3D98], $0x1;
	_ =	sdelay $0x4  }
0x27f: {  	(v2sf) =	vpush @!p3 v1, $0x0;
	_ =	sdelay $0xc  }
.Ltmp17:
0x280: {  	_ = 	snop;
	(pc) =	sbr.rel @p2 .LBB3_18-.Ltmp17, $4  }
0x281: {  	_ = 	snop  }
0x282: {  	s29 =	spop @!p3 (v2sf)  }
0x283: {  	s21 =	simm.s32 @!p3 $0x0;
	s23 =	smov.u32 s29  }
0x284: {  	[sflag:s17] =	ssyncpa.u1 $0x0;
	s29 =	smov.u32 @p3 s25;
	s23 =	smov.u32 @p3 s28  }
0x285: {  	v1 =	vld.msk [tilespmem:s22+$0x0], $0x1;
	_ =	sdelay $0x4  }
0x286: {  	(v2sf) =	vpush v1, $0x0;
	_ =	sdelay $0xe  }
0x287: {  	s31 =	spop (v2sf)  }
0x288: {  	p2 =	seq.s32 s29, s31  }
0x289: {  	s0 =	simm.s32 @!p4 $0x0;
	p3 =	sgt.s32 @!p2 s29, $0x0  }
0x28a: {  	s1 =	smov.u32 s29;
	s28 =	sadd.s32 $0xFFFFFFFF, s26;
	p3 =	por !p3, p2  }
0x28b: {  	s25 =	smul.u32 $0x36000, s24;
	s1 =	simm.s32 @p3 $0x0;
	p3 =	sne.s32 s28, $0x0  }
.Ltmp18:
0x28c: {  	s6 =	smov.u32 s4;
	s0 =	simm.s32 @p4 $0x1;
	(pc) =	sbr.rel @!p3 .LBB3_15-.Ltmp18, $4  }
0x28d: {  	[smem:$0x7FD] =	sst s0;
	s0 =	sshrl.u32 s25, $0x2;
	s25 =	simm.s32 $0x0  }
0x28e: {  	s24 =	sadd.s32 $0x40F8, s0;
	s0 =	simm.s32 @!p2 $0x1;
	s2 =	smin.u32 @!p2 s1, $0xFFFF  }
0x28f: {  	s30 =	sadd.s32 $0x1, s22;
	s0 =	smov.u32 @p2 s25;
	s5 =	sand.u32 @!p2 $0xFFF8, s2  }
0x290: {  	s1 =	simm.s32 @!p2 $0x1B38;
	s2 =	sand.u32 @!p2 $0x7, s2;
	s5 =	sadd.s32 @!p2 s3, s5  }
.LBB3_14:
0x291: {  	s4 =	smov.u32 s0  }
0x292: {  	[tilespmem:s1], [sflag:$0x2] =	stream.linear.gather @!p2 [hbm4b:s5+s2], $0x4, $0x38;
	[tilespmem:$0x1F0F8] =	vst v63  }
0x293: {  	s28 =	sadd.s32 $0xFFFFFFFF, s28;
	s2 =	smov.u32 s31;
	v1 =	vld.msk [tilespmem:s30+$0x0], $0x1  }
0x294: {  	p3 =	sne.s32 s28, $0x0;
	_ =	sdelay $0x3  }
0x295: {  	(v2sf) =	vpush v1, $0x0;
	_ =	sdelay $0xe  }
0x296: {  	s31 =	spop (v2sf)  }
0x297: {  	p2 =	seq.s32 s2, s31  }
0x298: {  	p4 =	sgt.s32 @!p2 s2, $0x0;
	s1 =	sshll.u32 @!p2 s0, $0x6;
	s0 =	sadd.s32 @!p2 $0x1, s0  }
.Ltmp19:
0x299: {  	p4 =	por !p4, p2;
	s1 =	sshra.s32 @!p2 s1, $0x2;
	(pc) =	sbr.rel @p3 .LBB3_14-.Ltmp19, $4  }
0x29a: {  	s0 =	smov.u32 @p2 s4;
	s2 =	simm.s32 @p4 $0x0;
	s1 =	sadd.s32 @!p2 $0x1B38, s1  }
0x29b: {  	s2 =	smin.u32 @!p2 s2, $0xFFFF  }
0x29c: {  	s4 =	sand.u32 @!p2 $0xFFF8, s2;
	s2 =	sand.u32 @!p2 $0x7, s2  }
0x29d: {  	s30 =	sadd.s32 $0x1, s30;
	s5 =	sadd.s32 @!p2 s3, s4  }
.LBB3_15:
0x29e: {  	[tilespmem:s1], [sflag:$0x2] =	stream.linear.gather @!p2 [hbm4b:s5+s2], $0x4, $0x38;
	[tilespmem:$0x1F0F8] =	vst v63  }
0x29f: {  	s0 =	sshll.u32 s0, $0x2  }
0x2a0: {  	s31 =	simm.s32 $0x2;
	s0 =	sand.u32 $0x3FFFFFFC, s0  }
0x2a1: {  	_ =	swait.ge [sflag:s31], s0  }
0x2a2: {  	s0 =	ssub.s32 $0x0, s0;
	[sflag:s31] =	ssyncset.done $0x0  }
0x2a3: {  	[sflag:s31] =	ssyncadd.s32 s0  }
0x2a4: {  	v1 =	vld.msk [tilespmem:s22+$0x0], $0x1;
	_ =	sdelay $0x4  }
0x2a5: {  	(v2sf) =	vpush v1, $0x0;
	_ =	sdelay $0xe  }
0x2a6: {  	s28 =	spop (v2sf)  }
0x2a7: {  	p2 =	sne.s32 s29, s28  }
0x2a8: {  	p4 =	sne.s32 @p2 s29, s23  }
0x2a9: {  	p3 =	por !p4, !p2  }
0x2aa: {  	s0 =	simm.s32 @!p3 $0x0  }
0x2ab: {  	v1 =	vld.msk @!p3 [tilespmem:s0+$0x1B38], $0xf  }
0x2ac: {  	p5 =	sgt.u32 @!p3 s29, $0xFFFF  }
0x2ad: {  	s1 =	sshll.u32 @!p3 s21, $0x6;
	p6 =	por @p2 p5, !p4  }
0x2ae: {  	s1 =	sshra.s32 @!p3 s1, $0x2;
	p1 =	por p6, !p2;
	p6 =	por p4, !p2  }
0x2af: {  	s2 =	sadd.s32 @!p3 $0x28, s1;
	s4 =	sand.u32 @!p1 $0xFFF8, s29;
	s5 =	sshll.u32 @!p6 s21, $0x6  }
0x2b0: {  	s29 =	sand.u32 @!p1 $0x7, s29;
	[tilespmem:s1+$0x28] =	vst.add.f32.msk @!p3 $0xf, v1;
	s1 =	sadd.s32 @!p1 s3, s4;
	s4 =	sshra.s32 @!p6 s5, $0x2  }
0x2b1: {  	[hbm4b:s1+s29] =	stream.linear.scatter @!p1 [tilespmem:s2], [sflag:$0xC], $0x4, $0x38;
	[tilespmem:$0x1F0F8] =	vst v63  }
0x2b2: {  	s0 =	rddreg [dreg:$0x4];
	s1 =	sadd.s32 @!p6 $0x28, s4;
	s2 =	simm.s32 @!p6 $0x1  }
0x2b3: {  	[spmem:s0] =	stream.linear.scatter @!p6 [tilespmem:s1], [sflag:$0x1], $0x4, $0x38;
	[tilespmem:$0x1F0F8] =	vst v63  }
0x2b4: {  	s0 =	sadd.s32 @p2 $0x1, s21;
	_ =	swait.ge @!p6 [sflag:s2], $0x4  }
0x2b5: {  	s1 =	sshrl.u32 @p2 s0, $0x4;
	[sflag:s2] =	ssyncset.done @!p6 $0x0  }
0x2b6: {  	s1 =	smulhi.u32 @p2 $0x97B425F, s1;
	[sflag:s2] =	ssyncadd.s32 @!p6 $0xFFFFFFFC  }
0x2b7: {  	s26 =	sadd.s32 $0xFFFFFFFF, s26;
	v1 =	vld.msk @p2 [tilespmem:s24+$0x0], $0xf  }
0x2b8: {  	p1 =	por @p2 !p5, !p4;
	p4 =	sne.s32 s26, $0x0;
	s1 =	smul.u32 @p2 $0x1B0, s1  }
.Ltmp20:
0x2b9: {  	p1 =	por !p1, !p2;
	s2 =	simm.s32 @!p3 $0x0;
	(pc) =	sbr.rel @!p4 .LBB3_17-.Ltmp20, $4  }
0x2ba: {  	s4 =	sshll.u32 @!p2 s21, $0x6;
	s2 =	simm.s32 @!p1 $0x10;
	s0 =	ssub.s32 @p2 s0, s1  }
0x2bb: {  	s29 =	simm.s32 $0x0;
	s2 =	sadd.s32 @!p3 $0x0, s2;
	s5 =	sshll.u32 @p2 s0, $0x4  }
0x2bc: {  	s30 =	sshra.s32 @!p2 s4, $0x2;
	s1 =	simm.s32 @p2 $0x1;
	s2 =	smov.u32 @p3 s25;
	[tilespmem:s5+$0x28] =	vst.msk @p2 $0xf, v1  }
0x2bd: {  	s21 =	smov.u32 @p2 s0;
	s29 =	smov.u32 @p2 s2;
	s25 =	smov.u32 @p2 s1;
	v1 =	vld.msk @!p2 [tilespmem:s24+$0x0], $0xf  }
.LBB3_16:
0x2be: {  	_ =	sdelay $0x3  }
0x2bf: {  	s22 =	sadd.s32 $0x1, s22;
	[tilespmem:s30+$0x28] =	vst.add.f32.msk @!p2 $0xf, v1  }
0x2c0: {  	v1 =	vld.msk [tilespmem:s22+$0x0], $0x1;
	_ =	sdelay $0x4  }
0x2c1: {  	(v2sf) =	vpush v1, $0x0;
	_ =	sdelay $0xe  }
0x2c2: {  	s0 =	smov.u32 s28;
	s28 =	spop (v2sf)  }
0x2c3: {  	p2 =	sne.s32 s0, s28  }
0x2c4: {  	p5 =	sne.s32 @p2 s0, s23  }
0x2c5: {  	s4 =	sshll.u32 @!p2 s21, $0x6;
	p4 =	por !p5, !p2  }
0x2c6: {  	s30 =	sshra.s32 @!p2 s4, $0x2;
	s4 =	sshll.u32 @!p4 s25, $0x6  }
0x2c7: {  	s4 =	sshra.s32 @!p4 s4, $0x2  }
0x2c8: {  	p1 =	sgt.u32 @!p4 s0, $0xFFFF;
	v1 =	vld.msk @!p4 [tilespmem:s4+$0x1B38], $0xf  }
0x2c9: {  	s31 =	sshll.u32 @!p4 s21, $0x6;
	p6 =	por @p2 p1, !p5;
	p1 =	por @p2 !p1, !p5  }
0x2ca: {  	s8 =	simm.s32 @!p4 $0x0;
	s31 =	sshra.s32 @!p4 s31, $0x2;
	p1 =	por !p1, !p2  }
0x2cb: {  	p5 =	por p5, !p2;
	s8 =	simm.s32 @!p1 $0x10;
	p1 =	por p6, !p2  }
0x2cc: {  	s4 =	sadd.s32 @!p4 $0x28, s31;
	s13 =	sshll.u32 @!p5 s21, $0x6;
	s10 =	sand.u32 @!p1 $0xFFF8, s0  }
0x2cd: {  	s13 =	sshra.s32 @!p5 s13, $0x2;
	s0 =	sand.u32 @!p1 $0x7, s0;
	s10 =	sadd.s32 @!p1 s3, s10;
	[tilespmem:s31+$0x28] =	vst.add.f32.msk @!p4 $0xf, v1  }
0x2ce: {  	[hbm4b:s10+s0] =	stream.linear.scatter @!p1 [tilespmem:s4], [sflag:$0xC], $0x4, $0x38;
	[tilespmem:$0x1F0F8] =	vst v63  }
0x2cf: {  	s1 =	rddreg [dreg:$0x4];
	s0 =	sadd.s32 @!p5 $0x28, s13;
	s4 =	simm.s32 @!p5 $0x1  }
0x2d0: {  	[spmem:s1] =	stream.linear.scatter @!p5 [tilespmem:s0], [sflag:$0x1], $0x4, $0x38;
	[tilespmem:$0x1F0F8] =	vst v63  }
0x2d1: {  	s2 =	sadd.s32 @p2 $0x1, s21;
	_ =	swait.ge @!p5 [sflag:s4], $0x4  }
0x2d2: {  	s5 =	sshrl.u32 @p2 s2, $0x4;
	[sflag:s4] =	ssyncset.done @!p5 $0x0  }
0x2d3: {  	s24 =	sadd.s32 $0x80, s24;
	s5 =	smulhi.u32 @p2 $0x97B425F, s5;
	[sflag:s4] =	ssyncadd.s32 @!p5 $0xFFFFFFFC  }
0x2d4: {  	s26 =	sadd.s32 $0xFFFFFFFF, s26;
	v1 =	vld.msk @p2 [tilespmem:s24+$0x0], $0xf  }
0x2d5: {  	p3 =	sne.s32 s26, $0x0;
	s5 =	smul.u32 @p2 $0x1B0, s5  }
.Ltmp21:
0x2d6: {  	_ = 	snop;
	(pc) =	sbr.rel @p3 .LBB3_16-.Ltmp21, $4  }
0x2d7: {  	s2 =	ssub.s32 @p2 s2, s5  }
0x2d8: {  	s8 =	sadd.s32 @!p4 s8, s29;
	s5 =	sshll.u32 @p2 s2, $0x4  }
0x2d9: {  	s9 =	sadd.s32 @p2 $0x1, s25;
	s8 =	smov.u32 @p4 s29;
	[tilespmem:s5+$0x28] =	vst.msk @p2 $0xf, v1  }
0x2da: {  	s25 =	smov.u32 @p2 s9;
	s21 =	smov.u32 @p2 s2;
	s29 =	smov.u32 @p2 s8;
	v1 =	vld.msk @!p2 [tilespmem:s24+$0x0], $0xf  }
.LBB3_17:
.Ltmp22:
0x2db: {  	_ = 	snop;
	(pc) =	sbr.rel .LBB3_19-.Ltmp22, $3  }
0x2dc: {  	s1 =	sld [smem:$0x7FD];
	_ =	sdelay $0x1  }
0x2dd: {  	s0 =	sshrl.u32 s29, $0x2;
	s29 =	smov.u32 s28  }
0x2de: {  	s4 =	smov.u32 s6;
	s6 =	rddreg [dreg:$0x6];
	p4 =	seq.s32 s1, $0x1;
	[tilespmem:s30+$0x28] =	vst.add.f32.msk @!p2 $0xf, v1  }
.LBB3_21:
0x2df: {  	_ =	sfence.sel $0x180000  }
0x2e0: {  	s0 =	simm.s32 $0x9;
	[bflag:$0x0] =	sbarrier.arrive $0xFFFF  }
0x2e1: {  	s24 =	simm.s32 $0xA;
	[sflag:s0] =	ssyncpa.u1 $0x1  }
0x2e2: {  	s25 =	simm.s32 $0xB;
	[sflag:s24] =	ssyncpa.u1 $0x1  }
0x2e3: {  	s26 =	simm.s32 $0x2;
	[sflag:s25] =	ssyncpa.u1 $0x1  }
0x2e4: {  	[sflag:s26] =	ssyncpa.u1 $0x1  }
0x2e5: {  	v0 =	vld [tilespmem:$0x3648];
	_ =	sdelay $0x4  }
0x2e6: {  	(v2sf) =	vpush v0, $0x0  }
0x2e7: {  	(v2sf) =	vpush v0, $0x1;
	_ =	sdelay $0x1  }
0x2e8: {  	(v2sf) =	vpush v0, $0x2;
	_ =	sdelay $0xb  }
0x2e9: {  	s0 =	spop (v2sf)  }
0x2ea: {  	s1 =	spop (v2sf)  }
0x2eb: {  	s2 =	smov.u32 s0;
	p0 =	sne.s32 s0, s1  }
0x2ec: {  	s4 =	spop (v2sf);
	s2 =	simm.s32 @!p0 $0xFFFFFFFF  }
0x2ed: {  	v2 =	vimm.s32 $0x1;
	v3 =	vlaneseq.u32;
	p0 =	seq.s32 s4, $0xFFFFFFFF;
	v1 =	vmov s2  }
0x2ee: {  	s16 =	stileid.u32;
	v0 =	vperm.xlane v0, v2;
	p1 =	sne.s32 @!p0 s0, s1;
	v1 =	vperm.xlane v1, v3  }
0x2ef: {  	vm0 =	vcmask $0x3F04;
	s6 =	simm.s32 $0x3648;
	s0 =	simm.s32 @!p0 $0x1;
	p1 =	por !p1, p0  }
0x2f0: {  	s2 =	sshll.u32 s16, $0x1;
	s1 =	sshll.u32 @!p0 s4, $0x6;
	s0 =	simm.s32 @p1 $0x0;
	v0 =	vsel vm0, v1, v0  }
0x2f1: {  	s5 =	sor.u32 $0x200, s2;
	s1 =	sshra.s32 @!p0 s1, $0x2;
	s0 =	sor.u32 @!p0 s0, s2;
	[tilespmem:$0x3648] =	vst v0  }
0x2f2: {  	[spmem:s5] =	stream.linear.scatter [tilespmem:s6], [sflag:$0x1], $0x2, $0x38;
	[tilespmem:$0x1F0F8] =	vst v63  }
0x2f3: {  	s1 =	sadd.s32 @!p0 $0x28, s1;
	s0 =	sshll.u32 @!p0 s0, $0x4  }
0x2f4: {  	[spmem:s0] =	stream.linear.scatter @!p0 [tilespmem:s1], [sflag:$0x1], $0x10, $0x38;
	[tilespmem:$0x1F0F8] =	vst v63  }
0x2f5: {  	s0 =	simm.s32 @!p0 $0x12  }
0x2f6: {  	s28 =	simm.s32 $0x1;
	s0 =	simm.s32 @p0 $0x2  }
0x2f7: {  	_ =	swait.ge [sflag:s28], s0  }
0x2f8: {  	s0 =	ssub.s32 $0x0, s0;
	[sflag:s28] =	ssyncset.done $0x0  }
0x2f9: {  	p0 =	sne.s32 s16, $0x0;
	[sflag:s28] =	ssyncadd.s32 s0  }
.Ltmp23:
0x2fa: {  	_ =	sfence.stream.spmem;
	(pc) =	sbr.rel @p0 .LBB3_38-.Ltmp23, $4  }
0x2fb: {  	s29 =	simm.s32 $0x3;
	[bflag:$0x0] =	sbarrier.arrive $0xFFFF  }
0x2fc: {  	s30 =	simm.s32 $0x4;
	[sflag:s29] =	ssyncpa.u1 $0x1  }
0x2fd: {  	s31 =	simm.s32 $0x3C;
	[sflag:s30] =	ssyncpa.u1 $0x1  }
0x2fe: {  	s17 =	rddreg [dreg:$0x5];
	[sflag:s31] =	ssyncpa.u1 $0x1  }
0x2ff: {  	_ =	sfence.stream.spmem;
	s0 =	simm.s32 $0x5  }
0x300: {  	s1 =	simm.s32 $0x200;
	s2 =	simm.s32 $0x3658;
	[sflag:s0] =	ssyncpa.u1 $0x0  }
0x301: {  	[tilespmem:s2], [sflag:$0x5] =	stream.linear.gather [spmem:s1], $0x20, $0x38;
	[tilespmem:$0x1F0F8] =	vst v63  }
0x302: {  	s26 =	simm.s32 $0x0;
	s28 =	simm.s32 $0x3678  }
0x303: {  	[tilespmem:s28], [sflag:$0x5] =	stream.linear.gather [spmem:s26], $0x200, $0x38;
	[tilespmem:$0x1F0F8] =	vst v63  }
0x304: {  	_ =	swait.ge [sflag:s0], $0x220  }
0x305: {  	[sflag:s0] =	ssyncset.done $0x0  }
0x306: {  	s29 =	simm.s32 $0x0;
	[sflag:s0] =	ssyncadd.s32 $0xFFFFFDE0  }
0x307: {  	v0 =	vld.msk [tilespmem:s29+$0x3658], $0x1;
	_ =	sdelay $0x1  }
0x308: {  	s30 =	simm.s32 $0x1  }
0x309: {  	v1 =	vld.msk [tilespmem:s30+$0x3658], $0x1;
	_ =	sdelay $0x1  }
0x30a: {  	(v2sf) =	vpush v0, $0x0;
	_ =	sdelay $0x2  }
0x30b: {  	(v2sf) =	vpush v1, $0x0;
	_ =	sdelay $0x2  }
0x30c: {  	s31 =	simm.s32 $0x2  }
0x30d: {  	v0 =	vld.msk [tilespmem:s31+$0x3658], $0x1;
	_ =	sdelay $0x2  }
0x30e: {  	s6 =	simm.s32 $0xFFFFFFFF;
	s1 =	simm.s32 $0xFFFFFFFF;
	s0 =	simm.s32 $0xC  }
.LBB3_23:
0x30f: {  	s2 =	smov.u32 s6;
	s4 =	smov.u32 s1  }
0x310: {  	s1 =	sshra.s32 s0, $0x2;
	p1 =	sne.s32 s0, $0x7C;
	s0 =	sadd.s32 $0x4, s0;
	(v2sf) =	vpush v0, $0x0  }
0x311: {  	v0 =	vld.msk [tilespmem:s1+$0x3658], $0x1  }
.Ltmp24:
0x312: {  	(pc) =	sbr.rel @p1 .LBB3_23-.Ltmp24, $4  }
0x313: {  	s6 =	spop (v2sf)  }
0x314: {  	p2 =	sne.s32 s4, $0xFFFFFFFF;
	s1 =	smov.u32 s6  }
0x315: {  	p3 =	seq.s32 s6, $0xFFFFFFFF;
	s1 =	smov.u32 @p2 s4  }
0x316: {  	s6 =	smov.u32 @p3 s2;
	s1 =	smov.u32 @p3 s4  }
0x317: {  	(v2sf) =	vpush v0, $0x0;
	_ =	sdelay $0x8  }
0x318: {  	s0 =	spop (v2sf)  }
0x319: {  	p1 =	sne.s32 s1, $0xFFFFFFFF;
	s2 =	smov.u32 s0  }
0x31a: {  	s9 =	simm.s32 $0x6;
	p2 =	seq.s32 s0, $0xFFFFFFFF;
	s2 =	smov.u32 @p1 s1  }
0x31b: {  	s10 =	simm.s32 $0x3638;
	s2 =	smov.u32 @p2 s1;
	s1 =	spop (v2sf)  }
0x31c: {  	s0 =	smov.u32 @p2 s6;
	p1 =	sne.s32 s2, $0xFFFFFFFF;
	s4 =	smov.u32 s1  }
.Ltmp25:
0x31d: {  	p2 =	seq.s32 s1, $0xFFFFFFFF;
	s4 =	smov.u32 @p1 s2;
	(pc) =	sbr.rel .LBB3_25-.Ltmp25, $4  }
0x31e: {  	s11 =	simm.s32 $0x0;
	s4 =	smov.u32 @p2 s2;
	s7 =	spop (v2sf)  }
0x31f: {  	[sflag:s9] =	ssyncpa.u1 $0x0;
	p1 =	sne.s32 s4, $0xFFFFFFFF;
	s8 =	smov.u32 s7  }
0x320: {  	s1 =	smov.u32 @p2 s0;
	p2 =	seq.s32 s7, $0xFFFFFFFF;
	s8 =	smov.u32 @p1 s4  }
0x321: {  	s6 =	simm.s32 $0x0;
	s7 =	smov.u32 @p2 s1;
	s8 =	smov.u32 @p2 s4  }
.LBB3_30:
0x322: {  	p1 =	sgt.u32 s12, $0xFFFF  }
0x323: {  	p2 =	seq.s32 @!p1 s12, s8  }
0x324: {  	p1 =	por p1, p2  }
0x325: {  	p2 =	sne.s32 @!p1 s12, s7  }
0x326: {  	p1 =	por p1, !p2  }
0x327: {  	s0 =	sshll.u32 @p1 s11, $0x6  }
0x328: {  	s0 =	sand.u32 @!p1 $0xFFF8, s12  }
0x329: {  	s1 =	sand.u32 @!p1 $0x7, s12;
	s0 =	sadd.s32 @!p1 s3, s0  }
0x32a: {  	[tilespmem:s10], [sflag:$0x6] =	stream.linear.gather @!p1 [hbm4b:s0+s1], $0x4, $0x38;
	[tilespmem:$0x1F0F8] =	vst v63  }
0x32b: {  	_ =	swait.ge @!p1 [sflag:s9], $0x4  }
0x32c: {  	[sflag:s9] =	ssyncset.done @!p1 $0x0  }
0x32d: {  	[sflag:s9] =	ssyncadd.s32 @!p1 $0xFFFFFFFC  }
0x32e: {  	v1 =	vld @!p1 [tilespmem:$0x3638];
	_ =	sdelay $0x2  }
0x32f: {  	s0 =	sshll.u32 @!p1 s11, $0x6  }
0x330: {  	s1 =	sshrl.u32 @!p1 s0, $0x2  }
0x331: {  	[tilespmem:s1+$0x3678] =	vst.add.f32.msk @!p1 $0xffff, v1  }
0x332: {  	s0 =	sshrl.u32 s0, $0x2;
	[tilespmem:s6+$0x3658] =	vst.msk $0x1, v0  }
0x333: {  	v0 =	vld [tilespmem:s0+$0x3678];
	_ =	sdelay $0x2  }
0x334: {  	s31 =	sshll.u32 s6, $0x6  }
0x335: {  	s0 =	sshra.s32 s31, $0x2  }
0x336: {  	s6 =	sadd.s32 $0x1, s6;
	[tilespmem:s0+$0x3678] =	vst v0  }
.LBB3_32:
0x337: {  	s11 =	sadd.s32 $0x1, s11  }
0x338: {  	p1 =	sne.s32 s11, $0x20  }
.Ltmp26:
0x339: {  	_ = 	snop;
	(pc) =	sbr.rel @!p1 .LBB3_33-.Ltmp26, $1  }
0x33a: {  	_ =	sdelay $0x3  }
.LBB3_25:
0x33b: {  	v0 =	vld.msk [tilespmem:s11+$0x3658], $0x1;
	_ =	sdelay $0x4  }
0x33c: {  	(v2sf) =	vpush v0, $0x0;
	_ =	sdelay $0xe  }
0x33d: {  	s12 =	spop (v2sf)  }
0x33e: {  	p1 =	seq.s32 s12, $0xFFFFFFFF  }
.Ltmp27:
0x33f: {  	_ = 	snop;
	(pc) =	sbr.rel @p1 .LBB3_32-.Ltmp27, $1  }
0x340: {  	_ =	sdelay $0x3  }
0x341: {  	p1 =	slt.s32 s6, $0x1  }
.Ltmp28:
0x342: {  	_ = 	snop;
	(pc) =	sbr.rel @p1 .LBB3_30-.Ltmp28, $1  }
0x343: {  	_ =	sdelay $0x3  }
0x344: {  	s13 =	simm.s32 $0x3658;
	p1 =	por $0x0, $0x0  }
0x345: {  	v1 =	vld.msk @!p1 [tilespmem:s13+$0x0], $0x1;
	_ =	sdelay $0x4  }
0x346: {  	(v2sf) =	vpush @!p1 v1, $0x0;
	_ =	sdelay $0xd  }
0x347: {  	p3 =	sne.s32 s6, $0x1  }
.Ltmp29:
0x348: {  	s0 =	spop @!p1 (v2sf);
	(pc) =	sbr.rel @!p3 .LBB3_29-.Ltmp29, $4  }
0x349: {  	p2 =	seq.s32 @!p1 s12, s0  }
0x34a: {  	s14 =	simm.s32 $0x0;
	p2 =	por !p2, p1  }
0x34b: {  	s0 =	simm.s32 $0xFFFFFFFF;
	s14 =	simm.s32 @p2 $0xFFFFFFFF  }
0x34c: {  	s15 =	simm.s32 $0x1;
	s14 =	smov.u32 @p1 s0  }
.LBB3_28:
0x34d: {  	s0 =	smov.u32 s14;
	p1 =	sne.s32 s14, $0xFFFFFFFF  }
0x34e: {  	s13 =	sadd.s32 $0x1, s13;
	s14 =	smov.u32 s15;
	s15 =	sadd.s32 $0x1, s15  }
0x34f: {  	p2 =	sne.s32 s6, s15;
	v1 =	vld.msk @!p1 [tilespmem:s13+$0x0], $0x1;
	_ =	sdelay $0x4  }
0x350: {  	(v2sf) =	vpush @!p1 v1, $0x0;
	_ =	sdelay $0xe  }
.Ltmp30:
0x351: {  	s1 =	spop @!p1 (v2sf);
	(pc) =	sbr.rel @p2 .LBB3_28-.Ltmp30, $4  }
0x352: {  	p3 =	seq.s32 @!p1 s12, s1  }
0x353: {  	p3 =	por !p3, p1  }
0x354: {  	s14 =	simm.s32 @p3 $0xFFFFFFFF  }
0x355: {  	s14 =	smov.u32 @p1 s0  }
.LBB3_29:
0x356: {  	p1 =	sne.s32 s14, $0xFFFFFFFF  }
.Ltmp31:
0x357: {  	_ = 	snop;
	(pc) =	sbr.rel @!p1 .LBB3_30-.Ltmp31, $1  }
0x358: {  	_ =	sdelay $0x3  }
0x359: {  	s0 =	sshll.u32 s11, $0x4  }
0x35a: {  	s0 =	sand.u32 $0x3FFFFFF0, s0  }
0x35b: {  	v0 =	vld [tilespmem:s0+$0x3678]  }
.Ltmp32:
0x35c: {  	_ = 	snop;
	(pc) =	sbr.rel .LBB3_32-.Ltmp32, $4  }
0x35d: {  	_ = 	snop  }
0x35e: {  	s31 =	sshll.u32 s14, $0x6  }
0x35f: {  	s0 =	sshra.s32 s31, $0x2  }
0x360: {  	[tilespmem:s0+$0x3678] =	vst.add.f32.msk $0xffff, v0  }
.LBB3_33:
0x361: {  	s0 =	simm.s32 $0x6;
	p1 =	seq.s32 s6, $0x0  }
0x362: {  	[sflag:s0] =	ssyncpa.u1 $0x1;
	v0 =	vimm.s32 @p1 $0xFFFFFFFF  }
0x363: {  	s9 =	sadd.s32 $0xFFFFFFFF, s6;
	[tilespmem:$0x3878] =	vst @p1 v0  }
0x364: {  	v0 =	vld.msk @!p1 [tilespmem:s9+$0x3658], $0x1;
	_ =	sdelay $0x1  }
0x365: {  	v1 =	vld.msk @!p1 [tilespmem:$0x3658], $0x1;
	_ =	sdelay $0x2  }
0x366: {  	p2 =	seq.s32 @!p1 s9, $0x0;
	v0 =	vbroadcast @!p1 v0, $0x0  }
0x367: {  	vm0 =	vmmov @!p1 $0x1;
	p2 =	por !p2, p1  }
0x368: {  	v1 =	vnsel @!p1 vm0, $0xFFFFFFFF, v1;
	vm0 =	vcmask @!p1 $0x308;
	v0 =	vpsel !p2, $0xFFFFFFFF, v0  }
0x369: {  	p2 =	sne.s32 @!p1 s8, s7;
	v0 =	vsel @!p1 vm0, v1, v0  }
0x36a: {  	s0 =	simm.s32 @!p1 $0x3678;
	s1 =	simm.s32 @!p1 $0x0;
	p3 =	por !p2, p1;
	[tilespmem:$0x3878] =	vst @!p1 v0  }
0x36b: {  	[spmem:s1] =	stream.linear.scatter @!p1 [tilespmem:s0], [sflag:$0x1], $0x10, $0x38;
	[tilespmem:$0x1F0F8] =	vst v63  }
0x36c: {  	s0 =	sshll.u32 @!p3 s9, $0x6  }
0x36d: {  	s0 =	sshra.s32 @!p3 s0, $0x2  }
0x36e: {  	s1 =	simm.s32 @!p3 $0x10;
	s0 =	sadd.s32 @!p3 $0x3678, s0  }
0x36f: {  	[spmem:s1] =	stream.linear.scatter @!p3 [tilespmem:s0], [sflag:$0x1], $0x10, $0x38;
	[tilespmem:$0x1F0F8] =	vst v63  }
0x370: {  	s0 =	simm.s32 @!p3 $0x1  }
0x371: {  	_ =	swait.ge @!p3 [sflag:s0], $0x20  }
0x372: {  	p1 =	por p2, p1;
	[sflag:s0] =	ssyncset.done @!p3 $0x0  }
0x373: {  	[sflag:s0] =	ssyncadd.s32 @!p3 $0xFFFFFFE0;
	s0 =	simm.s32 @!p1 $0x1  }
0x374: {  	_ =	swait.ge @!p1 [sflag:s0], $0x10  }
0x375: {  	s29 =	simm.s32 $0x3878;
	[sflag:s0] =	ssyncset.done @!p1 $0x0  }
0x376: {  	s30 =	simm.s32 $0x200;
	s31 =	simm.s32 $0x1;
	[sflag:s0] =	ssyncadd.s32 @!p1 $0xFFFFFFF0  }
0x377: {  	[spmem:s30] =	stream.linear.scatter [tilespmem:s29], [sflag:$0x1], $0x10, $0x38;
	[tilespmem:$0x1F0F8] =	vst v63  }
0x378: {  	_ =	swait.ge [sflag:s31], $0x10  }
0x379: {  	[sflag:s31] =	ssyncset.done $0x0  }
0x37a: {  	p1 =	seq.s32 s17, $0x0;
	s8 =	rddreg [dreg:$0x1];
	[sflag:s31] =	ssyncadd.s32 $0xFFFFFFF0  }
0x37b: {  	s1 =	sshll.u32 @p1 s8, $0xE;
	s7 =	rddreg [dreg:$0x2]  }
0x37c: {  	s0 =	sadd.s32 @p1 $0x15C3C, s1;
	s1 =	sshll.u32 @p1 s7, $0x11  }
0x37d: {  	_ =	sfence.stream.spmem;
	s0 =	sor.u32 @p1 s1, s0  }
0x37e: {  	[sflag:s0] =	ssyncadd.remote.s32 @p1 $0x1;
	s0 =	simm.s32 @p1 $0x4  }
0x37f: {  	s2 =	simm.s32 @!p1 $0x3C;
	s1 =	sand.u32 $0xFFFFFFFE, s8;
	_ =	swait.ge @p1 [sflag:s0], $0x6  }
0x380: {  	s4 =	simm.s32 @!p1 $0x0;
	s1 =	sadd.s32 @!p1 $0x4, s1;
	[sflag:s0] =	ssyncset.done @p1 $0x0  }
0x381: {  	s5 =	simm.s32 @!p1 $0x20;
	[sflag:s0] =	ssyncadd.s32 @p1 $0xFFFFFFFA;
	s0 =	sshll.u32 @!p1 s1, $0x1A  }
0x382: {  	s1 =	sshll.u32 @!p1 s1, $0xD;
	s0 =	sor.u32 @!p1 s0, s7;
	_ =	swait.eq @!p1 [sflag:s2], $0x1  }
0x383: {  	s1 =	sor.u32 @!p1 $0x1C04, s1;
	s2 =	simm.s32 @!p1 $0x1C03;
	s0 =	sor.u32 @!p1 $0x80004000, s0  }
0x384: {  	[spmem:s5], [sflag:s1] =	dma.general @!p1 [spmem:s4], [sflag:s2], length:$0x4, [dreg:$0x0], stride_count:$0x0, ici_dest:s0, dma_misc:DstOpCode:WRITE  }
0x385: {  	p2 =	slt.s32 s9, $0x2;
	s4 =	simm.s32 @!p1 $0x40;
	s5 =	simm.s32 @!p1 $0x42  }
0x386: {  	[spmem:s5], [sflag:s1] =	dma.general @!p1 [spmem:s4], [sflag:s2], length:$0x2, [dreg:$0x0], stride_count:$0x0, ici_dest:s0, dma_misc:DstOpCode:WRITE  }
.Ltmp33:
0x387: {  	s0 =	simm.s32 @!p1 $0x3;
	(pc) =	sbr.rel @p2 .LBB3_37-.Ltmp33, $4  }
0x388: {  	s1 =	sshll.u32 @!p1 s8, $0xE;
	_ =	swait.ge @!p1 [sflag:s0], $0x6  }
0x389: {  	s2 =	sshll.u32 @!p1 s7, $0x11;
	s1 =	sadd.s32 @!p1 $0x11C3C, s1;
	[sflag:s0] =	ssyncset.done @!p1 $0x0  }
0x38a: {  	[sflag:s0] =	ssyncadd.s32 @!p1 $0xFFFFFFFA;
	s0 =	sor.u32 @!p1 s2, s1  }
0x38b: {  	[sflag:s0] =	ssyncadd.remote.s32 @!p1 $0xFFFFFFFF;
	s0 =	simm.s32 $0x0  }
0x38c: {  	s0 =	simm.s32 $0x3659  }
0x38d: {  	v0 =	vld.msk [tilespmem:s0+$0x0], $0x1;
	_ =	sdelay $0x4  }
0x38e: {  	(v2sf) =	vpush v0, $0x0;
	_ =	sdelay $0xd  }
0x38f: {  	s2 =	sadd.s32 $0xFFFFFFFE, s6  }
0x390: {  	s2 =	sadd.s32 $0xFFFFFFFF, s2;
	s0 =	spop (v2sf)  }
0x391: {  	p2 =	sne.s32 s2, $0x0;
	p1 =	sgt.u32 s0, $0xFFFF  }
.Ltmp34:
0x392: {  	s4 =	sand.u32 @!p1 $0xFFF8, s0;
	(pc) =	sbr.rel @!p2 .LBB3_36-.Ltmp34, $4  }
0x393: {  	s1 =	simm.s32 $0x3688;
	s0 =	sand.u32 @!p1 $0x7, s0;
	s4 =	sadd.s32 @!p1 s3, s4  }
0x394: {  	[hbm4b:s4+s0] =	stream.linear.scatter @!p1 [tilespmem:s1], [sflag:$0x5], $0x4, $0x38;
	[tilespmem:$0x1F0F8] =	vst v63  }
0x395: {  	s0 =	simm.s32 $0x0  }
0x396: {  	s6 =	simm.s32 $0x0;
	s7 =	simm.s32 $0x365A;
	s0 =	simm.s32 @!p1 $0x10  }
.LBB3_35:
0x397: {  	v0 =	vld.msk [tilespmem:s7+$0x0], $0x1;
	s2 =	sadd.s32 $0xFFFFFFFF, s2;
	s6 =	sadd.s32 s6, s0  }
0x398: {  	p1 =	sne.s32 s2, $0x0;
	_ =	sdelay $0x3  }
0x399: {  	(v2sf) =	vpush v0, $0x0;
	_ =	sdelay $0xe  }
.Ltmp35:
0x39a: {  	s4 =	spop (v2sf);
	(pc) =	sbr.rel @p1 .LBB3_35-.Ltmp35, $4  }
0x39b: {  	s0 =	simm.s32 $0x0;
	p2 =	sgt.u32 s4, $0xFFFF  }
0x39c: {  	s1 =	sadd.s32 $0x10, s1;
	s0 =	simm.s32 @!p2 $0x10;
	s5 =	sand.u32 @!p2 $0xFFF8, s4  }
0x39d: {  	s7 =	sadd.s32 $0x1, s7;
	s4 =	sand.u32 @!p2 $0x7, s4;
	s5 =	sadd.s32 @!p2 s3, s5  }
0x39e: {  	[hbm4b:s5+s4] =	stream.linear.scatter @!p2 [tilespmem:s1], [sflag:$0x5], $0x4, $0x38;
	[tilespmem:$0x1F0F8] =	vst v63  }
.LBB3_36:
0x39f: {  	s0 =	sadd.s32 s6, s0  }
0x3a0: {  	s0 =	sshrl.u32 s0, $0x2  }
.LBB3_37:
0x3a1: {  	s1 =	simm.s32 $0x5  }
0x3a2: {  	_ =	swait.ge [sflag:s1], s0  }
0x3a3: {  	s31 =	ssub.s32 $0x0, s0;
	[sflag:s1] =	ssyncset.done $0x0  }
0x3a4: {  	[sflag:s1] =	ssyncadd.s32 s31  }
0x3a5: {  	[sflag:s1] =	ssyncpa.u1 $0x1  }
.LBB3_38:
0x3a6: {  	s0 =	sor.u32 s17, s16  }
0x3a7: {  	p1 =	sne.s32 s0, $0x0  }
.Ltmp36:
0x3a8: {  	_ = 	snop;
	(pc) =	sbr.rel @p1 .LBB3_53-.Ltmp36, $3  }
0x3a9: {  	_ =	sdelay $0x1  }
0x3aa: {  	[bflag:$0x0] =	sbarrier.arrive $0xFFFF  }
0x3ab: {  	_ =	sfence  }
0x3ac: {  	s0 =	simm.s32 $0x7  }
0x3ad: {  	s1 =	simm.s32 $0x200;
	s2 =	simm.s32 $0x3658;
	[sflag:s0] =	ssyncpa.u1 $0x0  }
0x3ae: {  	[tilespmem:s2], [sflag:$0x7] =	stream.linear.gather [spmem:s1], $0x20, $0x38;
	[tilespmem:$0x1F0F8] =	vst v63  }
0x3af: {  	s30 =	simm.s32 $0x3678;
	s1 =	simm.s32 $0x0  }
0x3b0: {  	[tilespmem:s30], [sflag:$0x7] =	stream.linear.gather [spmem:s1], $0x200, $0x38;
	[tilespmem:$0x1F0F8] =	vst v63  }
.Ltmp37:
0x3b1: {  	_ = 	snop;
	(pc) =	sbr.rel .LBB3_40-.Ltmp37, $4  }
0x3b2: {  	_ =	swait.ge [sflag:s0], $0x220  }
0x3b3: {  	[sflag:s0] =	ssyncset.done $0x0  }
0x3b4: {  	s31 =	simm.s32 $0x8;
	[sflag:s0] =	ssyncadd.s32 $0xFFFFFDE0  }
0x3b5: {  	s2 =	simm.s32 $0x0;
	[sflag:s31] =	ssyncpa.u1 $0x0  }
.LBB3_45:
0x3b6: {  	p1 =	slt.u32 s4, $0x10000  }
0x3b7: {  	s0 =	sand.u32 @p1 $0xFFF8, s4  }
0x3b8: {  	s4 =	sand.u32 @p1 $0x7, s4;
	s5 =	simm.s32 @p1 $0x3638;
	s0 =	sadd.s32 @p1 s3, s0  }
0x3b9: {  	[tilespmem:s5], [sflag:$0x8] =	stream.linear.gather @p1 [hbm4b:s0+s4], $0x4, $0x38;
	[tilespmem:$0x1F0F8] =	vst v63  }
0x3ba: {  	s0 =	simm.s32 @p1 $0x8  }
0x3bb: {  	_ =	swait.ge @p1 [sflag:s0], $0x4  }
0x3bc: {  	[sflag:s0] =	ssyncset.done @p1 $0x0  }
0x3bd: {  	[sflag:s0] =	ssyncadd.s32 @p1 $0xFFFFFFFC  }
0x3be: {  	v1 =	vld @p1 [tilespmem:$0x3638];
	_ =	sdelay $0x2  }
0x3bf: {  	s0 =	sshll.u32 @p1 s2, $0x6  }
0x3c0: {  	s5 =	sshll.u32 @!p1 s2, $0x6;
	s4 =	sshrl.u32 @p1 s0, $0x2  }
0x3c1: {  	s5 =	smov.u32 @p1 s0;
	[tilespmem:s4+$0x3678] =	vst.add.f32.msk @p1 $0xffff, v1  }
0x3c2: {  	s0 =	sshrl.u32 s5, $0x2;
	[tilespmem:s1+$0x3658] =	vst.msk $0x1, v0  }
0x3c3: {  	v0 =	vld [tilespmem:s0+$0x3678];
	_ =	sdelay $0x2  }
0x3c4: {  	s31 =	sshll.u32 s1, $0x6  }
0x3c5: {  	s0 =	sshra.s32 s31, $0x2  }
0x3c6: {  	s1 =	sadd.s32 $0x1, s1;
	[tilespmem:s0+$0x3678] =	vst v0  }
.LBB3_47:
0x3c7: {  	s2 =	sadd.s32 $0x1, s2  }
0x3c8: {  	p1 =	sne.s32 s2, $0x20  }
.Ltmp38:
0x3c9: {  	_ = 	snop;
	(pc) =	sbr.rel @!p1 .LBB3_48-.Ltmp38, $1  }
0x3ca: {  	_ =	sdelay $0x3  }
.LBB3_40:
0x3cb: {  	v0 =	vld.msk [tilespmem:s2+$0x3658], $0x1;
	_ =	sdelay $0x4  }
0x3cc: {  	(v2sf) =	vpush v0, $0x0;
	_ =	sdelay $0xe  }
0x3cd: {  	s4 =	spop (v2sf)  }
0x3ce: {  	p1 =	seq.s32 s4, $0xFFFFFFFF  }
.Ltmp39:
0x3cf: {  	_ = 	snop;
	(pc) =	sbr.rel @p1 .LBB3_47-.Ltmp39, $1  }
0x3d0: {  	_ =	sdelay $0x3  }
0x3d1: {  	p1 =	slt.s32 s1, $0x1  }
.Ltmp40:
0x3d2: {  	_ = 	snop;
	(pc) =	sbr.rel @p1 .LBB3_45-.Ltmp40, $1  }
0x3d3: {  	_ =	sdelay $0x3  }
0x3d4: {  	s5 =	simm.s32 $0x3658;
	p1 =	por $0x0, $0x0  }
0x3d5: {  	v1 =	vld.msk @!p1 [tilespmem:s5+$0x0], $0x1;
	_ =	sdelay $0x4  }
0x3d6: {  	(v2sf) =	vpush @!p1 v1, $0x0;
	_ =	sdelay $0xd  }
0x3d7: {  	p3 =	sne.s32 s1, $0x1  }
.Ltmp41:
0x3d8: {  	s0 =	spop @!p1 (v2sf);
	(pc) =	sbr.rel @!p3 .LBB3_44-.Ltmp41, $4  }
0x3d9: {  	p2 =	seq.s32 @!p1 s4, s0  }
0x3da: {  	s6 =	simm.s32 $0x0;
	p2 =	por !p2, p1  }
0x3db: {  	s0 =	simm.s32 $0xFFFFFFFF;
	s6 =	simm.s32 @p2 $0xFFFFFFFF  }
0x3dc: {  	s7 =	simm.s32 $0x1;
	s6 =	smov.u32 @p1 s0  }
.LBB3_43:
0x3dd: {  	s0 =	smov.u32 s6;
	p1 =	sne.s32 s6, $0xFFFFFFFF  }
0x3de: {  	s5 =	sadd.s32 $0x1, s5;
	s6 =	smov.u32 s7;
	s7 =	sadd.s32 $0x1, s7  }
0x3df: {  	p2 =	sne.s32 s1, s7;
	v1 =	vld.msk @!p1 [tilespmem:s5+$0x0], $0x1;
	_ =	sdelay $0x4  }
0x3e0: {  	(v2sf) =	vpush @!p1 v1, $0x0;
	_ =	sdelay $0xe  }
.Ltmp42:
0x3e1: {  	s8 =	spop @!p1 (v2sf);
	(pc) =	sbr.rel @p2 .LBB3_43-.Ltmp42, $4  }
0x3e2: {  	p3 =	seq.s32 @!p1 s4, s8  }
0x3e3: {  	p3 =	por !p3, p1  }
0x3e4: {  	s6 =	simm.s32 @p3 $0xFFFFFFFF  }
0x3e5: {  	s6 =	smov.u32 @p1 s0  }
.LBB3_44:
0x3e6: {  	p1 =	sne.s32 s6, $0xFFFFFFFF  }
.Ltmp43:
0x3e7: {  	_ = 	snop;
	(pc) =	sbr.rel @!p1 .LBB3_45-.Ltmp43, $1  }
0x3e8: {  	_ =	sdelay $0x3  }
0x3e9: {  	s0 =	sshll.u32 s2, $0x4  }
0x3ea: {  	s0 =	sand.u32 $0x3FFFFFF0, s0  }
0x3eb: {  	v0 =	vld [tilespmem:s0+$0x3678]  }
.Ltmp44:
0x3ec: {  	_ = 	snop;
	(pc) =	sbr.rel .LBB3_47-.Ltmp44, $4  }
0x3ed: {  	_ = 	snop  }
0x3ee: {  	s31 =	sshll.u32 s6, $0x6  }
0x3ef: {  	s0 =	sshra.s32 s31, $0x2  }
0x3f0: {  	[tilespmem:s0+$0x3678] =	vst.add.f32.msk $0xffff, v0  }
.LBB3_48:
0x3f1: {  	p1 =	slt.s32 s1, $0x1  }
.Ltmp45:
0x3f2: {  	_ = 	snop;
	(pc) =	sbr.rel @p1 .LBB3_52-.Ltmp45, $3  }
0x3f3: {  	_ =	sdelay $0x1  }
0x3f4: {  	s0 =	simm.s32 $0x8  }
0x3f5: {  	s2 =	simm.s32 $0x0;
	[sflag:s0] =	ssyncpa.u1 $0x1  }
0x3f6: {  	s0 =	simm.s32 $0x3658  }
0x3f7: {  	v0 =	vld.msk [tilespmem:s0+$0x0], $0x1;
	_ =	sdelay $0x4  }
0x3f8: {  	(v2sf) =	vpush v0, $0x0;
	_ =	sdelay $0xe  }
0x3f9: {  	s1 =	sadd.s32 $0xFFFFFFFF, s1;
	s0 =	spop (v2sf)  }
0x3fa: {  	p2 =	sne.s32 s1, $0x0;
	p1 =	sgt.u32 s0, $0xFFFF  }
.Ltmp46:
0x3fb: {  	s5 =	sand.u32 @!p1 $0xFFF8, s0;
	(pc) =	sbr.rel @!p2 .LBB3_51-.Ltmp46, $4  }
0x3fc: {  	s4 =	simm.s32 $0x3678;
	s0 =	sand.u32 @!p1 $0x7, s0;
	s5 =	sadd.s32 @!p1 s3, s5  }
0x3fd: {  	[hbm4b:s5+s0] =	stream.linear.scatter @!p1 [tilespmem:s4], [sflag:$0x7], $0x4, $0x38;
	[tilespmem:$0x1F0F8] =	vst v63  }
0x3fe: {  	s0 =	simm.s32 $0x0  }
0x3ff: {  	s5 =	simm.s32 $0x3659;
	s0 =	simm.s32 @!p1 $0x10  }
.LBB3_50:
0x400: {  	v0 =	vld.msk [tilespmem:s5+$0x0], $0x1;
	s1 =	sadd.s32 $0xFFFFFFFF, s1;
	s2 =	sadd.s32 s2, s0  }
0x401: {  	p1 =	sne.s32 s1, $0x0;
	_ =	sdelay $0x3  }
0x402: {  	(v2sf) =	vpush v0, $0x0;
	_ =	sdelay $0xe  }
.Ltmp47:
0x403: {  	s6 =	spop (v2sf);
	(pc) =	sbr.rel @p1 .LBB3_50-.Ltmp47, $4  }
0x404: {  	s0 =	simm.s32 $0x0;
	p2 =	sgt.u32 s6, $0xFFFF  }
0x405: {  	s4 =	sadd.s32 $0x10, s4;
	s0 =	simm.s32 @!p2 $0x10;
	s7 =	sand.u32 @!p2 $0xFFF8, s6  }
0x406: {  	s5 =	sadd.s32 $0x1, s5;
	s6 =	sand.u32 @!p2 $0x7, s6;
	s7 =	sadd.s32 @!p2 s3, s7  }
0x407: {  	[hbm4b:s7+s6] =	stream.linear.scatter @!p2 [tilespmem:s4], [sflag:$0x7], $0x4, $0x38;
	[tilespmem:$0x1F0F8] =	vst v63  }
.LBB3_51:
0x408: {  	s0 =	sadd.s32 s2, s0  }
0x409: {  	s2 =	sshrl.u32 s0, $0x2  }
.LBB3_52:
0x40a: {  	s0 =	simm.s32 $0x7  }
0x40b: {  	_ =	swait.ge [sflag:s0], s2  }
0x40c: {  	s1 =	ssub.s32 $0x0, s2;
	[sflag:s0] =	ssyncset.done $0x0  }
0x40d: {  	[sflag:s0] =	ssyncadd.s32 s1  }
0x40e: {  	[sflag:s0] =	ssyncpa.u1 $0x1  }
.LBB3_53:
0x40f: {  	_ =	sfence;
	s0 =	simm.s32 $0x1  }
0x410: {  	[sflag:s0] =	ssyncpa.u1 $0x1  }
0x411: {  	_ =	strace $0x90000053  }
0x412: {  	[bflag:$0x2] =	sbarrier.arrive $0xFFFF  }
0x413: {  	s0 =	rddreg [dreg:$0x3]  }
0x414: {  	s0 =	sadd.s32 @!p0 $0x100000, s0  }
0x415: {  	[sflag:s0] =	ssyncadd.tile.s32 @!p0 $0x1;
	_ =	shalt  }
.Lfunc_end3:
_tile_overlayer_lowered:
.L_overlay_start_3:
0x416: {  	(tag) =	ssettag $0x3  }
0x417: {  	s0 =	rddreg [dreg:$0x0];
	s2 =	stileid.u32  }
0x418: {  	s1 =	rddreg [dreg:$0x1];
	p0 =	sne.s32 s2, $0x0  }
0x419: {  	s3 =	rddreg [dreg:$0x2];
	[bflag:$0x3] =	sbarrier.arrive $0xFFFF;
	s2 =	simm.s32 @!p0 $0x1C01  }
0x41a: {  	[timem:s3], [sflag:s2] =	dma.local @!p0 [hbm:s0], s1  }
0x41b: {  	s0 =	simm.s32 @!p0 $0x1  }
0x41c: {  	_ =	swait.ge @!p0 [sflag:s0], s1  }
0x41d: {  	s1 =	ssub.s32 @!p0 $0x0, s1;
	[sflag:s0] =	ssyncset.done @!p0 $0x0  }
0x41e: {  	[sflag:s0] =	ssyncadd.s32 @!p0 s1  }
0x41f: {  	[bflag:$0x3] =	sbarrier.arrive $0xFFFF  }
0x420: {  	_ =	shalt  }

</sc_bundles>
